<compile_context>
chip_gen: v7x
topology: tpu7x:2x2x1
jax: 0.10.2.dev20260603
libtpu: 0.0.44.dev20260713+nightly
codegen_flags: <defaults>
</compile_context>

<pallas_src>
import jax
import jax.numpy as jnp
from jax import lax
from jax.experimental import pallas as pl
from jax.experimental.pallas import tpu as pltpu
from jax.experimental.pallas import tpu_sc as plsc

NC = 2
NS = 16
NW = NC * NS
C = 112
ND = 8


def _make_sc_agg(n, d, epw, with_deg):
    assert epw % C == 0
    full = epw // C
    assert full % 3 == 0
    tr = (n // NS) & ~7
    rtail_off = tr * NS
    rtail = n - rtail_off
    zrows = 24
    assert tr % zrows == 0 and 0 <= rtail <= zrows and rtail % 8 == 0

    if with_deg:
        out_type = (jax.ShapeDtypeStruct((NC, n, d), jnp.float32),
                    jax.ShapeDtypeStruct((NC, n + ND), jnp.float32))
    else:
        out_type = jax.ShapeDtypeStruct((NC, n, d), jnp.float32)

    scratch = [
        pltpu.VMEM_SHARED((n + ND, d), jnp.float32),
        [pltpu.VMEM((C,), jnp.int32)] * 3,
        [pltpu.VMEM((C,), jnp.int32)] * 3,
        [pltpu.VMEM((C, d), jnp.float32)] * 3,
        pltpu.VMEM((zrows, d), jnp.float32),
        [pltpu.SemaphoreType.DMA] * 3,
        [pltpu.SemaphoreType.DMA] * 3,
        [pltpu.SemaphoreType.DMA] * 3,
        [pltpu.SemaphoreType.DMA] * 3,
        pltpu.SemaphoreType.DMA,
    ]
    if with_deg:
        scratch += [
            pltpu.VMEM_SHARED((n + ND,), jnp.float32),
            pltpu.VMEM((C,), jnp.float32),
            pltpu.VMEM((2000,), jnp.float32),
        ]

    mesh = plsc.VectorSubcoreMesh(core_axis_name="c", subcore_axis_name="s")

    def body(x_hbm, src_hbm, dst_hbm, *refs):
        if with_deg:
            (agg_hbm, deg_hbm, agg_sh, sidx, didx, rows, zero_v, gsem, isem,
             jsem, ssem, zsem, deg_sh, ones_v, zerod_v) = refs
        else:
            (agg_hbm, agg_sh, sidx, didx, rows, zero_v, gsem, isem, jsem,
             ssem, zsem) = refs
        cid = lax.axis_index("c")
        sid = lax.axis_index("s")
        wid = sid * NC + cid
        tbase = pl.multiple_of(sid * tr, 8)
        ebase = pl.multiple_of(wid * epw, 8)

        def zb(i, carry):
            zero_v[i // (d // 16), pl.ds((i % (d // 16)) * 16, 16)] = (
                jnp.zeros((16,), jnp.float32))
            return carry
        lax.fori_loop(0, zrows * d // 16, zb, 0)
        for j in range(tr // zrows):
            pltpu.async_copy(
                zero_v,
                agg_sh.at[pl.ds(pl.multiple_of(tbase + j * zrows, 8),
                                zrows), :], zsem)
        if rtail:
            @pl.when(sid == NS - 1)
            def _():
                pltpu.async_copy(zero_v.at[pl.ds(0, rtail), :],
                                 agg_sh.at[pl.ds(rtail_off, rtail), :], zsem)

        if with_deg:
            for k in range(C // 16):
                ones_v[pl.ds(k * 16, 16)] = jnp.full((16,), 1.0, jnp.float32)

            @pl.when(sid == 0)
            def _():
                def zd(i, carry):
                    zerod_v[pl.ds(i * 16, 16)] = jnp.zeros((16,), jnp.float32)
                    return carry
                lax.fori_loop(0, 2000 // 16, zd, 0)
                for j in range(n // 2000):
                    pltpu.async_copy(zerod_v, deg_sh.at[pl.ds(j * 2000, 2000)],
                                     zsem)

        def load_sidx(j, q):
            off = pl.multiple_of(ebase + j * C, 8)
            pltpu.async_copy(src_hbm.at[pl.ds(off, C)], sidx[q], isem[q])

        def wait_sidx(q):
            pltpu.make_async_copy(src_hbm.at[pl.ds(0, C)], sidx[q],
                                  isem[q]).wait()

        def load_didx(j, q):
            off = pl.multiple_of(ebase + j * C, 8)
            pltpu.async_copy(dst_hbm.at[pl.ds(off, C)], didx[q], jsem[q])

        def wait_didx(q):
            pltpu.make_async_copy(dst_hbm.at[pl.ds(0, C)], didx[q],
                                  jsem[q]).wait()

        def start_gather(q):
            pltpu.async_copy(x_hbm.at[sidx[q]], rows[q], gsem[q])

        def wait_gather(q):
            pltpu.make_async_copy(x_hbm.at[pl.ds(0, C), :], rows[q],
                                  gsem[q]).wait()

        def issue_scatters(q):
            pltpu.async_copy(rows[q], agg_sh.at[didx[q]], ssem[q], add=True)
            if with_deg:
                pltpu.async_copy(ones_v, deg_sh.at[didx[q]], ssem[q],
                                 add=True)

        def drain_scatters(q):
            pltpu.make_async_copy(rows[q], agg_sh.at[pl.ds(0, C), :],
                                  ssem[q]).wait()
            if with_deg:
                pltpu.make_async_copy(ones_v, deg_sh.at[pl.ds(0, C)],
                                      ssem[q]).wait()

        load_sidx(0, 0)
        load_didx(0, 0)
        load_sidx(1, 1)
        load_sidx(2, 2)
        wait_sidx(0)
        start_gather(0)
        wait_sidx(1)
        start_gather(1)

        for j in range(tr // zrows):
            pltpu.make_async_copy(zero_v, agg_sh.at[pl.ds(0, zrows), :],
                                  zsem).wait()
        if rtail:
            @pl.when(sid == NS - 1)
            def _():
                pltpu.make_async_copy(zero_v.at[pl.ds(0, rtail), :],
                                      agg_sh.at[pl.ds(0, rtail), :],
                                      zsem).wait()
        if with_deg:
            @pl.when(sid == 0)
            def _():
                for j in range(n // 2000):
                    pltpu.make_async_copy(zerod_v,
                                          deg_sh.at[pl.ds(0, 2000)],
                                          zsem).wait()

        plsc.subcore_barrier()

        def eb(jj, carry):
            for u in range(3):
                j = jj * 3 + u
                q = u % 3
                q1 = (u + 1) % 3
                q2 = (u + 2) % 3

                @pl.when(j > 0)
                def _():
                    drain_scatters(q2)

                @pl.when(j + 2 < full)
                def _():
                    wait_sidx(q2)
                    start_gather(q2)

                @pl.when(j + 1 < full)
                def _():
                    load_didx(j + 1, q1)
                wait_gather(q)

                @pl.when(j + 3 < full)
                def _():
                    load_sidx(j + 3, q)
                wait_didx(q)
                issue_scatters(q)
            return carry
        lax.fori_loop(0, full // 3, eb, 0)
        drain_scatters((full - 1) % 3)

        plsc.subcore_barrier()

        pltpu.sync_copy(agg_sh.at[pl.ds(tbase, tr), :],
                        agg_hbm.at[cid, pl.ds(tbase, tr), :])
        if rtail:
            @pl.when(sid == NS - 1)
            def _():
                pltpu.sync_copy(agg_sh.at[pl.ds(rtail_off, rtail), :],
                                agg_hbm.at[cid, pl.ds(rtail_off, rtail), :])
        if with_deg:
            @pl.when(sid == 0)
            def _():
                pltpu.sync_copy(deg_sh, deg_hbm.at[cid])

    return pl.kernel(body, out_type=out_type, mesh=mesh,
                     scratch_types=scratch)


def _make_tc_dense(n, d, r):
    assert n % r == 0

    def body(x_ref, agg_ref, deg_ref, ws_ref, wn_ref, b_ref, o_ref):
        agg = agg_ref[0] + agg_ref[1]
        deg = deg_ref[0] + deg_ref[1]
        rdeg = 1.0 / jnp.maximum(deg, 1.0)
        acc = jnp.dot(x_ref[...], ws_ref[...],
                      preferred_element_type=jnp.float32)
        acc = acc + jnp.dot(agg * rdeg, wn_ref[...],
                            preferred_element_type=jnp.float32)
        o_ref[...] = jnp.maximum(acc + b_ref[...], 0.0)

    return pl.pallas_call(
        body,
        grid=(n // r,),
        in_specs=[
            pl.BlockSpec((r, d), lambda i: (i, 0)),
            pl.BlockSpec((NC, r, d), lambda i: (0, i, 0)),
            pl.BlockSpec((NC, r, 1), lambda i: (0, i, 0)),
            pl.BlockSpec((d, d), lambda i: (0, 0)),
            pl.BlockSpec((d, d), lambda i: (0, 0)),
            pl.BlockSpec((1, d), lambda i: (0, 0)),
        ],
        out_specs=pl.BlockSpec((r, d), lambda i: (i, 0)),
        out_shape=jax.ShapeDtypeStruct((n, d), jnp.float32),
    )


def kernel(x, edge_index, W_self1, W_neigh1, b1, W_self2, W_neigh2, b2):
    n, d = x.shape
    e = edge_index.shape[1]
    assert e % NW == 0
    epw0 = e // NW
    epw = -(-epw0 // (3 * C)) * (3 * C)
    pad = epw - epw0

    src = edge_index[0].reshape(NW, epw0)
    dst = edge_index[1].reshape(NW, epw0)
    if pad:
        fill = jnp.arange(NW * pad, dtype=jnp.int32).reshape(NW, pad)
        src = jnp.concatenate([src, (fill * 131) % n], axis=1)
        dst = jnp.concatenate([dst, n + (fill % ND)], axis=1)
    src = src.reshape(-1)
    dst = dst.reshape(-1)

    sc_agg_deg = _make_sc_agg(n, d, epw, with_deg=True)
    sc_agg = _make_sc_agg(n, d, epw, with_deg=False)
    tc_dense = _make_tc_dense(n, d, 1000)

    aggp1, degp = sc_agg_deg(x, src, dst)
    deg_col = degp[:, :n].reshape(NC, n, 1)
    h = tc_dense(x, aggp1, deg_col, W_self1, W_neigh1, b1.reshape(1, d))
    aggp2 = sc_agg(h, src, dst)
    return tc_dense(h, aggp2, deg_col, W_self2, W_neigh2, b2.reshape(1, d))

# --- scband reference (transcript-rebuilt; emitter-appended) ---
"""Pipeline reference for scband-mpmodule-34050500722940 (READ-ONLY COPY).

The authoritative reference and input builder live on the scoring server;
editing this copy changes nothing except your own understanding.
"""

import jax, jax.numpy as jnp
import numpy as np

N = 10000
E = 320000
D = 128


def setup_inputs(seed: int = 0) -> dict:
    key = jax.random.key(seed)
    ks = jax.random.split(key, 8)
    x = jax.random.normal(ks[0], (N, D), dtype=jnp.float32)
    edge_index = jax.random.randint(ks[1], (2, E), 0, N, dtype=jnp.int32)
    s = 1.0 / np.sqrt(D)
    W_self1 = jax.random.uniform(ks[2], (D, D), dtype=jnp.float32, minval=-s, maxval=s)
    W_neigh1 = jax.random.uniform(ks[3], (D, D), dtype=jnp.float32, minval=-s, maxval=s)
    b1 = jnp.zeros((D,), dtype=jnp.float32)
    W_self2 = jax.random.uniform(ks[4], (D, D), dtype=jnp.float32, minval=-s, maxval=s)
    W_neigh2 = jax.random.uniform(ks[5], (D, D), dtype=jnp.float32, minval=-s, maxval=s)
    b2 = jnp.zeros((D,), dtype=jnp.float32)
    return {"x": x, "edge_index": edge_index,
            "W_self1": W_self1, "W_neigh1": W_neigh1, "b1": b1,
            "W_self2": W_self2, "W_neigh2": W_neigh2, "b2": b2}


def _sage_conv(x, edge_index, W_self, W_neigh, b):
    # GraphSAGE (mean aggregation): out_i = x_i @ W_self + mean_{j in N(i)} x_j @ W_neigh + b
    src = edge_index[0]
    dst = edge_index[1]
    msg = jnp.take(x, src, axis=0)                          # gather  [E, D]
    agg = jax.ops.segment_sum(msg, dst, num_segments=N)     # scatter-add [N, D]
    deg = jax.ops.segment_sum(jnp.ones((msg.shape[0],), x.dtype), dst, num_segments=N)
    agg = agg / jnp.maximum(deg, 1.0)[:, None]
    return x @ W_self + agg @ W_neigh + b


def reference(x, edge_index, W_self1, W_neigh1, b1, W_self2, W_neigh2, b2):
    # MPModule.forward: for layer in layers: x = layer(x, edge_index); x = relu(x)
    h = jax.nn.relu(_sage_conv(x, edge_index, W_self1, W_neigh1, b1))
    h = jax.nn.relu(_sage_conv(h, edge_index, W_self2, W_neigh2, b2))
    return h

if __name__ == "__main__":
    import jax
    _d = setup_inputs()
    print(jax.jit(kernel)(*tuple(_d.values())))

</pallas_src>

<mosaic_0001>
#map = affine_map<(d0, d1) -> (0, 0)>
#map1 = affine_map<(d0, d1) -> (0)>
#map2 = affine_map<(d0, d1) -> (0, 0, 0)>
module attributes {stable_mosaic.version = 14 : i64} {
  func.func @body(%arg0: i32, %arg1: i32, %arg2: memref<10000x128xf32, #tpu.memory_space<hbm>>, %arg3: memref<322560xi32, #tpu.memory_space<hbm>>, %arg4: memref<322560xi32, #tpu.memory_space<hbm>>, %arg5: memref<2x10000x128xf32, #tpu.memory_space<hbm>>, %arg6: memref<2x10008xf32, #tpu.memory_space<hbm>>, %arg7: memref<10008x128xf32, #tpu.memory_space<vmem_shared>>, %arg8: memref<112xi32, #tpu.memory_space<vmem>>, %arg9: memref<112xi32, #tpu.memory_space<vmem>>, %arg10: memref<112xi32, #tpu.memory_space<vmem>>, %arg11: memref<112xi32, #tpu.memory_space<vmem>>, %arg12: memref<112xi32, #tpu.memory_space<vmem>>, %arg13: memref<112xi32, #tpu.memory_space<vmem>>, %arg14: memref<112x128xf32, #tpu.memory_space<vmem>>, %arg15: memref<112x128xf32, #tpu.memory_space<vmem>>, %arg16: memref<112x128xf32, #tpu.memory_space<vmem>>, %arg17: memref<24x128xf32, #tpu.memory_space<vmem>>, %arg18: memref<!tpu.dma_semaphore, #tpu.memory_space<semaphore_mem>>, %arg19: memref<!tpu.dma_semaphore, #tpu.memory_space<semaphore_mem>>, %arg20: memref<!tpu.dma_semaphore, #tpu.memory_space<semaphore_mem>>, %arg21: memref<!tpu.dma_semaphore, #tpu.memory_space<semaphore_mem>>, %arg22: memref<!tpu.dma_semaphore, #tpu.memory_space<semaphore_mem>>, %arg23: memref<!tpu.dma_semaphore, #tpu.memory_space<semaphore_mem>>, %arg24: memref<!tpu.dma_semaphore, #tpu.memory_space<semaphore_mem>>, %arg25: memref<!tpu.dma_semaphore, #tpu.memory_space<semaphore_mem>>, %arg26: memref<!tpu.dma_semaphore, #tpu.memory_space<semaphore_mem>>, %arg27: memref<!tpu.dma_semaphore, #tpu.memory_space<semaphore_mem>>, %arg28: memref<!tpu.dma_semaphore, #tpu.memory_space<semaphore_mem>>, %arg29: memref<!tpu.dma_semaphore, #tpu.memory_space<semaphore_mem>>, %arg30: memref<!tpu.dma_semaphore, #tpu.memory_space<semaphore_mem>>, %arg31: memref<10008xf32, #tpu.memory_space<vmem_shared>>, %arg32: memref<112xf32, #tpu.memory_space<vmem>>, %arg33: memref<2000xf32, #tpu.memory_space<vmem>>) attributes {dimension_semantics = [#tpu.dimension_semantics<core_parallel>, #tpu.dimension_semantics<subcore_parallel>], iteration_bounds = array<i64: 2, 16>, scalar_prefetch = 0 : i64, scratch_operands = 27 : i64, tpu.core_type = #tpu.core_type<sc_vector_subcore>, window_params = [{transform_indices = #map}, {transform_indices = #map1}, {transform_indices = #map1}, {transform_indices = #map2}, {transform_indices = #map}]} {
    %mul3A = arith.constant 2 : i32
    %mul3A_0 = arith.muli %arg1, %mul3A : i32
    %add3A = arith.addi %mul3A_0, %arg0 : i32
    %mul3A_1 = arith.constant 624 : i32
    %mul3A_2 = arith.muli %arg1, %mul3A_1 : i32
    %multiple_of3A = tpu.assume_multiple %mul3A_2, 8 : i32
    %mul3A_3 = arith.constant 10080 : i32
    %mul3A_4 = arith.muli %add3A, %mul3A_3 : i32
    %multiple_of3A_5 = tpu.assume_multiple %mul3A_4, 8 : i32
    %scan3A = arith.constant 0 : i32
    %scan3A_6 = arith.constant 0 : i32
    %scan3A_7 = arith.constant 192 : i32
    %scan3A_8 = arith.addi %scan3A_6, %scan3A_7 : i32
    %scan3A_9 = arith.constant 1 : i32
    scf.for %scan3A_465 = %scan3A_6 to %scan3A_8 step %scan3A_9  : i32 {
      %broadcast_in_dim3A_466 = arith.constant 0.000000e+00 : f32
      %broadcast_in_dim3A_467 = vector.broadcast %broadcast_in_dim3A_466 : f32 to vector<16xf32>
      %jit3A = arith.constant 8 : i32
      %div3A = arith.divsi %scan3A_465, %jit3A : i32
      %sign3A = arith.constant 0 : i32
      %sign3A_468 = arith.cmpi sgt, %scan3A_465, %sign3A : i32
      %sign3A_469 = arith.extui %sign3A_468 : i1 to i32
      %sign3A_470 = arith.constant 0 : i32
      %sign3A_471 = arith.cmpi slt, %scan3A_465, %sign3A_470 : i32
      %sign3A_472 = arith.extui %sign3A_471 : i1 to i32
      %sign3A_473 = arith.subi %sign3A_469, %sign3A_472 : i32
      %sign3A_474 = arith.constant 0 : i32
      %sign3A_475 = arith.cmpi sgt, %jit3A, %sign3A_474 : i32
      %sign3A_476 = arith.extui %sign3A_475 : i1 to i32
      %sign3A_477 = arith.constant 0 : i32
      %sign3A_478 = arith.cmpi slt, %jit3A, %sign3A_477 : i32
      %sign3A_479 = arith.extui %sign3A_478 : i1 to i32
      %sign3A_480 = arith.subi %sign3A_476, %sign3A_479 : i32
      %ne3A = arith.cmpi ne, %sign3A_473, %sign3A_480 : i32
      %rem3A = arith.remsi %scan3A_465, %jit3A : i32
      %ne3A_481 = arith.constant 0 : i32
      %ne3A_482 = arith.cmpi ne, %rem3A, %ne3A_481 : i32
      %and3A = arith.andi %ne3A, %ne3A_482 : i1
      %sub3A = arith.constant 1 : i32
      %sub3A_483 = arith.subi %div3A, %sub3A : i32
      %select_n3A = arith.select %and3A, %sub3A_483, %div3A : i32
      %jit3A_484 = arith.constant 8 : i32
      %eq3A_485 = arith.constant 0 : i32
      %eq3A_486 = arith.cmpi eq, %jit3A_484, %eq3A_485 : i32
      %jit3A_487 = arith.constant 1 : i32
      %select_n3A_488 = arith.select %eq3A_486, %jit3A_487, %jit3A_484 : i32
      %rem3A_489 = arith.remsi %scan3A_465, %select_n3A_488 : i32
      %ne3A_490 = arith.constant 0 : i32
      %ne3A_491 = arith.cmpi ne, %rem3A_489, %ne3A_490 : i32
      %lt3A = arith.constant 0 : i32
      %lt3A_492 = arith.cmpi slt, %rem3A_489, %lt3A : i32
      %lt3A_493 = arith.constant 0 : i32
      %lt3A_494 = arith.cmpi slt, %select_n3A_488, %lt3A_493 : i32
      %ne3A_495 = arith.xori %lt3A_492, %lt3A_494 : i1
      %and3A_496 = arith.andi %ne3A_495, %ne3A_491 : i1
      %add3A_497 = arith.addi %rem3A_489, %select_n3A_488 : i32
      %select_n3A_498 = arith.select %and3A_496, %add3A_497, %rem3A_489 : i32
      %mul3A_499 = arith.constant 16 : i32
      %mul3A_500 = arith.muli %select_n3A_498, %mul3A_499 : i32
      %swap3A_501 = arith.index_cast %select_n3A : i32 to index
      %swap3A_502 = arith.index_cast %mul3A_500 : i32 to index
      %swap3A_503 = tpu.vector_load %arg17[%swap3A_501, %swap3A_502] {strides = array<i32>} : memref<24x128xf32, #tpu.memory_space<vmem>>, vector<1x16xf32>,
      %swap3A_504 = vector.shape_cast %swap3A_503 : vector<1x16xf32> to vector<16xf32>
      %swap3A_505 = vector.shape_cast %broadcast_in_dim3A_467 : vector<16xf32> to vector<1x16xf32>
      tpu.vector_store %arg17[%swap3A_501, %swap3A_502], %swap3A_505 {strides = array<i32>} : memref<24x128xf32, #tpu.memory_space<vmem>>, vector<1x16xf32>,
    }
    %scan3A_10 = arith.constant 192 : i32
    %add3A_11 = arith.constant 0 : i32
    %add3A_12 = arith.addi %multiple_of3A, %add3A_11 : i32
    %multiple_of3A_13 = tpu.assume_multiple %add3A_12, 8 : i32
    %dma_start3A = arith.constant 0 : i32
    %dma_start3A_14 = tpu.memref_slice %arg7[%multiple_of3A_13, %dma_start3A] : memref<10008x128xf32, #tpu.memory_space<vmem_shared>> -> memref<24x128xf32, #tpu.memory_space<vmem_shared>>
    %dma_start3A_15 = arith.constant 0 : i32
    %dma_start3A_16 = tpu.memref_slice %arg7[%multiple_of3A_13, %dma_start3A_15] : memref<10008x128xf32, #tpu.memory_space<vmem_shared>> -> memref<24x128xf32, #tpu.memory_space<vmem_shared>>
    tpu.enqueue_dma source(%arg17 : memref<24x128xf32, #tpu.memory_space<vmem>>) target(%dma_start3A_16 : memref<24x128xf32, #tpu.memory_space<vmem_shared>>) target_semaphore(%arg30 : memref<!tpu.dma_semaphore, #tpu.memory_space<semaphore_mem>>)
    %add3A_17 = arith.constant 24 : i32
    %add3A_18 = arith.addi %multiple_of3A, %add3A_17 : i32
    %multiple_of3A_19 = tpu.assume_multiple %add3A_18, 8 : i32
    %dma_start3A_20 = arith.constant 0 : i32
    %dma_start3A_21 = tpu.memref_slice %arg7[%multiple_of3A_19, %dma_start3A_20] : memref<10008x128xf32, #tpu.memory_space<vmem_shared>> -> memref<24x128xf32, #tpu.memory_space<vmem_shared>>
    %dma_start3A_22 = arith.constant 0 : i32
    %dma_start3A_23 = tpu.memref_slice %arg7[%multiple_of3A_19, %dma_start3A_22] : memref<10008x128xf32, #tpu.memory_space<vmem_shared>> -> memref<24x128xf32, #tpu.memory_space<vmem_shared>>
    tpu.enqueue_dma source(%arg17 : memref<24x128xf32, #tpu.memory_space<vmem>>) target(%dma_start3A_23 : memref<24x128xf32, #tpu.memory_space<vmem_shared>>) target_semaphore(%arg30 : memref<!tpu.dma_semaphore, #tpu.memory_space<semaphore_mem>>)
    %add3A_24 = arith.constant 48 : i32
    %add3A_25 = arith.addi %multiple_of3A, %add3A_24 : i32
    %multiple_of3A_26 = tpu.assume_multiple %add3A_25, 8 : i32
    %dma_start3A_27 = arith.constant 0 : i32
    %dma_start3A_28 = tpu.memref_slice %arg7[%multiple_of3A_26, %dma_start3A_27] : memref<10008x128xf32, #tpu.memory_space<vmem_shared>> -> memref<24x128xf32, #tpu.memory_space<vmem_shared>>
    %dma_start3A_29 = arith.constant 0 : i32
    %dma_start3A_30 = tpu.memref_slice %arg7[%multiple_of3A_26, %dma_start3A_29] : memref<10008x128xf32, #tpu.memory_space<vmem_shared>> -> memref<24x128xf32, #tpu.memory_space<vmem_shared>>
    tpu.enqueue_dma source(%arg17 : memref<24x128xf32, #tpu.memory_space<vmem>>) target(%dma_start3A_30 : memref<24x128xf32, #tpu.memory_space<vmem_shared>>) target_semaphore(%arg30 : memref<!tpu.dma_semaphore, #tpu.memory_space<semaphore_mem>>)
    %add3A_31 = arith.constant 72 : i32
    %add3A_32 = arith.addi %multiple_of3A, %add3A_31 : i32
    %multiple_of3A_33 = tpu.assume_multiple %add3A_32, 8 : i32
    %dma_start3A_34 = arith.constant 0 : i32
    %dma_start3A_35 = tpu.memref_slice %arg7[%multiple_of3A_33, %dma_start3A_34] : memref<10008x128xf32, #tpu.memory_space<vmem_shared>> -> memref<24x128xf32, #tpu.memory_space<vmem_shared>>
    %dma_start3A_36 = arith.constant 0 : i32
    %dma_start3A_37 = tpu.memref_slice %arg7[%multiple_of3A_33, %dma_start3A_36] : memref<10008x128xf32, #tpu.memory_space<vmem_shared>> -> memref<24x128xf32, #tpu.memory_space<vmem_shared>>
    tpu.enqueue_dma source(%arg17 : memref<24x128xf32, #tpu.memory_space<vmem>>) target(%dma_start3A_37 : memref<24x128xf32, #tpu.memory_space<vmem_shared>>) target_semaphore(%arg30 : memref<!tpu.dma_semaphore, #tpu.memory_space<semaphore_mem>>)
    %add3A_38 = arith.constant 96 : i32
    %add3A_39 = arith.addi %multiple_of3A, %add3A_38 : i32
    %multiple_of3A_40 = tpu.assume_multiple %add3A_39, 8 : i32
    %dma_start3A_41 = arith.constant 0 : i32
    %dma_start3A_42 = tpu.memref_slice %arg7[%multiple_of3A_40, %dma_start3A_41] : memref<10008x128xf32, #tpu.memory_space<vmem_shared>> -> memref<24x128xf32, #tpu.memory_space<vmem_shared>>
    %dma_start3A_43 = arith.constant 0 : i32
    %dma_start3A_44 = tpu.memref_slice %arg7[%multiple_of3A_40, %dma_start3A_43] : memref<10008x128xf32, #tpu.memory_space<vmem_shared>> -> memref<24x128xf32, #tpu.memory_space<vmem_shared>>
    tpu.enqueue_dma source(%arg17 : memref<24x128xf32, #tpu.memory_space<vmem>>) target(%dma_start3A_44 : memref<24x128xf32, #tpu.memory_space<vmem_shared>>) target_semaphore(%arg30 : memref<!tpu.dma_semaphore, #tpu.memory_space<semaphore_mem>>)
    %add3A_45 = arith.constant 120 : i32
    %add3A_46 = arith.addi %multiple_of3A, %add3A_45 : i32
    %multiple_of3A_47 = tpu.assume_multiple %add3A_46, 8 : i32
    %dma_start3A_48 = arith.constant 0 : i32
    %dma_start3A_49 = tpu.memref_slice %arg7[%multiple_of3A_47, %dma_start3A_48] : memref<10008x128xf32, #tpu.memory_space<vmem_shared>> -> memref<24x128xf32, #tpu.memory_space<vmem_shared>>
    %dma_start3A_50 = arith.constant 0 : i32
    %dma_start3A_51 = tpu.memref_slice %arg7[%multiple_of3A_47, %dma_start3A_50] : memref<10008x128xf32, #tpu.memory_space<vmem_shared>> -> memref<24x128xf32, #tpu.memory_space<vmem_shared>>
    tpu.enqueue_dma source(%arg17 : memref<24x128xf32, #tpu.memory_space<vmem>>) target(%dma_start3A_51 : memref<24x128xf32, #tpu.memory_space<vmem_shared>>) target_semaphore(%arg30 : memref<!tpu.dma_semaphore, #tpu.memory_space<semaphore_mem>>)
    %add3A_52 = arith.constant 144 : i32
    %add3A_53 = arith.addi %multiple_of3A, %add3A_52 : i32
    %multiple_of3A_54 = tpu.assume_multiple %add3A_53, 8 : i32
    %dma_start3A_55 = arith.constant 0 : i32
    %dma_start3A_56 = tpu.memref_slice %arg7[%multiple_of3A_54, %dma_start3A_55] : memref<10008x128xf32, #tpu.memory_space<vmem_shared>> -> memref<24x128xf32, #tpu.memory_space<vmem_shared>>
    %dma_start3A_57 = arith.constant 0 : i32
    %dma_start3A_58 = tpu.memref_slice %arg7[%multiple_of3A_54, %dma_start3A_57] : memref<10008x128xf32, #tpu.memory_space<vmem_shared>> -> memref<24x128xf32, #tpu.memory_space<vmem_shared>>
    tpu.enqueue_dma source(%arg17 : memref<24x128xf32, #tpu.memory_space<vmem>>) target(%dma_start3A_58 : memref<24x128xf32, #tpu.memory_space<vmem_shared>>) target_semaphore(%arg30 : memref<!tpu.dma_semaphore, #tpu.memory_space<semaphore_mem>>)
    %add3A_59 = arith.constant 168 : i32
    %add3A_60 = arith.addi %multiple_of3A, %add3A_59 : i32
    %multiple_of3A_61 = tpu.assume_multiple %add3A_60, 8 : i32
    %dma_start3A_62 = arith.constant 0 : i32
    %dma_start3A_63 = tpu.memref_slice %arg7[%multiple_of3A_61, %dma_start3A_62] : memref<10008x128xf32, #tpu.memory_space<vmem_shared>> -> memref<24x128xf32, #tpu.memory_space<vmem_shared>>
    %dma_start3A_64 = arith.constant 0 : i32
    %dma_start3A_65 = tpu.memref_slice %arg7[%multiple_of3A_61, %dma_start3A_64] : memref<10008x128xf32, #tpu.memory_space<vmem_shared>> -> memref<24x128xf32, #tpu.memory_space<vmem_shared>>
    tpu.enqueue_dma source(%arg17 : memref<24x128xf32, #tpu.memory_space<vmem>>) target(%dma_start3A_65 : memref<24x128xf32, #tpu.memory_space<vmem_shared>>) target_semaphore(%arg30 : memref<!tpu.dma_semaphore, #tpu.memory_space<semaphore_mem>>)
    %add3A_66 = arith.constant 192 : i32
    %add3A_67 = arith.addi %multiple_of3A, %add3A_66 : i32
    %multiple_of3A_68 = tpu.assume_multiple %add3A_67, 8 : i32
    %dma_start3A_69 = arith.constant 0 : i32
    %dma_start3A_70 = tpu.memref_slice %arg7[%multiple_of3A_68, %dma_start3A_69] : memref<10008x128xf32, #tpu.memory_space<vmem_shared>> -> memref<24x128xf32, #tpu.memory_space<vmem_shared>>
    %dma_start3A_71 = arith.constant 0 : i32
    %dma_start3A_72 = tpu.memref_slice %arg7[%multiple_of3A_68, %dma_start3A_71] : memref<10008x128xf32, #tpu.memory_space<vmem_shared>> -> memref<24x128xf32, #tpu.memory_space<vmem_shared>>
    tpu.enqueue_dma source(%arg17 : memref<24x128xf32, #tpu.memory_space<vmem>>) target(%dma_start3A_72 : memref<24x128xf32, #tpu.memory_space<vmem_shared>>) target_semaphore(%arg30 : memref<!tpu.dma_semaphore, #tpu.memory_space<semaphore_mem>>)
    %add3A_73 = arith.constant 216 : i32
    %add3A_74 = arith.addi %multiple_of3A, %add3A_73 : i32
    %multiple_of3A_75 = tpu.assume_multiple %add3A_74, 8 : i32
    %dma_start3A_76 = arith.constant 0 : i32
    %dma_start3A_77 = tpu.memref_slice %arg7[%multiple_of3A_75, %dma_start3A_76] : memref<10008x128xf32, #tpu.memory_space<vmem_shared>> -> memref<24x128xf32, #tpu.memory_space<vmem_shared>>
    %dma_start3A_78 = arith.constant 0 : i32
    %dma_start3A_79 = tpu.memref_slice %arg7[%multiple_of3A_75, %dma_start3A_78] : memref<10008x128xf32, #tpu.memory_space<vmem_shared>> -> memref<24x128xf32, #tpu.memory_space<vmem_shared>>
    tpu.enqueue_dma source(%arg17 : memref<24x128xf32, #tpu.memory_space<vmem>>) target(%dma_start3A_79 : memref<24x128xf32, #tpu.memory_space<vmem_shared>>) target_semaphore(%arg30 : memref<!tpu.dma_semaphore, #tpu.memory_space<semaphore_mem>>)
    %add3A_80 = arith.constant 240 : i32
    %add3A_81 = arith.addi %multiple_of3A, %add3A_80 : i32
    %multiple_of3A_82 = tpu.assume_multiple %add3A_81, 8 : i32
    %dma_start3A_83 = arith.constant 0 : i32
    %dma_start3A_84 = tpu.memref_slice %arg7[%multiple_of3A_82, %dma_start3A_83] : memref<10008x128xf32, #tpu.memory_space<vmem_shared>> -> memref<24x128xf32, #tpu.memory_space<vmem_shared>>
    %dma_start3A_85 = arith.constant 0 : i32
    %dma_start3A_86 = tpu.memref_slice %arg7[%multiple_of3A_82, %dma_start3A_85] : memref<10008x128xf32, #tpu.memory_space<vmem_shared>> -> memref<24x128xf32, #tpu.memory_space<vmem_shared>>
    tpu.enqueue_dma source(%arg17 : memref<24x128xf32, #tpu.memory_space<vmem>>) target(%dma_start3A_86 : memref<24x128xf32, #tpu.memory_space<vmem_shared>>) target_semaphore(%arg30 : memref<!tpu.dma_semaphore, #tpu.memory_space<semaphore_mem>>)
    %add3A_87 = arith.constant 264 : i32
    %add3A_88 = arith.addi %multiple_of3A, %add3A_87 : i32
    %multiple_of3A_89 = tpu.assume_multiple %add3A_88, 8 : i32
    %dma_start3A_90 = arith.constant 0 : i32
    %dma_start3A_91 = tpu.memref_slice %arg7[%multiple_of3A_89, %dma_start3A_90] : memref<10008x128xf32, #tpu.memory_space<vmem_shared>> -> memref<24x128xf32, #tpu.memory_space<vmem_shared>>
    %dma_start3A_92 = arith.constant 0 : i32
    %dma_start3A_93 = tpu.memref_slice %arg7[%multiple_of3A_89, %dma_start3A_92] : memref<10008x128xf32, #tpu.memory_space<vmem_shared>> -> memref<24x128xf32, #tpu.memory_space<vmem_shared>>
    tpu.enqueue_dma source(%arg17 : memref<24x128xf32, #tpu.memory_space<vmem>>) target(%dma_start3A_93 : memref<24x128xf32, #tpu.memory_space<vmem_shared>>) target_semaphore(%arg30 : memref<!tpu.dma_semaphore, #tpu.memory_space<semaphore_mem>>)
    %add3A_94 = arith.constant 288 : i32
    %add3A_95 = arith.addi %multiple_of3A, %add3A_94 : i32
    %multiple_of3A_96 = tpu.assume_multiple %add3A_95, 8 : i32
    %dma_start3A_97 = arith.constant 0 : i32
    %dma_start3A_98 = tpu.memref_slice %arg7[%multiple_of3A_96, %dma_start3A_97] : memref<10008x128xf32, #tpu.memory_space<vmem_shared>> -> memref<24x128xf32, #tpu.memory_space<vmem_shared>>
    %dma_start3A_99 = arith.constant 0 : i32
    %dma_start3A_100 = tpu.memref_slice %arg7[%multiple_of3A_96, %dma_start3A_99] : memref<10008x128xf32, #tpu.memory_space<vmem_shared>> -> memref<24x128xf32, #tpu.memory_space<vmem_shared>>
    tpu.enqueue_dma source(%arg17 : memref<24x128xf32, #tpu.memory_space<vmem>>) target(%dma_start3A_100 : memref<24x128xf32, #tpu.memory_space<vmem_shared>>) target_semaphore(%arg30 : memref<!tpu.dma_semaphore, #tpu.memory_space<semaphore_mem>>)
    %add3A_101 = arith.constant 312 : i32
    %add3A_102 = arith.addi %multiple_of3A, %add3A_101 : i32
    %multiple_of3A_103 = tpu.assume_multiple %add3A_102, 8 : i32
    %dma_start3A_104 = arith.constant 0 : i32
    %dma_start3A_105 = tpu.memref_slice %arg7[%multiple_of3A_103, %dma_start3A_104] : memref<10008x128xf32, #tpu.memory_space<vmem_shared>> -> memref<24x128xf32, #tpu.memory_space<vmem_shared>>
    %dma_start3A_106 = arith.constant 0 : i32
    %dma_start3A_107 = tpu.memref_slice %arg7[%multiple_of3A_103, %dma_start3A_106] : memref<10008x128xf32, #tpu.memory_space<vmem_shared>> -> memref<24x128xf32, #tpu.memory_space<vmem_shared>>
    tpu.enqueue_dma source(%arg17 : memref<24x128xf32, #tpu.memory_space<vmem>>) target(%dma_start3A_107 : memref<24x128xf32, #tpu.memory_space<vmem_shared>>) target_semaphore(%arg30 : memref<!tpu.dma_semaphore, #tpu.memory_space<semaphore_mem>>)
    %add3A_108 = arith.constant 336 : i32
    %add3A_109 = arith.addi %multiple_of3A, %add3A_108 : i32
    %multiple_of3A_110 = tpu.assume_multiple %add3A_109, 8 : i32
    %dma_start3A_111 = arith.constant 0 : i32
    %dma_start3A_112 = tpu.memref_slice %arg7[%multiple_of3A_110, %dma_start3A_111] : memref<10008x128xf32, #tpu.memory_space<vmem_shared>> -> memref<24x128xf32, #tpu.memory_space<vmem_shared>>
    %dma_start3A_113 = arith.constant 0 : i32
    %dma_start3A_114 = tpu.memref_slice %arg7[%multiple_of3A_110, %dma_start3A_113] : memref<10008x128xf32, #tpu.memory_space<vmem_shared>> -> memref<24x128xf32, #tpu.memory_space<vmem_shared>>
    tpu.enqueue_dma source(%arg17 : memref<24x128xf32, #tpu.memory_space<vmem>>) target(%dma_start3A_114 : memref<24x128xf32, #tpu.memory_space<vmem_shared>>) target_semaphore(%arg30 : memref<!tpu.dma_semaphore, #tpu.memory_space<semaphore_mem>>)
    %add3A_115 = arith.constant 360 : i32
    %add3A_116 = arith.addi %multiple_of3A, %add3A_115 : i32
    %multiple_of3A_117 = tpu.assume_multiple %add3A_116, 8 : i32
    %dma_start3A_118 = arith.constant 0 : i32
    %dma_start3A_119 = tpu.memref_slice %arg7[%multiple_of3A_117, %dma_start3A_118] : memref<10008x128xf32, #tpu.memory_space<vmem_shared>> -> memref<24x128xf32, #tpu.memory_space<vmem_shared>>
    %dma_start3A_120 = arith.constant 0 : i32
    %dma_start3A_121 = tpu.memref_slice %arg7[%multiple_of3A_117, %dma_start3A_120] : memref<10008x128xf32, #tpu.memory_space<vmem_shared>> -> memref<24x128xf32, #tpu.memory_space<vmem_shared>>
    tpu.enqueue_dma source(%arg17 : memref<24x128xf32, #tpu.memory_space<vmem>>) target(%dma_start3A_121 : memref<24x128xf32, #tpu.memory_space<vmem_shared>>) target_semaphore(%arg30 : memref<!tpu.dma_semaphore, #tpu.memory_space<semaphore_mem>>)
    %add3A_122 = arith.constant 384 : i32
    %add3A_123 = arith.addi %multiple_of3A, %add3A_122 : i32
    %multiple_of3A_124 = tpu.assume_multiple %add3A_123, 8 : i32
    %dma_start3A_125 = arith.constant 0 : i32
    %dma_start3A_126 = tpu.memref_slice %arg7[%multiple_of3A_124, %dma_start3A_125] : memref<10008x128xf32, #tpu.memory_space<vmem_shared>> -> memref<24x128xf32, #tpu.memory_space<vmem_shared>>
    %dma_start3A_127 = arith.constant 0 : i32
    %dma_start3A_128 = tpu.memref_slice %arg7[%multiple_of3A_124, %dma_start3A_127] : memref<10008x128xf32, #tpu.memory_space<vmem_shared>> -> memref<24x128xf32, #tpu.memory_space<vmem_shared>>
    tpu.enqueue_dma source(%arg17 : memref<24x128xf32, #tpu.memory_space<vmem>>) target(%dma_start3A_128 : memref<24x128xf32, #tpu.memory_space<vmem_shared>>) target_semaphore(%arg30 : memref<!tpu.dma_semaphore, #tpu.memory_space<semaphore_mem>>)
    %add3A_129 = arith.constant 408 : i32
    %add3A_130 = arith.addi %multiple_of3A, %add3A_129 : i32
    %multiple_of3A_131 = tpu.assume_multiple %add3A_130, 8 : i32
    %dma_start3A_132 = arith.constant 0 : i32
    %dma_start3A_133 = tpu.memref_slice %arg7[%multiple_of3A_131, %dma_start3A_132] : memref<10008x128xf32, #tpu.memory_space<vmem_shared>> -> memref<24x128xf32, #tpu.memory_space<vmem_shared>>
    %dma_start3A_134 = arith.constant 0 : i32
    %dma_start3A_135 = tpu.memref_slice %arg7[%multiple_of3A_131, %dma_start3A_134] : memref<10008x128xf32, #tpu.memory_space<vmem_shared>> -> memref<24x128xf32, #tpu.memory_space<vmem_shared>>
    tpu.enqueue_dma source(%arg17 : memref<24x128xf32, #tpu.memory_space<vmem>>) target(%dma_start3A_135 : memref<24x128xf32, #tpu.memory_space<vmem_shared>>) target_semaphore(%arg30 : memref<!tpu.dma_semaphore, #tpu.memory_space<semaphore_mem>>)
    %add3A_136 = arith.constant 432 : i32
    %add3A_137 = arith.addi %multiple_of3A, %add3A_136 : i32
    %multiple_of3A_138 = tpu.assume_multiple %add3A_137, 8 : i32
    %dma_start3A_139 = arith.constant 0 : i32
    %dma_start3A_140 = tpu.memref_slice %arg7[%multiple_of3A_138, %dma_start3A_139] : memref<10008x128xf32, #tpu.memory_space<vmem_shared>> -> memref<24x128xf32, #tpu.memory_space<vmem_shared>>
    %dma_start3A_141 = arith.constant 0 : i32
    %dma_start3A_142 = tpu.memref_slice %arg7[%multiple_of3A_138, %dma_start3A_141] : memref<10008x128xf32, #tpu.memory_space<vmem_shared>> -> memref<24x128xf32, #tpu.memory_space<vmem_shared>>
    tpu.enqueue_dma source(%arg17 : memref<24x128xf32, #tpu.memory_space<vmem>>) target(%dma_start3A_142 : memref<24x128xf32, #tpu.memory_space<vmem_shared>>) target_semaphore(%arg30 : memref<!tpu.dma_semaphore, #tpu.memory_space<semaphore_mem>>)
    %add3A_143 = arith.constant 456 : i32
    %add3A_144 = arith.addi %multiple_of3A, %add3A_143 : i32
    %multiple_of3A_145 = tpu.assume_multiple %add3A_144, 8 : i32
    %dma_start3A_146 = arith.constant 0 : i32
    %dma_start3A_147 = tpu.memref_slice %arg7[%multiple_of3A_145, %dma_start3A_146] : memref<10008x128xf32, #tpu.memory_space<vmem_shared>> -> memref<24x128xf32, #tpu.memory_space<vmem_shared>>
    %dma_start3A_148 = arith.constant 0 : i32
    %dma_start3A_149 = tpu.memref_slice %arg7[%multiple_of3A_145, %dma_start3A_148] : memref<10008x128xf32, #tpu.memory_space<vmem_shared>> -> memref<24x128xf32, #tpu.memory_space<vmem_shared>>
    tpu.enqueue_dma source(%arg17 : memref<24x128xf32, #tpu.memory_space<vmem>>) target(%dma_start3A_149 : memref<24x128xf32, #tpu.memory_space<vmem_shared>>) target_semaphore(%arg30 : memref<!tpu.dma_semaphore, #tpu.memory_space<semaphore_mem>>)
    %add3A_150 = arith.constant 480 : i32
    %add3A_151 = arith.addi %multiple_of3A, %add3A_150 : i32
    %multiple_of3A_152 = tpu.assume_multiple %add3A_151, 8 : i32
    %dma_start3A_153 = arith.constant 0 : i32
    %dma_start3A_154 = tpu.memref_slice %arg7[%multiple_of3A_152, %dma_start3A_153] : memref<10008x128xf32, #tpu.memory_space<vmem_shared>> -> memref<24x128xf32, #tpu.memory_space<vmem_shared>>
    %dma_start3A_155 = arith.constant 0 : i32
    %dma_start3A_156 = tpu.memref_slice %arg7[%multiple_of3A_152, %dma_start3A_155] : memref<10008x128xf32, #tpu.memory_space<vmem_shared>> -> memref<24x128xf32, #tpu.memory_space<vmem_shared>>
    tpu.enqueue_dma source(%arg17 : memref<24x128xf32, #tpu.memory_space<vmem>>) target(%dma_start3A_156 : memref<24x128xf32, #tpu.memory_space<vmem_shared>>) target_semaphore(%arg30 : memref<!tpu.dma_semaphore, #tpu.memory_space<semaphore_mem>>)
    %add3A_157 = arith.constant 504 : i32
    %add3A_158 = arith.addi %multiple_of3A, %add3A_157 : i32
    %multiple_of3A_159 = tpu.assume_multiple %add3A_158, 8 : i32
    %dma_start3A_160 = arith.constant 0 : i32
    %dma_start3A_161 = tpu.memref_slice %arg7[%multiple_of3A_159, %dma_start3A_160] : memref<10008x128xf32, #tpu.memory_space<vmem_shared>> -> memref<24x128xf32, #tpu.memory_space<vmem_shared>>
    %dma_start3A_162 = arith.constant 0 : i32
    %dma_start3A_163 = tpu.memref_slice %arg7[%multiple_of3A_159, %dma_start3A_162] : memref<10008x128xf32, #tpu.memory_space<vmem_shared>> -> memref<24x128xf32, #tpu.memory_space<vmem_shared>>
    tpu.enqueue_dma source(%arg17 : memref<24x128xf32, #tpu.memory_space<vmem>>) target(%dma_start3A_163 : memref<24x128xf32, #tpu.memory_space<vmem_shared>>) target_semaphore(%arg30 : memref<!tpu.dma_semaphore, #tpu.memory_space<semaphore_mem>>)
    %add3A_164 = arith.constant 528 : i32
    %add3A_165 = arith.addi %multiple_of3A, %add3A_164 : i32
    %multiple_of3A_166 = tpu.assume_multiple %add3A_165, 8 : i32
    %dma_start3A_167 = arith.constant 0 : i32
    %dma_start3A_168 = tpu.memref_slice %arg7[%multiple_of3A_166, %dma_start3A_167] : memref<10008x128xf32, #tpu.memory_space<vmem_shared>> -> memref<24x128xf32, #tpu.memory_space<vmem_shared>>
    %dma_start3A_169 = arith.constant 0 : i32
    %dma_start3A_170 = tpu.memref_slice %arg7[%multiple_of3A_166, %dma_start3A_169] : memref<10008x128xf32, #tpu.memory_space<vmem_shared>> -> memref<24x128xf32, #tpu.memory_space<vmem_shared>>
    tpu.enqueue_dma source(%arg17 : memref<24x128xf32, #tpu.memory_space<vmem>>) target(%dma_start3A_170 : memref<24x128xf32, #tpu.memory_space<vmem_shared>>) target_semaphore(%arg30 : memref<!tpu.dma_semaphore, #tpu.memory_space<semaphore_mem>>)
    %add3A_171 = arith.constant 552 : i32
    %add3A_172 = arith.addi %multiple_of3A, %add3A_171 : i32
    %multiple_of3A_173 = tpu.assume_multiple %add3A_172, 8 : i32
    %dma_start3A_174 = arith.constant 0 : i32
    %dma_start3A_175 = tpu.memref_slice %arg7[%multiple_of3A_173, %dma_start3A_174] : memref<10008x128xf32, #tpu.memory_space<vmem_shared>> -> memref<24x128xf32, #tpu.memory_space<vmem_shared>>
    %dma_start3A_176 = arith.constant 0 : i32
    %dma_start3A_177 = tpu.memref_slice %arg7[%multiple_of3A_173, %dma_start3A_176] : memref<10008x128xf32, #tpu.memory_space<vmem_shared>> -> memref<24x128xf32, #tpu.memory_space<vmem_shared>>
    tpu.enqueue_dma source(%arg17 : memref<24x128xf32, #tpu.memory_space<vmem>>) target(%dma_start3A_177 : memref<24x128xf32, #tpu.memory_space<vmem_shared>>) target_semaphore(%arg30 : memref<!tpu.dma_semaphore, #tpu.memory_space<semaphore_mem>>)
    %add3A_178 = arith.constant 576 : i32
    %add3A_179 = arith.addi %multiple_of3A, %add3A_178 : i32
    %multiple_of3A_180 = tpu.assume_multiple %add3A_179, 8 : i32
    %dma_start3A_181 = arith.constant 0 : i32
    %dma_start3A_182 = tpu.memref_slice %arg7[%multiple_of3A_180, %dma_start3A_181] : memref<10008x128xf32, #tpu.memory_space<vmem_shared>> -> memref<24x128xf32, #tpu.memory_space<vmem_shared>>
    %dma_start3A_183 = arith.constant 0 : i32
    %dma_start3A_184 = tpu.memref_slice %arg7[%multiple_of3A_180, %dma_start3A_183] : memref<10008x128xf32, #tpu.memory_space<vmem_shared>> -> memref<24x128xf32, #tpu.memory_space<vmem_shared>>
    tpu.enqueue_dma source(%arg17 : memref<24x128xf32, #tpu.memory_space<vmem>>) target(%dma_start3A_184 : memref<24x128xf32, #tpu.memory_space<vmem_shared>>) target_semaphore(%arg30 : memref<!tpu.dma_semaphore, #tpu.memory_space<semaphore_mem>>)
    %add3A_185 = arith.constant 600 : i32
    %add3A_186 = arith.addi %multiple_of3A, %add3A_185 : i32
    %multiple_of3A_187 = tpu.assume_multiple %add3A_186, 8 : i32
    %dma_start3A_188 = arith.constant 0 : i32
    %dma_start3A_189 = tpu.memref_slice %arg7[%multiple_of3A_187, %dma_start3A_188] : memref<10008x128xf32, #tpu.memory_space<vmem_shared>> -> memref<24x128xf32, #tpu.memory_space<vmem_shared>>
    %dma_start3A_190 = arith.constant 0 : i32
    %dma_start3A_191 = tpu.memref_slice %arg7[%multiple_of3A_187, %dma_start3A_190] : memref<10008x128xf32, #tpu.memory_space<vmem_shared>> -> memref<24x128xf32, #tpu.memory_space<vmem_shared>>
    tpu.enqueue_dma source(%arg17 : memref<24x128xf32, #tpu.memory_space<vmem>>) target(%dma_start3A_191 : memref<24x128xf32, #tpu.memory_space<vmem_shared>>) target_semaphore(%arg30 : memref<!tpu.dma_semaphore, #tpu.memory_space<semaphore_mem>>)
    %eq3A = arith.constant 15 : i32
    %eq3A_192 = arith.cmpi eq, %arg1, %eq3A : i32
    %convert_element_type3A = arith.extui %eq3A_192 : i1 to i32
    %cond3A = arith.constant 0 : i32
    %cond3A_193 = arith.cmpi ne, %convert_element_type3A, %cond3A : i32
    scf.if %cond3A_193 {
      %dma_start3A_465 = arith.constant 0 : i32
      %dma_start3A_466 = arith.constant 0 : i32
      %dma_start3A_467 = tpu.memref_slice %arg17[%dma_start3A_465, %dma_start3A_466] : memref<24x128xf32, #tpu.memory_space<vmem>> -> memref<16x128xf32, #tpu.memory_space<vmem>>
      %dma_start3A_468 = arith.constant 9984 : i32
      %dma_start3A_469 = arith.constant 0 : i32
      %dma_start3A_470 = tpu.memref_slice %arg7[%dma_start3A_468, %dma_start3A_469] : memref<10008x128xf32, #tpu.memory_space<vmem_shared>> -> memref<16x128xf32, #tpu.memory_space<vmem_shared>>
      %dma_start3A_471 = arith.constant 9984 : i32
      %dma_start3A_472 = arith.constant 0 : i32
      %dma_start3A_473 = tpu.memref_slice %arg7[%dma_start3A_471, %dma_start3A_472] : memref<10008x128xf32, #tpu.memory_space<vmem_shared>> -> memref<16x128xf32, #tpu.memory_space<vmem_shared>>
      %dma_start3A_474 = arith.constant 0 : i32
      %dma_start3A_475 = arith.constant 0 : i32
      %dma_start3A_476 = tpu.memref_slice %arg17[%dma_start3A_474, %dma_start3A_475] : memref<24x128xf32, #tpu.memory_space<vmem>> -> memref<16x128xf32, #tpu.memory_space<vmem>>
      tpu.enqueue_dma source(%dma_start3A_476 : memref<16x128xf32, #tpu.memory_space<vmem>>) target(%dma_start3A_473 : memref<16x128xf32, #tpu.memory_space<vmem_shared>>) target_semaphore(%arg30 : memref<!tpu.dma_semaphore, #tpu.memory_space<semaphore_mem>>)
    } else {
    }
    %broadcast_in_dim3A = arith.constant 1.000000e+00 : f32
    %broadcast_in_dim3A_194 = vector.broadcast %broadcast_in_dim3A : f32 to vector<16xf32>
    %swap3A = arith.constant 0 : index
    %swap3A_195 = tpu.vector_load %arg32[%swap3A] {strides = array<i32>} : memref<112xf32, #tpu.memory_space<vmem>>, vector<16xf32>,
    %swap3A_196 = vector.shape_cast %swap3A_195 : vector<16xf32> to vector<16xf32>
    %swap3A_197 = vector.shape_cast %broadcast_in_dim3A_194 : vector<16xf32> to vector<16xf32>
    tpu.vector_store %arg32[%swap3A], %swap3A_197 {strides = array<i32>} : memref<112xf32, #tpu.memory_space<vmem>>, vector<16xf32>,
    %broadcast_in_dim3A_198 = arith.constant 1.000000e+00 : f32
    %broadcast_in_dim3A_199 = vector.broadcast %broadcast_in_dim3A_198 : f32 to vector<16xf32>
    %swap3A_200 = arith.constant 16 : index
    %swap3A_201 = tpu.vector_load %arg32[%swap3A_200] {strides = array<i32>} : memref<112xf32, #tpu.memory_space<vmem>>, vector<16xf32>,
    %swap3A_202 = vector.shape_cast %swap3A_201 : vector<16xf32> to vector<16xf32>
    %swap3A_203 = vector.shape_cast %broadcast_in_dim3A_199 : vector<16xf32> to vector<16xf32>
    tpu.vector_store %arg32[%swap3A_200], %swap3A_203 {strides = array<i32>} : memref<112xf32, #tpu.memory_space<vmem>>, vector<16xf32>,
    %broadcast_in_dim3A_204 = arith.constant 1.000000e+00 : f32
    %broadcast_in_dim3A_205 = vector.broadcast %broadcast_in_dim3A_204 : f32 to vector<16xf32>
    %swap3A_206 = arith.constant 32 : index
    %swap3A_207 = tpu.vector_load %arg32[%swap3A_206] {strides = array<i32>} : memref<112xf32, #tpu.memory_space<vmem>>, vector<16xf32>,
    %swap3A_208 = vector.shape_cast %swap3A_207 : vector<16xf32> to vector<16xf32>
    %swap3A_209 = vector.shape_cast %broadcast_in_dim3A_205 : vector<16xf32> to vector<16xf32>
    tpu.vector_store %arg32[%swap3A_206], %swap3A_209 {strides = array<i32>} : memref<112xf32, #tpu.memory_space<vmem>>, vector<16xf32>,
    %broadcast_in_dim3A_210 = arith.constant 1.000000e+00 : f32
    %broadcast_in_dim3A_211 = vector.broadcast %broadcast_in_dim3A_210 : f32 to vector<16xf32>
    %swap3A_212 = arith.constant 48 : index
    %swap3A_213 = tpu.vector_load %arg32[%swap3A_212] {strides = array<i32>} : memref<112xf32, #tpu.memory_space<vmem>>, vector<16xf32>,
    %swap3A_214 = vector.shape_cast %swap3A_213 : vector<16xf32> to vector<16xf32>
    %swap3A_215 = vector.shape_cast %broadcast_in_dim3A_211 : vector<16xf32> to vector<16xf32>
    tpu.vector_store %arg32[%swap3A_212], %swap3A_215 {strides = array<i32>} : memref<112xf32, #tpu.memory_space<vmem>>, vector<16xf32>,
    %broadcast_in_dim3A_216 = arith.constant 1.000000e+00 : f32
    %broadcast_in_dim3A_217 = vector.broadcast %broadcast_in_dim3A_216 : f32 to vector<16xf32>
    %swap3A_218 = arith.constant 64 : index
    %swap3A_219 = tpu.vector_load %arg32[%swap3A_218] {strides = array<i32>} : memref<112xf32, #tpu.memory_space<vmem>>, vector<16xf32>,
    %swap3A_220 = vector.shape_cast %swap3A_219 : vector<16xf32> to vector<16xf32>
    %swap3A_221 = vector.shape_cast %broadcast_in_dim3A_217 : vector<16xf32> to vector<16xf32>
    tpu.vector_store %arg32[%swap3A_218], %swap3A_221 {strides = array<i32>} : memref<112xf32, #tpu.memory_space<vmem>>, vector<16xf32>,
    %broadcast_in_dim3A_222 = arith.constant 1.000000e+00 : f32
    %broadcast_in_dim3A_223 = vector.broadcast %broadcast_in_dim3A_222 : f32 to vector<16xf32>
    %swap3A_224 = arith.constant 80 : index
    %swap3A_225 = tpu.vector_load %arg32[%swap3A_224] {strides = array<i32>} : memref<112xf32, #tpu.memory_space<vmem>>, vector<16xf32>,
    %swap3A_226 = vector.shape_cast %swap3A_225 : vector<16xf32> to vector<16xf32>
    %swap3A_227 = vector.shape_cast %broadcast_in_dim3A_223 : vector<16xf32> to vector<16xf32>
    tpu.vector_store %arg32[%swap3A_224], %swap3A_227 {strides = array<i32>} : memref<112xf32, #tpu.memory_space<vmem>>, vector<16xf32>,
    %broadcast_in_dim3A_228 = arith.constant 1.000000e+00 : f32
    %broadcast_in_dim3A_229 = vector.broadcast %broadcast_in_dim3A_228 : f32 to vector<16xf32>
    %swap3A_230 = arith.constant 96 : index
    %swap3A_231 = tpu.vector_load %arg32[%swap3A_230] {strides = array<i32>} : memref<112xf32, #tpu.memory_space<vmem>>, vector<16xf32>,
    %swap3A_232 = vector.shape_cast %swap3A_231 : vector<16xf32> to vector<16xf32>
    %swap3A_233 = vector.shape_cast %broadcast_in_dim3A_229 : vector<16xf32> to vector<16xf32>
    tpu.vector_store %arg32[%swap3A_230], %swap3A_233 {strides = array<i32>} : memref<112xf32, #tpu.memory_space<vmem>>, vector<16xf32>,
    %eq3A_234 = arith.constant 0 : i32
    %eq3A_235 = arith.cmpi eq, %arg1, %eq3A_234 : i32
    %convert_element_type3A_236 = arith.extui %eq3A_235 : i1 to i32
    %cond3A_237 = arith.constant 0 : i32
    %cond3A_238 = arith.cmpi ne, %convert_element_type3A_236, %cond3A_237 : i32
    scf.if %cond3A_238 {
      %scan3A_465 = arith.constant 0 : i32
      %scan3A_466 = arith.constant 0 : i32
      %scan3A_467 = arith.constant 125 : i32
      %scan3A_468 = arith.addi %scan3A_466, %scan3A_467 : i32
      %scan3A_469 = arith.constant 1 : i32
      scf.for %scan3A_491 = %scan3A_466 to %scan3A_468 step %scan3A_469  : i32 {
        %broadcast_in_dim3A_492 = arith.constant 0.000000e+00 : f32
        %broadcast_in_dim3A_493 = vector.broadcast %broadcast_in_dim3A_492 : f32 to vector<16xf32>
        %mul3A_494 = arith.constant 16 : i32
        %mul3A_495 = arith.muli %scan3A_491, %mul3A_494 : i32
        %swap3A_496 = arith.index_cast %mul3A_495 : i32 to index
        %swap3A_497 = tpu.vector_load %arg33[%swap3A_496] {strides = array<i32>} : memref<2000xf32, #tpu.memory_space<vmem>>, vector<16xf32>,
        %swap3A_498 = vector.shape_cast %swap3A_497 : vector<16xf32> to vector<16xf32>
        %swap3A_499 = vector.shape_cast %broadcast_in_dim3A_493 : vector<16xf32> to vector<16xf32>
        tpu.vector_store %arg33[%swap3A_496], %swap3A_499 {strides = array<i32>} : memref<2000xf32, #tpu.memory_space<vmem>>, vector<16xf32>,
      }
      %scan3A_470 = arith.constant 125 : i32
      %dma_start3A_471 = arith.constant 0 : i32
      %dma_start3A_472 = tpu.memref_slice %arg31[%dma_start3A_471] : memref<10008xf32, #tpu.memory_space<vmem_shared>> -> memref<2000xf32, #tpu.memory_space<vmem_shared>>
      %dma_start3A_473 = arith.constant 0 : i32
      %dma_start3A_474 = tpu.memref_slice %arg31[%dma_start3A_473] : memref<10008xf32, #tpu.memory_space<vmem_shared>> -> memref<2000xf32, #tpu.memory_space<vmem_shared>>
      tpu.enqueue_dma source(%arg33 : memref<2000xf32, #tpu.memory_space<vmem>>) target(%dma_start3A_474 : memref<2000xf32, #tpu.memory_space<vmem_shared>>) target_semaphore(%arg30 : memref<!tpu.dma_semaphore, #tpu.memory_space<semaphore_mem>>)
      %dma_start3A_475 = arith.constant 2000 : i32
      %dma_start3A_476 = tpu.memref_slice %arg31[%dma_start3A_475] : memref<10008xf32, #tpu.memory_space<vmem_shared>> -> memref<2000xf32, #tpu.memory_space<vmem_shared>>
      %dma_start3A_477 = arith.constant 2000 : i32
      %dma_start3A_478 = tpu.memref_slice %arg31[%dma_start3A_477] : memref<10008xf32, #tpu.memory_space<vmem_shared>> -> memref<2000xf32, #tpu.memory_space<vmem_shared>>
      tpu.enqueue_dma source(%arg33 : memref<2000xf32, #tpu.memory_space<vmem>>) target(%dma_start3A_478 : memref<2000xf32, #tpu.memory_space<vmem_shared>>) target_semaphore(%arg30 : memref<!tpu.dma_semaphore, #tpu.memory_space<semaphore_mem>>)
      %dma_start3A_479 = arith.constant 4000 : i32
      %dma_start3A_480 = tpu.memref_slice %arg31[%dma_start3A_479] : memref<10008xf32, #tpu.memory_space<vmem_shared>> -> memref<2000xf32, #tpu.memory_space<vmem_shared>>
      %dma_start3A_481 = arith.constant 4000 : i32
      %dma_start3A_482 = tpu.memref_slice %arg31[%dma_start3A_481] : memref<10008xf32, #tpu.memory_space<vmem_shared>> -> memref<2000xf32, #tpu.memory_space<vmem_shared>>
      tpu.enqueue_dma source(%arg33 : memref<2000xf32, #tpu.memory_space<vmem>>) target(%dma_start3A_482 : memref<2000xf32, #tpu.memory_space<vmem_shared>>) target_semaphore(%arg30 : memref<!tpu.dma_semaphore, #tpu.memory_space<semaphore_mem>>)
      %dma_start3A_483 = arith.constant 6000 : i32
      %dma_start3A_484 = tpu.memref_slice %arg31[%dma_start3A_483] : memref<10008xf32, #tpu.memory_space<vmem_shared>> -> memref<2000xf32, #tpu.memory_space<vmem_shared>>
      %dma_start3A_485 = arith.constant 6000 : i32
      %dma_start3A_486 = tpu.memref_slice %arg31[%dma_start3A_485] : memref<10008xf32, #tpu.memory_space<vmem_shared>> -> memref<2000xf32, #tpu.memory_space<vmem_shared>>
      tpu.enqueue_dma source(%arg33 : memref<2000xf32, #tpu.memory_space<vmem>>) target(%dma_start3A_486 : memref<2000xf32, #tpu.memory_space<vmem_shared>>) target_semaphore(%arg30 : memref<!tpu.dma_semaphore, #tpu.memory_space<semaphore_mem>>)
      %dma_start3A_487 = arith.constant 8000 : i32
      %dma_start3A_488 = tpu.memref_slice %arg31[%dma_start3A_487] : memref<10008xf32, #tpu.memory_space<vmem_shared>> -> memref<2000xf32, #tpu.memory_space<vmem_shared>>
      %dma_start3A_489 = arith.constant 8000 : i32
      %dma_start3A_490 = tpu.memref_slice %arg31[%dma_start3A_489] : memref<10008xf32, #tpu.memory_space<vmem_shared>> -> memref<2000xf32, #tpu.memory_space<vmem_shared>>
      tpu.enqueue_dma source(%arg33 : memref<2000xf32, #tpu.memory_space<vmem>>) target(%dma_start3A_490 : memref<2000xf32, #tpu.memory_space<vmem_shared>>) target_semaphore(%arg30 : memref<!tpu.dma_semaphore, #tpu.memory_space<semaphore_mem>>)
    } else {
    }
    %add3A_239 = arith.constant 0 : i32
    %add3A_240 = arith.addi %multiple_of3A_5, %add3A_239 : i32
    %multiple_of3A_241 = tpu.assume_multiple %add3A_240, 8 : i32
    %dma_start3A_242 = tpu.memref_slice %arg3[%multiple_of3A_241] : memref<322560xi32, #tpu.memory_space<hbm>> -> memref<112xi32, #tpu.memory_space<hbm>>
    %dma_start3A_243 = tpu.memref_slice %arg3[%multiple_of3A_241] : memref<322560xi32, #tpu.memory_space<hbm>> -> memref<112xi32, #tpu.memory_space<hbm>>
    tpu.enqueue_dma source(%dma_start3A_243 : memref<112xi32, #tpu.memory_space<hbm>>) target(%arg8 : memref<112xi32, #tpu.memory_space<vmem>>) target_semaphore(%arg21 : memref<!tpu.dma_semaphore, #tpu.memory_space<semaphore_mem>>)
    %add3A_244 = arith.constant 0 : i32
    %add3A_245 = arith.addi %multiple_of3A_5, %add3A_244 : i32
    %multiple_of3A_246 = tpu.assume_multiple %add3A_245, 8 : i32
    %dma_start3A_247 = tpu.memref_slice %arg4[%multiple_of3A_246] : memref<322560xi32, #tpu.memory_space<hbm>> -> memref<112xi32, #tpu.memory_space<hbm>>
    %dma_start3A_248 = tpu.memref_slice %arg4[%multiple_of3A_246] : memref<322560xi32, #tpu.memory_space<hbm>> -> memref<112xi32, #tpu.memory_space<hbm>>
    tpu.enqueue_dma source(%dma_start3A_248 : memref<112xi32, #tpu.memory_space<hbm>>) target(%arg11 : memref<112xi32, #tpu.memory_space<vmem>>) target_semaphore(%arg24 : memref<!tpu.dma_semaphore, #tpu.memory_space<semaphore_mem>>)
    %add3A_249 = arith.constant 112 : i32
    %add3A_250 = arith.addi %multiple_of3A_5, %add3A_249 : i32
    %multiple_of3A_251 = tpu.assume_multiple %add3A_250, 8 : i32
    %dma_start3A_252 = tpu.memref_slice %arg3[%multiple_of3A_251] : memref<322560xi32, #tpu.memory_space<hbm>> -> memref<112xi32, #tpu.memory_space<hbm>>
    %dma_start3A_253 = tpu.memref_slice %arg3[%multiple_of3A_251] : memref<322560xi32, #tpu.memory_space<hbm>> -> memref<112xi32, #tpu.memory_space<hbm>>
    tpu.enqueue_dma source(%dma_start3A_253 : memref<112xi32, #tpu.memory_space<hbm>>) target(%arg9 : memref<112xi32, #tpu.memory_space<vmem>>) target_semaphore(%arg22 : memref<!tpu.dma_semaphore, #tpu.memory_space<semaphore_mem>>)
    %add3A_254 = arith.constant 224 : i32
    %add3A_255 = arith.addi %multiple_of3A_5, %add3A_254 : i32
    %multiple_of3A_256 = tpu.assume_multiple %add3A_255, 8 : i32
    %dma_start3A_257 = tpu.memref_slice %arg3[%multiple_of3A_256] : memref<322560xi32, #tpu.memory_space<hbm>> -> memref<112xi32, #tpu.memory_space<hbm>>
    %dma_start3A_258 = tpu.memref_slice %arg3[%multiple_of3A_256] : memref<322560xi32, #tpu.memory_space<hbm>> -> memref<112xi32, #tpu.memory_space<hbm>>
    tpu.enqueue_dma source(%dma_start3A_258 : memref<112xi32, #tpu.memory_space<hbm>>) target(%arg10 : memref<112xi32, #tpu.memory_space<vmem>>) target_semaphore(%arg23 : memref<!tpu.dma_semaphore, #tpu.memory_space<semaphore_mem>>)
    %dma_wait3A = arith.constant 0 : i32
    %dma_wait3A_259 = tpu.memref_slice %arg3[%dma_wait3A] : memref<322560xi32, #tpu.memory_space<hbm>> -> memref<112xi32, #tpu.memory_space<hbm>>
    %dma_wait3A_260 = arith.constant 0 : i32
    %dma_wait3A_261 = tpu.memref_slice %arg3[%dma_wait3A_260] : memref<322560xi32, #tpu.memory_space<hbm>> -> memref<112xi32, #tpu.memory_space<hbm>>
    tpu.wait_dma2 semaphore(%arg21 : memref<!tpu.dma_semaphore, #tpu.memory_space<semaphore_mem>>) src(%dma_wait3A_261 : memref<112xi32, #tpu.memory_space<hbm>>) dst(%arg8 : memref<112xi32, #tpu.memory_space<vmem>>)
    %dma_start3A_262 = arith.constant 0 : i32
    %dma_start3A_263 = arith.constant 0 : i32
    %dma_start3A_264 = tpu.memref_slice %arg2[%dma_start3A_262, %dma_start3A_263] : memref<10000x128xf32, #tpu.memory_space<hbm>> -> memref<10000x128xf32, #tpu.memory_space<hbm>>
    tpu.enqueue_indirect_dma source(%dma_start3A_264 : memref<10000x128xf32, #tpu.memory_space<hbm>>) target(%arg14 : memref<112x128xf32, #tpu.memory_space<vmem>>) offsets(%arg8 : memref<112xi32, #tpu.memory_space<vmem>>) semaphore(%arg18 : memref<!tpu.dma_semaphore, #tpu.memory_space<semaphore_mem>>)
    %dma_wait3A_265 = arith.constant 0 : i32
    %dma_wait3A_266 = tpu.memref_slice %arg3[%dma_wait3A_265] : memref<322560xi32, #tpu.memory_space<hbm>> -> memref<112xi32, #tpu.memory_space<hbm>>
    %dma_wait3A_267 = arith.constant 0 : i32
    %dma_wait3A_268 = tpu.memref_slice %arg3[%dma_wait3A_267] : memref<322560xi32, #tpu.memory_space<hbm>> -> memref<112xi32, #tpu.memory_space<hbm>>
    tpu.wait_dma2 semaphore(%arg22 : memref<!tpu.dma_semaphore, #tpu.memory_space<semaphore_mem>>) src(%dma_wait3A_268 : memref<112xi32, #tpu.memory_space<hbm>>) dst(%arg9 : memref<112xi32, #tpu.memory_space<vmem>>)
    %dma_start3A_269 = arith.constant 0 : i32
    %dma_start3A_270 = arith.constant 0 : i32
    %dma_start3A_271 = tpu.memref_slice %arg2[%dma_start3A_269, %dma_start3A_270] : memref<10000x128xf32, #tpu.memory_space<hbm>> -> memref<10000x128xf32, #tpu.memory_space<hbm>>
    tpu.enqueue_indirect_dma source(%dma_start3A_271 : memref<10000x128xf32, #tpu.memory_space<hbm>>) target(%arg15 : memref<112x128xf32, #tpu.memory_space<vmem>>) offsets(%arg9 : memref<112xi32, #tpu.memory_space<vmem>>) semaphore(%arg19 : memref<!tpu.dma_semaphore, #tpu.memory_space<semaphore_mem>>)
    %dma_wait3A_272 = arith.constant 0 : i32
    %dma_wait3A_273 = arith.constant 0 : i32
    %dma_wait3A_274 = tpu.memref_slice %arg7[%dma_wait3A_272, %dma_wait3A_273] : memref<10008x128xf32, #tpu.memory_space<vmem_shared>> -> memref<24x128xf32, #tpu.memory_space<vmem_shared>>
    %dma_wait3A_275 = arith.constant 0 : i32
    %dma_wait3A_276 = arith.constant 0 : i32
    %dma_wait3A_277 = tpu.memref_slice %arg7[%dma_wait3A_275, %dma_wait3A_276] : memref<10008x128xf32, #tpu.memory_space<vmem_shared>> -> memref<24x128xf32, #tpu.memory_space<vmem_shared>>
    tpu.wait_dma2 semaphore(%arg30 : memref<!tpu.dma_semaphore, #tpu.memory_space<semaphore_mem>>) src(%arg17 : memref<24x128xf32, #tpu.memory_space<vmem>>) dst(%dma_wait3A_277 : memref<24x128xf32, #tpu.memory_space<vmem_shared>>)
    %dma_wait3A_278 = arith.constant 0 : i32
    %dma_wait3A_279 = arith.constant 0 : i32
    %dma_wait3A_280 = tpu.memref_slice %arg7[%dma_wait3A_278, %dma_wait3A_279] : memref<10008x128xf32, #tpu.memory_space<vmem_shared>> -> memref<24x128xf32, #tpu.memory_space<vmem_shared>>
    %dma_wait3A_281 = arith.constant 0 : i32
    %dma_wait3A_282 = arith.constant 0 : i32
    %dma_wait3A_283 = tpu.memref_slice %arg7[%dma_wait3A_281, %dma_wait3A_282] : memref<10008x128xf32, #tpu.memory_space<vmem_shared>> -> memref<24x128xf32, #tpu.memory_space<vmem_shared>>
    tpu.wait_dma2 semaphore(%arg30 : memref<!tpu.dma_semaphore, #tpu.memory_space<semaphore_mem>>) src(%arg17 : memref<24x128xf32, #tpu.memory_space<vmem>>) dst(%dma_wait3A_283 : memref<24x128xf32, #tpu.memory_space<vmem_shared>>)
    %dma_wait3A_284 = arith.constant 0 : i32
    %dma_wait3A_285 = arith.constant 0 : i32
    %dma_wait3A_286 = tpu.memref_slice %arg7[%dma_wait3A_284, %dma_wait3A_285] : memref<10008x128xf32, #tpu.memory_space<vmem_shared>> -> memref<24x128xf32, #tpu.memory_space<vmem_shared>>
    %dma_wait3A_287 = arith.constant 0 : i32
    %dma_wait3A_288 = arith.constant 0 : i32
    %dma_wait3A_289 = tpu.memref_slice %arg7[%dma_wait3A_287, %dma_wait3A_288] : memref<10008x128xf32, #tpu.memory_space<vmem_shared>> -> memref<24x128xf32, #tpu.memory_space<vmem_shared>>
    tpu.wait_dma2 semaphore(%arg30 : memref<!tpu.dma_semaphore, #tpu.memory_space<semaphore_mem>>) src(%arg17 : memref<24x128xf32, #tpu.memory_space<vmem>>) dst(%dma_wait3A_289 : memref<24x128xf32, #tpu.memory_space<vmem_shared>>)
    %dma_wait3A_290 = arith.constant 0 : i32
    %dma_wait3A_291 = arith.constant 0 : i32
    %dma_wait3A_292 = tpu.memref_slice %arg7[%dma_wait3A_290, %dma_wait3A_291] : memref<10008x128xf32, #tpu.memory_space<vmem_shared>> -> memref<24x128xf32, #tpu.memory_space<vmem_shared>>
    %dma_wait3A_293 = arith.constant 0 : i32
    %dma_wait3A_294 = arith.constant 0 : i32
    %dma_wait3A_295 = tpu.memref_slice %arg7[%dma_wait3A_293, %dma_wait3A_294] : memref<10008x128xf32, #tpu.memory_space<vmem_shared>> -> memref<24x128xf32, #tpu.memory_space<vmem_shared>>
    tpu.wait_dma2 semaphore(%arg30 : memref<!tpu.dma_semaphore, #tpu.memory_space<semaphore_mem>>) src(%arg17 : memref<24x128xf32, #tpu.memory_space<vmem>>) dst(%dma_wait3A_295 : memref<24x128xf32, #tpu.memory_space<vmem_shared>>)
    %dma_wait3A_296 = arith.constant 0 : i32
    %dma_wait3A_297 = arith.constant 0 : i32
    %dma_wait3A_298 = tpu.memref_slice %arg7[%dma_wait3A_296, %dma_wait3A_297] : memref<10008x128xf32, #tpu.memory_space<vmem_shared>> -> memref<24x128xf32, #tpu.memory_space<vmem_shared>>
    %dma_wait3A_299 = arith.constant 0 : i32
    %dma_wait3A_300 = arith.constant 0 : i32
    %dma_wait3A_301 = tpu.memref_slice %arg7[%dma_wait3A_299, %dma_wait3A_300] : memref<10008x128xf32, #tpu.memory_space<vmem_shared>> -> memref<24x128xf32, #tpu.memory_space<vmem_shared>>
    tpu.wait_dma2 semaphore(%arg30 : memref<!tpu.dma_semaphore, #tpu.memory_space<semaphore_mem>>) src(%arg17 : memref<24x128xf32, #tpu.memory_space<vmem>>) dst(%dma_wait3A_301 : memref<24x128xf32, #tpu.memory_space<vmem_shared>>)
    %dma_wait3A_302 = arith.constant 0 : i32
    %dma_wait3A_303 = arith.constant 0 : i32
    %dma_wait3A_304 = tpu.memref_slice %arg7[%dma_wait3A_302, %dma_wait3A_303] : memref<10008x128xf32, #tpu.memory_space<vmem_shared>> -> memref<24x128xf32, #tpu.memory_space<vmem_shared>>
    %dma_wait3A_305 = arith.constant 0 : i32
    %dma_wait3A_306 = arith.constant 0 : i32
    %dma_wait3A_307 = tpu.memref_slice %arg7[%dma_wait3A_305, %dma_wait3A_306] : memref<10008x128xf32, #tpu.memory_space<vmem_shared>> -> memref<24x128xf32, #tpu.memory_space<vmem_shared>>
    tpu.wait_dma2 semaphore(%arg30 : memref<!tpu.dma_semaphore, #tpu.memory_space<semaphore_mem>>) src(%arg17 : memref<24x128xf32, #tpu.memory_space<vmem>>) dst(%dma_wait3A_307 : memref<24x128xf32, #tpu.memory_space<vmem_shared>>)
    %dma_wait3A_308 = arith.constant 0 : i32
    %dma_wait3A_309 = arith.constant 0 : i32
    %dma_wait3A_310 = tpu.memref_slice %arg7[%dma_wait3A_308, %dma_wait3A_309] : memref<10008x128xf32, #tpu.memory_space<vmem_shared>> -> memref<24x128xf32, #tpu.memory_space<vmem_shared>>
    %dma_wait3A_311 = arith.constant 0 : i32
    %dma_wait3A_312 = arith.constant 0 : i32
    %dma_wait3A_313 = tpu.memref_slice %arg7[%dma_wait3A_311, %dma_wait3A_312] : memref<10008x128xf32, #tpu.memory_space<vmem_shared>> -> memref<24x128xf32, #tpu.memory_space<vmem_shared>>
    tpu.wait_dma2 semaphore(%arg30 : memref<!tpu.dma_semaphore, #tpu.memory_space<semaphore_mem>>) src(%arg17 : memref<24x128xf32, #tpu.memory_space<vmem>>) dst(%dma_wait3A_313 : memref<24x128xf32, #tpu.memory_space<vmem_shared>>)
    %dma_wait3A_314 = arith.constant 0 : i32
    %dma_wait3A_315 = arith.constant 0 : i32
    %dma_wait3A_316 = tpu.memref_slice %arg7[%dma_wait3A_314, %dma_wait3A_315] : memref<10008x128xf32, #tpu.memory_space<vmem_shared>> -> memref<24x128xf32, #tpu.memory_space<vmem_shared>>
    %dma_wait3A_317 = arith.constant 0 : i32
    %dma_wait3A_318 = arith.constant 0 : i32
    %dma_wait3A_319 = tpu.memref_slice %arg7[%dma_wait3A_317, %dma_wait3A_318] : memref<10008x128xf32, #tpu.memory_space<vmem_shared>> -> memref<24x128xf32, #tpu.memory_space<vmem_shared>>
    tpu.wait_dma2 semaphore(%arg30 : memref<!tpu.dma_semaphore, #tpu.memory_space<semaphore_mem>>) src(%arg17 : memref<24x128xf32, #tpu.memory_space<vmem>>) dst(%dma_wait3A_319 : memref<24x128xf32, #tpu.memory_space<vmem_shared>>)
    %dma_wait3A_320 = arith.constant 0 : i32
    %dma_wait3A_321 = arith.constant 0 : i32
    %dma_wait3A_322 = tpu.memref_slice %arg7[%dma_wait3A_320, %dma_wait3A_321] : memref<10008x128xf32, #tpu.memory_space<vmem_shared>> -> memref<24x128xf32, #tpu.memory_space<vmem_shared>>
    %dma_wait3A_323 = arith.constant 0 : i32
    %dma_wait3A_324 = arith.constant 0 : i32
    %dma_wait3A_325 = tpu.memref_slice %arg7[%dma_wait3A_323, %dma_wait3A_324] : memref<10008x128xf32, #tpu.memory_space<vmem_shared>> -> memref<24x128xf32, #tpu.memory_space<vmem_shared>>
    tpu.wait_dma2 semaphore(%arg30 : memref<!tpu.dma_semaphore, #tpu.memory_space<semaphore_mem>>) src(%arg17 : memref<24x128xf32, #tpu.memory_space<vmem>>) dst(%dma_wait3A_325 : memref<24x128xf32, #tpu.memory_space<vmem_shared>>)
    %dma_wait3A_326 = arith.constant 0 : i32
    %dma_wait3A_327 = arith.constant 0 : i32
    %dma_wait3A_328 = tpu.memref_slice %arg7[%dma_wait3A_326, %dma_wait3A_327] : memref<10008x128xf32, #tpu.memory_space<vmem_shared>> -> memref<24x128xf32, #tpu.memory_space<vmem_shared>>
    %dma_wait3A_329 = arith.constant 0 : i32
    %dma_wait3A_330 = arith.constant 0 : i32
    %dma_wait3A_331 = tpu.memref_slice %arg7[%dma_wait3A_329, %dma_wait3A_330] : memref<10008x128xf32, #tpu.memory_space<vmem_shared>> -> memref<24x128xf32, #tpu.memory_space<vmem_shared>>
    tpu.wait_dma2 semaphore(%arg30 : memref<!tpu.dma_semaphore, #tpu.memory_space<semaphore_mem>>) src(%arg17 : memref<24x128xf32, #tpu.memory_space<vmem>>) dst(%dma_wait3A_331 : memref<24x128xf32, #tpu.memory_space<vmem_shared>>)
    %dma_wait3A_332 = arith.constant 0 : i32
    %dma_wait3A_333 = arith.constant 0 : i32
    %dma_wait3A_334 = tpu.memref_slice %arg7[%dma_wait3A_332, %dma_wait3A_333] : memref<10008x128xf32, #tpu.memory_space<vmem_shared>> -> memref<24x128xf32, #tpu.memory_space<vmem_shared>>
    %dma_wait3A_335 = arith.constant 0 : i32
    %dma_wait3A_336 = arith.constant 0 : i32
    %dma_wait3A_337 = tpu.memref_slice %arg7[%dma_wait3A_335, %dma_wait3A_336] : memref<10008x128xf32, #tpu.memory_space<vmem_shared>> -> memref<24x128xf32, #tpu.memory_space<vmem_shared>>
    tpu.wait_dma2 semaphore(%arg30 : memref<!tpu.dma_semaphore, #tpu.memory_space<semaphore_mem>>) src(%arg17 : memref<24x128xf32, #tpu.memory_space<vmem>>) dst(%dma_wait3A_337 : memref<24x128xf32, #tpu.memory_space<vmem_shared>>)
    %dma_wait3A_338 = arith.constant 0 : i32
    %dma_wait3A_339 = arith.constant 0 : i32
    %dma_wait3A_340 = tpu.memref_slice %arg7[%dma_wait3A_338, %dma_wait3A_339] : memref<10008x128xf32, #tpu.memory_space<vmem_shared>> -> memref<24x128xf32, #tpu.memory_space<vmem_shared>>
    %dma_wait3A_341 = arith.constant 0 : i32
    %dma_wait3A_342 = arith.constant 0 : i32
    %dma_wait3A_343 = tpu.memref_slice %arg7[%dma_wait3A_341, %dma_wait3A_342] : memref<10008x128xf32, #tpu.memory_space<vmem_shared>> -> memref<24x128xf32, #tpu.memory_space<vmem_shared>>
    tpu.wait_dma2 semaphore(%arg30 : memref<!tpu.dma_semaphore, #tpu.memory_space<semaphore_mem>>) src(%arg17 : memref<24x128xf32, #tpu.memory_space<vmem>>) dst(%dma_wait3A_343 : memref<24x128xf32, #tpu.memory_space<vmem_shared>>)
    %dma_wait3A_344 = arith.constant 0 : i32
    %dma_wait3A_345 = arith.constant 0 : i32
    %dma_wait3A_346 = tpu.memref_slice %arg7[%dma_wait3A_344, %dma_wait3A_345] : memref<10008x128xf32, #tpu.memory_space<vmem_shared>> -> memref<24x128xf32, #tpu.memory_space<vmem_shared>>
    %dma_wait3A_347 = arith.constant 0 : i32
    %dma_wait3A_348 = arith.constant 0 : i32
    %dma_wait3A_349 = tpu.memref_slice %arg7[%dma_wait3A_347, %dma_wait3A_348] : memref<10008x128xf32, #tpu.memory_space<vmem_shared>> -> memref<24x128xf32, #tpu.memory_space<vmem_shared>>
    tpu.wait_dma2 semaphore(%arg30 : memref<!tpu.dma_semaphore, #tpu.memory_space<semaphore_mem>>) src(%arg17 : memref<24x128xf32, #tpu.memory_space<vmem>>) dst(%dma_wait3A_349 : memref<24x128xf32, #tpu.memory_space<vmem_shared>>)
    %dma_wait3A_350 = arith.constant 0 : i32
    %dma_wait3A_351 = arith.constant 0 : i32
    %dma_wait3A_352 = tpu.memref_slice %arg7[%dma_wait3A_350, %dma_wait3A_351] : memref<10008x128xf32, #tpu.memory_space<vmem_shared>> -> memref<24x128xf32, #tpu.memory_space<vmem_shared>>
    %dma_wait3A_353 = arith.constant 0 : i32
    %dma_wait3A_354 = arith.constant 0 : i32
    %dma_wait3A_355 = tpu.memref_slice %arg7[%dma_wait3A_353, %dma_wait3A_354] : memref<10008x128xf32, #tpu.memory_space<vmem_shared>> -> memref<24x128xf32, #tpu.memory_space<vmem_shared>>
    tpu.wait_dma2 semaphore(%arg30 : memref<!tpu.dma_semaphore, #tpu.memory_space<semaphore_mem>>) src(%arg17 : memref<24x128xf32, #tpu.memory_space<vmem>>) dst(%dma_wait3A_355 : memref<24x128xf32, #tpu.memory_space<vmem_shared>>)
    %dma_wait3A_356 = arith.constant 0 : i32
    %dma_wait3A_357 = arith.constant 0 : i32
    %dma_wait3A_358 = tpu.memref_slice %arg7[%dma_wait3A_356, %dma_wait3A_357] : memref<10008x128xf32, #tpu.memory_space<vmem_shared>> -> memref<24x128xf32, #tpu.memory_space<vmem_shared>>
    %dma_wait3A_359 = arith.constant 0 : i32
    %dma_wait3A_360 = arith.constant 0 : i32
    %dma_wait3A_361 = tpu.memref_slice %arg7[%dma_wait3A_359, %dma_wait3A_360] : memref<10008x128xf32, #tpu.memory_space<vmem_shared>> -> memref<24x128xf32, #tpu.memory_space<vmem_shared>>
    tpu.wait_dma2 semaphore(%arg30 : memref<!tpu.dma_semaphore, #tpu.memory_space<semaphore_mem>>) src(%arg17 : memref<24x128xf32, #tpu.memory_space<vmem>>) dst(%dma_wait3A_361 : memref<24x128xf32, #tpu.memory_space<vmem_shared>>)
    %dma_wait3A_362 = arith.constant 0 : i32
    %dma_wait3A_363 = arith.constant 0 : i32
    %dma_wait3A_364 = tpu.memref_slice %arg7[%dma_wait3A_362, %dma_wait3A_363] : memref<10008x128xf32, #tpu.memory_space<vmem_shared>> -> memref<24x128xf32, #tpu.memory_space<vmem_shared>>
    %dma_wait3A_365 = arith.constant 0 : i32
    %dma_wait3A_366 = arith.constant 0 : i32
    %dma_wait3A_367 = tpu.memref_slice %arg7[%dma_wait3A_365, %dma_wait3A_366] : memref<10008x128xf32, #tpu.memory_space<vmem_shared>> -> memref<24x128xf32, #tpu.memory_space<vmem_shared>>
    tpu.wait_dma2 semaphore(%arg30 : memref<!tpu.dma_semaphore, #tpu.memory_space<semaphore_mem>>) src(%arg17 : memref<24x128xf32, #tpu.memory_space<vmem>>) dst(%dma_wait3A_367 : memref<24x128xf32, #tpu.memory_space<vmem_shared>>)
    %dma_wait3A_368 = arith.constant 0 : i32
    %dma_wait3A_369 = arith.constant 0 : i32
    %dma_wait3A_370 = tpu.memref_slice %arg7[%dma_wait3A_368, %dma_wait3A_369] : memref<10008x128xf32, #tpu.memory_space<vmem_shared>> -> memref<24x128xf32, #tpu.memory_space<vmem_shared>>
    %dma_wait3A_371 = arith.constant 0 : i32
    %dma_wait3A_372 = arith.constant 0 : i32
    %dma_wait3A_373 = tpu.memref_slice %arg7[%dma_wait3A_371, %dma_wait3A_372] : memref<10008x128xf32, #tpu.memory_space<vmem_shared>> -> memref<24x128xf32, #tpu.memory_space<vmem_shared>>
    tpu.wait_dma2 semaphore(%arg30 : memref<!tpu.dma_semaphore, #tpu.memory_space<semaphore_mem>>) src(%arg17 : memref<24x128xf32, #tpu.memory_space<vmem>>) dst(%dma_wait3A_373 : memref<24x128xf32, #tpu.memory_space<vmem_shared>>)
    %dma_wait3A_374 = arith.constant 0 : i32
    %dma_wait3A_375 = arith.constant 0 : i32
    %dma_wait3A_376 = tpu.memref_slice %arg7[%dma_wait3A_374, %dma_wait3A_375] : memref<10008x128xf32, #tpu.memory_space<vmem_shared>> -> memref<24x128xf32, #tpu.memory_space<vmem_shared>>
    %dma_wait3A_377 = arith.constant 0 : i32
    %dma_wait3A_378 = arith.constant 0 : i32
    %dma_wait3A_379 = tpu.memref_slice %arg7[%dma_wait3A_377, %dma_wait3A_378] : memref<10008x128xf32, #tpu.memory_space<vmem_shared>> -> memref<24x128xf32, #tpu.memory_space<vmem_shared>>
    tpu.wait_dma2 semaphore(%arg30 : memref<!tpu.dma_semaphore, #tpu.memory_space<semaphore_mem>>) src(%arg17 : memref<24x128xf32, #tpu.memory_space<vmem>>) dst(%dma_wait3A_379 : memref<24x128xf32, #tpu.memory_space<vmem_shared>>)
    %dma_wait3A_380 = arith.constant 0 : i32
    %dma_wait3A_381 = arith.constant 0 : i32
    %dma_wait3A_382 = tpu.memref_slice %arg7[%dma_wait3A_380, %dma_wait3A_381] : memref<10008x128xf32, #tpu.memory_space<vmem_shared>> -> memref<24x128xf32, #tpu.memory_space<vmem_shared>>
    %dma_wait3A_383 = arith.constant 0 : i32
    %dma_wait3A_384 = arith.constant 0 : i32
    %dma_wait3A_385 = tpu.memref_slice %arg7[%dma_wait3A_383, %dma_wait3A_384] : memref<10008x128xf32, #tpu.memory_space<vmem_shared>> -> memref<24x128xf32, #tpu.memory_space<vmem_shared>>
    tpu.wait_dma2 semaphore(%arg30 : memref<!tpu.dma_semaphore, #tpu.memory_space<semaphore_mem>>) src(%arg17 : memref<24x128xf32, #tpu.memory_space<vmem>>) dst(%dma_wait3A_385 : memref<24x128xf32, #tpu.memory_space<vmem_shared>>)
    %dma_wait3A_386 = arith.constant 0 : i32
    %dma_wait3A_387 = arith.constant 0 : i32
    %dma_wait3A_388 = tpu.memref_slice %arg7[%dma_wait3A_386, %dma_wait3A_387] : memref<10008x128xf32, #tpu.memory_space<vmem_shared>> -> memref<24x128xf32, #tpu.memory_space<vmem_shared>>
    %dma_wait3A_389 = arith.constant 0 : i32
    %dma_wait3A_390 = arith.constant 0 : i32
    %dma_wait3A_391 = tpu.memref_slice %arg7[%dma_wait3A_389, %dma_wait3A_390] : memref<10008x128xf32, #tpu.memory_space<vmem_shared>> -> memref<24x128xf32, #tpu.memory_space<vmem_shared>>
    tpu.wait_dma2 semaphore(%arg30 : memref<!tpu.dma_semaphore, #tpu.memory_space<semaphore_mem>>) src(%arg17 : memref<24x128xf32, #tpu.memory_space<vmem>>) dst(%dma_wait3A_391 : memref<24x128xf32, #tpu.memory_space<vmem_shared>>)
    %dma_wait3A_392 = arith.constant 0 : i32
    %dma_wait3A_393 = arith.constant 0 : i32
    %dma_wait3A_394 = tpu.memref_slice %arg7[%dma_wait3A_392, %dma_wait3A_393] : memref<10008x128xf32, #tpu.memory_space<vmem_shared>> -> memref<24x128xf32, #tpu.memory_space<vmem_shared>>
    %dma_wait3A_395 = arith.constant 0 : i32
    %dma_wait3A_396 = arith.constant 0 : i32
    %dma_wait3A_397 = tpu.memref_slice %arg7[%dma_wait3A_395, %dma_wait3A_396] : memref<10008x128xf32, #tpu.memory_space<vmem_shared>> -> memref<24x128xf32, #tpu.memory_space<vmem_shared>>
    tpu.wait_dma2 semaphore(%arg30 : memref<!tpu.dma_semaphore, #tpu.memory_space<semaphore_mem>>) src(%arg17 : memref<24x128xf32, #tpu.memory_space<vmem>>) dst(%dma_wait3A_397 : memref<24x128xf32, #tpu.memory_space<vmem_shared>>)
    %dma_wait3A_398 = arith.constant 0 : i32
    %dma_wait3A_399 = arith.constant 0 : i32
    %dma_wait3A_400 = tpu.memref_slice %arg7[%dma_wait3A_398, %dma_wait3A_399] : memref<10008x128xf32, #tpu.memory_space<vmem_shared>> -> memref<24x128xf32, #tpu.memory_space<vmem_shared>>
    %dma_wait3A_401 = arith.constant 0 : i32
    %dma_wait3A_402 = arith.constant 0 : i32
    %dma_wait3A_403 = tpu.memref_slice %arg7[%dma_wait3A_401, %dma_wait3A_402] : memref<10008x128xf32, #tpu.memory_space<vmem_shared>> -> memref<24x128xf32, #tpu.memory_space<vmem_shared>>
    tpu.wait_dma2 semaphore(%arg30 : memref<!tpu.dma_semaphore, #tpu.memory_space<semaphore_mem>>) src(%arg17 : memref<24x128xf32, #tpu.memory_space<vmem>>) dst(%dma_wait3A_403 : memref<24x128xf32, #tpu.memory_space<vmem_shared>>)
    %dma_wait3A_404 = arith.constant 0 : i32
    %dma_wait3A_405 = arith.constant 0 : i32
    %dma_wait3A_406 = tpu.memref_slice %arg7[%dma_wait3A_404, %dma_wait3A_405] : memref<10008x128xf32, #tpu.memory_space<vmem_shared>> -> memref<24x128xf32, #tpu.memory_space<vmem_shared>>
    %dma_wait3A_407 = arith.constant 0 : i32
    %dma_wait3A_408 = arith.constant 0 : i32
    %dma_wait3A_409 = tpu.memref_slice %arg7[%dma_wait3A_407, %dma_wait3A_408] : memref<10008x128xf32, #tpu.memory_space<vmem_shared>> -> memref<24x128xf32, #tpu.memory_space<vmem_shared>>
    tpu.wait_dma2 semaphore(%arg30 : memref<!tpu.dma_semaphore, #tpu.memory_space<semaphore_mem>>) src(%arg17 : memref<24x128xf32, #tpu.memory_space<vmem>>) dst(%dma_wait3A_409 : memref<24x128xf32, #tpu.memory_space<vmem_shared>>)
    %dma_wait3A_410 = arith.constant 0 : i32
    %dma_wait3A_411 = arith.constant 0 : i32
    %dma_wait3A_412 = tpu.memref_slice %arg7[%dma_wait3A_410, %dma_wait3A_411] : memref<10008x128xf32, #tpu.memory_space<vmem_shared>> -> memref<24x128xf32, #tpu.memory_space<vmem_shared>>
    %dma_wait3A_413 = arith.constant 0 : i32
    %dma_wait3A_414 = arith.constant 0 : i32
    %dma_wait3A_415 = tpu.memref_slice %arg7[%dma_wait3A_413, %dma_wait3A_414] : memref<10008x128xf32, #tpu.memory_space<vmem_shared>> -> memref<24x128xf32, #tpu.memory_space<vmem_shared>>
    tpu.wait_dma2 semaphore(%arg30 : memref<!tpu.dma_semaphore, #tpu.memory_space<semaphore_mem>>) src(%arg17 : memref<24x128xf32, #tpu.memory_space<vmem>>) dst(%dma_wait3A_415 : memref<24x128xf32, #tpu.memory_space<vmem_shared>>)
    %dma_wait3A_416 = arith.constant 0 : i32
    %dma_wait3A_417 = arith.constant 0 : i32
    %dma_wait3A_418 = tpu.memref_slice %arg7[%dma_wait3A_416, %dma_wait3A_417] : memref<10008x128xf32, #tpu.memory_space<vmem_shared>> -> memref<24x128xf32, #tpu.memory_space<vmem_shared>>
    %dma_wait3A_419 = arith.constant 0 : i32
    %dma_wait3A_420 = arith.constant 0 : i32
    %dma_wait3A_421 = tpu.memref_slice %arg7[%dma_wait3A_419, %dma_wait3A_420] : memref<10008x128xf32, #tpu.memory_space<vmem_shared>> -> memref<24x128xf32, #tpu.memory_space<vmem_shared>>
    tpu.wait_dma2 semaphore(%arg30 : memref<!tpu.dma_semaphore, #tpu.memory_space<semaphore_mem>>) src(%arg17 : memref<24x128xf32, #tpu.memory_space<vmem>>) dst(%dma_wait3A_421 : memref<24x128xf32, #tpu.memory_space<vmem_shared>>)
    %dma_wait3A_422 = arith.constant 0 : i32
    %dma_wait3A_423 = arith.constant 0 : i32
    %dma_wait3A_424 = tpu.memref_slice %arg7[%dma_wait3A_422, %dma_wait3A_423] : memref<10008x128xf32, #tpu.memory_space<vmem_shared>> -> memref<24x128xf32, #tpu.memory_space<vmem_shared>>
    %dma_wait3A_425 = arith.constant 0 : i32
    %dma_wait3A_426 = arith.constant 0 : i32
    %dma_wait3A_427 = tpu.memref_slice %arg7[%dma_wait3A_425, %dma_wait3A_426] : memref<10008x128xf32, #tpu.memory_space<vmem_shared>> -> memref<24x128xf32, #tpu.memory_space<vmem_shared>>
    tpu.wait_dma2 semaphore(%arg30 : memref<!tpu.dma_semaphore, #tpu.memory_space<semaphore_mem>>) src(%arg17 : memref<24x128xf32, #tpu.memory_space<vmem>>) dst(%dma_wait3A_427 : memref<24x128xf32, #tpu.memory_space<vmem_shared>>)
    %eq3A_428 = arith.constant 15 : i32
    %eq3A_429 = arith.cmpi eq, %arg1, %eq3A_428 : i32
    %convert_element_type3A_430 = arith.extui %eq3A_429 : i1 to i32
    %cond3A_431 = arith.constant 0 : i32
    %cond3A_432 = arith.cmpi ne, %convert_element_type3A_430, %cond3A_431 : i32
    scf.if %cond3A_432 {
      %dma_wait3A_465 = arith.constant 0 : i32
      %dma_wait3A_466 = arith.constant 0 : i32
      %dma_wait3A_467 = tpu.memref_slice %arg17[%dma_wait3A_465, %dma_wait3A_466] : memref<24x128xf32, #tpu.memory_space<vmem>> -> memref<16x128xf32, #tpu.memory_space<vmem>>
      %dma_wait3A_468 = arith.constant 0 : i32
      %dma_wait3A_469 = arith.constant 0 : i32
      %dma_wait3A_470 = tpu.memref_slice %arg7[%dma_wait3A_468, %dma_wait3A_469] : memref<10008x128xf32, #tpu.memory_space<vmem_shared>> -> memref<16x128xf32, #tpu.memory_space<vmem_shared>>
      %dma_wait3A_471 = arith.constant 0 : i32
      %dma_wait3A_472 = arith.constant 0 : i32
      %dma_wait3A_473 = tpu.memref_slice %arg7[%dma_wait3A_471, %dma_wait3A_472] : memref<10008x128xf32, #tpu.memory_space<vmem_shared>> -> memref<16x128xf32, #tpu.memory_space<vmem_shared>>
      %dma_wait3A_474 = arith.constant 0 : i32
      %dma_wait3A_475 = arith.constant 0 : i32
      %dma_wait3A_476 = tpu.memref_slice %arg17[%dma_wait3A_474, %dma_wait3A_475] : memref<24x128xf32, #tpu.memory_space<vmem>> -> memref<16x128xf32, #tpu.memory_space<vmem>>
      tpu.wait_dma2 semaphore(%arg30 : memref<!tpu.dma_semaphore, #tpu.memory_space<semaphore_mem>>) src(%dma_wait3A_476 : memref<16x128xf32, #tpu.memory_space<vmem>>) dst(%dma_wait3A_473 : memref<16x128xf32, #tpu.memory_space<vmem_shared>>)
    } else {
    }
    %eq3A_433 = arith.constant 0 : i32
    %eq3A_434 = arith.cmpi eq, %arg1, %eq3A_433 : i32
    %convert_element_type3A_435 = arith.extui %eq3A_434 : i1 to i32
    %cond3A_436 = arith.constant 0 : i32
    %cond3A_437 = arith.cmpi ne, %convert_element_type3A_435, %cond3A_436 : i32
    scf.if %cond3A_437 {
      %dma_wait3A_465 = arith.constant 0 : i32
      %dma_wait3A_466 = tpu.memref_slice %arg31[%dma_wait3A_465] : memref<10008xf32, #tpu.memory_space<vmem_shared>> -> memref<2000xf32, #tpu.memory_space<vmem_shared>>
      %dma_wait3A_467 = arith.constant 0 : i32
      %dma_wait3A_468 = tpu.memref_slice %arg31[%dma_wait3A_467] : memref<10008xf32, #tpu.memory_space<vmem_shared>> -> memref<2000xf32, #tpu.memory_space<vmem_shared>>
      tpu.wait_dma2 semaphore(%arg30 : memref<!tpu.dma_semaphore, #tpu.memory_space<semaphore_mem>>) src(%arg33 : memref<2000xf32, #tpu.memory_space<vmem>>) dst(%dma_wait3A_468 : memref<2000xf32, #tpu.memory_space<vmem_shared>>)
      %dma_wait3A_469 = arith.constant 0 : i32
      %dma_wait3A_470 = tpu.memref_slice %arg31[%dma_wait3A_469] : memref<10008xf32, #tpu.memory_space<vmem_shared>> -> memref<2000xf32, #tpu.memory_space<vmem_shared>>
      %dma_wait3A_471 = arith.constant 0 : i32
      %dma_wait3A_472 = tpu.memref_slice %arg31[%dma_wait3A_471] : memref<10008xf32, #tpu.memory_space<vmem_shared>> -> memref<2000xf32, #tpu.memory_space<vmem_shared>>
      tpu.wait_dma2 semaphore(%arg30 : memref<!tpu.dma_semaphore, #tpu.memory_space<semaphore_mem>>) src(%arg33 : memref<2000xf32, #tpu.memory_space<vmem>>) dst(%dma_wait3A_472 : memref<2000xf32, #tpu.memory_space<vmem_shared>>)
      %dma_wait3A_473 = arith.constant 0 : i32
      %dma_wait3A_474 = tpu.memref_slice %arg31[%dma_wait3A_473] : memref<10008xf32, #tpu.memory_space<vmem_shared>> -> memref<2000xf32, #tpu.memory_space<vmem_shared>>
      %dma_wait3A_475 = arith.constant 0 : i32
      %dma_wait3A_476 = tpu.memref_slice %arg31[%dma_wait3A_475] : memref<10008xf32, #tpu.memory_space<vmem_shared>> -> memref<2000xf32, #tpu.memory_space<vmem_shared>>
      tpu.wait_dma2 semaphore(%arg30 : memref<!tpu.dma_semaphore, #tpu.memory_space<semaphore_mem>>) src(%arg33 : memref<2000xf32, #tpu.memory_space<vmem>>) dst(%dma_wait3A_476 : memref<2000xf32, #tpu.memory_space<vmem_shared>>)
      %dma_wait3A_477 = arith.constant 0 : i32
      %dma_wait3A_478 = tpu.memref_slice %arg31[%dma_wait3A_477] : memref<10008xf32, #tpu.memory_space<vmem_shared>> -> memref<2000xf32, #tpu.memory_space<vmem_shared>>
      %dma_wait3A_479 = arith.constant 0 : i32
      %dma_wait3A_480 = tpu.memref_slice %arg31[%dma_wait3A_479] : memref<10008xf32, #tpu.memory_space<vmem_shared>> -> memref<2000xf32, #tpu.memory_space<vmem_shared>>
      tpu.wait_dma2 semaphore(%arg30 : memref<!tpu.dma_semaphore, #tpu.memory_space<semaphore_mem>>) src(%arg33 : memref<2000xf32, #tpu.memory_space<vmem>>) dst(%dma_wait3A_480 : memref<2000xf32, #tpu.memory_space<vmem_shared>>)
      %dma_wait3A_481 = arith.constant 0 : i32
      %dma_wait3A_482 = tpu.memref_slice %arg31[%dma_wait3A_481] : memref<10008xf32, #tpu.memory_space<vmem_shared>> -> memref<2000xf32, #tpu.memory_space<vmem_shared>>
      %dma_wait3A_483 = arith.constant 0 : i32
      %dma_wait3A_484 = tpu.memref_slice %arg31[%dma_wait3A_483] : memref<10008xf32, #tpu.memory_space<vmem_shared>> -> memref<2000xf32, #tpu.memory_space<vmem_shared>>
      tpu.wait_dma2 semaphore(%arg30 : memref<!tpu.dma_semaphore, #tpu.memory_space<semaphore_mem>>) src(%arg33 : memref<2000xf32, #tpu.memory_space<vmem>>) dst(%dma_wait3A_484 : memref<2000xf32, #tpu.memory_space<vmem_shared>>)
    } else {
    }
    %barrier3A = arith.constant 0 : index
    tpu.barrier barrier_id(%barrier3A)
    %scan3A_438 = arith.constant 0 : i32
    %scan3A_439 = arith.constant 0 : i32
    %scan3A_440 = arith.constant 30 : i32
    %scan3A_441 = arith.addi %scan3A_439, %scan3A_440 : i32
    %scan3A_442 = arith.constant 1 : i32
    scf.for %scan3A_465 = %scan3A_439 to %scan3A_441 step %scan3A_442  : i32 {
      %mul3A_466 = arith.constant 3 : i32
      %mul3A_467 = arith.muli %scan3A_465, %mul3A_466 : i32
      %add3A_468 = arith.constant 0 : i32
      %add3A_469 = arith.addi %mul3A_467, %add3A_468 : i32
      %gt3A = arith.constant 0 : i32
      %gt3A_470 = arith.cmpi sgt, %add3A_469, %gt3A : i32
      %convert_element_type3A_471 = arith.extui %gt3A_470 : i1 to i32
      %cond3A_472 = arith.constant 0 : i32
      %cond3A_473 = arith.cmpi ne, %convert_element_type3A_471, %cond3A_472 : i32
      scf.if %cond3A_473 {
        %dma_wait3A_599 = arith.constant 0 : i32
        %dma_wait3A_600 = arith.constant 0 : i32
        %dma_wait3A_601 = tpu.memref_slice %arg7[%dma_wait3A_599, %dma_wait3A_600] : memref<10008x128xf32, #tpu.memory_space<vmem_shared>> -> memref<112x128xf32, #tpu.memory_space<vmem_shared>>
        %dma_wait3A_602 = arith.constant 0 : i32
        %dma_wait3A_603 = arith.constant 0 : i32
        %dma_wait3A_604 = tpu.memref_slice %arg7[%dma_wait3A_602, %dma_wait3A_603] : memref<10008x128xf32, #tpu.memory_space<vmem_shared>> -> memref<112x128xf32, #tpu.memory_space<vmem_shared>>
        tpu.wait_dma2 semaphore(%arg29 : memref<!tpu.dma_semaphore, #tpu.memory_space<semaphore_mem>>) src(%arg16 : memref<112x128xf32, #tpu.memory_space<vmem>>) dst(%dma_wait3A_604 : memref<112x128xf32, #tpu.memory_space<vmem_shared>>)
        %dma_wait3A_605 = arith.constant 0 : i32
        %dma_wait3A_606 = tpu.memref_slice %arg31[%dma_wait3A_605] : memref<10008xf32, #tpu.memory_space<vmem_shared>> -> memref<112xf32, #tpu.memory_space<vmem_shared>>
        %dma_wait3A_607 = arith.constant 0 : i32
        %dma_wait3A_608 = tpu.memref_slice %arg31[%dma_wait3A_607] : memref<10008xf32, #tpu.memory_space<vmem_shared>> -> memref<112xf32, #tpu.memory_space<vmem_shared>>
        tpu.wait_dma2 semaphore(%arg29 : memref<!tpu.dma_semaphore, #tpu.memory_space<semaphore_mem>>) src(%arg32 : memref<112xf32, #tpu.memory_space<vmem>>) dst(%dma_wait3A_608 : memref<112xf32, #tpu.memory_space<vmem_shared>>)
      } else {
      }
      %add3A_474 = arith.constant 2 : i32
      %add3A_475 = arith.addi %add3A_469, %add3A_474 : i32
      %lt3A = arith.constant 90 : i32
      %lt3A_476 = arith.cmpi slt, %add3A_475, %lt3A : i32
      %convert_element_type3A_477 = arith.extui %lt3A_476 : i1 to i32
      %cond3A_478 = arith.constant 0 : i32
      %cond3A_479 = arith.cmpi ne, %convert_element_type3A_477, %cond3A_478 : i32
      scf.if %cond3A_479 {
        %dma_wait3A_599 = arith.constant 0 : i32
        %dma_wait3A_600 = tpu.memref_slice %arg3[%dma_wait3A_599] : memref<322560xi32, #tpu.memory_space<hbm>> -> memref<112xi32, #tpu.memory_space<hbm>>
        %dma_wait3A_601 = arith.constant 0 : i32
        %dma_wait3A_602 = tpu.memref_slice %arg3[%dma_wait3A_601] : memref<322560xi32, #tpu.memory_space<hbm>> -> memref<112xi32, #tpu.memory_space<hbm>>
        tpu.wait_dma2 semaphore(%arg23 : memref<!tpu.dma_semaphore, #tpu.memory_space<semaphore_mem>>) src(%dma_wait3A_602 : memref<112xi32, #tpu.memory_space<hbm>>) dst(%arg10 : memref<112xi32, #tpu.memory_space<vmem>>)
        %dma_start3A_603 = arith.constant 0 : i32
        %dma_start3A_604 = arith.constant 0 : i32
        %dma_start3A_605 = tpu.memref_slice %arg2[%dma_start3A_603, %dma_start3A_604] : memref<10000x128xf32, #tpu.memory_space<hbm>> -> memref<10000x128xf32, #tpu.memory_space<hbm>>
        tpu.enqueue_indirect_dma source(%dma_start3A_605 : memref<10000x128xf32, #tpu.memory_space<hbm>>) target(%arg16 : memref<112x128xf32, #tpu.memory_space<vmem>>) offsets(%arg10 : memref<112xi32, #tpu.memory_space<vmem>>) semaphore(%arg20 : memref<!tpu.dma_semaphore, #tpu.memory_space<semaphore_mem>>)
      } else {
      }
      %add3A_480 = arith.constant 1 : i32
      %add3A_481 = arith.addi %add3A_469, %add3A_480 : i32
      %lt3A_482 = arith.constant 90 : i32
      %lt3A_483 = arith.cmpi slt, %add3A_481, %lt3A_482 : i32
      %convert_element_type3A_484 = arith.extui %lt3A_483 : i1 to i32
      %cond3A_485 = arith.constant 0 : i32
      %cond3A_486 = arith.cmpi ne, %convert_element_type3A_484, %cond3A_485 : i32
      scf.if %cond3A_486 {
        %add3A_599 = arith.constant 1 : i32
        %add3A_600 = arith.addi %add3A_469, %add3A_599 : i32
        %mul3A_601 = arith.constant 112 : i32
        %mul3A_602 = arith.muli %add3A_600, %mul3A_601 : i32
        %add3A_603 = arith.addi %multiple_of3A_5, %mul3A_602 : i32
        %multiple_of3A_604 = tpu.assume_multiple %add3A_603, 8 : i32
        %dma_start3A_605 = tpu.memref_slice %arg4[%multiple_of3A_604] : memref<322560xi32, #tpu.memory_space<hbm>> -> memref<112xi32, #tpu.memory_space<hbm>>
        %dma_start3A_606 = tpu.memref_slice %arg4[%multiple_of3A_604] : memref<322560xi32, #tpu.memory_space<hbm>> -> memref<112xi32, #tpu.memory_space<hbm>>
        tpu.enqueue_dma source(%dma_start3A_606 : memref<112xi32, #tpu.memory_space<hbm>>) target(%arg12 : memref<112xi32, #tpu.memory_space<vmem>>) target_semaphore(%arg25 : memref<!tpu.dma_semaphore, #tpu.memory_space<semaphore_mem>>)
      } else {
      }
      %dma_wait3A_487 = arith.constant 0 : i32
      %dma_wait3A_488 = arith.constant 0 : i32
      %dma_wait3A_489 = tpu.memref_slice %arg2[%dma_wait3A_487, %dma_wait3A_488] : memref<10000x128xf32, #tpu.memory_space<hbm>> -> memref<112x128xf32, #tpu.memory_space<hbm>>
      %dma_wait3A_490 = arith.constant 0 : i32
      %dma_wait3A_491 = arith.constant 0 : i32
      %dma_wait3A_492 = tpu.memref_slice %arg2[%dma_wait3A_490, %dma_wait3A_491] : memref<10000x128xf32, #tpu.memory_space<hbm>> -> memref<112x128xf32, #tpu.memory_space<hbm>>
      tpu.wait_dma2 semaphore(%arg18 : memref<!tpu.dma_semaphore, #tpu.memory_space<semaphore_mem>>) src(%dma_wait3A_492 : memref<112x128xf32, #tpu.memory_space<hbm>>) dst(%arg14 : memref<112x128xf32, #tpu.memory_space<vmem>>)
      %add3A_493 = arith.constant 3 : i32
      %add3A_494 = arith.addi %add3A_469, %add3A_493 : i32
      %lt3A_495 = arith.constant 90 : i32
      %lt3A_496 = arith.cmpi slt, %add3A_494, %lt3A_495 : i32
      %convert_element_type3A_497 = arith.extui %lt3A_496 : i1 to i32
      %cond3A_498 = arith.constant 0 : i32
      %cond3A_499 = arith.cmpi ne, %convert_element_type3A_497, %cond3A_498 : i32
      scf.if %cond3A_499 {
        %add3A_599 = arith.constant 3 : i32
        %add3A_600 = arith.addi %add3A_469, %add3A_599 : i32
        %mul3A_601 = arith.constant 112 : i32
        %mul3A_602 = arith.muli %add3A_600, %mul3A_601 : i32
        %add3A_603 = arith.addi %multiple_of3A_5, %mul3A_602 : i32
        %multiple_of3A_604 = tpu.assume_multiple %add3A_603, 8 : i32
        %dma_start3A_605 = tpu.memref_slice %arg3[%multiple_of3A_604] : memref<322560xi32, #tpu.memory_space<hbm>> -> memref<112xi32, #tpu.memory_space<hbm>>
        %dma_start3A_606 = tpu.memref_slice %arg3[%multiple_of3A_604] : memref<322560xi32, #tpu.memory_space<hbm>> -> memref<112xi32, #tpu.memory_space<hbm>>
        tpu.enqueue_dma source(%dma_start3A_606 : memref<112xi32, #tpu.memory_space<hbm>>) target(%arg8 : memref<112xi32, #tpu.memory_space<vmem>>) target_semaphore(%arg21 : memref<!tpu.dma_semaphore, #tpu.memory_space<semaphore_mem>>)
      } else {
      }
      %dma_wait3A_500 = arith.constant 0 : i32
      %dma_wait3A_501 = tpu.memref_slice %arg4[%dma_wait3A_500] : memref<322560xi32, #tpu.memory_space<hbm>> -> memref<112xi32, #tpu.memory_space<hbm>>
      %dma_wait3A_502 = arith.constant 0 : i32
      %dma_wait3A_503 = tpu.memref_slice %arg4[%dma_wait3A_502] : memref<322560xi32, #tpu.memory_space<hbm>> -> memref<112xi32, #tpu.memory_space<hbm>>
      tpu.wait_dma2 semaphore(%arg24 : memref<!tpu.dma_semaphore, #tpu.memory_space<semaphore_mem>>) src(%dma_wait3A_503 : memref<112xi32, #tpu.memory_space<hbm>>) dst(%arg11 : memref<112xi32, #tpu.memory_space<vmem>>)
      %dma_start3A_504 = arith.constant 0 : i32
      %dma_start3A_505 = arith.constant 0 : i32
      %dma_start3A_506 = tpu.memref_slice %arg7[%dma_start3A_504, %dma_start3A_505] : memref<10008x128xf32, #tpu.memory_space<vmem_shared>> -> memref<10008x128xf32, #tpu.memory_space<vmem_shared>>
      tpu.enqueue_indirect_dma source(%arg14 : memref<112x128xf32, #tpu.memory_space<vmem>>) target(%dma_start3A_506 : memref<10008x128xf32, #tpu.memory_space<vmem_shared>>) offsets(%arg11 : memref<112xi32, #tpu.memory_space<vmem>>) semaphore(%arg27 : memref<!tpu.dma_semaphore, #tpu.memory_space<semaphore_mem>>) {add = true}
      %dma_start3A_507 = arith.constant 0 : i32
      %dma_start3A_508 = tpu.memref_slice %arg31[%dma_start3A_507] : memref<10008xf32, #tpu.memory_space<vmem_shared>> -> memref<10008xf32, #tpu.memory_space<vmem_shared>>
      tpu.enqueue_indirect_dma source(%arg32 : memref<112xf32, #tpu.memory_space<vmem>>) target(%dma_start3A_508 : memref<10008xf32, #tpu.memory_space<vmem_shared>>) offsets(%arg11 : memref<112xi32, #tpu.memory_space<vmem>>) semaphore(%arg27 : memref<!tpu.dma_semaphore, #tpu.memory_space<semaphore_mem>>) {add = true}
      %mul3A_509 = arith.constant 3 : i32
      %mul3A_510 = arith.muli %scan3A_465, %mul3A_509 : i32
      %add3A_511 = arith.constant 1 : i32
      %add3A_512 = arith.addi %mul3A_510, %add3A_511 : i32
      %gt3A_513 = arith.constant 0 : i32
      %gt3A_514 = arith.cmpi sgt, %add3A_512, %gt3A_513 : i32
      %convert_element_type3A_515 = arith.extui %gt3A_514 : i1 to i32
      %cond3A_516 = arith.constant 0 : i32
      %cond3A_517 = arith.cmpi ne, %convert_element_type3A_515, %cond3A_516 : i32
      scf.if %cond3A_517 {
        %dma_wait3A_599 = arith.constant 0 : i32
        %dma_wait3A_600 = arith.constant 0 : i32
        %dma_wait3A_601 = tpu.memref_slice %arg7[%dma_wait3A_599, %dma_wait3A_600] : memref<10008x128xf32, #tpu.memory_space<vmem_shared>> -> memref<112x128xf32, #tpu.memory_space<vmem_shared>>
        %dma_wait3A_602 = arith.constant 0 : i32
        %dma_wait3A_603 = arith.constant 0 : i32
        %dma_wait3A_604 = tpu.memref_slice %arg7[%dma_wait3A_602, %dma_wait3A_603] : memref<10008x128xf32, #tpu.memory_space<vmem_shared>> -> memref<112x128xf32, #tpu.memory_space<vmem_shared>>
        tpu.wait_dma2 semaphore(%arg27 : memref<!tpu.dma_semaphore, #tpu.memory_space<semaphore_mem>>) src(%arg14 : memref<112x128xf32, #tpu.memory_space<vmem>>) dst(%dma_wait3A_604 : memref<112x128xf32, #tpu.memory_space<vmem_shared>>)
        %dma_wait3A_605 = arith.constant 0 : i32
        %dma_wait3A_606 = tpu.memref_slice %arg31[%dma_wait3A_605] : memref<10008xf32, #tpu.memory_space<vmem_shared>> -> memref<112xf32, #tpu.memory_space<vmem_shared>>
        %dma_wait3A_607 = arith.constant 0 : i32
        %dma_wait3A_608 = tpu.memref_slice %arg31[%dma_wait3A_607] : memref<10008xf32, #tpu.memory_space<vmem_shared>> -> memref<112xf32, #tpu.memory_space<vmem_shared>>
        tpu.wait_dma2 semaphore(%arg27 : memref<!tpu.dma_semaphore, #tpu.memory_space<semaphore_mem>>) src(%arg32 : memref<112xf32, #tpu.memory_space<vmem>>) dst(%dma_wait3A_608 : memref<112xf32, #tpu.memory_space<vmem_shared>>)
      } else {
      }
      %add3A_518 = arith.constant 2 : i32
      %add3A_519 = arith.addi %add3A_512, %add3A_518 : i32
      %lt3A_520 = arith.constant 90 : i32
      %lt3A_521 = arith.cmpi slt, %add3A_519, %lt3A_520 : i32
      %convert_element_type3A_522 = arith.extui %lt3A_521 : i1 to i32
      %cond3A_523 = arith.constant 0 : i32
      %cond3A_524 = arith.cmpi ne, %convert_element_type3A_522, %cond3A_523 : i32
      scf.if %cond3A_524 {
        %dma_wait3A_599 = arith.constant 0 : i32
        %dma_wait3A_600 = tpu.memref_slice %arg3[%dma_wait3A_599] : memref<322560xi32, #tpu.memory_space<hbm>> -> memref<112xi32, #tpu.memory_space<hbm>>
        %dma_wait3A_601 = arith.constant 0 : i32
        %dma_wait3A_602 = tpu.memref_slice %arg3[%dma_wait3A_601] : memref<322560xi32, #tpu.memory_space<hbm>> -> memref<112xi32, #tpu.memory_space<hbm>>
        tpu.wait_dma2 semaphore(%arg21 : memref<!tpu.dma_semaphore, #tpu.memory_space<semaphore_mem>>) src(%dma_wait3A_602 : memref<112xi32, #tpu.memory_space<hbm>>) dst(%arg8 : memref<112xi32, #tpu.memory_space<vmem>>)
        %dma_start3A_603 = arith.constant 0 : i32
        %dma_start3A_604 = arith.constant 0 : i32
        %dma_start3A_605 = tpu.memref_slice %arg2[%dma_start3A_603, %dma_start3A_604] : memref<10000x128xf32, #tpu.memory_space<hbm>> -> memref<10000x128xf32, #tpu.memory_space<hbm>>
        tpu.enqueue_indirect_dma source(%dma_start3A_605 : memref<10000x128xf32, #tpu.memory_space<hbm>>) target(%arg14 : memref<112x128xf32, #tpu.memory_space<vmem>>) offsets(%arg8 : memref<112xi32, #tpu.memory_space<vmem>>) semaphore(%arg18 : memref<!tpu.dma_semaphore, #tpu.memory_space<semaphore_mem>>)
      } else {
      }
      %add3A_525 = arith.constant 1 : i32
      %add3A_526 = arith.addi %add3A_512, %add3A_525 : i32
      %lt3A_527 = arith.constant 90 : i32
      %lt3A_528 = arith.cmpi slt, %add3A_526, %lt3A_527 : i32
      %convert_element_type3A_529 = arith.extui %lt3A_528 : i1 to i32
      %cond3A_530 = arith.constant 0 : i32
      %cond3A_531 = arith.cmpi ne, %convert_element_type3A_529, %cond3A_530 : i32
      scf.if %cond3A_531 {
        %add3A_599 = arith.constant 1 : i32
        %add3A_600 = arith.addi %add3A_512, %add3A_599 : i32
        %mul3A_601 = arith.constant 112 : i32
        %mul3A_602 = arith.muli %add3A_600, %mul3A_601 : i32
        %add3A_603 = arith.addi %multiple_of3A_5, %mul3A_602 : i32
        %multiple_of3A_604 = tpu.assume_multiple %add3A_603, 8 : i32
        %dma_start3A_605 = tpu.memref_slice %arg4[%multiple_of3A_604] : memref<322560xi32, #tpu.memory_space<hbm>> -> memref<112xi32, #tpu.memory_space<hbm>>
        %dma_start3A_606 = tpu.memref_slice %arg4[%multiple_of3A_604] : memref<322560xi32, #tpu.memory_space<hbm>> -> memref<112xi32, #tpu.memory_space<hbm>>
        tpu.enqueue_dma source(%dma_start3A_606 : memref<112xi32, #tpu.memory_space<hbm>>) target(%arg13 : memref<112xi32, #tpu.memory_space<vmem>>) target_semaphore(%arg26 : memref<!tpu.dma_semaphore, #tpu.memory_space<semaphore_mem>>)
      } else {
      }
      %dma_wait3A_532 = arith.constant 0 : i32
      %dma_wait3A_533 = arith.constant 0 : i32
      %dma_wait3A_534 = tpu.memref_slice %arg2[%dma_wait3A_532, %dma_wait3A_533] : memref<10000x128xf32, #tpu.memory_space<hbm>> -> memref<112x128xf32, #tpu.memory_space<hbm>>
      %dma_wait3A_535 = arith.constant 0 : i32
      %dma_wait3A_536 = arith.constant 0 : i32
      %dma_wait3A_537 = tpu.memref_slice %arg2[%dma_wait3A_535, %dma_wait3A_536] : memref<10000x128xf32, #tpu.memory_space<hbm>> -> memref<112x128xf32, #tpu.memory_space<hbm>>
      tpu.wait_dma2 semaphore(%arg19 : memref<!tpu.dma_semaphore, #tpu.memory_space<semaphore_mem>>) src(%dma_wait3A_537 : memref<112x128xf32, #tpu.memory_space<hbm>>) dst(%arg15 : memref<112x128xf32, #tpu.memory_space<vmem>>)
      %add3A_538 = arith.constant 3 : i32
      %add3A_539 = arith.addi %add3A_512, %add3A_538 : i32
      %lt3A_540 = arith.constant 90 : i32
      %lt3A_541 = arith.cmpi slt, %add3A_539, %lt3A_540 : i32
      %convert_element_type3A_542 = arith.extui %lt3A_541 : i1 to i32
      %cond3A_543 = arith.constant 0 : i32
      %cond3A_544 = arith.cmpi ne, %convert_element_type3A_542, %cond3A_543 : i32
      scf.if %cond3A_544 {
        %add3A_599 = arith.constant 3 : i32
        %add3A_600 = arith.addi %add3A_512, %add3A_599 : i32
        %mul3A_601 = arith.constant 112 : i32
        %mul3A_602 = arith.muli %add3A_600, %mul3A_601 : i32
        %add3A_603 = arith.addi %multiple_of3A_5, %mul3A_602 : i32
        %multiple_of3A_604 = tpu.assume_multiple %add3A_603, 8 : i32
        %dma_start3A_605 = tpu.memref_slice %arg3[%multiple_of3A_604] : memref<322560xi32, #tpu.memory_space<hbm>> -> memref<112xi32, #tpu.memory_space<hbm>>
        %dma_start3A_606 = tpu.memref_slice %arg3[%multiple_of3A_604] : memref<322560xi32, #tpu.memory_space<hbm>> -> memref<112xi32, #tpu.memory_space<hbm>>
        tpu.enqueue_dma source(%dma_start3A_606 : memref<112xi32, #tpu.memory_space<hbm>>) target(%arg9 : memref<112xi32, #tpu.memory_space<vmem>>) target_semaphore(%arg22 : memref<!tpu.dma_semaphore, #tpu.memory_space<semaphore_mem>>)
      } else {
      }
      %dma_wait3A_545 = arith.constant 0 : i32
      %dma_wait3A_546 = tpu.memref_slice %arg4[%dma_wait3A_545] : memref<322560xi32, #tpu.memory_space<hbm>> -> memref<112xi32, #tpu.memory_space<hbm>>
      %dma_wait3A_547 = arith.constant 0 : i32
      %dma_wait3A_548 = tpu.memref_slice %arg4[%dma_wait3A_547] : memref<322560xi32, #tpu.memory_space<hbm>> -> memref<112xi32, #tpu.memory_space<hbm>>
      tpu.wait_dma2 semaphore(%arg25 : memref<!tpu.dma_semaphore, #tpu.memory_space<semaphore_mem>>) src(%dma_wait3A_548 : memref<112xi32, #tpu.memory_space<hbm>>) dst(%arg12 : memref<112xi32, #tpu.memory_space<vmem>>)
      %dma_start3A_549 = arith.constant 0 : i32
      %dma_start3A_550 = arith.constant 0 : i32
      %dma_start3A_551 = tpu.memref_slice %arg7[%dma_start3A_549, %dma_start3A_550] : memref<10008x128xf32, #tpu.memory_space<vmem_shared>> -> memref<10008x128xf32, #tpu.memory_space<vmem_shared>>
      tpu.enqueue_indirect_dma source(%arg15 : memref<112x128xf32, #tpu.memory_space<vmem>>) target(%dma_start3A_551 : memref<10008x128xf32, #tpu.memory_space<vmem_shared>>) offsets(%arg12 : memref<112xi32, #tpu.memory_space<vmem>>) semaphore(%arg28 : memref<!tpu.dma_semaphore, #tpu.memory_space<semaphore_mem>>) {add = true}
      %dma_start3A_552 = arith.constant 0 : i32
      %dma_start3A_553 = tpu.memref_slice %arg31[%dma_start3A_552] : memref<10008xf32, #tpu.memory_space<vmem_shared>> -> memref<10008xf32, #tpu.memory_space<vmem_shared>>
      tpu.enqueue_indirect_dma source(%arg32 : memref<112xf32, #tpu.memory_space<vmem>>) target(%dma_start3A_553 : memref<10008xf32, #tpu.memory_space<vmem_shared>>) offsets(%arg12 : memref<112xi32, #tpu.memory_space<vmem>>) semaphore(%arg28 : memref<!tpu.dma_semaphore, #tpu.memory_space<semaphore_mem>>) {add = true}
      %mul3A_554 = arith.constant 3 : i32
      %mul3A_555 = arith.muli %scan3A_465, %mul3A_554 : i32
      %add3A_556 = arith.constant 2 : i32
      %add3A_557 = arith.addi %mul3A_555, %add3A_556 : i32
      %gt3A_558 = arith.constant 0 : i32
      %gt3A_559 = arith.cmpi sgt, %add3A_557, %gt3A_558 : i32
      %convert_element_type3A_560 = arith.extui %gt3A_559 : i1 to i32
      %cond3A_561 = arith.constant 0 : i32
      %cond3A_562 = arith.cmpi ne, %convert_element_type3A_560, %cond3A_561 : i32
      scf.if %cond3A_562 {
        %dma_wait3A_599 = arith.constant 0 : i32
        %dma_wait3A_600 = arith.constant 0 : i32
        %dma_wait3A_601 = tpu.memref_slice %arg7[%dma_wait3A_599, %dma_wait3A_600] : memref<10008x128xf32, #tpu.memory_space<vmem_shared>> -> memref<112x128xf32, #tpu.memory_space<vmem_shared>>
        %dma_wait3A_602 = arith.constant 0 : i32
        %dma_wait3A_603 = arith.constant 0 : i32
        %dma_wait3A_604 = tpu.memref_slice %arg7[%dma_wait3A_602, %dma_wait3A_603] : memref<10008x128xf32, #tpu.memory_space<vmem_shared>> -> memref<112x128xf32, #tpu.memory_space<vmem_shared>>
        tpu.wait_dma2 semaphore(%arg28 : memref<!tpu.dma_semaphore, #tpu.memory_space<semaphore_mem>>) src(%arg15 : memref<112x128xf32, #tpu.memory_space<vmem>>) dst(%dma_wait3A_604 : memref<112x128xf32, #tpu.memory_space<vmem_shared>>)
        %dma_wait3A_605 = arith.constant 0 : i32
        %dma_wait3A_606 = tpu.memref_slice %arg31[%dma_wait3A_605] : memref<10008xf32, #tpu.memory_space<vmem_shared>> -> memref<112xf32, #tpu.memory_space<vmem_shared>>
        %dma_wait3A_607 = arith.constant 0 : i32
        %dma_wait3A_608 = tpu.memref_slice %arg31[%dma_wait3A_607] : memref<10008xf32, #tpu.memory_space<vmem_shared>> -> memref<112xf32, #tpu.memory_space<vmem_shared>>
        tpu.wait_dma2 semaphore(%arg28 : memref<!tpu.dma_semaphore, #tpu.memory_space<semaphore_mem>>) src(%arg32 : memref<112xf32, #tpu.memory_space<vmem>>) dst(%dma_wait3A_608 : memref<112xf32, #tpu.memory_space<vmem_shared>>)
      } else {
      }
      %add3A_563 = arith.constant 2 : i32
      %add3A_564 = arith.addi %add3A_557, %add3A_563 : i32
      %lt3A_565 = arith.constant 90 : i32
      %lt3A_566 = arith.cmpi slt, %add3A_564, %lt3A_565 : i32
      %convert_element_type3A_567 = arith.extui %lt3A_566 : i1 to i32
      %cond3A_568 = arith.constant 0 : i32
      %cond3A_569 = arith.cmpi ne, %convert_element_type3A_567, %cond3A_568 : i32
      scf.if %cond3A_569 {
        %dma_wait3A_599 = arith.constant 0 : i32
        %dma_wait3A_600 = tpu.memref_slice %arg3[%dma_wait3A_599] : memref<322560xi32, #tpu.memory_space<hbm>> -> memref<112xi32, #tpu.memory_space<hbm>>
        %dma_wait3A_601 = arith.constant 0 : i32
        %dma_wait3A_602 = tpu.memref_slice %arg3[%dma_wait3A_601] : memref<322560xi32, #tpu.memory_space<hbm>> -> memref<112xi32, #tpu.memory_space<hbm>>
        tpu.wait_dma2 semaphore(%arg22 : memref<!tpu.dma_semaphore, #tpu.memory_space<semaphore_mem>>) src(%dma_wait3A_602 : memref<112xi32, #tpu.memory_space<hbm>>) dst(%arg9 : memref<112xi32, #tpu.memory_space<vmem>>)
        %dma_start3A_603 = arith.constant 0 : i32
        %dma_start3A_604 = arith.constant 0 : i32
        %dma_start3A_605 = tpu.memref_slice %arg2[%dma_start3A_603, %dma_start3A_604] : memref<10000x128xf32, #tpu.memory_space<hbm>> -> memref<10000x128xf32, #tpu.memory_space<hbm>>
        tpu.enqueue_indirect_dma source(%dma_start3A_605 : memref<10000x128xf32, #tpu.memory_space<hbm>>) target(%arg15 : memref<112x128xf32, #tpu.memory_space<vmem>>) offsets(%arg9 : memref<112xi32, #tpu.memory_space<vmem>>) semaphore(%arg19 : memref<!tpu.dma_semaphore, #tpu.memory_space<semaphore_mem>>)
      } else {
      }
      %add3A_570 = arith.constant 1 : i32
      %add3A_571 = arith.addi %add3A_557, %add3A_570 : i32
      %lt3A_572 = arith.constant 90 : i32
      %lt3A_573 = arith.cmpi slt, %add3A_571, %lt3A_572 : i32
      %convert_element_type3A_574 = arith.extui %lt3A_573 : i1 to i32
      %cond3A_575 = arith.constant 0 : i32
      %cond3A_576 = arith.cmpi ne, %convert_element_type3A_574, %cond3A_575 : i32
      scf.if %cond3A_576 {
        %add3A_599 = arith.constant 1 : i32
        %add3A_600 = arith.addi %add3A_557, %add3A_599 : i32
        %mul3A_601 = arith.constant 112 : i32
        %mul3A_602 = arith.muli %add3A_600, %mul3A_601 : i32
        %add3A_603 = arith.addi %multiple_of3A_5, %mul3A_602 : i32
        %multiple_of3A_604 = tpu.assume_multiple %add3A_603, 8 : i32
        %dma_start3A_605 = tpu.memref_slice %arg4[%multiple_of3A_604] : memref<322560xi32, #tpu.memory_space<hbm>> -> memref<112xi32, #tpu.memory_space<hbm>>
        %dma_start3A_606 = tpu.memref_slice %arg4[%multiple_of3A_604] : memref<322560xi32, #tpu.memory_space<hbm>> -> memref<112xi32, #tpu.memory_space<hbm>>
        tpu.enqueue_dma source(%dma_start3A_606 : memref<112xi32, #tpu.memory_space<hbm>>) target(%arg11 : memref<112xi32, #tpu.memory_space<vmem>>) target_semaphore(%arg24 : memref<!tpu.dma_semaphore, #tpu.memory_space<semaphore_mem>>)
      } else {
      }
      %dma_wait3A_577 = arith.constant 0 : i32
      %dma_wait3A_578 = arith.constant 0 : i32
      %dma_wait3A_579 = tpu.memref_slice %arg2[%dma_wait3A_577, %dma_wait3A_578] : memref<10000x128xf32, #tpu.memory_space<hbm>> -> memref<112x128xf32, #tpu.memory_space<hbm>>
      %dma_wait3A_580 = arith.constant 0 : i32
      %dma_wait3A_581 = arith.constant 0 : i32
      %dma_wait3A_582 = tpu.memref_slice %arg2[%dma_wait3A_580, %dma_wait3A_581] : memref<10000x128xf32, #tpu.memory_space<hbm>> -> memref<112x128xf32, #tpu.memory_space<hbm>>
      tpu.wait_dma2 semaphore(%arg20 : memref<!tpu.dma_semaphore, #tpu.memory_space<semaphore_mem>>) src(%dma_wait3A_582 : memref<112x128xf32, #tpu.memory_space<hbm>>) dst(%arg16 : memref<112x128xf32, #tpu.memory_space<vmem>>)
      %add3A_583 = arith.constant 3 : i32
      %add3A_584 = arith.addi %add3A_557, %add3A_583 : i32
      %lt3A_585 = arith.constant 90 : i32
      %lt3A_586 = arith.cmpi slt, %add3A_584, %lt3A_585 : i32
      %convert_element_type3A_587 = arith.extui %lt3A_586 : i1 to i32
      %cond3A_588 = arith.constant 0 : i32
      %cond3A_589 = arith.cmpi ne, %convert_element_type3A_587, %cond3A_588 : i32
      scf.if %cond3A_589 {
        %add3A_599 = arith.constant 3 : i32
        %add3A_600 = arith.addi %add3A_557, %add3A_599 : i32
        %mul3A_601 = arith.constant 112 : i32
        %mul3A_602 = arith.muli %add3A_600, %mul3A_601 : i32
        %add3A_603 = arith.addi %multiple_of3A_5, %mul3A_602 : i32
        %multiple_of3A_604 = tpu.assume_multiple %add3A_603, 8 : i32
        %dma_start3A_605 = tpu.memref_slice %arg3[%multiple_of3A_604] : memref<322560xi32, #tpu.memory_space<hbm>> -> memref<112xi32, #tpu.memory_space<hbm>>
        %dma_start3A_606 = tpu.memref_slice %arg3[%multiple_of3A_604] : memref<322560xi32, #tpu.memory_space<hbm>> -> memref<112xi32, #tpu.memory_space<hbm>>
        tpu.enqueue_dma source(%dma_start3A_606 : memref<112xi32, #tpu.memory_space<hbm>>) target(%arg10 : memref<112xi32, #tpu.memory_space<vmem>>) target_semaphore(%arg23 : memref<!tpu.dma_semaphore, #tpu.memory_space<semaphore_mem>>)
      } else {
      }
      %dma_wait3A_590 = arith.constant 0 : i32
      %dma_wait3A_591 = tpu.memref_slice %arg4[%dma_wait3A_590] : memref<322560xi32, #tpu.memory_space<hbm>> -> memref<112xi32, #tpu.memory_space<hbm>>
      %dma_wait3A_592 = arith.constant 0 : i32
      %dma_wait3A_593 = tpu.memref_slice %arg4[%dma_wait3A_592] : memref<322560xi32, #tpu.memory_space<hbm>> -> memref<112xi32, #tpu.memory_space<hbm>>
      tpu.wait_dma2 semaphore(%arg26 : memref<!tpu.dma_semaphore, #tpu.memory_space<semaphore_mem>>) src(%dma_wait3A_593 : memref<112xi32, #tpu.memory_space<hbm>>) dst(%arg13 : memref<112xi32, #tpu.memory_space<vmem>>)
      %dma_start3A_594 = arith.constant 0 : i32
      %dma_start3A_595 = arith.constant 0 : i32
      %dma_start3A_596 = tpu.memref_slice %arg7[%dma_start3A_594, %dma_start3A_595] : memref<10008x128xf32, #tpu.memory_space<vmem_shared>> -> memref<10008x128xf32, #tpu.memory_space<vmem_shared>>
      tpu.enqueue_indirect_dma source(%arg16 : memref<112x128xf32, #tpu.memory_space<vmem>>) target(%dma_start3A_596 : memref<10008x128xf32, #tpu.memory_space<vmem_shared>>) offsets(%arg13 : memref<112xi32, #tpu.memory_space<vmem>>) semaphore(%arg29 : memref<!tpu.dma_semaphore, #tpu.memory_space<semaphore_mem>>) {add = true}
      %dma_start3A_597 = arith.constant 0 : i32
      %dma_start3A_598 = tpu.memref_slice %arg31[%dma_start3A_597] : memref<10008xf32, #tpu.memory_space<vmem_shared>> -> memref<10008xf32, #tpu.memory_space<vmem_shared>>
      tpu.enqueue_indirect_dma source(%arg32 : memref<112xf32, #tpu.memory_space<vmem>>) target(%dma_start3A_598 : memref<10008xf32, #tpu.memory_space<vmem_shared>>) offsets(%arg13 : memref<112xi32, #tpu.memory_space<vmem>>) semaphore(%arg29 : memref<!tpu.dma_semaphore, #tpu.memory_space<semaphore_mem>>) {add = true}
    }
    %scan3A_443 = arith.constant 30 : i32
    %dma_wait3A_444 = arith.constant 0 : i32
    %dma_wait3A_445 = arith.constant 0 : i32
    %dma_wait3A_446 = tpu.memref_slice %arg7[%dma_wait3A_444, %dma_wait3A_445] : memref<10008x128xf32, #tpu.memory_space<vmem_shared>> -> memref<112x128xf32, #tpu.memory_space<vmem_shared>>
    %dma_wait3A_447 = arith.constant 0 : i32
    %dma_wait3A_448 = arith.constant 0 : i32
    %dma_wait3A_449 = tpu.memref_slice %arg7[%dma_wait3A_447, %dma_wait3A_448] : memref<10008x128xf32, #tpu.memory_space<vmem_shared>> -> memref<112x128xf32, #tpu.memory_space<vmem_shared>>
    tpu.wait_dma2 semaphore(%arg29 : memref<!tpu.dma_semaphore, #tpu.memory_space<semaphore_mem>>) src(%arg16 : memref<112x128xf32, #tpu.memory_space<vmem>>) dst(%dma_wait3A_449 : memref<112x128xf32, #tpu.memory_space<vmem_shared>>)
    %dma_wait3A_450 = arith.constant 0 : i32
    %dma_wait3A_451 = tpu.memref_slice %arg31[%dma_wait3A_450] : memref<10008xf32, #tpu.memory_space<vmem_shared>> -> memref<112xf32, #tpu.memory_space<vmem_shared>>
    %dma_wait3A_452 = arith.constant 0 : i32
    %dma_wait3A_453 = tpu.memref_slice %arg31[%dma_wait3A_452] : memref<10008xf32, #tpu.memory_space<vmem_shared>> -> memref<112xf32, #tpu.memory_space<vmem_shared>>
    tpu.wait_dma2 semaphore(%arg29 : memref<!tpu.dma_semaphore, #tpu.memory_space<semaphore_mem>>) src(%arg32 : memref<112xf32, #tpu.memory_space<vmem>>) dst(%dma_wait3A_453 : memref<112xf32, #tpu.memory_space<vmem_shared>>)
    %barrier3A_454 = arith.constant 0 : index
    tpu.barrier barrier_id(%barrier3A_454)
    "tpu.region"() ({
      %run_scoped3A = tpu.sem_alloc : memref<!tpu.dma_semaphore, #tpu.memory_space<semaphore_mem>>
      %dma_start3A_465 = arith.constant 0 : i32
      %dma_start3A_466 = tpu.memref_slice %arg5[%arg0, %multiple_of3A, %dma_start3A_465] : memref<2x10000x128xf32, #tpu.memory_space<hbm>> -> memref<1x624x128xf32, #tpu.memory_space<hbm>>
      %dma_start3A_467 = tpu.memref_squeeze %dma_start3A_466 : memref<1x624x128xf32, #tpu.memory_space<hbm>> -> memref<624x128xf32, #tpu.memory_space<hbm>>
      %dma_start3A_468 = arith.constant 0 : i32
      %dma_start3A_469 = tpu.memref_slice %arg7[%multiple_of3A, %dma_start3A_468] : memref<10008x128xf32, #tpu.memory_space<vmem_shared>> -> memref<624x128xf32, #tpu.memory_space<vmem_shared>>
      tpu.enqueue_dma source(%dma_start3A_469 : memref<624x128xf32, #tpu.memory_space<vmem_shared>>) target(%dma_start3A_467 : memref<624x128xf32, #tpu.memory_space<hbm>>) target_semaphore(%run_scoped3A : memref<!tpu.dma_semaphore, #tpu.memory_space<semaphore_mem>>)
      %dma_wait3A_470 = arith.constant 0 : i32
      %dma_wait3A_471 = tpu.memref_slice %arg5[%arg0, %multiple_of3A, %dma_wait3A_470] : memref<2x10000x128xf32, #tpu.memory_space<hbm>> -> memref<1x624x128xf32, #tpu.memory_space<hbm>>
      %dma_wait3A_472 = tpu.memref_squeeze %dma_wait3A_471 : memref<1x624x128xf32, #tpu.memory_space<hbm>> -> memref<624x128xf32, #tpu.memory_space<hbm>>
      %dma_wait3A_473 = arith.constant 0 : i32
      %dma_wait3A_474 = tpu.memref_slice %arg7[%multiple_of3A, %dma_wait3A_473] : memref<10008x128xf32, #tpu.memory_space<vmem_shared>> -> memref<624x128xf32, #tpu.memory_space<vmem_shared>>
      tpu.wait_dma2 semaphore(%run_scoped3A : memref<!tpu.dma_semaphore, #tpu.memory_space<semaphore_mem>>) src(%dma_wait3A_474 : memref<624x128xf32, #tpu.memory_space<vmem_shared>>) dst(%dma_wait3A_472 : memref<624x128xf32, #tpu.memory_space<hbm>>)
      tpu.yield
    }) : () -> ()
    %eq3A_455 = arith.constant 15 : i32
    %eq3A_456 = arith.cmpi eq, %arg1, %eq3A_455 : i32
    %convert_element_type3A_457 = arith.extui %eq3A_456 : i1 to i32
    %cond3A_458 = arith.constant 0 : i32
    %cond3A_459 = arith.cmpi ne, %convert_element_type3A_457, %cond3A_458 : i32
    scf.if %cond3A_459 {
      "tpu.region"() ({
        %run_scoped3A = tpu.sem_alloc : memref<!tpu.dma_semaphore, #tpu.memory_space<semaphore_mem>>
        %dma_start3A_465 = arith.constant 9984 : i32
        %dma_start3A_466 = arith.constant 0 : i32
        %dma_start3A_467 = tpu.memref_slice %arg5[%arg0, %dma_start3A_465, %dma_start3A_466] : memref<2x10000x128xf32, #tpu.memory_space<hbm>> -> memref<1x16x128xf32, #tpu.memory_space<hbm>>
        %dma_start3A_468 = tpu.memref_squeeze %dma_start3A_467 : memref<1x16x128xf32, #tpu.memory_space<hbm>> -> memref<16x128xf32, #tpu.memory_space<hbm>>
        %dma_start3A_469 = arith.constant 9984 : i32
        %dma_start3A_470 = arith.constant 0 : i32
        %dma_start3A_471 = tpu.memref_slice %arg7[%dma_start3A_469, %dma_start3A_470] : memref<10008x128xf32, #tpu.memory_space<vmem_shared>> -> memref<16x128xf32, #tpu.memory_space<vmem_shared>>
        tpu.enqueue_dma source(%dma_start3A_471 : memref<16x128xf32, #tpu.memory_space<vmem_shared>>) target(%dma_start3A_468 : memref<16x128xf32, #tpu.memory_space<hbm>>) target_semaphore(%run_scoped3A : memref<!tpu.dma_semaphore, #tpu.memory_space<semaphore_mem>>)
        %dma_wait3A_472 = arith.constant 9984 : i32
        %dma_wait3A_473 = arith.constant 0 : i32
        %dma_wait3A_474 = tpu.memref_slice %arg5[%arg0, %dma_wait3A_472, %dma_wait3A_473] : memref<2x10000x128xf32, #tpu.memory_space<hbm>> -> memref<1x16x128xf32, #tpu.memory_space<hbm>>
        %dma_wait3A_475 = tpu.memref_squeeze %dma_wait3A_474 : memref<1x16x128xf32, #tpu.memory_space<hbm>> -> memref<16x128xf32, #tpu.memory_space<hbm>>
        %dma_wait3A_476 = arith.constant 9984 : i32
        %dma_wait3A_477 = arith.constant 0 : i32
        %dma_wait3A_478 = tpu.memref_slice %arg7[%dma_wait3A_476, %dma_wait3A_477] : memref<10008x128xf32, #tpu.memory_space<vmem_shared>> -> memref<16x128xf32, #tpu.memory_space<vmem_shared>>
        tpu.wait_dma2 semaphore(%run_scoped3A : memref<!tpu.dma_semaphore, #tpu.memory_space<semaphore_mem>>) src(%dma_wait3A_478 : memref<16x128xf32, #tpu.memory_space<vmem_shared>>) dst(%dma_wait3A_475 : memref<16x128xf32, #tpu.memory_space<hbm>>)
        tpu.yield
      }) : () -> ()
    } else {
    }
    %eq3A_460 = arith.constant 0 : i32
    %eq3A_461 = arith.cmpi eq, %arg1, %eq3A_460 : i32
    %convert_element_type3A_462 = arith.extui %eq3A_461 : i1 to i32
    %cond3A_463 = arith.constant 0 : i32
    %cond3A_464 = arith.cmpi ne, %convert_element_type3A_462, %cond3A_463 : i32
    scf.if %cond3A_464 {
      "tpu.region"() ({
        %run_scoped3A = tpu.sem_alloc : memref<!tpu.dma_semaphore, #tpu.memory_space<semaphore_mem>>
        %dma_start3A_465 = arith.constant 0 : i32
        %dma_start3A_466 = tpu.memref_slice %arg6[%arg0, %dma_start3A_465] : memref<2x10008xf32, #tpu.memory_space<hbm>> -> memref<1x10008xf32, #tpu.memory_space<hbm>>
        %dma_start3A_467 = tpu.memref_squeeze %dma_start3A_466 : memref<1x10008xf32, #tpu.memory_space<hbm>> -> memref<10008xf32, #tpu.memory_space<hbm>>
        tpu.enqueue_dma source(%arg31 : memref<10008xf32, #tpu.memory_space<vmem_shared>>) target(%dma_start3A_467 : memref<10008xf32, #tpu.memory_space<hbm>>) target_semaphore(%run_scoped3A : memref<!tpu.dma_semaphore, #tpu.memory_space<semaphore_mem>>)
        %dma_wait3A_468 = arith.constant 0 : i32
        %dma_wait3A_469 = tpu.memref_slice %arg6[%arg0, %dma_wait3A_468] : memref<2x10008xf32, #tpu.memory_space<hbm>> -> memref<1x10008xf32, #tpu.memory_space<hbm>>
        %dma_wait3A_470 = tpu.memref_squeeze %dma_wait3A_469 : memref<1x10008xf32, #tpu.memory_space<hbm>> -> memref<10008xf32, #tpu.memory_space<hbm>>
        tpu.wait_dma2 semaphore(%run_scoped3A : memref<!tpu.dma_semaphore, #tpu.memory_space<semaphore_mem>>) src(%arg31 : memref<10008xf32, #tpu.memory_space<vmem_shared>>) dst(%dma_wait3A_470 : memref<10008xf32, #tpu.memory_space<hbm>>)
        tpu.yield
      }) : () -> ()
    } else {
    }
    return
  }
}

#map = affine_map<(d0, d1) -> (0, 0)>
#map1 = affine_map<(d0, d1) -> (0)>
#map2 = affine_map<(d0, d1) -> (0, 0, 0)>
module attributes {stable_mosaic.version = 14 : i64} {
  func.func @body(%arg0: i32, %arg1: i32, %arg2: memref<10000x128xf32, #tpu.memory_space<hbm>>, %arg3: memref<322560xi32, #tpu.memory_space<hbm>>, %arg4: memref<322560xi32, #tpu.memory_space<hbm>>, %arg5: memref<2x10000x128xf32, #tpu.memory_space<hbm>>, %arg6: memref<10008x128xf32, #tpu.memory_space<vmem_shared>>, %arg7: memref<112xi32, #tpu.memory_space<vmem>>, %arg8: memref<112xi32, #tpu.memory_space<vmem>>, %arg9: memref<112xi32, #tpu.memory_space<vmem>>, %arg10: memref<112xi32, #tpu.memory_space<vmem>>, %arg11: memref<112xi32, #tpu.memory_space<vmem>>, %arg12: memref<112xi32, #tpu.memory_space<vmem>>, %arg13: memref<112x128xf32, #tpu.memory_space<vmem>>, %arg14: memref<112x128xf32, #tpu.memory_space<vmem>>, %arg15: memref<112x128xf32, #tpu.memory_space<vmem>>, %arg16: memref<24x128xf32, #tpu.memory_space<vmem>>, %arg17: memref<!tpu.dma_semaphore, #tpu.memory_space<semaphore_mem>>, %arg18: memref<!tpu.dma_semaphore, #tpu.memory_space<semaphore_mem>>, %arg19: memref<!tpu.dma_semaphore, #tpu.memory_space<semaphore_mem>>, %arg20: memref<!tpu.dma_semaphore, #tpu.memory_space<semaphore_mem>>, %arg21: memref<!tpu.dma_semaphore, #tpu.memory_space<semaphore_mem>>, %arg22: memref<!tpu.dma_semaphore, #tpu.memory_space<semaphore_mem>>, %arg23: memref<!tpu.dma_semaphore, #tpu.memory_space<semaphore_mem>>, %arg24: memref<!tpu.dma_semaphore, #tpu.memory_space<semaphore_mem>>, %arg25: memref<!tpu.dma_semaphore, #tpu.memory_space<semaphore_mem>>, %arg26: memref<!tpu.dma_semaphore, #tpu.memory_space<semaphore_mem>>, %arg27: memref<!tpu.dma_semaphore, #tpu.memory_space<semaphore_mem>>, %arg28: memref<!tpu.dma_semaphore, #tpu.memory_space<semaphore_mem>>, %arg29: memref<!tpu.dma_semaphore, #tpu.memory_space<semaphore_mem>>) attributes {dimension_semantics = [#tpu.dimension_semantics<core_parallel>, #tpu.dimension_semantics<subcore_parallel>], iteration_bounds = array<i64: 2, 16>, scalar_prefetch = 0 : i64, scratch_operands = 24 : i64, tpu.core_type = #tpu.core_type<sc_vector_subcore>, window_params = [{transform_indices = #map}, {transform_indices = #map1}, {transform_indices = #map1}, {transform_indices = #map2}]} {
    %mul3A = arith.constant 2 : i32
    %mul3A_0 = arith.muli %arg1, %mul3A : i32
    %add3A = arith.addi %mul3A_0, %arg0 : i32
    %mul3A_1 = arith.constant 624 : i32
    %mul3A_2 = arith.muli %arg1, %mul3A_1 : i32
    %multiple_of3A = tpu.assume_multiple %mul3A_2, 8 : i32
    %mul3A_3 = arith.constant 10080 : i32
    %mul3A_4 = arith.muli %add3A, %mul3A_3 : i32
    %multiple_of3A_5 = tpu.assume_multiple %mul3A_4, 8 : i32
    %scan3A = arith.constant 0 : i32
    %scan3A_6 = arith.constant 0 : i32
    %scan3A_7 = arith.constant 192 : i32
    %scan3A_8 = arith.addi %scan3A_6, %scan3A_7 : i32
    %scan3A_9 = arith.constant 1 : i32
    scf.for %scan3A_406 = %scan3A_6 to %scan3A_8 step %scan3A_9  : i32 {
      %broadcast_in_dim3A = arith.constant 0.000000e+00 : f32
      %broadcast_in_dim3A_407 = vector.broadcast %broadcast_in_dim3A : f32 to vector<16xf32>
      %jit3A = arith.constant 8 : i32
      %div3A = arith.divsi %scan3A_406, %jit3A : i32
      %sign3A = arith.constant 0 : i32
      %sign3A_408 = arith.cmpi sgt, %scan3A_406, %sign3A : i32
      %sign3A_409 = arith.extui %sign3A_408 : i1 to i32
      %sign3A_410 = arith.constant 0 : i32
      %sign3A_411 = arith.cmpi slt, %scan3A_406, %sign3A_410 : i32
      %sign3A_412 = arith.extui %sign3A_411 : i1 to i32
      %sign3A_413 = arith.subi %sign3A_409, %sign3A_412 : i32
      %sign3A_414 = arith.constant 0 : i32
      %sign3A_415 = arith.cmpi sgt, %jit3A, %sign3A_414 : i32
      %sign3A_416 = arith.extui %sign3A_415 : i1 to i32
      %sign3A_417 = arith.constant 0 : i32
      %sign3A_418 = arith.cmpi slt, %jit3A, %sign3A_417 : i32
      %sign3A_419 = arith.extui %sign3A_418 : i1 to i32
      %sign3A_420 = arith.subi %sign3A_416, %sign3A_419 : i32
      %ne3A = arith.cmpi ne, %sign3A_413, %sign3A_420 : i32
      %rem3A = arith.remsi %scan3A_406, %jit3A : i32
      %ne3A_421 = arith.constant 0 : i32
      %ne3A_422 = arith.cmpi ne, %rem3A, %ne3A_421 : i32
      %and3A = arith.andi %ne3A, %ne3A_422 : i1
      %sub3A = arith.constant 1 : i32
      %sub3A_423 = arith.subi %div3A, %sub3A : i32
      %select_n3A = arith.select %and3A, %sub3A_423, %div3A : i32
      %jit3A_424 = arith.constant 8 : i32
      %eq3A_425 = arith.constant 0 : i32
      %eq3A_426 = arith.cmpi eq, %jit3A_424, %eq3A_425 : i32
      %jit3A_427 = arith.constant 1 : i32
      %select_n3A_428 = arith.select %eq3A_426, %jit3A_427, %jit3A_424 : i32
      %rem3A_429 = arith.remsi %scan3A_406, %select_n3A_428 : i32
      %ne3A_430 = arith.constant 0 : i32
      %ne3A_431 = arith.cmpi ne, %rem3A_429, %ne3A_430 : i32
      %lt3A = arith.constant 0 : i32
      %lt3A_432 = arith.cmpi slt, %rem3A_429, %lt3A : i32
      %lt3A_433 = arith.constant 0 : i32
      %lt3A_434 = arith.cmpi slt, %select_n3A_428, %lt3A_433 : i32
      %ne3A_435 = arith.xori %lt3A_432, %lt3A_434 : i1
      %and3A_436 = arith.andi %ne3A_435, %ne3A_431 : i1
      %add3A_437 = arith.addi %rem3A_429, %select_n3A_428 : i32
      %select_n3A_438 = arith.select %and3A_436, %add3A_437, %rem3A_429 : i32
      %mul3A_439 = arith.constant 16 : i32
      %mul3A_440 = arith.muli %select_n3A_438, %mul3A_439 : i32
      %swap3A = arith.index_cast %select_n3A : i32 to index
      %swap3A_441 = arith.index_cast %mul3A_440 : i32 to index
      %swap3A_442 = tpu.vector_load %arg16[%swap3A, %swap3A_441] {strides = array<i32>} : memref<24x128xf32, #tpu.memory_space<vmem>>, vector<1x16xf32>,
      %swap3A_443 = vector.shape_cast %swap3A_442 : vector<1x16xf32> to vector<16xf32>
      %swap3A_444 = vector.shape_cast %broadcast_in_dim3A_407 : vector<16xf32> to vector<1x16xf32>
      tpu.vector_store %arg16[%swap3A, %swap3A_441], %swap3A_444 {strides = array<i32>} : memref<24x128xf32, #tpu.memory_space<vmem>>, vector<1x16xf32>,
    }
    %scan3A_10 = arith.constant 192 : i32
    %add3A_11 = arith.constant 0 : i32
    %add3A_12 = arith.addi %multiple_of3A, %add3A_11 : i32
    %multiple_of3A_13 = tpu.assume_multiple %add3A_12, 8 : i32
    %dma_start3A = arith.constant 0 : i32
    %dma_start3A_14 = tpu.memref_slice %arg6[%multiple_of3A_13, %dma_start3A] : memref<10008x128xf32, #tpu.memory_space<vmem_shared>> -> memref<24x128xf32, #tpu.memory_space<vmem_shared>>
    %dma_start3A_15 = arith.constant 0 : i32
    %dma_start3A_16 = tpu.memref_slice %arg6[%multiple_of3A_13, %dma_start3A_15] : memref<10008x128xf32, #tpu.memory_space<vmem_shared>> -> memref<24x128xf32, #tpu.memory_space<vmem_shared>>
    tpu.enqueue_dma source(%arg16 : memref<24x128xf32, #tpu.memory_space<vmem>>) target(%dma_start3A_16 : memref<24x128xf32, #tpu.memory_space<vmem_shared>>) target_semaphore(%arg29 : memref<!tpu.dma_semaphore, #tpu.memory_space<semaphore_mem>>)
    %add3A_17 = arith.constant 24 : i32
    %add3A_18 = arith.addi %multiple_of3A, %add3A_17 : i32
    %multiple_of3A_19 = tpu.assume_multiple %add3A_18, 8 : i32
    %dma_start3A_20 = arith.constant 0 : i32
    %dma_start3A_21 = tpu.memref_slice %arg6[%multiple_of3A_19, %dma_start3A_20] : memref<10008x128xf32, #tpu.memory_space<vmem_shared>> -> memref<24x128xf32, #tpu.memory_space<vmem_shared>>
    %dma_start3A_22 = arith.constant 0 : i32
    %dma_start3A_23 = tpu.memref_slice %arg6[%multiple_of3A_19, %dma_start3A_22] : memref<10008x128xf32, #tpu.memory_space<vmem_shared>> -> memref<24x128xf32, #tpu.memory_space<vmem_shared>>
    tpu.enqueue_dma source(%arg16 : memref<24x128xf32, #tpu.memory_space<vmem>>) target(%dma_start3A_23 : memref<24x128xf32, #tpu.memory_space<vmem_shared>>) target_semaphore(%arg29 : memref<!tpu.dma_semaphore, #tpu.memory_space<semaphore_mem>>)
    %add3A_24 = arith.constant 48 : i32
    %add3A_25 = arith.addi %multiple_of3A, %add3A_24 : i32
    %multiple_of3A_26 = tpu.assume_multiple %add3A_25, 8 : i32
    %dma_start3A_27 = arith.constant 0 : i32
    %dma_start3A_28 = tpu.memref_slice %arg6[%multiple_of3A_26, %dma_start3A_27] : memref<10008x128xf32, #tpu.memory_space<vmem_shared>> -> memref<24x128xf32, #tpu.memory_space<vmem_shared>>
    %dma_start3A_29 = arith.constant 0 : i32
    %dma_start3A_30 = tpu.memref_slice %arg6[%multiple_of3A_26, %dma_start3A_29] : memref<10008x128xf32, #tpu.memory_space<vmem_shared>> -> memref<24x128xf32, #tpu.memory_space<vmem_shared>>
    tpu.enqueue_dma source(%arg16 : memref<24x128xf32, #tpu.memory_space<vmem>>) target(%dma_start3A_30 : memref<24x128xf32, #tpu.memory_space<vmem_shared>>) target_semaphore(%arg29 : memref<!tpu.dma_semaphore, #tpu.memory_space<semaphore_mem>>)
    %add3A_31 = arith.constant 72 : i32
    %add3A_32 = arith.addi %multiple_of3A, %add3A_31 : i32
    %multiple_of3A_33 = tpu.assume_multiple %add3A_32, 8 : i32
    %dma_start3A_34 = arith.constant 0 : i32
    %dma_start3A_35 = tpu.memref_slice %arg6[%multiple_of3A_33, %dma_start3A_34] : memref<10008x128xf32, #tpu.memory_space<vmem_shared>> -> memref<24x128xf32, #tpu.memory_space<vmem_shared>>
    %dma_start3A_36 = arith.constant 0 : i32
    %dma_start3A_37 = tpu.memref_slice %arg6[%multiple_of3A_33, %dma_start3A_36] : memref<10008x128xf32, #tpu.memory_space<vmem_shared>> -> memref<24x128xf32, #tpu.memory_space<vmem_shared>>
    tpu.enqueue_dma source(%arg16 : memref<24x128xf32, #tpu.memory_space<vmem>>) target(%dma_start3A_37 : memref<24x128xf32, #tpu.memory_space<vmem_shared>>) target_semaphore(%arg29 : memref<!tpu.dma_semaphore, #tpu.memory_space<semaphore_mem>>)
    %add3A_38 = arith.constant 96 : i32
    %add3A_39 = arith.addi %multiple_of3A, %add3A_38 : i32
    %multiple_of3A_40 = tpu.assume_multiple %add3A_39, 8 : i32
    %dma_start3A_41 = arith.constant 0 : i32
    %dma_start3A_42 = tpu.memref_slice %arg6[%multiple_of3A_40, %dma_start3A_41] : memref<10008x128xf32, #tpu.memory_space<vmem_shared>> -> memref<24x128xf32, #tpu.memory_space<vmem_shared>>
    %dma_start3A_43 = arith.constant 0 : i32
    %dma_start3A_44 = tpu.memref_slice %arg6[%multiple_of3A_40, %dma_start3A_43] : memref<10008x128xf32, #tpu.memory_space<vmem_shared>> -> memref<24x128xf32, #tpu.memory_space<vmem_shared>>
    tpu.enqueue_dma source(%arg16 : memref<24x128xf32, #tpu.memory_space<vmem>>) target(%dma_start3A_44 : memref<24x128xf32, #tpu.memory_space<vmem_shared>>) target_semaphore(%arg29 : memref<!tpu.dma_semaphore, #tpu.memory_space<semaphore_mem>>)
    %add3A_45 = arith.constant 120 : i32
    %add3A_46 = arith.addi %multiple_of3A, %add3A_45 : i32
    %multiple_of3A_47 = tpu.assume_multiple %add3A_46, 8 : i32
    %dma_start3A_48 = arith.constant 0 : i32
    %dma_start3A_49 = tpu.memref_slice %arg6[%multiple_of3A_47, %dma_start3A_48] : memref<10008x128xf32, #tpu.memory_space<vmem_shared>> -> memref<24x128xf32, #tpu.memory_space<vmem_shared>>
    %dma_start3A_50 = arith.constant 0 : i32
    %dma_start3A_51 = tpu.memref_slice %arg6[%multiple_of3A_47, %dma_start3A_50] : memref<10008x128xf32, #tpu.memory_space<vmem_shared>> -> memref<24x128xf32, #tpu.memory_space<vmem_shared>>
    tpu.enqueue_dma source(%arg16 : memref<24x128xf32, #tpu.memory_space<vmem>>) target(%dma_start3A_51 : memref<24x128xf32, #tpu.memory_space<vmem_shared>>) target_semaphore(%arg29 : memref<!tpu.dma_semaphore, #tpu.memory_space<semaphore_mem>>)
    %add3A_52 = arith.constant 144 : i32
    %add3A_53 = arith.addi %multiple_of3A, %add3A_52 : i32
    %multiple_of3A_54 = tpu.assume_multiple %add3A_53, 8 : i32
    %dma_start3A_55 = arith.constant 0 : i32
    %dma_start3A_56 = tpu.memref_slice %arg6[%multiple_of3A_54, %dma_start3A_55] : memref<10008x128xf32, #tpu.memory_space<vmem_shared>> -> memref<24x128xf32, #tpu.memory_space<vmem_shared>>
    %dma_start3A_57 = arith.constant 0 : i32
    %dma_start3A_58 = tpu.memref_slice %arg6[%multiple_of3A_54, %dma_start3A_57] : memref<10008x128xf32, #tpu.memory_space<vmem_shared>> -> memref<24x128xf32, #tpu.memory_space<vmem_shared>>
    tpu.enqueue_dma source(%arg16 : memref<24x128xf32, #tpu.memory_space<vmem>>) target(%dma_start3A_58 : memref<24x128xf32, #tpu.memory_space<vmem_shared>>) target_semaphore(%arg29 : memref<!tpu.dma_semaphore, #tpu.memory_space<semaphore_mem>>)
    %add3A_59 = arith.constant 168 : i32
    %add3A_60 = arith.addi %multiple_of3A, %add3A_59 : i32
    %multiple_of3A_61 = tpu.assume_multiple %add3A_60, 8 : i32
    %dma_start3A_62 = arith.constant 0 : i32
    %dma_start3A_63 = tpu.memref_slice %arg6[%multiple_of3A_61, %dma_start3A_62] : memref<10008x128xf32, #tpu.memory_space<vmem_shared>> -> memref<24x128xf32, #tpu.memory_space<vmem_shared>>
    %dma_start3A_64 = arith.constant 0 : i32
    %dma_start3A_65 = tpu.memref_slice %arg6[%multiple_of3A_61, %dma_start3A_64] : memref<10008x128xf32, #tpu.memory_space<vmem_shared>> -> memref<24x128xf32, #tpu.memory_space<vmem_shared>>
    tpu.enqueue_dma source(%arg16 : memref<24x128xf32, #tpu.memory_space<vmem>>) target(%dma_start3A_65 : memref<24x128xf32, #tpu.memory_space<vmem_shared>>) target_semaphore(%arg29 : memref<!tpu.dma_semaphore, #tpu.memory_space<semaphore_mem>>)
    %add3A_66 = arith.constant 192 : i32
    %add3A_67 = arith.addi %multiple_of3A, %add3A_66 : i32
    %multiple_of3A_68 = tpu.assume_multiple %add3A_67, 8 : i32
    %dma_start3A_69 = arith.constant 0 : i32
    %dma_start3A_70 = tpu.memref_slice %arg6[%multiple_of3A_68, %dma_start3A_69] : memref<10008x128xf32, #tpu.memory_space<vmem_shared>> -> memref<24x128xf32, #tpu.memory_space<vmem_shared>>
    %dma_start3A_71 = arith.constant 0 : i32
    %dma_start3A_72 = tpu.memref_slice %arg6[%multiple_of3A_68, %dma_start3A_71] : memref<10008x128xf32, #tpu.memory_space<vmem_shared>> -> memref<24x128xf32, #tpu.memory_space<vmem_shared>>
    tpu.enqueue_dma source(%arg16 : memref<24x128xf32, #tpu.memory_space<vmem>>) target(%dma_start3A_72 : memref<24x128xf32, #tpu.memory_space<vmem_shared>>) target_semaphore(%arg29 : memref<!tpu.dma_semaphore, #tpu.memory_space<semaphore_mem>>)
    %add3A_73 = arith.constant 216 : i32
    %add3A_74 = arith.addi %multiple_of3A, %add3A_73 : i32
    %multiple_of3A_75 = tpu.assume_multiple %add3A_74, 8 : i32
    %dma_start3A_76 = arith.constant 0 : i32
    %dma_start3A_77 = tpu.memref_slice %arg6[%multiple_of3A_75, %dma_start3A_76] : memref<10008x128xf32, #tpu.memory_space<vmem_shared>> -> memref<24x128xf32, #tpu.memory_space<vmem_shared>>
    %dma_start3A_78 = arith.constant 0 : i32
    %dma_start3A_79 = tpu.memref_slice %arg6[%multiple_of3A_75, %dma_start3A_78] : memref<10008x128xf32, #tpu.memory_space<vmem_shared>> -> memref<24x128xf32, #tpu.memory_space<vmem_shared>>
    tpu.enqueue_dma source(%arg16 : memref<24x128xf32, #tpu.memory_space<vmem>>) target(%dma_start3A_79 : memref<24x128xf32, #tpu.memory_space<vmem_shared>>) target_semaphore(%arg29 : memref<!tpu.dma_semaphore, #tpu.memory_space<semaphore_mem>>)
    %add3A_80 = arith.constant 240 : i32
    %add3A_81 = arith.addi %multiple_of3A, %add3A_80 : i32
    %multiple_of3A_82 = tpu.assume_multiple %add3A_81, 8 : i32
    %dma_start3A_83 = arith.constant 0 : i32
    %dma_start3A_84 = tpu.memref_slice %arg6[%multiple_of3A_82, %dma_start3A_83] : memref<10008x128xf32, #tpu.memory_space<vmem_shared>> -> memref<24x128xf32, #tpu.memory_space<vmem_shared>>
    %dma_start3A_85 = arith.constant 0 : i32
    %dma_start3A_86 = tpu.memref_slice %arg6[%multiple_of3A_82, %dma_start3A_85] : memref<10008x128xf32, #tpu.memory_space<vmem_shared>> -> memref<24x128xf32, #tpu.memory_space<vmem_shared>>
    tpu.enqueue_dma source(%arg16 : memref<24x128xf32, #tpu.memory_space<vmem>>) target(%dma_start3A_86 : memref<24x128xf32, #tpu.memory_space<vmem_shared>>) target_semaphore(%arg29 : memref<!tpu.dma_semaphore, #tpu.memory_space<semaphore_mem>>)
    %add3A_87 = arith.constant 264 : i32
    %add3A_88 = arith.addi %multiple_of3A, %add3A_87 : i32
    %multiple_of3A_89 = tpu.assume_multiple %add3A_88, 8 : i32
    %dma_start3A_90 = arith.constant 0 : i32
    %dma_start3A_91 = tpu.memref_slice %arg6[%multiple_of3A_89, %dma_start3A_90] : memref<10008x128xf32, #tpu.memory_space<vmem_shared>> -> memref<24x128xf32, #tpu.memory_space<vmem_shared>>
    %dma_start3A_92 = arith.constant 0 : i32
    %dma_start3A_93 = tpu.memref_slice %arg6[%multiple_of3A_89, %dma_start3A_92] : memref<10008x128xf32, #tpu.memory_space<vmem_shared>> -> memref<24x128xf32, #tpu.memory_space<vmem_shared>>
    tpu.enqueue_dma source(%arg16 : memref<24x128xf32, #tpu.memory_space<vmem>>) target(%dma_start3A_93 : memref<24x128xf32, #tpu.memory_space<vmem_shared>>) target_semaphore(%arg29 : memref<!tpu.dma_semaphore, #tpu.memory_space<semaphore_mem>>)
    %add3A_94 = arith.constant 288 : i32
    %add3A_95 = arith.addi %multiple_of3A, %add3A_94 : i32
    %multiple_of3A_96 = tpu.assume_multiple %add3A_95, 8 : i32
    %dma_start3A_97 = arith.constant 0 : i32
    %dma_start3A_98 = tpu.memref_slice %arg6[%multiple_of3A_96, %dma_start3A_97] : memref<10008x128xf32, #tpu.memory_space<vmem_shared>> -> memref<24x128xf32, #tpu.memory_space<vmem_shared>>
    %dma_start3A_99 = arith.constant 0 : i32
    %dma_start3A_100 = tpu.memref_slice %arg6[%multiple_of3A_96, %dma_start3A_99] : memref<10008x128xf32, #tpu.memory_space<vmem_shared>> -> memref<24x128xf32, #tpu.memory_space<vmem_shared>>
    tpu.enqueue_dma source(%arg16 : memref<24x128xf32, #tpu.memory_space<vmem>>) target(%dma_start3A_100 : memref<24x128xf32, #tpu.memory_space<vmem_shared>>) target_semaphore(%arg29 : memref<!tpu.dma_semaphore, #tpu.memory_space<semaphore_mem>>)
    %add3A_101 = arith.constant 312 : i32
    %add3A_102 = arith.addi %multiple_of3A, %add3A_101 : i32
    %multiple_of3A_103 = tpu.assume_multiple %add3A_102, 8 : i32
    %dma_start3A_104 = arith.constant 0 : i32
    %dma_start3A_105 = tpu.memref_slice %arg6[%multiple_of3A_103, %dma_start3A_104] : memref<10008x128xf32, #tpu.memory_space<vmem_shared>> -> memref<24x128xf32, #tpu.memory_space<vmem_shared>>
    %dma_start3A_106 = arith.constant 0 : i32
    %dma_start3A_107 = tpu.memref_slice %arg6[%multiple_of3A_103, %dma_start3A_106] : memref<10008x128xf32, #tpu.memory_space<vmem_shared>> -> memref<24x128xf32, #tpu.memory_space<vmem_shared>>
    tpu.enqueue_dma source(%arg16 : memref<24x128xf32, #tpu.memory_space<vmem>>) target(%dma_start3A_107 : memref<24x128xf32, #tpu.memory_space<vmem_shared>>) target_semaphore(%arg29 : memref<!tpu.dma_semaphore, #tpu.memory_space<semaphore_mem>>)
    %add3A_108 = arith.constant 336 : i32
    %add3A_109 = arith.addi %multiple_of3A, %add3A_108 : i32
    %multiple_of3A_110 = tpu.assume_multiple %add3A_109, 8 : i32
    %dma_start3A_111 = arith.constant 0 : i32
    %dma_start3A_112 = tpu.memref_slice %arg6[%multiple_of3A_110, %dma_start3A_111] : memref<10008x128xf32, #tpu.memory_space<vmem_shared>> -> memref<24x128xf32, #tpu.memory_space<vmem_shared>>
    %dma_start3A_113 = arith.constant 0 : i32
    %dma_start3A_114 = tpu.memref_slice %arg6[%multiple_of3A_110, %dma_start3A_113] : memref<10008x128xf32, #tpu.memory_space<vmem_shared>> -> memref<24x128xf32, #tpu.memory_space<vmem_shared>>
    tpu.enqueue_dma source(%arg16 : memref<24x128xf32, #tpu.memory_space<vmem>>) target(%dma_start3A_114 : memref<24x128xf32, #tpu.memory_space<vmem_shared>>) target_semaphore(%arg29 : memref<!tpu.dma_semaphore, #tpu.memory_space<semaphore_mem>>)
    %add3A_115 = arith.constant 360 : i32
    %add3A_116 = arith.addi %multiple_of3A, %add3A_115 : i32
    %multiple_of3A_117 = tpu.assume_multiple %add3A_116, 8 : i32
    %dma_start3A_118 = arith.constant 0 : i32
    %dma_start3A_119 = tpu.memref_slice %arg6[%multiple_of3A_117, %dma_start3A_118] : memref<10008x128xf32, #tpu.memory_space<vmem_shared>> -> memref<24x128xf32, #tpu.memory_space<vmem_shared>>
    %dma_start3A_120 = arith.constant 0 : i32
    %dma_start3A_121 = tpu.memref_slice %arg6[%multiple_of3A_117, %dma_start3A_120] : memref<10008x128xf32, #tpu.memory_space<vmem_shared>> -> memref<24x128xf32, #tpu.memory_space<vmem_shared>>
    tpu.enqueue_dma source(%arg16 : memref<24x128xf32, #tpu.memory_space<vmem>>) target(%dma_start3A_121 : memref<24x128xf32, #tpu.memory_space<vmem_shared>>) target_semaphore(%arg29 : memref<!tpu.dma_semaphore, #tpu.memory_space<semaphore_mem>>)
    %add3A_122 = arith.constant 384 : i32
    %add3A_123 = arith.addi %multiple_of3A, %add3A_122 : i32
    %multiple_of3A_124 = tpu.assume_multiple %add3A_123, 8 : i32
    %dma_start3A_125 = arith.constant 0 : i32
    %dma_start3A_126 = tpu.memref_slice %arg6[%multiple_of3A_124, %dma_start3A_125] : memref<10008x128xf32, #tpu.memory_space<vmem_shared>> -> memref<24x128xf32, #tpu.memory_space<vmem_shared>>
    %dma_start3A_127 = arith.constant 0 : i32
    %dma_start3A_128 = tpu.memref_slice %arg6[%multiple_of3A_124, %dma_start3A_127] : memref<10008x128xf32, #tpu.memory_space<vmem_shared>> -> memref<24x128xf32, #tpu.memory_space<vmem_shared>>
    tpu.enqueue_dma source(%arg16 : memref<24x128xf32, #tpu.memory_space<vmem>>) target(%dma_start3A_128 : memref<24x128xf32, #tpu.memory_space<vmem_shared>>) target_semaphore(%arg29 : memref<!tpu.dma_semaphore, #tpu.memory_space<semaphore_mem>>)
    %add3A_129 = arith.constant 408 : i32
    %add3A_130 = arith.addi %multiple_of3A, %add3A_129 : i32
    %multiple_of3A_131 = tpu.assume_multiple %add3A_130, 8 : i32
    %dma_start3A_132 = arith.constant 0 : i32
    %dma_start3A_133 = tpu.memref_slice %arg6[%multiple_of3A_131, %dma_start3A_132] : memref<10008x128xf32, #tpu.memory_space<vmem_shared>> -> memref<24x128xf32, #tpu.memory_space<vmem_shared>>
    %dma_start3A_134 = arith.constant 0 : i32
    %dma_start3A_135 = tpu.memref_slice %arg6[%multiple_of3A_131, %dma_start3A_134] : memref<10008x128xf32, #tpu.memory_space<vmem_shared>> -> memref<24x128xf32, #tpu.memory_space<vmem_shared>>
    tpu.enqueue_dma source(%arg16 : memref<24x128xf32, #tpu.memory_space<vmem>>) target(%dma_start3A_135 : memref<24x128xf32, #tpu.memory_space<vmem_shared>>) target_semaphore(%arg29 : memref<!tpu.dma_semaphore, #tpu.memory_space<semaphore_mem>>)
    %add3A_136 = arith.constant 432 : i32
    %add3A_137 = arith.addi %multiple_of3A, %add3A_136 : i32
    %multiple_of3A_138 = tpu.assume_multiple %add3A_137, 8 : i32
    %dma_start3A_139 = arith.constant 0 : i32
    %dma_start3A_140 = tpu.memref_slice %arg6[%multiple_of3A_138, %dma_start3A_139] : memref<10008x128xf32, #tpu.memory_space<vmem_shared>> -> memref<24x128xf32, #tpu.memory_space<vmem_shared>>
    %dma_start3A_141 = arith.constant 0 : i32
    %dma_start3A_142 = tpu.memref_slice %arg6[%multiple_of3A_138, %dma_start3A_141] : memref<10008x128xf32, #tpu.memory_space<vmem_shared>> -> memref<24x128xf32, #tpu.memory_space<vmem_shared>>
    tpu.enqueue_dma source(%arg16 : memref<24x128xf32, #tpu.memory_space<vmem>>) target(%dma_start3A_142 : memref<24x128xf32, #tpu.memory_space<vmem_shared>>) target_semaphore(%arg29 : memref<!tpu.dma_semaphore, #tpu.memory_space<semaphore_mem>>)
    %add3A_143 = arith.constant 456 : i32
    %add3A_144 = arith.addi %multiple_of3A, %add3A_143 : i32
    %multiple_of3A_145 = tpu.assume_multiple %add3A_144, 8 : i32
    %dma_start3A_146 = arith.constant 0 : i32
    %dma_start3A_147 = tpu.memref_slice %arg6[%multiple_of3A_145, %dma_start3A_146] : memref<10008x128xf32, #tpu.memory_space<vmem_shared>> -> memref<24x128xf32, #tpu.memory_space<vmem_shared>>
    %dma_start3A_148 = arith.constant 0 : i32
    %dma_start3A_149 = tpu.memref_slice %arg6[%multiple_of3A_145, %dma_start3A_148] : memref<10008x128xf32, #tpu.memory_space<vmem_shared>> -> memref<24x128xf32, #tpu.memory_space<vmem_shared>>
    tpu.enqueue_dma source(%arg16 : memref<24x128xf32, #tpu.memory_space<vmem>>) target(%dma_start3A_149 : memref<24x128xf32, #tpu.memory_space<vmem_shared>>) target_semaphore(%arg29 : memref<!tpu.dma_semaphore, #tpu.memory_space<semaphore_mem>>)
    %add3A_150 = arith.constant 480 : i32
    %add3A_151 = arith.addi %multiple_of3A, %add3A_150 : i32
    %multiple_of3A_152 = tpu.assume_multiple %add3A_151, 8 : i32
    %dma_start3A_153 = arith.constant 0 : i32
    %dma_start3A_154 = tpu.memref_slice %arg6[%multiple_of3A_152, %dma_start3A_153] : memref<10008x128xf32, #tpu.memory_space<vmem_shared>> -> memref<24x128xf32, #tpu.memory_space<vmem_shared>>
    %dma_start3A_155 = arith.constant 0 : i32
    %dma_start3A_156 = tpu.memref_slice %arg6[%multiple_of3A_152, %dma_start3A_155] : memref<10008x128xf32, #tpu.memory_space<vmem_shared>> -> memref<24x128xf32, #tpu.memory_space<vmem_shared>>
    tpu.enqueue_dma source(%arg16 : memref<24x128xf32, #tpu.memory_space<vmem>>) target(%dma_start3A_156 : memref<24x128xf32, #tpu.memory_space<vmem_shared>>) target_semaphore(%arg29 : memref<!tpu.dma_semaphore, #tpu.memory_space<semaphore_mem>>)
    %add3A_157 = arith.constant 504 : i32
    %add3A_158 = arith.addi %multiple_of3A, %add3A_157 : i32
    %multiple_of3A_159 = tpu.assume_multiple %add3A_158, 8 : i32
    %dma_start3A_160 = arith.constant 0 : i32
    %dma_start3A_161 = tpu.memref_slice %arg6[%multiple_of3A_159, %dma_start3A_160] : memref<10008x128xf32, #tpu.memory_space<vmem_shared>> -> memref<24x128xf32, #tpu.memory_space<vmem_shared>>
    %dma_start3A_162 = arith.constant 0 : i32
    %dma_start3A_163 = tpu.memref_slice %arg6[%multiple_of3A_159, %dma_start3A_162] : memref<10008x128xf32, #tpu.memory_space<vmem_shared>> -> memref<24x128xf32, #tpu.memory_space<vmem_shared>>
    tpu.enqueue_dma source(%arg16 : memref<24x128xf32, #tpu.memory_space<vmem>>) target(%dma_start3A_163 : memref<24x128xf32, #tpu.memory_space<vmem_shared>>) target_semaphore(%arg29 : memref<!tpu.dma_semaphore, #tpu.memory_space<semaphore_mem>>)
    %add3A_164 = arith.constant 528 : i32
    %add3A_165 = arith.addi %multiple_of3A, %add3A_164 : i32
    %multiple_of3A_166 = tpu.assume_multiple %add3A_165, 8 : i32
    %dma_start3A_167 = arith.constant 0 : i32
    %dma_start3A_168 = tpu.memref_slice %arg6[%multiple_of3A_166, %dma_start3A_167] : memref<10008x128xf32, #tpu.memory_space<vmem_shared>> -> memref<24x128xf32, #tpu.memory_space<vmem_shared>>
    %dma_start3A_169 = arith.constant 0 : i32
    %dma_start3A_170 = tpu.memref_slice %arg6[%multiple_of3A_166, %dma_start3A_169] : memref<10008x128xf32, #tpu.memory_space<vmem_shared>> -> memref<24x128xf32, #tpu.memory_space<vmem_shared>>
    tpu.enqueue_dma source(%arg16 : memref<24x128xf32, #tpu.memory_space<vmem>>) target(%dma_start3A_170 : memref<24x128xf32, #tpu.memory_space<vmem_shared>>) target_semaphore(%arg29 : memref<!tpu.dma_semaphore, #tpu.memory_space<semaphore_mem>>)
    %add3A_171 = arith.constant 552 : i32
    %add3A_172 = arith.addi %multiple_of3A, %add3A_171 : i32
    %multiple_of3A_173 = tpu.assume_multiple %add3A_172, 8 : i32
    %dma_start3A_174 = arith.constant 0 : i32
    %dma_start3A_175 = tpu.memref_slice %arg6[%multiple_of3A_173, %dma_start3A_174] : memref<10008x128xf32, #tpu.memory_space<vmem_shared>> -> memref<24x128xf32, #tpu.memory_space<vmem_shared>>
    %dma_start3A_176 = arith.constant 0 : i32
    %dma_start3A_177 = tpu.memref_slice %arg6[%multiple_of3A_173, %dma_start3A_176] : memref<10008x128xf32, #tpu.memory_space<vmem_shared>> -> memref<24x128xf32, #tpu.memory_space<vmem_shared>>
    tpu.enqueue_dma source(%arg16 : memref<24x128xf32, #tpu.memory_space<vmem>>) target(%dma_start3A_177 : memref<24x128xf32, #tpu.memory_space<vmem_shared>>) target_semaphore(%arg29 : memref<!tpu.dma_semaphore, #tpu.memory_space<semaphore_mem>>)
    %add3A_178 = arith.constant 576 : i32
    %add3A_179 = arith.addi %multiple_of3A, %add3A_178 : i32
    %multiple_of3A_180 = tpu.assume_multiple %add3A_179, 8 : i32
    %dma_start3A_181 = arith.constant 0 : i32
    %dma_start3A_182 = tpu.memref_slice %arg6[%multiple_of3A_180, %dma_start3A_181] : memref<10008x128xf32, #tpu.memory_space<vmem_shared>> -> memref<24x128xf32, #tpu.memory_space<vmem_shared>>
    %dma_start3A_183 = arith.constant 0 : i32
    %dma_start3A_184 = tpu.memref_slice %arg6[%multiple_of3A_180, %dma_start3A_183] : memref<10008x128xf32, #tpu.memory_space<vmem_shared>> -> memref<24x128xf32, #tpu.memory_space<vmem_shared>>
    tpu.enqueue_dma source(%arg16 : memref<24x128xf32, #tpu.memory_space<vmem>>) target(%dma_start3A_184 : memref<24x128xf32, #tpu.memory_space<vmem_shared>>) target_semaphore(%arg29 : memref<!tpu.dma_semaphore, #tpu.memory_space<semaphore_mem>>)
    %add3A_185 = arith.constant 600 : i32
    %add3A_186 = arith.addi %multiple_of3A, %add3A_185 : i32
    %multiple_of3A_187 = tpu.assume_multiple %add3A_186, 8 : i32
    %dma_start3A_188 = arith.constant 0 : i32
    %dma_start3A_189 = tpu.memref_slice %arg6[%multiple_of3A_187, %dma_start3A_188] : memref<10008x128xf32, #tpu.memory_space<vmem_shared>> -> memref<24x128xf32, #tpu.memory_space<vmem_shared>>
    %dma_start3A_190 = arith.constant 0 : i32
    %dma_start3A_191 = tpu.memref_slice %arg6[%multiple_of3A_187, %dma_start3A_190] : memref<10008x128xf32, #tpu.memory_space<vmem_shared>> -> memref<24x128xf32, #tpu.memory_space<vmem_shared>>
    tpu.enqueue_dma source(%arg16 : memref<24x128xf32, #tpu.memory_space<vmem>>) target(%dma_start3A_191 : memref<24x128xf32, #tpu.memory_space<vmem_shared>>) target_semaphore(%arg29 : memref<!tpu.dma_semaphore, #tpu.memory_space<semaphore_mem>>)
    %eq3A = arith.constant 15 : i32
    %eq3A_192 = arith.cmpi eq, %arg1, %eq3A : i32
    %convert_element_type3A = arith.extui %eq3A_192 : i1 to i32
    %cond3A = arith.constant 0 : i32
    %cond3A_193 = arith.cmpi ne, %convert_element_type3A, %cond3A : i32
    scf.if %cond3A_193 {
      %dma_start3A_406 = arith.constant 0 : i32
      %dma_start3A_407 = arith.constant 0 : i32
      %dma_start3A_408 = tpu.memref_slice %arg16[%dma_start3A_406, %dma_start3A_407] : memref<24x128xf32, #tpu.memory_space<vmem>> -> memref<16x128xf32, #tpu.memory_space<vmem>>
      %dma_start3A_409 = arith.constant 9984 : i32
      %dma_start3A_410 = arith.constant 0 : i32
      %dma_start3A_411 = tpu.memref_slice %arg6[%dma_start3A_409, %dma_start3A_410] : memref<10008x128xf32, #tpu.memory_space<vmem_shared>> -> memref<16x128xf32, #tpu.memory_space<vmem_shared>>
      %dma_start3A_412 = arith.constant 9984 : i32
      %dma_start3A_413 = arith.constant 0 : i32
      %dma_start3A_414 = tpu.memref_slice %arg6[%dma_start3A_412, %dma_start3A_413] : memref<10008x128xf32, #tpu.memory_space<vmem_shared>> -> memref<16x128xf32, #tpu.memory_space<vmem_shared>>
      %dma_start3A_415 = arith.constant 0 : i32
      %dma_start3A_416 = arith.constant 0 : i32
      %dma_start3A_417 = tpu.memref_slice %arg16[%dma_start3A_415, %dma_start3A_416] : memref<24x128xf32, #tpu.memory_space<vmem>> -> memref<16x128xf32, #tpu.memory_space<vmem>>
      tpu.enqueue_dma source(%dma_start3A_417 : memref<16x128xf32, #tpu.memory_space<vmem>>) target(%dma_start3A_414 : memref<16x128xf32, #tpu.memory_space<vmem_shared>>) target_semaphore(%arg29 : memref<!tpu.dma_semaphore, #tpu.memory_space<semaphore_mem>>)
    } else {
    }
    %add3A_194 = arith.constant 0 : i32
    %add3A_195 = arith.addi %multiple_of3A_5, %add3A_194 : i32
    %multiple_of3A_196 = tpu.assume_multiple %add3A_195, 8 : i32
    %dma_start3A_197 = tpu.memref_slice %arg3[%multiple_of3A_196] : memref<322560xi32, #tpu.memory_space<hbm>> -> memref<112xi32, #tpu.memory_space<hbm>>
    %dma_start3A_198 = tpu.memref_slice %arg3[%multiple_of3A_196] : memref<322560xi32, #tpu.memory_space<hbm>> -> memref<112xi32, #tpu.memory_space<hbm>>
    tpu.enqueue_dma source(%dma_start3A_198 : memref<112xi32, #tpu.memory_space<hbm>>) target(%arg7 : memref<112xi32, #tpu.memory_space<vmem>>) target_semaphore(%arg20 : memref<!tpu.dma_semaphore, #tpu.memory_space<semaphore_mem>>)
    %add3A_199 = arith.constant 0 : i32
    %add3A_200 = arith.addi %multiple_of3A_5, %add3A_199 : i32
    %multiple_of3A_201 = tpu.assume_multiple %add3A_200, 8 : i32
    %dma_start3A_202 = tpu.memref_slice %arg4[%multiple_of3A_201] : memref<322560xi32, #tpu.memory_space<hbm>> -> memref<112xi32, #tpu.memory_space<hbm>>
    %dma_start3A_203 = tpu.memref_slice %arg4[%multiple_of3A_201] : memref<322560xi32, #tpu.memory_space<hbm>> -> memref<112xi32, #tpu.memory_space<hbm>>
    tpu.enqueue_dma source(%dma_start3A_203 : memref<112xi32, #tpu.memory_space<hbm>>) target(%arg10 : memref<112xi32, #tpu.memory_space<vmem>>) target_semaphore(%arg23 : memref<!tpu.dma_semaphore, #tpu.memory_space<semaphore_mem>>)
    %add3A_204 = arith.constant 112 : i32
    %add3A_205 = arith.addi %multiple_of3A_5, %add3A_204 : i32
    %multiple_of3A_206 = tpu.assume_multiple %add3A_205, 8 : i32
    %dma_start3A_207 = tpu.memref_slice %arg3[%multiple_of3A_206] : memref<322560xi32, #tpu.memory_space<hbm>> -> memref<112xi32, #tpu.memory_space<hbm>>
    %dma_start3A_208 = tpu.memref_slice %arg3[%multiple_of3A_206] : memref<322560xi32, #tpu.memory_space<hbm>> -> memref<112xi32, #tpu.memory_space<hbm>>
    tpu.enqueue_dma source(%dma_start3A_208 : memref<112xi32, #tpu.memory_space<hbm>>) target(%arg8 : memref<112xi32, #tpu.memory_space<vmem>>) target_semaphore(%arg21 : memref<!tpu.dma_semaphore, #tpu.memory_space<semaphore_mem>>)
    %add3A_209 = arith.constant 224 : i32
    %add3A_210 = arith.addi %multiple_of3A_5, %add3A_209 : i32
    %multiple_of3A_211 = tpu.assume_multiple %add3A_210, 8 : i32
    %dma_start3A_212 = tpu.memref_slice %arg3[%multiple_of3A_211] : memref<322560xi32, #tpu.memory_space<hbm>> -> memref<112xi32, #tpu.memory_space<hbm>>
    %dma_start3A_213 = tpu.memref_slice %arg3[%multiple_of3A_211] : memref<322560xi32, #tpu.memory_space<hbm>> -> memref<112xi32, #tpu.memory_space<hbm>>
    tpu.enqueue_dma source(%dma_start3A_213 : memref<112xi32, #tpu.memory_space<hbm>>) target(%arg9 : memref<112xi32, #tpu.memory_space<vmem>>) target_semaphore(%arg22 : memref<!tpu.dma_semaphore, #tpu.memory_space<semaphore_mem>>)
    %dma_wait3A = arith.constant 0 : i32
    %dma_wait3A_214 = tpu.memref_slice %arg3[%dma_wait3A] : memref<322560xi32, #tpu.memory_space<hbm>> -> memref<112xi32, #tpu.memory_space<hbm>>
    %dma_wait3A_215 = arith.constant 0 : i32
    %dma_wait3A_216 = tpu.memref_slice %arg3[%dma_wait3A_215] : memref<322560xi32, #tpu.memory_space<hbm>> -> memref<112xi32, #tpu.memory_space<hbm>>
    tpu.wait_dma2 semaphore(%arg20 : memref<!tpu.dma_semaphore, #tpu.memory_space<semaphore_mem>>) src(%dma_wait3A_216 : memref<112xi32, #tpu.memory_space<hbm>>) dst(%arg7 : memref<112xi32, #tpu.memory_space<vmem>>)
    %dma_start3A_217 = arith.constant 0 : i32
    %dma_start3A_218 = arith.constant 0 : i32
    %dma_start3A_219 = tpu.memref_slice %arg2[%dma_start3A_217, %dma_start3A_218] : memref<10000x128xf32, #tpu.memory_space<hbm>> -> memref<10000x128xf32, #tpu.memory_space<hbm>>
    tpu.enqueue_indirect_dma source(%dma_start3A_219 : memref<10000x128xf32, #tpu.memory_space<hbm>>) target(%arg13 : memref<112x128xf32, #tpu.memory_space<vmem>>) offsets(%arg7 : memref<112xi32, #tpu.memory_space<vmem>>) semaphore(%arg17 : memref<!tpu.dma_semaphore, #tpu.memory_space<semaphore_mem>>)
    %dma_wait3A_220 = arith.constant 0 : i32
    %dma_wait3A_221 = tpu.memref_slice %arg3[%dma_wait3A_220] : memref<322560xi32, #tpu.memory_space<hbm>> -> memref<112xi32, #tpu.memory_space<hbm>>
    %dma_wait3A_222 = arith.constant 0 : i32
    %dma_wait3A_223 = tpu.memref_slice %arg3[%dma_wait3A_222] : memref<322560xi32, #tpu.memory_space<hbm>> -> memref<112xi32, #tpu.memory_space<hbm>>
    tpu.wait_dma2 semaphore(%arg21 : memref<!tpu.dma_semaphore, #tpu.memory_space<semaphore_mem>>) src(%dma_wait3A_223 : memref<112xi32, #tpu.memory_space<hbm>>) dst(%arg8 : memref<112xi32, #tpu.memory_space<vmem>>)
    %dma_start3A_224 = arith.constant 0 : i32
    %dma_start3A_225 = arith.constant 0 : i32
    %dma_start3A_226 = tpu.memref_slice %arg2[%dma_start3A_224, %dma_start3A_225] : memref<10000x128xf32, #tpu.memory_space<hbm>> -> memref<10000x128xf32, #tpu.memory_space<hbm>>
    tpu.enqueue_indirect_dma source(%dma_start3A_226 : memref<10000x128xf32, #tpu.memory_space<hbm>>) target(%arg14 : memref<112x128xf32, #tpu.memory_space<vmem>>) offsets(%arg8 : memref<112xi32, #tpu.memory_space<vmem>>) semaphore(%arg18 : memref<!tpu.dma_semaphore, #tpu.memory_space<semaphore_mem>>)
    %dma_wait3A_227 = arith.constant 0 : i32
    %dma_wait3A_228 = arith.constant 0 : i32
    %dma_wait3A_229 = tpu.memref_slice %arg6[%dma_wait3A_227, %dma_wait3A_228] : memref<10008x128xf32, #tpu.memory_space<vmem_shared>> -> memref<24x128xf32, #tpu.memory_space<vmem_shared>>
    %dma_wait3A_230 = arith.constant 0 : i32
    %dma_wait3A_231 = arith.constant 0 : i32
    %dma_wait3A_232 = tpu.memref_slice %arg6[%dma_wait3A_230, %dma_wait3A_231] : memref<10008x128xf32, #tpu.memory_space<vmem_shared>> -> memref<24x128xf32, #tpu.memory_space<vmem_shared>>
    tpu.wait_dma2 semaphore(%arg29 : memref<!tpu.dma_semaphore, #tpu.memory_space<semaphore_mem>>) src(%arg16 : memref<24x128xf32, #tpu.memory_space<vmem>>) dst(%dma_wait3A_232 : memref<24x128xf32, #tpu.memory_space<vmem_shared>>)
    %dma_wait3A_233 = arith.constant 0 : i32
    %dma_wait3A_234 = arith.constant 0 : i32
    %dma_wait3A_235 = tpu.memref_slice %arg6[%dma_wait3A_233, %dma_wait3A_234] : memref<10008x128xf32, #tpu.memory_space<vmem_shared>> -> memref<24x128xf32, #tpu.memory_space<vmem_shared>>
    %dma_wait3A_236 = arith.constant 0 : i32
    %dma_wait3A_237 = arith.constant 0 : i32
    %dma_wait3A_238 = tpu.memref_slice %arg6[%dma_wait3A_236, %dma_wait3A_237] : memref<10008x128xf32, #tpu.memory_space<vmem_shared>> -> memref<24x128xf32, #tpu.memory_space<vmem_shared>>
    tpu.wait_dma2 semaphore(%arg29 : memref<!tpu.dma_semaphore, #tpu.memory_space<semaphore_mem>>) src(%arg16 : memref<24x128xf32, #tpu.memory_space<vmem>>) dst(%dma_wait3A_238 : memref<24x128xf32, #tpu.memory_space<vmem_shared>>)
    %dma_wait3A_239 = arith.constant 0 : i32
    %dma_wait3A_240 = arith.constant 0 : i32
    %dma_wait3A_241 = tpu.memref_slice %arg6[%dma_wait3A_239, %dma_wait3A_240] : memref<10008x128xf32, #tpu.memory_space<vmem_shared>> -> memref<24x128xf32, #tpu.memory_space<vmem_shared>>
    %dma_wait3A_242 = arith.constant 0 : i32
    %dma_wait3A_243 = arith.constant 0 : i32
    %dma_wait3A_244 = tpu.memref_slice %arg6[%dma_wait3A_242, %dma_wait3A_243] : memref<10008x128xf32, #tpu.memory_space<vmem_shared>> -> memref<24x128xf32, #tpu.memory_space<vmem_shared>>
    tpu.wait_dma2 semaphore(%arg29 : memref<!tpu.dma_semaphore, #tpu.memory_space<semaphore_mem>>) src(%arg16 : memref<24x128xf32, #tpu.memory_space<vmem>>) dst(%dma_wait3A_244 : memref<24x128xf32, #tpu.memory_space<vmem_shared>>)
    %dma_wait3A_245 = arith.constant 0 : i32
    %dma_wait3A_246 = arith.constant 0 : i32
    %dma_wait3A_247 = tpu.memref_slice %arg6[%dma_wait3A_245, %dma_wait3A_246] : memref<10008x128xf32, #tpu.memory_space<vmem_shared>> -> memref<24x128xf32, #tpu.memory_space<vmem_shared>>
    %dma_wait3A_248 = arith.constant 0 : i32
    %dma_wait3A_249 = arith.constant 0 : i32
    %dma_wait3A_250 = tpu.memref_slice %arg6[%dma_wait3A_248, %dma_wait3A_249] : memref<10008x128xf32, #tpu.memory_space<vmem_shared>> -> memref<24x128xf32, #tpu.memory_space<vmem_shared>>
    tpu.wait_dma2 semaphore(%arg29 : memref<!tpu.dma_semaphore, #tpu.memory_space<semaphore_mem>>) src(%arg16 : memref<24x128xf32, #tpu.memory_space<vmem>>) dst(%dma_wait3A_250 : memref<24x128xf32, #tpu.memory_space<vmem_shared>>)
    %dma_wait3A_251 = arith.constant 0 : i32
    %dma_wait3A_252 = arith.constant 0 : i32
    %dma_wait3A_253 = tpu.memref_slice %arg6[%dma_wait3A_251, %dma_wait3A_252] : memref<10008x128xf32, #tpu.memory_space<vmem_shared>> -> memref<24x128xf32, #tpu.memory_space<vmem_shared>>
    %dma_wait3A_254 = arith.constant 0 : i32
    %dma_wait3A_255 = arith.constant 0 : i32
    %dma_wait3A_256 = tpu.memref_slice %arg6[%dma_wait3A_254, %dma_wait3A_255] : memref<10008x128xf32, #tpu.memory_space<vmem_shared>> -> memref<24x128xf32, #tpu.memory_space<vmem_shared>>
    tpu.wait_dma2 semaphore(%arg29 : memref<!tpu.dma_semaphore, #tpu.memory_space<semaphore_mem>>) src(%arg16 : memref<24x128xf32, #tpu.memory_space<vmem>>) dst(%dma_wait3A_256 : memref<24x128xf32, #tpu.memory_space<vmem_shared>>)
    %dma_wait3A_257 = arith.constant 0 : i32
    %dma_wait3A_258 = arith.constant 0 : i32
    %dma_wait3A_259 = tpu.memref_slice %arg6[%dma_wait3A_257, %dma_wait3A_258] : memref<10008x128xf32, #tpu.memory_space<vmem_shared>> -> memref<24x128xf32, #tpu.memory_space<vmem_shared>>
    %dma_wait3A_260 = arith.constant 0 : i32
    %dma_wait3A_261 = arith.constant 0 : i32
    %dma_wait3A_262 = tpu.memref_slice %arg6[%dma_wait3A_260, %dma_wait3A_261] : memref<10008x128xf32, #tpu.memory_space<vmem_shared>> -> memref<24x128xf32, #tpu.memory_space<vmem_shared>>
    tpu.wait_dma2 semaphore(%arg29 : memref<!tpu.dma_semaphore, #tpu.memory_space<semaphore_mem>>) src(%arg16 : memref<24x128xf32, #tpu.memory_space<vmem>>) dst(%dma_wait3A_262 : memref<24x128xf32, #tpu.memory_space<vmem_shared>>)
    %dma_wait3A_263 = arith.constant 0 : i32
    %dma_wait3A_264 = arith.constant 0 : i32
    %dma_wait3A_265 = tpu.memref_slice %arg6[%dma_wait3A_263, %dma_wait3A_264] : memref<10008x128xf32, #tpu.memory_space<vmem_shared>> -> memref<24x128xf32, #tpu.memory_space<vmem_shared>>
    %dma_wait3A_266 = arith.constant 0 : i32
    %dma_wait3A_267 = arith.constant 0 : i32
    %dma_wait3A_268 = tpu.memref_slice %arg6[%dma_wait3A_266, %dma_wait3A_267] : memref<10008x128xf32, #tpu.memory_space<vmem_shared>> -> memref<24x128xf32, #tpu.memory_space<vmem_shared>>
    tpu.wait_dma2 semaphore(%arg29 : memref<!tpu.dma_semaphore, #tpu.memory_space<semaphore_mem>>) src(%arg16 : memref<24x128xf32, #tpu.memory_space<vmem>>) dst(%dma_wait3A_268 : memref<24x128xf32, #tpu.memory_space<vmem_shared>>)
    %dma_wait3A_269 = arith.constant 0 : i32
    %dma_wait3A_270 = arith.constant 0 : i32
    %dma_wait3A_271 = tpu.memref_slice %arg6[%dma_wait3A_269, %dma_wait3A_270] : memref<10008x128xf32, #tpu.memory_space<vmem_shared>> -> memref<24x128xf32, #tpu.memory_space<vmem_shared>>
    %dma_wait3A_272 = arith.constant 0 : i32
    %dma_wait3A_273 = arith.constant 0 : i32
    %dma_wait3A_274 = tpu.memref_slice %arg6[%dma_wait3A_272, %dma_wait3A_273] : memref<10008x128xf32, #tpu.memory_space<vmem_shared>> -> memref<24x128xf32, #tpu.memory_space<vmem_shared>>
    tpu.wait_dma2 semaphore(%arg29 : memref<!tpu.dma_semaphore, #tpu.memory_space<semaphore_mem>>) src(%arg16 : memref<24x128xf32, #tpu.memory_space<vmem>>) dst(%dma_wait3A_274 : memref<24x128xf32, #tpu.memory_space<vmem_shared>>)
    %dma_wait3A_275 = arith.constant 0 : i32
    %dma_wait3A_276 = arith.constant 0 : i32
    %dma_wait3A_277 = tpu.memref_slice %arg6[%dma_wait3A_275, %dma_wait3A_276] : memref<10008x128xf32, #tpu.memory_space<vmem_shared>> -> memref<24x128xf32, #tpu.memory_space<vmem_shared>>
    %dma_wait3A_278 = arith.constant 0 : i32
    %dma_wait3A_279 = arith.constant 0 : i32
    %dma_wait3A_280 = tpu.memref_slice %arg6[%dma_wait3A_278, %dma_wait3A_279] : memref<10008x128xf32, #tpu.memory_space<vmem_shared>> -> memref<24x128xf32, #tpu.memory_space<vmem_shared>>
    tpu.wait_dma2 semaphore(%arg29 : memref<!tpu.dma_semaphore, #tpu.memory_space<semaphore_mem>>) src(%arg16 : memref<24x128xf32, #tpu.memory_space<vmem>>) dst(%dma_wait3A_280 : memref<24x128xf32, #tpu.memory_space<vmem_shared>>)
    %dma_wait3A_281 = arith.constant 0 : i32
    %dma_wait3A_282 = arith.constant 0 : i32
    %dma_wait3A_283 = tpu.memref_slice %arg6[%dma_wait3A_281, %dma_wait3A_282] : memref<10008x128xf32, #tpu.memory_space<vmem_shared>> -> memref<24x128xf32, #tpu.memory_space<vmem_shared>>
    %dma_wait3A_284 = arith.constant 0 : i32
    %dma_wait3A_285 = arith.constant 0 : i32
    %dma_wait3A_286 = tpu.memref_slice %arg6[%dma_wait3A_284, %dma_wait3A_285] : memref<10008x128xf32, #tpu.memory_space<vmem_shared>> -> memref<24x128xf32, #tpu.memory_space<vmem_shared>>
    tpu.wait_dma2 semaphore(%arg29 : memref<!tpu.dma_semaphore, #tpu.memory_space<semaphore_mem>>) src(%arg16 : memref<24x128xf32, #tpu.memory_space<vmem>>) dst(%dma_wait3A_286 : memref<24x128xf32, #tpu.memory_space<vmem_shared>>)
    %dma_wait3A_287 = arith.constant 0 : i32
    %dma_wait3A_288 = arith.constant 0 : i32
    %dma_wait3A_289 = tpu.memref_slice %arg6[%dma_wait3A_287, %dma_wait3A_288] : memref<10008x128xf32, #tpu.memory_space<vmem_shared>> -> memref<24x128xf32, #tpu.memory_space<vmem_shared>>
    %dma_wait3A_290 = arith.constant 0 : i32
    %dma_wait3A_291 = arith.constant 0 : i32
    %dma_wait3A_292 = tpu.memref_slice %arg6[%dma_wait3A_290, %dma_wait3A_291] : memref<10008x128xf32, #tpu.memory_space<vmem_shared>> -> memref<24x128xf32, #tpu.memory_space<vmem_shared>>
    tpu.wait_dma2 semaphore(%arg29 : memref<!tpu.dma_semaphore, #tpu.memory_space<semaphore_mem>>) src(%arg16 : memref<24x128xf32, #tpu.memory_space<vmem>>) dst(%dma_wait3A_292 : memref<24x128xf32, #tpu.memory_space<vmem_shared>>)
    %dma_wait3A_293 = arith.constant 0 : i32
    %dma_wait3A_294 = arith.constant 0 : i32
    %dma_wait3A_295 = tpu.memref_slice %arg6[%dma_wait3A_293, %dma_wait3A_294] : memref<10008x128xf32, #tpu.memory_space<vmem_shared>> -> memref<24x128xf32, #tpu.memory_space<vmem_shared>>
    %dma_wait3A_296 = arith.constant 0 : i32
    %dma_wait3A_297 = arith.constant 0 : i32
    %dma_wait3A_298 = tpu.memref_slice %arg6[%dma_wait3A_296, %dma_wait3A_297] : memref<10008x128xf32, #tpu.memory_space<vmem_shared>> -> memref<24x128xf32, #tpu.memory_space<vmem_shared>>
    tpu.wait_dma2 semaphore(%arg29 : memref<!tpu.dma_semaphore, #tpu.memory_space<semaphore_mem>>) src(%arg16 : memref<24x128xf32, #tpu.memory_space<vmem>>) dst(%dma_wait3A_298 : memref<24x128xf32, #tpu.memory_space<vmem_shared>>)
    %dma_wait3A_299 = arith.constant 0 : i32
    %dma_wait3A_300 = arith.constant 0 : i32
    %dma_wait3A_301 = tpu.memref_slice %arg6[%dma_wait3A_299, %dma_wait3A_300] : memref<10008x128xf32, #tpu.memory_space<vmem_shared>> -> memref<24x128xf32, #tpu.memory_space<vmem_shared>>
    %dma_wait3A_302 = arith.constant 0 : i32
    %dma_wait3A_303 = arith.constant 0 : i32
    %dma_wait3A_304 = tpu.memref_slice %arg6[%dma_wait3A_302, %dma_wait3A_303] : memref<10008x128xf32, #tpu.memory_space<vmem_shared>> -> memref<24x128xf32, #tpu.memory_space<vmem_shared>>
    tpu.wait_dma2 semaphore(%arg29 : memref<!tpu.dma_semaphore, #tpu.memory_space<semaphore_mem>>) src(%arg16 : memref<24x128xf32, #tpu.memory_space<vmem>>) dst(%dma_wait3A_304 : memref<24x128xf32, #tpu.memory_space<vmem_shared>>)
    %dma_wait3A_305 = arith.constant 0 : i32
    %dma_wait3A_306 = arith.constant 0 : i32
    %dma_wait3A_307 = tpu.memref_slice %arg6[%dma_wait3A_305, %dma_wait3A_306] : memref<10008x128xf32, #tpu.memory_space<vmem_shared>> -> memref<24x128xf32, #tpu.memory_space<vmem_shared>>
    %dma_wait3A_308 = arith.constant 0 : i32
    %dma_wait3A_309 = arith.constant 0 : i32
    %dma_wait3A_310 = tpu.memref_slice %arg6[%dma_wait3A_308, %dma_wait3A_309] : memref<10008x128xf32, #tpu.memory_space<vmem_shared>> -> memref<24x128xf32, #tpu.memory_space<vmem_shared>>
    tpu.wait_dma2 semaphore(%arg29 : memref<!tpu.dma_semaphore, #tpu.memory_space<semaphore_mem>>) src(%arg16 : memref<24x128xf32, #tpu.memory_space<vmem>>) dst(%dma_wait3A_310 : memref<24x128xf32, #tpu.memory_space<vmem_shared>>)
    %dma_wait3A_311 = arith.constant 0 : i32
    %dma_wait3A_312 = arith.constant 0 : i32
    %dma_wait3A_313 = tpu.memref_slice %arg6[%dma_wait3A_311, %dma_wait3A_312] : memref<10008x128xf32, #tpu.memory_space<vmem_shared>> -> memref<24x128xf32, #tpu.memory_space<vmem_shared>>
    %dma_wait3A_314 = arith.constant 0 : i32
    %dma_wait3A_315 = arith.constant 0 : i32
    %dma_wait3A_316 = tpu.memref_slice %arg6[%dma_wait3A_314, %dma_wait3A_315] : memref<10008x128xf32, #tpu.memory_space<vmem_shared>> -> memref<24x128xf32, #tpu.memory_space<vmem_shared>>
    tpu.wait_dma2 semaphore(%arg29 : memref<!tpu.dma_semaphore, #tpu.memory_space<semaphore_mem>>) src(%arg16 : memref<24x128xf32, #tpu.memory_space<vmem>>) dst(%dma_wait3A_316 : memref<24x128xf32, #tpu.memory_space<vmem_shared>>)
    %dma_wait3A_317 = arith.constant 0 : i32
    %dma_wait3A_318 = arith.constant 0 : i32
    %dma_wait3A_319 = tpu.memref_slice %arg6[%dma_wait3A_317, %dma_wait3A_318] : memref<10008x128xf32, #tpu.memory_space<vmem_shared>> -> memref<24x128xf32, #tpu.memory_space<vmem_shared>>
    %dma_wait3A_320 = arith.constant 0 : i32
    %dma_wait3A_321 = arith.constant 0 : i32
    %dma_wait3A_322 = tpu.memref_slice %arg6[%dma_wait3A_320, %dma_wait3A_321] : memref<10008x128xf32, #tpu.memory_space<vmem_shared>> -> memref<24x128xf32, #tpu.memory_space<vmem_shared>>
    tpu.wait_dma2 semaphore(%arg29 : memref<!tpu.dma_semaphore, #tpu.memory_space<semaphore_mem>>) src(%arg16 : memref<24x128xf32, #tpu.memory_space<vmem>>) dst(%dma_wait3A_322 : memref<24x128xf32, #tpu.memory_space<vmem_shared>>)
    %dma_wait3A_323 = arith.constant 0 : i32
    %dma_wait3A_324 = arith.constant 0 : i32
    %dma_wait3A_325 = tpu.memref_slice %arg6[%dma_wait3A_323, %dma_wait3A_324] : memref<10008x128xf32, #tpu.memory_space<vmem_shared>> -> memref<24x128xf32, #tpu.memory_space<vmem_shared>>
    %dma_wait3A_326 = arith.constant 0 : i32
    %dma_wait3A_327 = arith.constant 0 : i32
    %dma_wait3A_328 = tpu.memref_slice %arg6[%dma_wait3A_326, %dma_wait3A_327] : memref<10008x128xf32, #tpu.memory_space<vmem_shared>> -> memref<24x128xf32, #tpu.memory_space<vmem_shared>>
    tpu.wait_dma2 semaphore(%arg29 : memref<!tpu.dma_semaphore, #tpu.memory_space<semaphore_mem>>) src(%arg16 : memref<24x128xf32, #tpu.memory_space<vmem>>) dst(%dma_wait3A_328 : memref<24x128xf32, #tpu.memory_space<vmem_shared>>)
    %dma_wait3A_329 = arith.constant 0 : i32
    %dma_wait3A_330 = arith.constant 0 : i32
    %dma_wait3A_331 = tpu.memref_slice %arg6[%dma_wait3A_329, %dma_wait3A_330] : memref<10008x128xf32, #tpu.memory_space<vmem_shared>> -> memref<24x128xf32, #tpu.memory_space<vmem_shared>>
    %dma_wait3A_332 = arith.constant 0 : i32
    %dma_wait3A_333 = arith.constant 0 : i32
    %dma_wait3A_334 = tpu.memref_slice %arg6[%dma_wait3A_332, %dma_wait3A_333] : memref<10008x128xf32, #tpu.memory_space<vmem_shared>> -> memref<24x128xf32, #tpu.memory_space<vmem_shared>>
    tpu.wait_dma2 semaphore(%arg29 : memref<!tpu.dma_semaphore, #tpu.memory_space<semaphore_mem>>) src(%arg16 : memref<24x128xf32, #tpu.memory_space<vmem>>) dst(%dma_wait3A_334 : memref<24x128xf32, #tpu.memory_space<vmem_shared>>)
    %dma_wait3A_335 = arith.constant 0 : i32
    %dma_wait3A_336 = arith.constant 0 : i32
    %dma_wait3A_337 = tpu.memref_slice %arg6[%dma_wait3A_335, %dma_wait3A_336] : memref<10008x128xf32, #tpu.memory_space<vmem_shared>> -> memref<24x128xf32, #tpu.memory_space<vmem_shared>>
    %dma_wait3A_338 = arith.constant 0 : i32
    %dma_wait3A_339 = arith.constant 0 : i32
    %dma_wait3A_340 = tpu.memref_slice %arg6[%dma_wait3A_338, %dma_wait3A_339] : memref<10008x128xf32, #tpu.memory_space<vmem_shared>> -> memref<24x128xf32, #tpu.memory_space<vmem_shared>>
    tpu.wait_dma2 semaphore(%arg29 : memref<!tpu.dma_semaphore, #tpu.memory_space<semaphore_mem>>) src(%arg16 : memref<24x128xf32, #tpu.memory_space<vmem>>) dst(%dma_wait3A_340 : memref<24x128xf32, #tpu.memory_space<vmem_shared>>)
    %dma_wait3A_341 = arith.constant 0 : i32
    %dma_wait3A_342 = arith.constant 0 : i32
    %dma_wait3A_343 = tpu.memref_slice %arg6[%dma_wait3A_341, %dma_wait3A_342] : memref<10008x128xf32, #tpu.memory_space<vmem_shared>> -> memref<24x128xf32, #tpu.memory_space<vmem_shared>>
    %dma_wait3A_344 = arith.constant 0 : i32
    %dma_wait3A_345 = arith.constant 0 : i32
    %dma_wait3A_346 = tpu.memref_slice %arg6[%dma_wait3A_344, %dma_wait3A_345] : memref<10008x128xf32, #tpu.memory_space<vmem_shared>> -> memref<24x128xf32, #tpu.memory_space<vmem_shared>>
    tpu.wait_dma2 semaphore(%arg29 : memref<!tpu.dma_semaphore, #tpu.memory_space<semaphore_mem>>) src(%arg16 : memref<24x128xf32, #tpu.memory_space<vmem>>) dst(%dma_wait3A_346 : memref<24x128xf32, #tpu.memory_space<vmem_shared>>)
    %dma_wait3A_347 = arith.constant 0 : i32
    %dma_wait3A_348 = arith.constant 0 : i32
    %dma_wait3A_349 = tpu.memref_slice %arg6[%dma_wait3A_347, %dma_wait3A_348] : memref<10008x128xf32, #tpu.memory_space<vmem_shared>> -> memref<24x128xf32, #tpu.memory_space<vmem_shared>>
    %dma_wait3A_350 = arith.constant 0 : i32
    %dma_wait3A_351 = arith.constant 0 : i32
    %dma_wait3A_352 = tpu.memref_slice %arg6[%dma_wait3A_350, %dma_wait3A_351] : memref<10008x128xf32, #tpu.memory_space<vmem_shared>> -> memref<24x128xf32, #tpu.memory_space<vmem_shared>>
    tpu.wait_dma2 semaphore(%arg29 : memref<!tpu.dma_semaphore, #tpu.memory_space<semaphore_mem>>) src(%arg16 : memref<24x128xf32, #tpu.memory_space<vmem>>) dst(%dma_wait3A_352 : memref<24x128xf32, #tpu.memory_space<vmem_shared>>)
    %dma_wait3A_353 = arith.constant 0 : i32
    %dma_wait3A_354 = arith.constant 0 : i32
    %dma_wait3A_355 = tpu.memref_slice %arg6[%dma_wait3A_353, %dma_wait3A_354] : memref<10008x128xf32, #tpu.memory_space<vmem_shared>> -> memref<24x128xf32, #tpu.memory_space<vmem_shared>>
    %dma_wait3A_356 = arith.constant 0 : i32
    %dma_wait3A_357 = arith.constant 0 : i32
    %dma_wait3A_358 = tpu.memref_slice %arg6[%dma_wait3A_356, %dma_wait3A_357] : memref<10008x128xf32, #tpu.memory_space<vmem_shared>> -> memref<24x128xf32, #tpu.memory_space<vmem_shared>>
    tpu.wait_dma2 semaphore(%arg29 : memref<!tpu.dma_semaphore, #tpu.memory_space<semaphore_mem>>) src(%arg16 : memref<24x128xf32, #tpu.memory_space<vmem>>) dst(%dma_wait3A_358 : memref<24x128xf32, #tpu.memory_space<vmem_shared>>)
    %dma_wait3A_359 = arith.constant 0 : i32
    %dma_wait3A_360 = arith.constant 0 : i32
    %dma_wait3A_361 = tpu.memref_slice %arg6[%dma_wait3A_359, %dma_wait3A_360] : memref<10008x128xf32, #tpu.memory_space<vmem_shared>> -> memref<24x128xf32, #tpu.memory_space<vmem_shared>>
    %dma_wait3A_362 = arith.constant 0 : i32
    %dma_wait3A_363 = arith.constant 0 : i32
    %dma_wait3A_364 = tpu.memref_slice %arg6[%dma_wait3A_362, %dma_wait3A_363] : memref<10008x128xf32, #tpu.memory_space<vmem_shared>> -> memref<24x128xf32, #tpu.memory_space<vmem_shared>>
    tpu.wait_dma2 semaphore(%arg29 : memref<!tpu.dma_semaphore, #tpu.memory_space<semaphore_mem>>) src(%arg16 : memref<24x128xf32, #tpu.memory_space<vmem>>) dst(%dma_wait3A_364 : memref<24x128xf32, #tpu.memory_space<vmem_shared>>)
    %dma_wait3A_365 = arith.constant 0 : i32
    %dma_wait3A_366 = arith.constant 0 : i32
    %dma_wait3A_367 = tpu.memref_slice %arg6[%dma_wait3A_365, %dma_wait3A_366] : memref<10008x128xf32, #tpu.memory_space<vmem_shared>> -> memref<24x128xf32, #tpu.memory_space<vmem_shared>>
    %dma_wait3A_368 = arith.constant 0 : i32
    %dma_wait3A_369 = arith.constant 0 : i32
    %dma_wait3A_370 = tpu.memref_slice %arg6[%dma_wait3A_368, %dma_wait3A_369] : memref<10008x128xf32, #tpu.memory_space<vmem_shared>> -> memref<24x128xf32, #tpu.memory_space<vmem_shared>>
    tpu.wait_dma2 semaphore(%arg29 : memref<!tpu.dma_semaphore, #tpu.memory_space<semaphore_mem>>) src(%arg16 : memref<24x128xf32, #tpu.memory_space<vmem>>) dst(%dma_wait3A_370 : memref<24x128xf32, #tpu.memory_space<vmem_shared>>)
    %dma_wait3A_371 = arith.constant 0 : i32
    %dma_wait3A_372 = arith.constant 0 : i32
    %dma_wait3A_373 = tpu.memref_slice %arg6[%dma_wait3A_371, %dma_wait3A_372] : memref<10008x128xf32, #tpu.memory_space<vmem_shared>> -> memref<24x128xf32, #tpu.memory_space<vmem_shared>>
    %dma_wait3A_374 = arith.constant 0 : i32
    %dma_wait3A_375 = arith.constant 0 : i32
    %dma_wait3A_376 = tpu.memref_slice %arg6[%dma_wait3A_374, %dma_wait3A_375] : memref<10008x128xf32, #tpu.memory_space<vmem_shared>> -> memref<24x128xf32, #tpu.memory_space<vmem_shared>>
    tpu.wait_dma2 semaphore(%arg29 : memref<!tpu.dma_semaphore, #tpu.memory_space<semaphore_mem>>) src(%arg16 : memref<24x128xf32, #tpu.memory_space<vmem>>) dst(%dma_wait3A_376 : memref<24x128xf32, #tpu.memory_space<vmem_shared>>)
    %dma_wait3A_377 = arith.constant 0 : i32
    %dma_wait3A_378 = arith.constant 0 : i32
    %dma_wait3A_379 = tpu.memref_slice %arg6[%dma_wait3A_377, %dma_wait3A_378] : memref<10008x128xf32, #tpu.memory_space<vmem_shared>> -> memref<24x128xf32, #tpu.memory_space<vmem_shared>>
    %dma_wait3A_380 = arith.constant 0 : i32
    %dma_wait3A_381 = arith.constant 0 : i32
    %dma_wait3A_382 = tpu.memref_slice %arg6[%dma_wait3A_380, %dma_wait3A_381] : memref<10008x128xf32, #tpu.memory_space<vmem_shared>> -> memref<24x128xf32, #tpu.memory_space<vmem_shared>>
    tpu.wait_dma2 semaphore(%arg29 : memref<!tpu.dma_semaphore, #tpu.memory_space<semaphore_mem>>) src(%arg16 : memref<24x128xf32, #tpu.memory_space<vmem>>) dst(%dma_wait3A_382 : memref<24x128xf32, #tpu.memory_space<vmem_shared>>)
    %eq3A_383 = arith.constant 15 : i32
    %eq3A_384 = arith.cmpi eq, %arg1, %eq3A_383 : i32
    %convert_element_type3A_385 = arith.extui %eq3A_384 : i1 to i32
    %cond3A_386 = arith.constant 0 : i32
    %cond3A_387 = arith.cmpi ne, %convert_element_type3A_385, %cond3A_386 : i32
    scf.if %cond3A_387 {
      %dma_wait3A_406 = arith.constant 0 : i32
      %dma_wait3A_407 = arith.constant 0 : i32
      %dma_wait3A_408 = tpu.memref_slice %arg16[%dma_wait3A_406, %dma_wait3A_407] : memref<24x128xf32, #tpu.memory_space<vmem>> -> memref<16x128xf32, #tpu.memory_space<vmem>>
      %dma_wait3A_409 = arith.constant 0 : i32
      %dma_wait3A_410 = arith.constant 0 : i32
      %dma_wait3A_411 = tpu.memref_slice %arg6[%dma_wait3A_409, %dma_wait3A_410] : memref<10008x128xf32, #tpu.memory_space<vmem_shared>> -> memref<16x128xf32, #tpu.memory_space<vmem_shared>>
      %dma_wait3A_412 = arith.constant 0 : i32
      %dma_wait3A_413 = arith.constant 0 : i32
      %dma_wait3A_414 = tpu.memref_slice %arg6[%dma_wait3A_412, %dma_wait3A_413] : memref<10008x128xf32, #tpu.memory_space<vmem_shared>> -> memref<16x128xf32, #tpu.memory_space<vmem_shared>>
      %dma_wait3A_415 = arith.constant 0 : i32
      %dma_wait3A_416 = arith.constant 0 : i32
      %dma_wait3A_417 = tpu.memref_slice %arg16[%dma_wait3A_415, %dma_wait3A_416] : memref<24x128xf32, #tpu.memory_space<vmem>> -> memref<16x128xf32, #tpu.memory_space<vmem>>
      tpu.wait_dma2 semaphore(%arg29 : memref<!tpu.dma_semaphore, #tpu.memory_space<semaphore_mem>>) src(%dma_wait3A_417 : memref<16x128xf32, #tpu.memory_space<vmem>>) dst(%dma_wait3A_414 : memref<16x128xf32, #tpu.memory_space<vmem_shared>>)
    } else {
    }
    %barrier3A = arith.constant 0 : index
    tpu.barrier barrier_id(%barrier3A)
    %scan3A_388 = arith.constant 0 : i32
    %scan3A_389 = arith.constant 0 : i32
    %scan3A_390 = arith.constant 30 : i32
    %scan3A_391 = arith.addi %scan3A_389, %scan3A_390 : i32
    %scan3A_392 = arith.constant 1 : i32
    scf.for %scan3A_406 = %scan3A_389 to %scan3A_391 step %scan3A_392  : i32 {
      %mul3A_407 = arith.constant 3 : i32
      %mul3A_408 = arith.muli %scan3A_406, %mul3A_407 : i32
      %add3A_409 = arith.constant 0 : i32
      %add3A_410 = arith.addi %mul3A_408, %add3A_409 : i32
      %gt3A = arith.constant 0 : i32
      %gt3A_411 = arith.cmpi sgt, %add3A_410, %gt3A : i32
      %convert_element_type3A_412 = arith.extui %gt3A_411 : i1 to i32
      %cond3A_413 = arith.constant 0 : i32
      %cond3A_414 = arith.cmpi ne, %convert_element_type3A_412, %cond3A_413 : i32
      scf.if %cond3A_414 {
        %dma_wait3A_534 = arith.constant 0 : i32
        %dma_wait3A_535 = arith.constant 0 : i32
        %dma_wait3A_536 = tpu.memref_slice %arg6[%dma_wait3A_534, %dma_wait3A_535] : memref<10008x128xf32, #tpu.memory_space<vmem_shared>> -> memref<112x128xf32, #tpu.memory_space<vmem_shared>>
        %dma_wait3A_537 = arith.constant 0 : i32
        %dma_wait3A_538 = arith.constant 0 : i32
        %dma_wait3A_539 = tpu.memref_slice %arg6[%dma_wait3A_537, %dma_wait3A_538] : memref<10008x128xf32, #tpu.memory_space<vmem_shared>> -> memref<112x128xf32, #tpu.memory_space<vmem_shared>>
        tpu.wait_dma2 semaphore(%arg28 : memref<!tpu.dma_semaphore, #tpu.memory_space<semaphore_mem>>) src(%arg15 : memref<112x128xf32, #tpu.memory_space<vmem>>) dst(%dma_wait3A_539 : memref<112x128xf32, #tpu.memory_space<vmem_shared>>)
      } else {
      }
      %add3A_415 = arith.constant 2 : i32
      %add3A_416 = arith.addi %add3A_410, %add3A_415 : i32
      %lt3A = arith.constant 90 : i32
      %lt3A_417 = arith.cmpi slt, %add3A_416, %lt3A : i32
      %convert_element_type3A_418 = arith.extui %lt3A_417 : i1 to i32
      %cond3A_419 = arith.constant 0 : i32
      %cond3A_420 = arith.cmpi ne, %convert_element_type3A_418, %cond3A_419 : i32
      scf.if %cond3A_420 {
        %dma_wait3A_534 = arith.constant 0 : i32
        %dma_wait3A_535 = tpu.memref_slice %arg3[%dma_wait3A_534] : memref<322560xi32, #tpu.memory_space<hbm>> -> memref<112xi32, #tpu.memory_space<hbm>>
        %dma_wait3A_536 = arith.constant 0 : i32
        %dma_wait3A_537 = tpu.memref_slice %arg3[%dma_wait3A_536] : memref<322560xi32, #tpu.memory_space<hbm>> -> memref<112xi32, #tpu.memory_space<hbm>>
        tpu.wait_dma2 semaphore(%arg22 : memref<!tpu.dma_semaphore, #tpu.memory_space<semaphore_mem>>) src(%dma_wait3A_537 : memref<112xi32, #tpu.memory_space<hbm>>) dst(%arg9 : memref<112xi32, #tpu.memory_space<vmem>>)
        %dma_start3A_538 = arith.constant 0 : i32
        %dma_start3A_539 = arith.constant 0 : i32
        %dma_start3A_540 = tpu.memref_slice %arg2[%dma_start3A_538, %dma_start3A_539] : memref<10000x128xf32, #tpu.memory_space<hbm>> -> memref<10000x128xf32, #tpu.memory_space<hbm>>
        tpu.enqueue_indirect_dma source(%dma_start3A_540 : memref<10000x128xf32, #tpu.memory_space<hbm>>) target(%arg15 : memref<112x128xf32, #tpu.memory_space<vmem>>) offsets(%arg9 : memref<112xi32, #tpu.memory_space<vmem>>) semaphore(%arg19 : memref<!tpu.dma_semaphore, #tpu.memory_space<semaphore_mem>>)
      } else {
      }
      %add3A_421 = arith.constant 1 : i32
      %add3A_422 = arith.addi %add3A_410, %add3A_421 : i32
      %lt3A_423 = arith.constant 90 : i32
      %lt3A_424 = arith.cmpi slt, %add3A_422, %lt3A_423 : i32
      %convert_element_type3A_425 = arith.extui %lt3A_424 : i1 to i32
      %cond3A_426 = arith.constant 0 : i32
      %cond3A_427 = arith.cmpi ne, %convert_element_type3A_425, %cond3A_426 : i32
      scf.if %cond3A_427 {
        %add3A_534 = arith.constant 1 : i32
        %add3A_535 = arith.addi %add3A_410, %add3A_534 : i32
        %mul3A_536 = arith.constant 112 : i32
        %mul3A_537 = arith.muli %add3A_535, %mul3A_536 : i32
        %add3A_538 = arith.addi %multiple_of3A_5, %mul3A_537 : i32
        %multiple_of3A_539 = tpu.assume_multiple %add3A_538, 8 : i32
        %dma_start3A_540 = tpu.memref_slice %arg4[%multiple_of3A_539] : memref<322560xi32, #tpu.memory_space<hbm>> -> memref<112xi32, #tpu.memory_space<hbm>>
        %dma_start3A_541 = tpu.memref_slice %arg4[%multiple_of3A_539] : memref<322560xi32, #tpu.memory_space<hbm>> -> memref<112xi32, #tpu.memory_space<hbm>>
        tpu.enqueue_dma source(%dma_start3A_541 : memref<112xi32, #tpu.memory_space<hbm>>) target(%arg11 : memref<112xi32, #tpu.memory_space<vmem>>) target_semaphore(%arg24 : memref<!tpu.dma_semaphore, #tpu.memory_space<semaphore_mem>>)
      } else {
      }
      %dma_wait3A_428 = arith.constant 0 : i32
      %dma_wait3A_429 = arith.constant 0 : i32
      %dma_wait3A_430 = tpu.memref_slice %arg2[%dma_wait3A_428, %dma_wait3A_429] : memref<10000x128xf32, #tpu.memory_space<hbm>> -> memref<112x128xf32, #tpu.memory_space<hbm>>
      %dma_wait3A_431 = arith.constant 0 : i32
      %dma_wait3A_432 = arith.constant 0 : i32
      %dma_wait3A_433 = tpu.memref_slice %arg2[%dma_wait3A_431, %dma_wait3A_432] : memref<10000x128xf32, #tpu.memory_space<hbm>> -> memref<112x128xf32, #tpu.memory_space<hbm>>
      tpu.wait_dma2 semaphore(%arg17 : memref<!tpu.dma_semaphore, #tpu.memory_space<semaphore_mem>>) src(%dma_wait3A_433 : memref<112x128xf32, #tpu.memory_space<hbm>>) dst(%arg13 : memref<112x128xf32, #tpu.memory_space<vmem>>)
      %add3A_434 = arith.constant 3 : i32
      %add3A_435 = arith.addi %add3A_410, %add3A_434 : i32
      %lt3A_436 = arith.constant 90 : i32
      %lt3A_437 = arith.cmpi slt, %add3A_435, %lt3A_436 : i32
      %convert_element_type3A_438 = arith.extui %lt3A_437 : i1 to i32
      %cond3A_439 = arith.constant 0 : i32
      %cond3A_440 = arith.cmpi ne, %convert_element_type3A_438, %cond3A_439 : i32
      scf.if %cond3A_440 {
        %add3A_534 = arith.constant 3 : i32
        %add3A_535 = arith.addi %add3A_410, %add3A_534 : i32
        %mul3A_536 = arith.constant 112 : i32
        %mul3A_537 = arith.muli %add3A_535, %mul3A_536 : i32
        %add3A_538 = arith.addi %multiple_of3A_5, %mul3A_537 : i32
        %multiple_of3A_539 = tpu.assume_multiple %add3A_538, 8 : i32
        %dma_start3A_540 = tpu.memref_slice %arg3[%multiple_of3A_539] : memref<322560xi32, #tpu.memory_space<hbm>> -> memref<112xi32, #tpu.memory_space<hbm>>
        %dma_start3A_541 = tpu.memref_slice %arg3[%multiple_of3A_539] : memref<322560xi32, #tpu.memory_space<hbm>> -> memref<112xi32, #tpu.memory_space<hbm>>
        tpu.enqueue_dma source(%dma_start3A_541 : memref<112xi32, #tpu.memory_space<hbm>>) target(%arg7 : memref<112xi32, #tpu.memory_space<vmem>>) target_semaphore(%arg20 : memref<!tpu.dma_semaphore, #tpu.memory_space<semaphore_mem>>)
      } else {
      }
      %dma_wait3A_441 = arith.constant 0 : i32
      %dma_wait3A_442 = tpu.memref_slice %arg4[%dma_wait3A_441] : memref<322560xi32, #tpu.memory_space<hbm>> -> memref<112xi32, #tpu.memory_space<hbm>>
      %dma_wait3A_443 = arith.constant 0 : i32
      %dma_wait3A_444 = tpu.memref_slice %arg4[%dma_wait3A_443] : memref<322560xi32, #tpu.memory_space<hbm>> -> memref<112xi32, #tpu.memory_space<hbm>>
      tpu.wait_dma2 semaphore(%arg23 : memref<!tpu.dma_semaphore, #tpu.memory_space<semaphore_mem>>) src(%dma_wait3A_444 : memref<112xi32, #tpu.memory_space<hbm>>) dst(%arg10 : memref<112xi32, #tpu.memory_space<vmem>>)
      %dma_start3A_445 = arith.constant 0 : i32
      %dma_start3A_446 = arith.constant 0 : i32
      %dma_start3A_447 = tpu.memref_slice %arg6[%dma_start3A_445, %dma_start3A_446] : memref<10008x128xf32, #tpu.memory_space<vmem_shared>> -> memref<10008x128xf32, #tpu.memory_space<vmem_shared>>
      tpu.enqueue_indirect_dma source(%arg13 : memref<112x128xf32, #tpu.memory_space<vmem>>) target(%dma_start3A_447 : memref<10008x128xf32, #tpu.memory_space<vmem_shared>>) offsets(%arg10 : memref<112xi32, #tpu.memory_space<vmem>>) semaphore(%arg26 : memref<!tpu.dma_semaphore, #tpu.memory_space<semaphore_mem>>) {add = true}
      %mul3A_448 = arith.constant 3 : i32
      %mul3A_449 = arith.muli %scan3A_406, %mul3A_448 : i32
      %add3A_450 = arith.constant 1 : i32
      %add3A_451 = arith.addi %mul3A_449, %add3A_450 : i32
      %gt3A_452 = arith.constant 0 : i32
      %gt3A_453 = arith.cmpi sgt, %add3A_451, %gt3A_452 : i32
      %convert_element_type3A_454 = arith.extui %gt3A_453 : i1 to i32
      %cond3A_455 = arith.constant 0 : i32
      %cond3A_456 = arith.cmpi ne, %convert_element_type3A_454, %cond3A_455 : i32
      scf.if %cond3A_456 {
        %dma_wait3A_534 = arith.constant 0 : i32
        %dma_wait3A_535 = arith.constant 0 : i32
        %dma_wait3A_536 = tpu.memref_slice %arg6[%dma_wait3A_534, %dma_wait3A_535] : memref<10008x128xf32, #tpu.memory_space<vmem_shared>> -> memref<112x128xf32, #tpu.memory_space<vmem_shared>>
        %dma_wait3A_537 = arith.constant 0 : i32
        %dma_wait3A_538 = arith.constant 0 : i32
        %dma_wait3A_539 = tpu.memref_slice %arg6[%dma_wait3A_537, %dma_wait3A_538] : memref<10008x128xf32, #tpu.memory_space<vmem_shared>> -> memref<112x128xf32, #tpu.memory_space<vmem_shared>>
        tpu.wait_dma2 semaphore(%arg26 : memref<!tpu.dma_semaphore, #tpu.memory_space<semaphore_mem>>) src(%arg13 : memref<112x128xf32, #tpu.memory_space<vmem>>) dst(%dma_wait3A_539 : memref<112x128xf32, #tpu.memory_space<vmem_shared>>)
      } else {
      }
      %add3A_457 = arith.constant 2 : i32
      %add3A_458 = arith.addi %add3A_451, %add3A_457 : i32
      %lt3A_459 = arith.constant 90 : i32
      %lt3A_460 = arith.cmpi slt, %add3A_458, %lt3A_459 : i32
      %convert_element_type3A_461 = arith.extui %lt3A_460 : i1 to i32
      %cond3A_462 = arith.constant 0 : i32
      %cond3A_463 = arith.cmpi ne, %convert_element_type3A_461, %cond3A_462 : i32
      scf.if %cond3A_463 {
        %dma_wait3A_534 = arith.constant 0 : i32
        %dma_wait3A_535 = tpu.memref_slice %arg3[%dma_wait3A_534] : memref<322560xi32, #tpu.memory_space<hbm>> -> memref<112xi32, #tpu.memory_space<hbm>>
        %dma_wait3A_536 = arith.constant 0 : i32
        %dma_wait3A_537 = tpu.memref_slice %arg3[%dma_wait3A_536] : memref<322560xi32, #tpu.memory_space<hbm>> -> memref<112xi32, #tpu.memory_space<hbm>>
        tpu.wait_dma2 semaphore(%arg20 : memref<!tpu.dma_semaphore, #tpu.memory_space<semaphore_mem>>) src(%dma_wait3A_537 : memref<112xi32, #tpu.memory_space<hbm>>) dst(%arg7 : memref<112xi32, #tpu.memory_space<vmem>>)
        %dma_start3A_538 = arith.constant 0 : i32
        %dma_start3A_539 = arith.constant 0 : i32
        %dma_start3A_540 = tpu.memref_slice %arg2[%dma_start3A_538, %dma_start3A_539] : memref<10000x128xf32, #tpu.memory_space<hbm>> -> memref<10000x128xf32, #tpu.memory_space<hbm>>
        tpu.enqueue_indirect_dma source(%dma_start3A_540 : memref<10000x128xf32, #tpu.memory_space<hbm>>) target(%arg13 : memref<112x128xf32, #tpu.memory_space<vmem>>) offsets(%arg7 : memref<112xi32, #tpu.memory_space<vmem>>) semaphore(%arg17 : memref<!tpu.dma_semaphore, #tpu.memory_space<semaphore_mem>>)
      } else {
      }
      %add3A_464 = arith.constant 1 : i32
      %add3A_465 = arith.addi %add3A_451, %add3A_464 : i32
      %lt3A_466 = arith.constant 90 : i32
      %lt3A_467 = arith.cmpi slt, %add3A_465, %lt3A_466 : i32
      %convert_element_type3A_468 = arith.extui %lt3A_467 : i1 to i32
      %cond3A_469 = arith.constant 0 : i32
      %cond3A_470 = arith.cmpi ne, %convert_element_type3A_468, %cond3A_469 : i32
      scf.if %cond3A_470 {
        %add3A_534 = arith.constant 1 : i32
        %add3A_535 = arith.addi %add3A_451, %add3A_534 : i32
        %mul3A_536 = arith.constant 112 : i32
        %mul3A_537 = arith.muli %add3A_535, %mul3A_536 : i32
        %add3A_538 = arith.addi %multiple_of3A_5, %mul3A_537 : i32
        %multiple_of3A_539 = tpu.assume_multiple %add3A_538, 8 : i32
        %dma_start3A_540 = tpu.memref_slice %arg4[%multiple_of3A_539] : memref<322560xi32, #tpu.memory_space<hbm>> -> memref<112xi32, #tpu.memory_space<hbm>>
        %dma_start3A_541 = tpu.memref_slice %arg4[%multiple_of3A_539] : memref<322560xi32, #tpu.memory_space<hbm>> -> memref<112xi32, #tpu.memory_space<hbm>>
        tpu.enqueue_dma source(%dma_start3A_541 : memref<112xi32, #tpu.memory_space<hbm>>) target(%arg12 : memref<112xi32, #tpu.memory_space<vmem>>) target_semaphore(%arg25 : memref<!tpu.dma_semaphore, #tpu.memory_space<semaphore_mem>>)
      } else {
      }
      %dma_wait3A_471 = arith.constant 0 : i32
      %dma_wait3A_472 = arith.constant 0 : i32
      %dma_wait3A_473 = tpu.memref_slice %arg2[%dma_wait3A_471, %dma_wait3A_472] : memref<10000x128xf32, #tpu.memory_space<hbm>> -> memref<112x128xf32, #tpu.memory_space<hbm>>
      %dma_wait3A_474 = arith.constant 0 : i32
      %dma_wait3A_475 = arith.constant 0 : i32
      %dma_wait3A_476 = tpu.memref_slice %arg2[%dma_wait3A_474, %dma_wait3A_475] : memref<10000x128xf32, #tpu.memory_space<hbm>> -> memref<112x128xf32, #tpu.memory_space<hbm>>
      tpu.wait_dma2 semaphore(%arg18 : memref<!tpu.dma_semaphore, #tpu.memory_space<semaphore_mem>>) src(%dma_wait3A_476 : memref<112x128xf32, #tpu.memory_space<hbm>>) dst(%arg14 : memref<112x128xf32, #tpu.memory_space<vmem>>)
      %add3A_477 = arith.constant 3 : i32
      %add3A_478 = arith.addi %add3A_451, %add3A_477 : i32
      %lt3A_479 = arith.constant 90 : i32
      %lt3A_480 = arith.cmpi slt, %add3A_478, %lt3A_479 : i32
      %convert_element_type3A_481 = arith.extui %lt3A_480 : i1 to i32
      %cond3A_482 = arith.constant 0 : i32
      %cond3A_483 = arith.cmpi ne, %convert_element_type3A_481, %cond3A_482 : i32
      scf.if %cond3A_483 {
        %add3A_534 = arith.constant 3 : i32
        %add3A_535 = arith.addi %add3A_451, %add3A_534 : i32
        %mul3A_536 = arith.constant 112 : i32
        %mul3A_537 = arith.muli %add3A_535, %mul3A_536 : i32
        %add3A_538 = arith.addi %multiple_of3A_5, %mul3A_537 : i32
        %multiple_of3A_539 = tpu.assume_multiple %add3A_538, 8 : i32
        %dma_start3A_540 = tpu.memref_slice %arg3[%multiple_of3A_539] : memref<322560xi32, #tpu.memory_space<hbm>> -> memref<112xi32, #tpu.memory_space<hbm>>
        %dma_start3A_541 = tpu.memref_slice %arg3[%multiple_of3A_539] : memref<322560xi32, #tpu.memory_space<hbm>> -> memref<112xi32, #tpu.memory_space<hbm>>
        tpu.enqueue_dma source(%dma_start3A_541 : memref<112xi32, #tpu.memory_space<hbm>>) target(%arg8 : memref<112xi32, #tpu.memory_space<vmem>>) target_semaphore(%arg21 : memref<!tpu.dma_semaphore, #tpu.memory_space<semaphore_mem>>)
      } else {
      }
      %dma_wait3A_484 = arith.constant 0 : i32
      %dma_wait3A_485 = tpu.memref_slice %arg4[%dma_wait3A_484] : memref<322560xi32, #tpu.memory_space<hbm>> -> memref<112xi32, #tpu.memory_space<hbm>>
      %dma_wait3A_486 = arith.constant 0 : i32
      %dma_wait3A_487 = tpu.memref_slice %arg4[%dma_wait3A_486] : memref<322560xi32, #tpu.memory_space<hbm>> -> memref<112xi32, #tpu.memory_space<hbm>>
      tpu.wait_dma2 semaphore(%arg24 : memref<!tpu.dma_semaphore, #tpu.memory_space<semaphore_mem>>) src(%dma_wait3A_487 : memref<112xi32, #tpu.memory_space<hbm>>) dst(%arg11 : memref<112xi32, #tpu.memory_space<vmem>>)
      %dma_start3A_488 = arith.constant 0 : i32
      %dma_start3A_489 = arith.constant 0 : i32
      %dma_start3A_490 = tpu.memref_slice %arg6[%dma_start3A_488, %dma_start3A_489] : memref<10008x128xf32, #tpu.memory_space<vmem_shared>> -> memref<10008x128xf32, #tpu.memory_space<vmem_shared>>
      tpu.enqueue_indirect_dma source(%arg14 : memref<112x128xf32, #tpu.memory_space<vmem>>) target(%dma_start3A_490 : memref<10008x128xf32, #tpu.memory_space<vmem_shared>>) offsets(%arg11 : memref<112xi32, #tpu.memory_space<vmem>>) semaphore(%arg27 : memref<!tpu.dma_semaphore, #tpu.memory_space<semaphore_mem>>) {add = true}
      %mul3A_491 = arith.constant 3 : i32
      %mul3A_492 = arith.muli %scan3A_406, %mul3A_491 : i32
      %add3A_493 = arith.constant 2 : i32
      %add3A_494 = arith.addi %mul3A_492, %add3A_493 : i32
      %gt3A_495 = arith.constant 0 : i32
      %gt3A_496 = arith.cmpi sgt, %add3A_494, %gt3A_495 : i32
      %convert_element_type3A_497 = arith.extui %gt3A_496 : i1 to i32
      %cond3A_498 = arith.constant 0 : i32
      %cond3A_499 = arith.cmpi ne, %convert_element_type3A_497, %cond3A_498 : i32
      scf.if %cond3A_499 {
        %dma_wait3A_534 = arith.constant 0 : i32
        %dma_wait3A_535 = arith.constant 0 : i32
        %dma_wait3A_536 = tpu.memref_slice %arg6[%dma_wait3A_534, %dma_wait3A_535] : memref<10008x128xf32, #tpu.memory_space<vmem_shared>> -> memref<112x128xf32, #tpu.memory_space<vmem_shared>>
        %dma_wait3A_537 = arith.constant 0 : i32
        %dma_wait3A_538 = arith.constant 0 : i32
        %dma_wait3A_539 = tpu.memref_slice %arg6[%dma_wait3A_537, %dma_wait3A_538] : memref<10008x128xf32, #tpu.memory_space<vmem_shared>> -> memref<112x128xf32, #tpu.memory_space<vmem_shared>>
        tpu.wait_dma2 semaphore(%arg27 : memref<!tpu.dma_semaphore, #tpu.memory_space<semaphore_mem>>) src(%arg14 : memref<112x128xf32, #tpu.memory_space<vmem>>) dst(%dma_wait3A_539 : memref<112x128xf32, #tpu.memory_space<vmem_shared>>)
      } else {
      }
      %add3A_500 = arith.constant 2 : i32
      %add3A_501 = arith.addi %add3A_494, %add3A_500 : i32
      %lt3A_502 = arith.constant 90 : i32
      %lt3A_503 = arith.cmpi slt, %add3A_501, %lt3A_502 : i32
      %convert_element_type3A_504 = arith.extui %lt3A_503 : i1 to i32
      %cond3A_505 = arith.constant 0 : i32
      %cond3A_506 = arith.cmpi ne, %convert_element_type3A_504, %cond3A_505 : i32
      scf.if %cond3A_506 {
        %dma_wait3A_534 = arith.constant 0 : i32
        %dma_wait3A_535 = tpu.memref_slice %arg3[%dma_wait3A_534] : memref<322560xi32, #tpu.memory_space<hbm>> -> memref<112xi32, #tpu.memory_space<hbm>>
        %dma_wait3A_536 = arith.constant 0 : i32
        %dma_wait3A_537 = tpu.memref_slice %arg3[%dma_wait3A_536] : memref<322560xi32, #tpu.memory_space<hbm>> -> memref<112xi32, #tpu.memory_space<hbm>>
        tpu.wait_dma2 semaphore(%arg21 : memref<!tpu.dma_semaphore, #tpu.memory_space<semaphore_mem>>) src(%dma_wait3A_537 : memref<112xi32, #tpu.memory_space<hbm>>) dst(%arg8 : memref<112xi32, #tpu.memory_space<vmem>>)
        %dma_start3A_538 = arith.constant 0 : i32
        %dma_start3A_539 = arith.constant 0 : i32
        %dma_start3A_540 = tpu.memref_slice %arg2[%dma_start3A_538, %dma_start3A_539] : memref<10000x128xf32, #tpu.memory_space<hbm>> -> memref<10000x128xf32, #tpu.memory_space<hbm>>
        tpu.enqueue_indirect_dma source(%dma_start3A_540 : memref<10000x128xf32, #tpu.memory_space<hbm>>) target(%arg14 : memref<112x128xf32, #tpu.memory_space<vmem>>) offsets(%arg8 : memref<112xi32, #tpu.memory_space<vmem>>) semaphore(%arg18 : memref<!tpu.dma_semaphore, #tpu.memory_space<semaphore_mem>>)
      } else {
      }
      %add3A_507 = arith.constant 1 : i32
      %add3A_508 = arith.addi %add3A_494, %add3A_507 : i32
      %lt3A_509 = arith.constant 90 : i32
      %lt3A_510 = arith.cmpi slt, %add3A_508, %lt3A_509 : i32
      %convert_element_type3A_511 = arith.extui %lt3A_510 : i1 to i32
      %cond3A_512 = arith.constant 0 : i32
      %cond3A_513 = arith.cmpi ne, %convert_element_type3A_511, %cond3A_512 : i32
      scf.if %cond3A_513 {
        %add3A_534 = arith.constant 1 : i32
        %add3A_535 = arith.addi %add3A_494, %add3A_534 : i32
        %mul3A_536 = arith.constant 112 : i32
        %mul3A_537 = arith.muli %add3A_535, %mul3A_536 : i32
        %add3A_538 = arith.addi %multiple_of3A_5, %mul3A_537 : i32
        %multiple_of3A_539 = tpu.assume_multiple %add3A_538, 8 : i32
        %dma_start3A_540 = tpu.memref_slice %arg4[%multiple_of3A_539] : memref<322560xi32, #tpu.memory_space<hbm>> -> memref<112xi32, #tpu.memory_space<hbm>>
        %dma_start3A_541 = tpu.memref_slice %arg4[%multiple_of3A_539] : memref<322560xi32, #tpu.memory_space<hbm>> -> memref<112xi32, #tpu.memory_space<hbm>>
        tpu.enqueue_dma source(%dma_start3A_541 : memref<112xi32, #tpu.memory_space<hbm>>) target(%arg10 : memref<112xi32, #tpu.memory_space<vmem>>) target_semaphore(%arg23 : memref<!tpu.dma_semaphore, #tpu.memory_space<semaphore_mem>>)
      } else {
      }
      %dma_wait3A_514 = arith.constant 0 : i32
      %dma_wait3A_515 = arith.constant 0 : i32
      %dma_wait3A_516 = tpu.memref_slice %arg2[%dma_wait3A_514, %dma_wait3A_515] : memref<10000x128xf32, #tpu.memory_space<hbm>> -> memref<112x128xf32, #tpu.memory_space<hbm>>
      %dma_wait3A_517 = arith.constant 0 : i32
      %dma_wait3A_518 = arith.constant 0 : i32
      %dma_wait3A_519 = tpu.memref_slice %arg2[%dma_wait3A_517, %dma_wait3A_518] : memref<10000x128xf32, #tpu.memory_space<hbm>> -> memref<112x128xf32, #tpu.memory_space<hbm>>
      tpu.wait_dma2 semaphore(%arg19 : memref<!tpu.dma_semaphore, #tpu.memory_space<semaphore_mem>>) src(%dma_wait3A_519 : memref<112x128xf32, #tpu.memory_space<hbm>>) dst(%arg15 : memref<112x128xf32, #tpu.memory_space<vmem>>)
      %add3A_520 = arith.constant 3 : i32
      %add3A_521 = arith.addi %add3A_494, %add3A_520 : i32
      %lt3A_522 = arith.constant 90 : i32
      %lt3A_523 = arith.cmpi slt, %add3A_521, %lt3A_522 : i32
      %convert_element_type3A_524 = arith.extui %lt3A_523 : i1 to i32
      %cond3A_525 = arith.constant 0 : i32
      %cond3A_526 = arith.cmpi ne, %convert_element_type3A_524, %cond3A_525 : i32
      scf.if %cond3A_526 {
        %add3A_534 = arith.constant 3 : i32
        %add3A_535 = arith.addi %add3A_494, %add3A_534 : i32
        %mul3A_536 = arith.constant 112 : i32
        %mul3A_537 = arith.muli %add3A_535, %mul3A_536 : i32
        %add3A_538 = arith.addi %multiple_of3A_5, %mul3A_537 : i32
        %multiple_of3A_539 = tpu.assume_multiple %add3A_538, 8 : i32
        %dma_start3A_540 = tpu.memref_slice %arg3[%multiple_of3A_539] : memref<322560xi32, #tpu.memory_space<hbm>> -> memref<112xi32, #tpu.memory_space<hbm>>
        %dma_start3A_541 = tpu.memref_slice %arg3[%multiple_of3A_539] : memref<322560xi32, #tpu.memory_space<hbm>> -> memref<112xi32, #tpu.memory_space<hbm>>
        tpu.enqueue_dma source(%dma_start3A_541 : memref<112xi32, #tpu.memory_space<hbm>>) target(%arg9 : memref<112xi32, #tpu.memory_space<vmem>>) target_semaphore(%arg22 : memref<!tpu.dma_semaphore, #tpu.memory_space<semaphore_mem>>)
      } else {
      }
      %dma_wait3A_527 = arith.constant 0 : i32
      %dma_wait3A_528 = tpu.memref_slice %arg4[%dma_wait3A_527] : memref<322560xi32, #tpu.memory_space<hbm>> -> memref<112xi32, #tpu.memory_space<hbm>>
      %dma_wait3A_529 = arith.constant 0 : i32
      %dma_wait3A_530 = tpu.memref_slice %arg4[%dma_wait3A_529] : memref<322560xi32, #tpu.memory_space<hbm>> -> memref<112xi32, #tpu.memory_space<hbm>>
      tpu.wait_dma2 semaphore(%arg25 : memref<!tpu.dma_semaphore, #tpu.memory_space<semaphore_mem>>) src(%dma_wait3A_530 : memref<112xi32, #tpu.memory_space<hbm>>) dst(%arg12 : memref<112xi32, #tpu.memory_space<vmem>>)
      %dma_start3A_531 = arith.constant 0 : i32
      %dma_start3A_532 = arith.constant 0 : i32
      %dma_start3A_533 = tpu.memref_slice %arg6[%dma_start3A_531, %dma_start3A_532] : memref<10008x128xf32, #tpu.memory_space<vmem_shared>> -> memref<10008x128xf32, #tpu.memory_space<vmem_shared>>
      tpu.enqueue_indirect_dma source(%arg15 : memref<112x128xf32, #tpu.memory_space<vmem>>) target(%dma_start3A_533 : memref<10008x128xf32, #tpu.memory_space<vmem_shared>>) offsets(%arg12 : memref<112xi32, #tpu.memory_space<vmem>>) semaphore(%arg28 : memref<!tpu.dma_semaphore, #tpu.memory_space<semaphore_mem>>) {add = true}
    }
    %scan3A_393 = arith.constant 30 : i32
    %dma_wait3A_394 = arith.constant 0 : i32
    %dma_wait3A_395 = arith.constant 0 : i32
    %dma_wait3A_396 = tpu.memref_slice %arg6[%dma_wait3A_394, %dma_wait3A_395] : memref<10008x128xf32, #tpu.memory_space<vmem_shared>> -> memref<112x128xf32, #tpu.memory_space<vmem_shared>>
    %dma_wait3A_397 = arith.constant 0 : i32
    %dma_wait3A_398 = arith.constant 0 : i32
    %dma_wait3A_399 = tpu.memref_slice %arg6[%dma_wait3A_397, %dma_wait3A_398] : memref<10008x128xf32, #tpu.memory_space<vmem_shared>> -> memref<112x128xf32, #tpu.memory_space<vmem_shared>>
    tpu.wait_dma2 semaphore(%arg28 : memref<!tpu.dma_semaphore, #tpu.memory_space<semaphore_mem>>) src(%arg15 : memref<112x128xf32, #tpu.memory_space<vmem>>) dst(%dma_wait3A_399 : memref<112x128xf32, #tpu.memory_space<vmem_shared>>)
    %barrier3A_400 = arith.constant 0 : index
    tpu.barrier barrier_id(%barrier3A_400)
    "tpu.region"() ({
      %run_scoped3A = tpu.sem_alloc : memref<!tpu.dma_semaphore, #tpu.memory_space<semaphore_mem>>
      %dma_start3A_406 = arith.constant 0 : i32
      %dma_start3A_407 = tpu.memref_slice %arg5[%arg0, %multiple_of3A, %dma_start3A_406] : memref<2x10000x128xf32, #tpu.memory_space<hbm>> -> memref<1x624x128xf32, #tpu.memory_space<hbm>>
      %dma_start3A_408 = tpu.memref_squeeze %dma_start3A_407 : memref<1x624x128xf32, #tpu.memory_space<hbm>> -> memref<624x128xf32, #tpu.memory_space<hbm>>
      %dma_start3A_409 = arith.constant 0 : i32
      %dma_start3A_410 = tpu.memref_slice %arg6[%multiple_of3A, %dma_start3A_409] : memref<10008x128xf32, #tpu.memory_space<vmem_shared>> -> memref<624x128xf32, #tpu.memory_space<vmem_shared>>
      tpu.enqueue_dma source(%dma_start3A_410 : memref<624x128xf32, #tpu.memory_space<vmem_shared>>) target(%dma_start3A_408 : memref<624x128xf32, #tpu.memory_space<hbm>>) target_semaphore(%run_scoped3A : memref<!tpu.dma_semaphore, #tpu.memory_space<semaphore_mem>>)
      %dma_wait3A_411 = arith.constant 0 : i32
      %dma_wait3A_412 = tpu.memref_slice %arg5[%arg0, %multiple_of3A, %dma_wait3A_411] : memref<2x10000x128xf32, #tpu.memory_space<hbm>> -> memref<1x624x128xf32, #tpu.memory_space<hbm>>
      %dma_wait3A_413 = tpu.memref_squeeze %dma_wait3A_412 : memref<1x624x128xf32, #tpu.memory_space<hbm>> -> memref<624x128xf32, #tpu.memory_space<hbm>>
      %dma_wait3A_414 = arith.constant 0 : i32
      %dma_wait3A_415 = tpu.memref_slice %arg6[%multiple_of3A, %dma_wait3A_414] : memref<10008x128xf32, #tpu.memory_space<vmem_shared>> -> memref<624x128xf32, #tpu.memory_space<vmem_shared>>
      tpu.wait_dma2 semaphore(%run_scoped3A : memref<!tpu.dma_semaphore, #tpu.memory_space<semaphore_mem>>) src(%dma_wait3A_415 : memref<624x128xf32, #tpu.memory_space<vmem_shared>>) dst(%dma_wait3A_413 : memref<624x128xf32, #tpu.memory_space<hbm>>)
      tpu.yield
    }) : () -> ()
    %eq3A_401 = arith.constant 15 : i32
    %eq3A_402 = arith.cmpi eq, %arg1, %eq3A_401 : i32
    %convert_element_type3A_403 = arith.extui %eq3A_402 : i1 to i32
    %cond3A_404 = arith.constant 0 : i32
    %cond3A_405 = arith.cmpi ne, %convert_element_type3A_403, %cond3A_404 : i32
    scf.if %cond3A_405 {
      "tpu.region"() ({
        %run_scoped3A = tpu.sem_alloc : memref<!tpu.dma_semaphore, #tpu.memory_space<semaphore_mem>>
        %dma_start3A_406 = arith.constant 9984 : i32
        %dma_start3A_407 = arith.constant 0 : i32
        %dma_start3A_408 = tpu.memref_slice %arg5[%arg0, %dma_start3A_406, %dma_start3A_407] : memref<2x10000x128xf32, #tpu.memory_space<hbm>> -> memref<1x16x128xf32, #tpu.memory_space<hbm>>
        %dma_start3A_409 = tpu.memref_squeeze %dma_start3A_408 : memref<1x16x128xf32, #tpu.memory_space<hbm>> -> memref<16x128xf32, #tpu.memory_space<hbm>>
        %dma_start3A_410 = arith.constant 9984 : i32
        %dma_start3A_411 = arith.constant 0 : i32
        %dma_start3A_412 = tpu.memref_slice %arg6[%dma_start3A_410, %dma_start3A_411] : memref<10008x128xf32, #tpu.memory_space<vmem_shared>> -> memref<16x128xf32, #tpu.memory_space<vmem_shared>>
        tpu.enqueue_dma source(%dma_start3A_412 : memref<16x128xf32, #tpu.memory_space<vmem_shared>>) target(%dma_start3A_409 : memref<16x128xf32, #tpu.memory_space<hbm>>) target_semaphore(%run_scoped3A : memref<!tpu.dma_semaphore, #tpu.memory_space<semaphore_mem>>)
        %dma_wait3A_413 = arith.constant 9984 : i32
        %dma_wait3A_414 = arith.constant 0 : i32
        %dma_wait3A_415 = tpu.memref_slice %arg5[%arg0, %dma_wait3A_413, %dma_wait3A_414] : memref<2x10000x128xf32, #tpu.memory_space<hbm>> -> memref<1x16x128xf32, #tpu.memory_space<hbm>>
        %dma_wait3A_416 = tpu.memref_squeeze %dma_wait3A_415 : memref<1x16x128xf32, #tpu.memory_space<hbm>> -> memref<16x128xf32, #tpu.memory_space<hbm>>
        %dma_wait3A_417 = arith.constant 9984 : i32
        %dma_wait3A_418 = arith.constant 0 : i32
        %dma_wait3A_419 = tpu.memref_slice %arg6[%dma_wait3A_417, %dma_wait3A_418] : memref<10008x128xf32, #tpu.memory_space<vmem_shared>> -> memref<16x128xf32, #tpu.memory_space<vmem_shared>>
        tpu.wait_dma2 semaphore(%run_scoped3A : memref<!tpu.dma_semaphore, #tpu.memory_space<semaphore_mem>>) src(%dma_wait3A_419 : memref<16x128xf32, #tpu.memory_space<vmem_shared>>) dst(%dma_wait3A_416 : memref<16x128xf32, #tpu.memory_space<hbm>>)
        tpu.yield
      }) : () -> ()
    } else {
    }
    return
  }
}

module attributes {stable_mosaic.version = 14 : i64} {
  func.func @body(%arg0: i32, %arg1: memref<1000x128xf32, #tpu.memory_space<vmem>>, %arg2: memref<2x1000x128xf32, #tpu.memory_space<vmem>>, %arg3: memref<2x1000x1xf32, #tpu.memory_space<vmem>>, %arg4: memref<128x128xf32, #tpu.memory_space<vmem>>, %arg5: memref<128x128xf32, #tpu.memory_space<vmem>>, %arg6: memref<1x128xf32, #tpu.memory_space<vmem>>, %arg7: memref<1000x128xf32, #tpu.memory_space<vmem>>) attributes {dimension_semantics = [#tpu.dimension_semantics<arbitrary>], iteration_bounds = array<i64: 10>, scalar_prefetch = 0 : i64, scratch_operands = 0 : i64, tpu.core_type = #tpu.core_type<tc>, window_params = [{transform_indices = @transform_0, window_bounds = array<i64: 1000, 128>}, {transform_indices = @transform_1, window_bounds = array<i64: 2, 1000, 128>}, {transform_indices = @transform_2, window_bounds = array<i64: 2, 1000, 1>}, {pipeline_mode = #tpu.pipeline_mode<synchronous>, transform_indices = @transform_3, window_bounds = array<i64: 128, 128>}, {pipeline_mode = #tpu.pipeline_mode<synchronous>, transform_indices = @transform_4, window_bounds = array<i64: 128, 128>}, {pipeline_mode = #tpu.pipeline_mode<synchronous>, transform_indices = @transform_5, window_bounds = array<i64: 1, 128>}, {transform_indices = @transform_6, window_bounds = array<i64: 1000, 128>}]} {
    %get3A = arith.constant 0 : index
    %get3A_0 = arith.constant 0 : index
    %get3A_1 = arith.constant 0 : index
    %get3A_2 = vector.load %arg2[%get3A, %get3A_0, %get3A_1] : memref<2x1000x128xf32, #tpu.memory_space<vmem>>, vector<1x1000x128xf32>
    %get3A_3 = vector.shape_cast %get3A_2 : vector<1x1000x128xf32> to vector<1000x128xf32>
    %get3A_4 = arith.constant 1 : index
    %get3A_5 = arith.constant 0 : index
    %get3A_6 = arith.constant 0 : index
    %get3A_7 = vector.load %arg2[%get3A_4, %get3A_5, %get3A_6] : memref<2x1000x128xf32, #tpu.memory_space<vmem>>, vector<1x1000x128xf32>
    %get3A_8 = vector.shape_cast %get3A_7 : vector<1x1000x128xf32> to vector<1000x128xf32>
    %add3A = arith.addf %get3A_3, %get3A_8 : vector<1000x128xf32>
    %get3A_9 = arith.constant 0 : index
    %get3A_10 = arith.constant 0 : index
    %get3A_11 = arith.constant 0 : index
    %get3A_12 = vector.load %arg3[%get3A_9, %get3A_10, %get3A_11] : memref<2x1000x1xf32, #tpu.memory_space<vmem>>, vector<1x1000x1xf32>
    %get3A_13 = vector.shape_cast %get3A_12 : vector<1x1000x1xf32> to vector<1000x1xf32>
    %get3A_14 = arith.constant 1 : index
    %get3A_15 = arith.constant 0 : index
    %get3A_16 = arith.constant 0 : index
    %get3A_17 = vector.load %arg3[%get3A_14, %get3A_15, %get3A_16] : memref<2x1000x1xf32, #tpu.memory_space<vmem>>, vector<1x1000x1xf32>
    %get3A_18 = vector.shape_cast %get3A_17 : vector<1x1000x1xf32> to vector<1000x1xf32>
    %add3A_19 = arith.addf %get3A_13, %get3A_18 : vector<1000x1xf32>
    %max3A = arith.constant 1.000000e+00 : f32
    %max3A_20 = vector.broadcast %max3A : f32 to vector<1000x1xf32>
    %max3A_21 = arith.maximumf %add3A_19, %max3A_20 : vector<1000x1xf32>
    %div3A = arith.constant 1.000000e+00 : f32
    %div3A_22 = vector.broadcast %div3A : f32 to vector<1000x1xf32>
    %div3A_23 = arith.divf %div3A_22, %max3A_21 : vector<1000x1xf32>
    %get3A_24 = arith.constant 0 : index
    %get3A_25 = arith.constant 0 : index
    %get3A_26 = vector.load %arg1[%get3A_24, %get3A_25] : memref<1000x128xf32, #tpu.memory_space<vmem>>, vector<1000x128xf32>
    %get3A_27 = arith.constant 0 : index
    %get3A_28 = arith.constant 0 : index
    %get3A_29 = vector.load %arg4[%get3A_27, %get3A_28] : memref<128x128xf32, #tpu.memory_space<vmem>>, vector<128x128xf32>
    %dot_general3A = arith.constant dense<0.000000e+00> : vector<1000x128xf32>
    %dot_general3A_30 = tpu.matmul %get3A_26, %get3A_29, %dot_general3A {dimension_numbers = #tpu.dot_dimension_numbers<[1], [0], [0], [1], [0, 0, 1, 1], [], []>, transpose_lhs_hint = false} : vector<1000x128xf32>, vector<128x128xf32>, vector<1000x128xf32> -> vector<1000x128xf32>
    %mul3A = vector.broadcast %div3A_23 : vector<1000x1xf32> to vector<1000x128xf32>
    %mul3A_31 = arith.mulf %add3A, %mul3A : vector<1000x128xf32>
    %get3A_32 = arith.constant 0 : index
    %get3A_33 = arith.constant 0 : index
    %get3A_34 = vector.load %arg5[%get3A_32, %get3A_33] : memref<128x128xf32, #tpu.memory_space<vmem>>, vector<128x128xf32>
    %dot_general3A_35 = arith.constant dense<0.000000e+00> : vector<1000x128xf32>
    %dot_general3A_36 = tpu.matmul %mul3A_31, %get3A_34, %dot_general3A_35 {dimension_numbers = #tpu.dot_dimension_numbers<[1], [0], [0], [1], [0, 0, 1, 1], [], []>, transpose_lhs_hint = false} : vector<1000x128xf32>, vector<128x128xf32>, vector<1000x128xf32> -> vector<1000x128xf32>
    %add3A_37 = arith.addf %dot_general3A_30, %dot_general3A_36 : vector<1000x128xf32>
    %get3A_38 = arith.constant 0 : index
    %get3A_39 = arith.constant 0 : index
    %get3A_40 = vector.load %arg6[%get3A_38, %get3A_39] : memref<1x128xf32, #tpu.memory_space<vmem>>, vector<1x128xf32>
    %add3A_41 = vector.broadcast %get3A_40 : vector<1x128xf32> to vector<1000x128xf32>
    %add3A_42 = arith.addf %add3A_37, %add3A_41 : vector<1000x128xf32>
    %max3A_43 = arith.constant 0.000000e+00 : f32
    %max3A_44 = vector.broadcast %max3A_43 : f32 to vector<1000x128xf32>
    %max3A_45 = arith.maximumf %add3A_42, %max3A_44 : vector<1000x128xf32>
    %swap3A = arith.constant 0 : index
    %swap3A_46 = arith.constant 0 : index
    %swap3A_47 = vector.load %arg7[%swap3A, %swap3A_46] : memref<1000x128xf32, #tpu.memory_space<vmem>>, vector<1000x128xf32>
    tpu.vector_store %arg7[%swap3A, %swap3A_46], %max3A_45 {strides = array<i32>} : memref<1000x128xf32, #tpu.memory_space<vmem>>, vector<1000x128xf32>,
    return
  }
  func.func @transform_0(%arg0: i32) -> (i32, i32) {
    %c0_i32 = arith.constant 0 : i32
    %c0_i32_0 = arith.constant 0 : i32
    return %arg0, %c0_i32 : i32, i32
  }
  func.func @transform_1(%arg0: i32) -> (i32, i32, i32) {
    %c0_i32 = arith.constant 0 : i32
    %c0_i32_0 = arith.constant 0 : i32
    %c0_i32_1 = arith.constant 0 : i32
    return %c0_i32, %arg0, %c0_i32_0 : i32, i32, i32
  }
  func.func @transform_2(%arg0: i32) -> (i32, i32, i32) {
    %c0_i32 = arith.constant 0 : i32
    %c0_i32_0 = arith.constant 0 : i32
    %c0_i32_1 = arith.constant 0 : i32
    return %c0_i32, %arg0, %c0_i32_0 : i32, i32, i32
  }
  func.func @transform_3(%arg0: i32) -> (i32, i32) {
    %c0_i32 = arith.constant 0 : i32
    %c0_i32_0 = arith.constant 0 : i32
    %c0_i32_1 = arith.constant 0 : i32
    return %c0_i32, %c0_i32_0 : i32, i32
  }
  func.func @transform_4(%arg0: i32) -> (i32, i32) {
    %c0_i32 = arith.constant 0 : i32
    %c0_i32_0 = arith.constant 0 : i32
    %c0_i32_1 = arith.constant 0 : i32
    return %c0_i32, %c0_i32_0 : i32, i32
  }
  func.func @transform_5(%arg0: i32) -> (i32, i32) {
    %c0_i32 = arith.constant 0 : i32
    %c0_i32_0 = arith.constant 0 : i32
    %c0_i32_1 = arith.constant 0 : i32
    return %c0_i32, %c0_i32_0 : i32, i32
  }
  func.func @transform_6(%arg0: i32) -> (i32, i32) {
    %c0_i32 = arith.constant 0 : i32
    %c0_i32_0 = arith.constant 0 : i32
    return %arg0, %c0_i32 : i32, i32
  }
}

module attributes {stable_mosaic.version = 14 : i64} {
  func.func @body(%arg0: i32, %arg1: memref<1000x128xf32, #tpu.memory_space<vmem>>, %arg2: memref<2x1000x128xf32, #tpu.memory_space<vmem>>, %arg3: memref<2x1000x1xf32, #tpu.memory_space<vmem>>, %arg4: memref<128x128xf32, #tpu.memory_space<vmem>>, %arg5: memref<128x128xf32, #tpu.memory_space<vmem>>, %arg6: memref<1x128xf32, #tpu.memory_space<vmem>>, %arg7: memref<1000x128xf32, #tpu.memory_space<vmem>>) attributes {dimension_semantics = [#tpu.dimension_semantics<arbitrary>], iteration_bounds = array<i64: 10>, scalar_prefetch = 0 : i64, scratch_operands = 0 : i64, tpu.core_type = #tpu.core_type<tc>, window_params = [{transform_indices = @transform_0, window_bounds = array<i64: 1000, 128>}, {transform_indices = @transform_1, window_bounds = array<i64: 2, 1000, 128>}, {transform_indices = @transform_2, window_bounds = array<i64: 2, 1000, 1>}, {pipeline_mode = #tpu.pipeline_mode<synchronous>, transform_indices = @transform_3, window_bounds = array<i64: 128, 128>}, {pipeline_mode = #tpu.pipeline_mode<synchronous>, transform_indices = @transform_4, window_bounds = array<i64: 128, 128>}, {pipeline_mode = #tpu.pipeline_mode<synchronous>, transform_indices = @transform_5, window_bounds = array<i64: 1, 128>}, {transform_indices = @transform_6, window_bounds = array<i64: 1000, 128>}]} {
    %get3A = arith.constant 0 : index
    %get3A_0 = arith.constant 0 : index
    %get3A_1 = arith.constant 0 : index
    %get3A_2 = vector.load %arg2[%get3A, %get3A_0, %get3A_1] : memref<2x1000x128xf32, #tpu.memory_space<vmem>>, vector<1x1000x128xf32>
    %get3A_3 = vector.shape_cast %get3A_2 : vector<1x1000x128xf32> to vector<1000x128xf32>
    %get3A_4 = arith.constant 1 : index
    %get3A_5 = arith.constant 0 : index
    %get3A_6 = arith.constant 0 : index
    %get3A_7 = vector.load %arg2[%get3A_4, %get3A_5, %get3A_6] : memref<2x1000x128xf32, #tpu.memory_space<vmem>>, vector<1x1000x128xf32>
    %get3A_8 = vector.shape_cast %get3A_7 : vector<1x1000x128xf32> to vector<1000x128xf32>
    %add3A = arith.addf %get3A_3, %get3A_8 : vector<1000x128xf32>
    %get3A_9 = arith.constant 0 : index
    %get3A_10 = arith.constant 0 : index
    %get3A_11 = arith.constant 0 : index
    %get3A_12 = vector.load %arg3[%get3A_9, %get3A_10, %get3A_11] : memref<2x1000x1xf32, #tpu.memory_space<vmem>>, vector<1x1000x1xf32>
    %get3A_13 = vector.shape_cast %get3A_12 : vector<1x1000x1xf32> to vector<1000x1xf32>
    %get3A_14 = arith.constant 1 : index
    %get3A_15 = arith.constant 0 : index
    %get3A_16 = arith.constant 0 : index
    %get3A_17 = vector.load %arg3[%get3A_14, %get3A_15, %get3A_16] : memref<2x1000x1xf32, #tpu.memory_space<vmem>>, vector<1x1000x1xf32>
    %get3A_18 = vector.shape_cast %get3A_17 : vector<1x1000x1xf32> to vector<1000x1xf32>
    %add3A_19 = arith.addf %get3A_13, %get3A_18 : vector<1000x1xf32>
    %max3A = arith.constant 1.000000e+00 : f32
    %max3A_20 = vector.broadcast %max3A : f32 to vector<1000x1xf32>
    %max3A_21 = arith.maximumf %add3A_19, %max3A_20 : vector<1000x1xf32>
    %div3A = arith.constant 1.000000e+00 : f32
    %div3A_22 = vector.broadcast %div3A : f32 to vector<1000x1xf32>
    %div3A_23 = arith.divf %div3A_22, %max3A_21 : vector<1000x1xf32>
    %get3A_24 = arith.constant 0 : index
    %get3A_25 = arith.constant 0 : index
    %get3A_26 = vector.load %arg1[%get3A_24, %get3A_25] : memref<1000x128xf32, #tpu.memory_space<vmem>>, vector<1000x128xf32>
    %get3A_27 = arith.constant 0 : index
    %get3A_28 = arith.constant 0 : index
    %get3A_29 = vector.load %arg4[%get3A_27, %get3A_28] : memref<128x128xf32, #tpu.memory_space<vmem>>, vector<128x128xf32>
    %dot_general3A = arith.constant dense<0.000000e+00> : vector<1000x128xf32>
    %dot_general3A_30 = tpu.matmul %get3A_26, %get3A_29, %dot_general3A {dimension_numbers = #tpu.dot_dimension_numbers<[1], [0], [0], [1], [0, 0, 1, 1], [], []>, transpose_lhs_hint = false} : vector<1000x128xf32>, vector<128x128xf32>, vector<1000x128xf32> -> vector<1000x128xf32>
    %mul3A = vector.broadcast %div3A_23 : vector<1000x1xf32> to vector<1000x128xf32>
    %mul3A_31 = arith.mulf %add3A, %mul3A : vector<1000x128xf32>
    %get3A_32 = arith.constant 0 : index
    %get3A_33 = arith.constant 0 : index
    %get3A_34 = vector.load %arg5[%get3A_32, %get3A_33] : memref<128x128xf32, #tpu.memory_space<vmem>>, vector<128x128xf32>
    %dot_general3A_35 = arith.constant dense<0.000000e+00> : vector<1000x128xf32>
    %dot_general3A_36 = tpu.matmul %mul3A_31, %get3A_34, %dot_general3A_35 {dimension_numbers = #tpu.dot_dimension_numbers<[1], [0], [0], [1], [0, 0, 1, 1], [], []>, transpose_lhs_hint = false} : vector<1000x128xf32>, vector<128x128xf32>, vector<1000x128xf32> -> vector<1000x128xf32>
    %add3A_37 = arith.addf %dot_general3A_30, %dot_general3A_36 : vector<1000x128xf32>
    %get3A_38 = arith.constant 0 : index
    %get3A_39 = arith.constant 0 : index
    %get3A_40 = vector.load %arg6[%get3A_38, %get3A_39] : memref<1x128xf32, #tpu.memory_space<vmem>>, vector<1x128xf32>
    %add3A_41 = vector.broadcast %get3A_40 : vector<1x128xf32> to vector<1000x128xf32>
    %add3A_42 = arith.addf %add3A_37, %add3A_41 : vector<1000x128xf32>
    %max3A_43 = arith.constant 0.000000e+00 : f32
    %max3A_44 = vector.broadcast %max3A_43 : f32 to vector<1000x128xf32>
    %max3A_45 = arith.maximumf %add3A_42, %max3A_44 : vector<1000x128xf32>
    %swap3A = arith.constant 0 : index
    %swap3A_46 = arith.constant 0 : index
    %swap3A_47 = vector.load %arg7[%swap3A, %swap3A_46] : memref<1000x128xf32, #tpu.memory_space<vmem>>, vector<1000x128xf32>
    tpu.vector_store %arg7[%swap3A, %swap3A_46], %max3A_45 {strides = array<i32>} : memref<1000x128xf32, #tpu.memory_space<vmem>>, vector<1000x128xf32>,
    return
  }
  func.func @transform_0(%arg0: i32) -> (i32, i32) {
    %c0_i32 = arith.constant 0 : i32
    %c0_i32_0 = arith.constant 0 : i32
    return %arg0, %c0_i32 : i32, i32
  }
  func.func @transform_1(%arg0: i32) -> (i32, i32, i32) {
    %c0_i32 = arith.constant 0 : i32
    %c0_i32_0 = arith.constant 0 : i32
    %c0_i32_1 = arith.constant 0 : i32
    return %c0_i32, %arg0, %c0_i32_0 : i32, i32, i32
  }
  func.func @transform_2(%arg0: i32) -> (i32, i32, i32) {
    %c0_i32 = arith.constant 0 : i32
    %c0_i32_0 = arith.constant 0 : i32
    %c0_i32_1 = arith.constant 0 : i32
    return %c0_i32, %arg0, %c0_i32_0 : i32, i32, i32
  }
  func.func @transform_3(%arg0: i32) -> (i32, i32) {
    %c0_i32 = arith.constant 0 : i32
    %c0_i32_0 = arith.constant 0 : i32
    %c0_i32_1 = arith.constant 0 : i32
    return %c0_i32, %c0_i32_0 : i32, i32
  }
  func.func @transform_4(%arg0: i32) -> (i32, i32) {
    %c0_i32 = arith.constant 0 : i32
    %c0_i32_0 = arith.constant 0 : i32
    %c0_i32_1 = arith.constant 0 : i32
    return %c0_i32, %c0_i32_0 : i32, i32
  }
  func.func @transform_5(%arg0: i32) -> (i32, i32) {
    %c0_i32 = arith.constant 0 : i32
    %c0_i32_0 = arith.constant 0 : i32
    %c0_i32_1 = arith.constant 0 : i32
    return %c0_i32, %c0_i32_0 : i32, i32
  }
  func.func @transform_6(%arg0: i32) -> (i32, i32) {
    %c0_i32 = arith.constant 0 : i32
    %c0_i32_0 = arith.constant 0 : i32
    return %arg0, %c0_i32 : i32, i32
  }
}

</mosaic_0001>

<sc_bundles>
// kernel: kernel.6.cloned.1.call-start
scs
__scs_entry_jumppad:
0x0: {  	(pc) =	sbr.rel $0x88, $3  }
0x1: {  	(tag) =	ssettag $0x0;
	lr =	simm.s32 $0x1  }
0x2: {  	[smem:$0x3F99] =	sst lr;
	_ =	strace $0xD0000000  }
0x3: {  	_ = 	snop  }
0x4: {  	_ = 	snop  }
0x5: {  	_ = 	snop  }
0x6: {  	_ = 	snop  }
0x7: {  	_ = 	snop  }
__scs_overlays_trampoline_lowered:
0x8: {  	[smem:$0x3FA8] =	sst s0  }
0x9: {  	[smem:$0x3FA9] =	sst s1  }
0xa: {  	[smem:$0x3FAA] =	sst s2  }
0xb: {  	[smem:$0x3FAB] =	sst s3  }
0xc: {  	[smem:$0x3FAC] =	sst s4  }
0xd: {  	[smem:$0x3FAD] =	sst s5  }
0xe: {  	[smem:$0x3FAE] =	sst s6  }
0xf: {  	[smem:$0x3FAF] =	sst s7  }
0x10: {  	[smem:$0x3FB0] =	sst s8  }
0x11: {  	[smem:$0x3FB1] =	sst s9;
	s0 =	simm.s32 @!p0 $0x0  }
0x12: {  	s1 =	sld [smem:$0x3F97];
	s0 =	simm.s32 @p0 $0x1  }
0x13: {  	[smem:$0x3FB2] =	sst s0;
	s0 =	simm.s32 @!p1 $0x0  }
0x14: {  	s2 =	sld [smem:$0x3F96];
	s0 =	simm.s32 @p1 $0x1  }
0x15: {  	[smem:$0x3FB3] =	sst s0;
	s0 =	simm.s32 @!p2 $0x0  }
0x16: {  	s3 =	sld [smem:$0x3FDB];
	s0 =	simm.s32 @p2 $0x1  }
0x17: {  	s4 =	simm.s32 $0x1BF5;
	[smem:$0x3FB5] =	sst s0  }
0x18: {  	s0 =	sld [smem:$0x3F98];
	_ =	swait.ge [sflag:s4], $0x0  }
0x19: {  	s7 =	sld [smem:$0x3F99]  }
0x1a: {  	s8 =	sadd.s32 $0xFFFFE003, lr  }
0x1b: {  	s9 =	sadd.s32 $0xFFFFFEF7, lr;
	s5 =	simm.s32 $0xFFFFFFFF;
	p2 =	slt.u32 s8, $0xFFFFF086  }
0x1c: {  	p1 =	slt.u32 s9, $0xF7A;
	s5 =	simm.s32 @!p2 $0x0  }
0x1d: {  	s5 =	simm.s32 @p1 $0x1;
	p0 =	seq.s32 s7, s2  }
0x1e: {  	s7 =	smul.u32 @!p0 $0xF7A, s2;
	p2 =	seq.s32 @!p0 s5, $0x0  }
0x1f: {  	s9 =	smul.u32 $0xF7A, s1;
	s8 =	simm.s32 @!p0 $0x1BF5;
	p2 =	por !p2, p0  }
0x20: {  	[sflag:s8] =	ssyncset.s32 @!p0 $0xFFFFF086;
	s6 =	sadd.s32 @!p0 s3, s7;
	s7 =	simm.s32 @!p0 $0x108  }
0x21: {  	s3 =	sadd.s32 s3, s9;
	s6 =	sadd.s32 @!p0 $0x88, s6;
	s7 =	simm.s32 @p2 $0x1082  }
0x22: {  	[simem:s7], [sflag:s8] =	dma.local @!p0 [hbm:s6], $0xF7A  }
0x23: {  	s9 =	sor.u32 $0xD0000000, s2;
	s6 =	simm.s32 $0x108;
	_ =	swait.ge @!p0 [sflag:s8], $0x0  }
0x24: {  	s3 =	sadd.s32 $0x88, s3;
	s6 =	simm.s32 @!p1 $0x1082;
	[sflag:s4] =	ssyncset.s32 $0xFFFFF086  }
0x25: {  	[simem:s6], [sflag:s4] =	dma.local [hbm:s3], $0xF7A  }
0x26: {  	[smem:$0x3F99] =	sst s1;
	(tag) =	ssettag s2;
	_ =	strace s9  }
0x27: {  	s1 =	sld [smem:$0x3FA9]  }
0x28: {  	s2 =	sld [smem:$0x3FAA]  }
0x29: {  	s4 =	sld [smem:$0x3FAC]  }
0x2a: {  	p0 =	seq.s32 s5, $0x0;
	s5 =	sld [smem:$0x3FAD]  }
0x2b: {  	s6 =	sld [smem:$0x3FAE]  }
0x2c: {  	s7 =	sld [smem:$0x3FAF]  }
0x2d: {  	s3 =	simm.s32 $0x108;
	s8 =	sld [smem:$0x3FB0]  }
0x2e: {  	s3 =	simm.s32 @!p0 $0x1082;
	s9 =	sld [smem:$0x3FB1]  }
0x2f: {  	lr =	sadd.s32 s0, s3;
	s0 =	sld [smem:$0x3FA8]  }
0x30: {  	s3 =	sld [smem:$0x3FAB]  }
0x31: {  	[smem:$0x3FB4] =	sst s10  }
0x32: {  	s10 =	sld [smem:$0x3FB2];
	_ =	sdelay $0x3  }
0x33: {  	p0 =	seq.s32 s10, $0x1;
	s10 =	sld [smem:$0x3FB4];
	_ =	sdelay $0x3  }
0x34: {  	[smem:$0x3FB4] =	sst s10  }
0x35: {  	s10 =	sld [smem:$0x3FB3];
	_ =	sdelay $0x3  }
0x36: {  	p1 =	seq.s32 s10, $0x1;
	s10 =	sld [smem:$0x3FB4];
	_ =	sdelay $0x3  }
0x37: {  	[smem:$0x3FB4] =	sst s10  }
0x38: {  	s10 =	sld [smem:$0x3FB5]  }
0x39: {  	_ = 	snop;
	(pc) =	sbr.ind lr, $3  }
0x3a: {  	_ = 	snop  }
0x3b: {  	_ = 	snop  }
0x3c: {  	p2 =	seq.s32 s10, $0x1;
	s10 =	sld [smem:$0x3FB4]  }
0x3d: {  	_ =	shalt  }
0x3e: {  	_ =	shalt  }
0x3f: {  	_ =	shalt  }
0x40: {  	_ =	shalt  }
0x41: {  	_ =	shalt  }
0x42: {  	_ =	shalt  }
0x43: {  	_ =	shalt  }
0x44: {  	_ =	shalt  }
0x45: {  	_ =	shalt  }
0x46: {  	_ =	shalt  }
0x47: {  	_ =	shalt  }
0x48: {  	_ =	shalt  }
0x49: {  	_ =	shalt  }
0x4a: {  	_ =	shalt  }
0x4b: {  	_ =	shalt  }
0x4c: {  	_ =	shalt  }
0x4d: {  	_ =	shalt  }
0x4e: {  	_ =	shalt  }
0x4f: {  	_ =	shalt  }
0x50: {  	_ =	shalt  }
0x51: {  	_ =	shalt  }
0x52: {  	_ =	shalt  }
0x53: {  	_ =	shalt  }
0x54: {  	_ =	shalt  }
0x55: {  	_ =	shalt  }
0x56: {  	_ =	shalt  }
0x57: {  	_ =	shalt  }
0x58: {  	_ =	shalt  }
0x59: {  	_ =	shalt  }
0x5a: {  	_ =	shalt  }
0x5b: {  	_ =	shalt  }
0x5c: {  	_ =	shalt  }
0x5d: {  	_ =	shalt  }
0x5e: {  	_ =	shalt  }
0x5f: {  	_ =	shalt  }
0x60: {  	_ =	shalt  }
0x61: {  	_ =	shalt  }
0x62: {  	_ =	shalt  }
0x63: {  	_ =	shalt  }
0x64: {  	_ =	shalt  }
0x65: {  	_ =	shalt  }
0x66: {  	_ =	shalt  }
0x67: {  	_ =	shalt  }
0x68: {  	_ =	shalt  }
0x69: {  	_ =	shalt  }
0x6a: {  	_ =	shalt  }
0x6b: {  	_ =	shalt  }
0x6c: {  	_ =	shalt  }
0x6d: {  	_ =	shalt  }
0x6e: {  	_ =	shalt  }
0x6f: {  	_ =	shalt  }
0x70: {  	_ =	shalt  }
0x71: {  	_ =	shalt  }
0x72: {  	_ =	shalt  }
0x73: {  	_ =	shalt  }
0x74: {  	_ =	shalt  }
0x75: {  	_ =	shalt  }
0x76: {  	_ =	shalt  }
0x77: {  	_ =	shalt  }
0x78: {  	_ =	shalt  }
0x79: {  	_ =	shalt  }
0x7a: {  	_ =	shalt  }
0x7b: {  	_ =	shalt  }
0x7c: {  	_ =	shalt  }
0x7d: {  	_ =	shalt  }
0x7e: {  	_ =	shalt  }
0x7f: {  	_ =	shalt  }
0x80: {  	_ =	shalt  }
0x81: {  	_ =	shalt  }
0x82: {  	_ =	shalt  }
0x83: {  	_ =	shalt  }
0x84: {  	_ =	shalt  }
0x85: {  	_ =	shalt  }
0x86: {  	_ =	shalt  }
0x87: {  	_ =	shalt  }
.Lfunc_end0:
.L_simem_size_0:
called_computation_lowered:
.L_overlay_start_0:
0x88: {  	s2 =	sld [smem:$0x3FD9]  }
0x89: {  	s3 =	sld [smem:$0x3FFE];
	_ =	sdelay $0x1  }
0x8a: {  	s1 =	srdreg.scid  }
0x8b: {  	s0 =	sand.u32 $0x1, s1  }
0x8c: {  	s17 =	sshll.u32 s0, $0xA;
	s2 =	sadd.s32 s3, s2  }
0x8d: {  	s2 =	sadd.s32 s2, s17  }
0x8e: {  	[smem:$0x3FC0] =	sst s2  }
0x8f: {  	_ = 	snop  }
0x90: {  	s2 =	sld [smem:$0x3FC9]  }
0x91: {  	s18 =	sld [smem:$0x3FD0];
	(tm) =	ssettm $0x1  }
0x92: {  	s4 =	sld [smem:$0x3FFB];
	_ =	sdelay $0x3  }
0x93: {  	_ =	strace s4  }
0x94: {  	s4 =	sld [smem:$0x3FFC];
	_ =	sdelay $0x3  }
0x95: {  	_ =	strace s4  }
0x96: {  	s4 =	sld [smem:$0x3FFD];
	_ =	sdelay $0x3  }
0x97: {  	_ =	strace s4  }
0x98: {  	_ =	strace $0x8FFFFFFF  }
0x99: {  	s19 =	sld [smem:$0x3FDB];
	_ =	sdelay $0x1  }
0x9a: {  	s5 =	simm.s32 $_scs_section_size  }
0x9b: {  	s6 =	simm.s32 $_size__tile_overlayer_lowered;
	s7 =	simm.s32 $_tile_overlayer_lowered  }
0x9c: {  	s22 =	simm.s32 $0x1BFF;
	s21 =	sshll.u32 s7, $0x1;
	s4 =	sadd.s32 s5, s19  }
0x9d: {  	s8 =	simm.s32 $0x0;
	s20 =	sshll.u32 s6, $0x1;
	s6 =	sadd.s32 s21, s4  }
0x9e: {  	[timem:s8], [sflag:s22] =	dma.local [hbm:s6], s20  }
0x9f: {  	_ =	swait.ge [sflag:s22], s20  }
0xa0: {  	s5 =	ssub.s32 $0x0, s20;
	[sflag:s22] =	ssyncset.done $0x0  }
0xa1: {  	[sflag:s22] =	ssyncadd.s32 s5;
	_ =	sdelay $0x1  }
0xa2: {  	s23 =	simm.s32 $0x1B8B  }
0xa3: {  	_ =	swait.ge [sflag:s23], $0x1  }
0xa4: {  	[sflag:s23] =	ssyncset.done $0x0  }
0xa5: {  	s25 =	simm.s32 $0x1B8E;
	s24 =	sld [smem:$0x3FFE];
	[sflag:s23] =	ssyncadd.s32 $0xFFFFFFFF  }
0xa6: {  	s26 =	simm.s32 $execute0_lowered;
	[smem:$0x3FD2] =	sst s25  }
0xa7: {  	s6 =	sshll.u32 s26, $0x1;
	_ =	strace $0x80000046;
	[dreg:$0x1] =	wrdreg $0xFFFFFFFF  }
0xa8: {  	s28 =	simm.s32 $_size_execute0_lowered;
	s4 =	sadd.s32 s4, s6;
	[dreg:$0x0] =	wrdreg $0x0  }
0xa9: {  	s6 =	sshll.u32 s28, $0x1;
	[dreg:$0x2] =	wrdreg s4  }
0xaa: {  	[dreg:$0x3] =	wrdreg s6  }
0xab: {  	[dreg:$0x4] =	wrdreg $0xC0  }
0xac: {  	_ =	task [dreg:s8], $0x5FFFF  }
0xad: {  	[dreg:$0x1] =	wrdreg $0xFFFFFFFF  }
0xae: {  	[dreg:$0x0] =	wrdreg $0x60  }
0xaf: {  	[dreg:$0x2] =	wrdreg s2  }
0xb0: {  	[dreg:$0x3] =	wrdreg s24  }
0xb1: {  	[dreg:$0x4] =	wrdreg s18  }
0xb2: {  	[dreg:$0x5] =	wrdreg $0x0  }
0xb3: {  	[dreg:$0x6] =	wrdreg $0x1EFC00  }
0xb4: {  	[dreg:$0x7] =	wrdreg $0x9  }
0xb5: {  	_ =	task.clear_ibuf [dreg:s8], $0x8FFFF;
	_ =	strace $0x90000046  }
0xb6: {  	s29 =	simm.s32 $0x9;
	_ =	strace $0x80000048  }
0xb7: {  	_ =	swait.ge [sflag:s29], $0x1  }
0xb8: {  	[sflag:s29] =	ssyncadd.s32 $0xFFFFFFFF  }
0xb9: {  	_ =	strace $0x90000048  }
0xba: {  	_ =	sfence  }
0xbb: {  	s30 =	sld [smem:$0x0];
	_ =	sdelay $0x2  }
0xbc: {  	s31 =	sshll.u32 s1, $0xD;
	s1 =	sshrl.u32 s1, $0x2  }
0xbd: {  	s3 =	sand.u32 $0x4000, s31;
	s1 =	sadd.s32 s1, s30  }
0xbe: {  	s0 =	sor.u32 s3, s0;
	s1 =	sshll.u32 s1, $0x11  }
0xbf: {  	s0 =	sor.u32 s1, s0  }
0xc0: {  	s0 =	sadd.s32 $0x8F2B, s0  }
0xc1: {  	[sflag:s0] =	ssyncadd.remote.s32 $0x1  }
0xc2: {  	_ =	sfence.sel $0xFFFF  }
0xc3: {  	[dreg:$0x0] =	wrdreg $0xFFFFFFFF;
	(pc) =	sbr.abs _section_cstart, $3  }
0xc4: {  	[dreg:$0x1] =	wrdreg $0xFFFFFFFF  }
0xc5: {  	_ =	task.clear_ibuf [dreg:s8], $0x2FFFF;
	_ =	strace $0x9FFFFFFF  }
0xc6: {  	(tm) =	ssettm $0x7FFFFFFF  }
0xc7: {  	_ =	shalt  }
tec
execute0_lowered:
.L_overlay_start_1:
0x0: {  	(tag) =	ssettag $0x1  }
0x1: {  	s1 =	rddreg [dreg:$0x0]  }
0x2: {  	s0 =	rddreg [dreg:$0x1]  }
0x3: {  	s6 =	rddreg [dreg:$0x2]  }
0x4: {  	s2 =	rddreg [dreg:$0x3]  }
0x5: {  	s3 =	rddreg [dreg:$0x4]  }
0x6: {  	s28 =	simm.s32 $0x0;
	s8 =	srdreg.scid;
	s4 =	stileid.u32  }
0x7: {  	[smem:$0x7FF] =	sst s28;
	s9 =	smul.u32 $0x4E000, s4  }
0x8: {  	s5 =	sadd.s32 $0xBE00, s0;
	s7 =	sadd.s32 $0x2000, s0;
	s22 =	smul.u32 $0x13800, s4  }
0x9: {  	s8 =	sand.u32 $0x1, s8;
	s0 =	sadd.s32 $0x15C00, s0;
	s24 =	smul.u32 $0x4EC0, s4  }
0xa: {  	s11 =	sshll.u32 s4, $0x1;
	s10 =	ssub.s32 $0x2, s8;
	s18 =	smul.u32 $0x138800, s8  }
0xb: {  	s11 =	sor.u32 s8, s11;
	s14 =	smul.u32 $0x2760, s8;
	s8 =	sshll.u32 s8, $0x4  }
0xc: {  	p1 =	seq.s32 s4, $0x0;
	s9 =	sshrl.u32 s9, $0x2;
	s6 =	sadd.s32 s6, s8  }
0xd: {  	_ =	strace $0x80000047;
	s20 =	sadd.s32 s9, s2;
	[dreg:$0x15] =	wrdreg s6  }
0xe: {  	p2 =	sne.s32 s4, $0xF;
	s9 =	sadd.s32 $0xC00, s20;
	[dreg:$0xb] =	wrdreg s20  }
0xf: {  	p0 =	sne.s32 s4, $0x0;
	s17 =	sadd.s32 $0x1800, s20;
	[dreg:$0xc] =	wrdreg s9  }
0x10: {  	p3 =	sne.s32 @!p1 s4, $0xF;
	s19 =	sadd.s32 $0x2400, s20;
	[dreg:$0xd] =	wrdreg s17  }
0x11: {  	s12 =	sshrl.u32 s10, $0x1;
	s21 =	sadd.s32 $0x3000, s20;
	[dreg:$0xe] =	wrdreg s19  }
0x12: {  	s11 =	smul.u32 $0x2760, s11;
	s13 =	sadd.s32 $0x3C00, s20;
	[dreg:$0xf] =	wrdreg s21  }
0x13: {  	s10 =	ssub.s32 s10, s12;
	s23 =	sadd.s32 $0x4800, s20;
	[dreg:$0x10] =	wrdreg s13  }
0x14: {  	s12 =	sadd.s32 s22, s18;
	s15 =	sadd.s32 $0x5400, s20;
	[dreg:$0x11] =	wrdreg s23  }
0x15: {  	s12 =	sshrl.u32 s12, $0x3;
	s4 =	sadd.s32 $0x9000, s20;
	[dreg:$0x12] =	wrdreg s15  }
0x16: {  	s11 =	sshrl.u32 s11, $0x3;
	s12 =	sadd.s32 s0, s12;
	[dreg:$0x1e] =	wrdreg s4  }
0x17: {  	s25 =	sadd.s32 s7, s11;
	[dreg:$0x14] =	wrdreg s12  }
0x18: {  	s21 =	sadd.s32 $0x6000, s20;
	[dreg:$0x13] =	wrdreg s25  }
0x19: {  	s26 =	sshrl.u32 s18, $0x3;
	s23 =	sadd.s32 $0x6C00, s20;
	[dreg:$0x16] =	wrdreg s21  }
0x1a: {  	s0 =	sadd.s32 s0, s26;
	s9 =	sadd.s32 $0x4DE, s25;
	[dreg:$0x17] =	wrdreg s23  }
0x1b: {  	s12 =	sadd.s32 s14, s24;
	s24 =	sadd.s32 $0x7800, s20;
	[dreg:$0x6] =	wrdreg s9  }
0x1c: {  	s0 =	sadd.s32 $0x27000, s0;
	[dreg:$0x18] =	wrdreg s24  }
0x1d: {  	s25 =	smax.u32 s10, $0x1;
	[dreg:$0x1a] =	wrdreg s0  }
0x1e: {  	s10 =	sadd.s32 $0xB400, s20;
	[dreg:$0x1b] =	wrdreg s25  }
0x1f: {  	s21 =	sadd.s32 $0x12C00, s20;
	[smem:$0x7EC] =	sst s10  }
0x20: {  	s23 =	sadd.s32 $0xFA0, s3;
	s31 =	sadd.s32 $0x230, s12;
	[smem:$0x7F6] =	sst s21  }
0x21: {  	s14 =	sadd.s32 $0x1C0, s12;
	s26 =	sadd.s32 $0x150, s12;
	[smem:$0x7F8] =	sst s23  }
0x22: {  	s16 =	sadd.s32 $0xE0, s12;
	s9 =	sadd.s32 $0xA800, s20;
	[dreg:$0x1c] =	wrdreg s26  }
0x23: {  	s17 =	sadd.s32 $0x70, s12;
	s12 =	sadd.s32 $0xCC00, s20;
	[smem:$0x7EB] =	sst s9  }
0x24: {  	s24 =	sadd.s32 $0x1770, s3;
	[smem:$0x7EE] =	sst s12  }
0x25: {  	s29 =	simm.s32 $0x70;
	s25 =	sadd.s32 $0x1F40, s3;
	[smem:$0x7F9] =	sst s24  }
0x26: {  	s8 =	sshrl.u32 s31, $0x3;
	s31 =	sadd.s32 $0x8400, s20;
	[smem:$0x7FA] =	sst s25  }
0x27: {  	s15 =	sshrl.u32 s14, $0x3;
	s14 =	sadd.s32 $0xE400, s20;
	[dreg:$0x1d] =	wrdreg s31  }
0x28: {  	s19 =	sshrl.u32 s17, $0x3;
	s17 =	sadd.s32 $0x10800, s20;
	[smem:$0x7F0] =	sst s14  }
0x29: {  	s30 =	simm.s32 $0x13BC0;
	s13 =	sadd.s32 s8, s5;
	[smem:$0x7F3] =	sst s17  }
0x2a: {  	p3 =	por p3, p1;
	s6 =	sadd.s32 s15, s5;
	[dreg:$0x7] =	wrdreg s13  }
0x2b: {  	s23 =	simm.s32 $0x13A40;
	s22 =	sadd.s32 s19, s7;
	[dreg:$0x8] =	wrdreg s6  }
0x2c: {  	s0 =	simm.s32 $0x173C0;
	s15 =	sadd.s32 $0xF000, s20;
	[dreg:$0xa] =	wrdreg s22  }
0x2d: {  	s8 =	sshrl.u32 s16, $0x3;
	s16 =	sadd.s32 $0xFC00, s20;
	[smem:$0x7F1] =	sst s15  }
0x2e: {  	s10 =	simm.s32 $0x1ABC0;
	s19 =	sadd.s32 $0x12000, s20;
	[smem:$0x7F2] =	sst s16  }
0x2f: {  	s21 =	simm.s32 $0x8;
	s18 =	sadd.s32 s8, s7;
	[smem:$0x7F5] =	sst s19  }
0x30: {  	s9 =	simm.s32 $0x6;
	s8 =	sadd.s32 $0x9C00, s20;
	[dreg:$0x9] =	wrdreg s18  }
0x31: {  	s6 =	sadd.s32 s5, s11;
	s11 =	sadd.s32 $0xC000, s20;
	[dreg:$0x1f] =	wrdreg s8  }
0x32: {  	s12 =	simm.s32 $0x1;
	s13 =	sadd.s32 $0xD800, s20;
	[smem:$0x7ED] =	sst s11  }
0x33: {  	s24 =	simm.s32 $0x9;
	s22 =	sadd.s32 $0x7D0, s3;
	[smem:$0x7EF] =	sst s13  }
0x34: {  	s14 =	simm.s32 $0x1F238;
	s17 =	simm.s32 $0xB;
	[smem:$0x7F7] =	sst s22  }
0x35: {  	s19 =	sadd.s32 $0x138000, s2;
	s15 =	simm.s32 $0xA;
	[dreg:$0x19] =	wrdreg s6  }
0x36: {  	s16 =	simm.s32 $0x13B40;
	s18 =	sadd.s32 $0x11400, s20;
	[smem:$0x7FD] =	sst s19  }
0x37: {  	s26 =	sadd.s32 $0xE, s6;
	s31 =	sadd.s32 $0x1C, s6;
	[smem:$0x7F4] =	sst s18  }
0x38: {  	s11 =	simm.s32 $0x13AC0;
	s13 =	simm.s32 $0x7;
	[smem:$0x7FB] =	sst s26  }
0x39: {  	v0 =	vimm.f32 $0.0e+00;
	v1 =	vimm.f32 $1.000000000e+00;
	s8 =	simm.s32 $0x0;
	[smem:$0x7FC] =	sst s31;
	s26 =	simm.s32 $0x139C0  }
.LBB2_1:
0x3a: {  	s31 =	sand.u32 $0x3E00, s28  }
0x3b: {  	[smem:$0x7EA] =	sst s8;
	s18 =	sand.u32 $0x70, s28;
	s22 =	sshrl.u32 s31, $0x2  }
0x3c: {  	s8 =	simm.s32 $0x40;
	s22 =	sor.u32 s18, s22;
	s18 =	simm.s32 $0x0  }
.LBB2_2:
0x3d: {  	p4 =	sne.s32 s8, $0x2FC0  }
0x3e: {  	[tilespmem:s22+$0x1E3C0] =	vst v0;
	s18 =	sadd.s32 $0x10, s18;
	s22 =	smov.u32 s8;
	s8 =	sadd.s32 $0x40, s8  }
.Ltmp0:
0x3f: {  	(pc) =	sbr.rel @p4 .LBB2_2-.Ltmp0, $4  }
0x40: {  	_ = 	snop  }
0x41: {  	s22 =	sand.u32 $0x3E00, s22  }
0x42: {  	s25 =	sand.u32 $0x70, s18;
	s22 =	sshrl.u32 s22, $0x2  }
0x43: {  	s22 =	sor.u32 s25, s22  }
0x44: {  	[tilespmem:s22+$0x1E3C0] =	vst v0;
	s6 =	simm.s32 $0x1E3C0;
	s4 =	rddreg [dreg:$0xc]  }
0x45: {  	[spmem:s20] =	stream.linear.scatter [tilespmem:s6], [sflag:$0xD], $0xC00, $0x38;
	[tilespmem:$0x1FAB8] =	vst v63  }
0x46: {  	s8 =	rddreg [dreg:$0xd]  }
0x47: {  	[spmem:s4] =	stream.linear.scatter [tilespmem:s6], [sflag:$0xD], $0xC00, $0x38;
	[tilespmem:$0x1FAB8] =	vst v63  }
0x48: {  	s18 =	rddreg [dreg:$0xe]  }
0x49: {  	[spmem:s8] =	stream.linear.scatter [tilespmem:s6], [sflag:$0xD], $0xC00, $0x38;
	[tilespmem:$0x1FAB8] =	vst v63  }
0x4a: {  	s22 =	rddreg [dreg:$0x10]  }
0x4b: {  	[spmem:s18] =	stream.linear.scatter [tilespmem:s6], [sflag:$0xD], $0xC00, $0x38;
	[tilespmem:$0x1FAB8] =	vst v63  }
0x4c: {  	s20 =	rddreg [dreg:$0xf]  }
0x4d: {  	[spmem:s20] =	stream.linear.scatter [tilespmem:s6], [sflag:$0xD], $0xC00, $0x38;
	[tilespmem:$0x1FAB8] =	vst v63  }
0x4e: {  	s25 =	rddreg [dreg:$0x11]  }
0x4f: {  	[spmem:s22] =	stream.linear.scatter [tilespmem:s6], [sflag:$0xD], $0xC00, $0x38;
	[tilespmem:$0x1FAB8] =	vst v63  }
0x50: {  	s31 =	rddreg [dreg:$0x12]  }
0x51: {  	[spmem:s25] =	stream.linear.scatter [tilespmem:s6], [sflag:$0xD], $0xC00, $0x38;
	[tilespmem:$0x1FAB8] =	vst v63  }
0x52: {  	s8 =	rddreg [dreg:$0x16]  }
0x53: {  	[spmem:s31] =	stream.linear.scatter [tilespmem:s6], [sflag:$0xD], $0xC00, $0x38;
	[tilespmem:$0x1FAB8] =	vst v63  }
0x54: {  	s18 =	rddreg [dreg:$0x17]  }
0x55: {  	[spmem:s8] =	stream.linear.scatter [tilespmem:s6], [sflag:$0xD], $0xC00, $0x38;
	[tilespmem:$0x1FAB8] =	vst v63  }
0x56: {  	s20 =	rddreg [dreg:$0x18]  }
0x57: {  	[spmem:s18] =	stream.linear.scatter [tilespmem:s6], [sflag:$0xD], $0xC00, $0x38;
	[tilespmem:$0x1FAB8] =	vst v63  }
0x58: {  	s22 =	rddreg [dreg:$0x1d]  }
0x59: {  	[spmem:s20] =	stream.linear.scatter [tilespmem:s6], [sflag:$0xD], $0xC00, $0x38;
	[tilespmem:$0x1FAB8] =	vst v63  }
0x5a: {  	s25 =	rddreg [dreg:$0x1e]  }
0x5b: {  	[spmem:s22] =	stream.linear.scatter [tilespmem:s6], [sflag:$0xD], $0xC00, $0x38;
	[tilespmem:$0x1FAB8] =	vst v63  }
0x5c: {  	s31 =	rddreg [dreg:$0x1f]  }
0x5d: {  	[spmem:s25] =	stream.linear.scatter [tilespmem:s6], [sflag:$0xD], $0xC00, $0x38;
	[tilespmem:$0x1FAB8] =	vst v63  }
0x5e: {  	s8 =	sld [smem:$0x7EB]  }
0x5f: {  	[spmem:s31] =	stream.linear.scatter [tilespmem:s6], [sflag:$0xD], $0xC00, $0x38;
	[tilespmem:$0x1FAB8] =	vst v63  }
0x60: {  	s18 =	sld [smem:$0x7EC]  }
0x61: {  	[spmem:s8] =	stream.linear.scatter [tilespmem:s6], [sflag:$0xD], $0xC00, $0x38;
	[tilespmem:$0x1FAB8] =	vst v63  }
0x62: {  	s20 =	sld [smem:$0x7ED]  }
0x63: {  	[spmem:s18] =	stream.linear.scatter [tilespmem:s6], [sflag:$0xD], $0xC00, $0x38;
	[tilespmem:$0x1FAB8] =	vst v63  }
0x64: {  	s22 =	sld [smem:$0x7EE]  }
0x65: {  	[spmem:s20] =	stream.linear.scatter [tilespmem:s6], [sflag:$0xD], $0xC00, $0x38;
	[tilespmem:$0x1FAB8] =	vst v63  }
0x66: {  	s25 =	sld [smem:$0x7EF]  }
0x67: {  	[spmem:s22] =	stream.linear.scatter [tilespmem:s6], [sflag:$0xD], $0xC00, $0x38;
	[tilespmem:$0x1FAB8] =	vst v63  }
0x68: {  	s31 =	sld [smem:$0x7F0]  }
0x69: {  	[spmem:s25] =	stream.linear.scatter [tilespmem:s6], [sflag:$0xD], $0xC00, $0x38;
	[tilespmem:$0x1FAB8] =	vst v63  }
0x6a: {  	s8 =	sld [smem:$0x7F1]  }
0x6b: {  	[spmem:s31] =	stream.linear.scatter [tilespmem:s6], [sflag:$0xD], $0xC00, $0x38;
	[tilespmem:$0x1FAB8] =	vst v63  }
0x6c: {  	s18 =	sld [smem:$0x7F2]  }
0x6d: {  	[spmem:s8] =	stream.linear.scatter [tilespmem:s6], [sflag:$0xD], $0xC00, $0x38;
	[tilespmem:$0x1FAB8] =	vst v63  }
0x6e: {  	s20 =	sld [smem:$0x7F3]  }
0x6f: {  	[spmem:s18] =	stream.linear.scatter [tilespmem:s6], [sflag:$0xD], $0xC00, $0x38;
	[tilespmem:$0x1FAB8] =	vst v63  }
0x70: {  	s22 =	sld [smem:$0x7F4]  }
0x71: {  	[spmem:s20] =	stream.linear.scatter [tilespmem:s6], [sflag:$0xD], $0xC00, $0x38;
	[tilespmem:$0x1FAB8] =	vst v63  }
0x72: {  	s25 =	sld [smem:$0x7F5]  }
0x73: {  	[spmem:s22] =	stream.linear.scatter [tilespmem:s6], [sflag:$0xD], $0xC00, $0x38;
	[tilespmem:$0x1FAB8] =	vst v63  }
0x74: {  	s31 =	sld [smem:$0x7F6]  }
0x75: {  	[spmem:s25] =	stream.linear.scatter [tilespmem:s6], [sflag:$0xD], $0xC00, $0x38;
	[tilespmem:$0x1FAB8] =	vst v63  }
0x76: {  	_ = 	snop  }
0x77: {  	[spmem:s31] =	stream.linear.scatter [tilespmem:s6], [sflag:$0xD], $0xC00, $0x38;
	[tilespmem:$0x1FAB8] =	vst v63  }
0x78: {  	s8 =	simm.s32 @!p2 $0x1E3C0  }
0x79: {  	[spmem:s19] =	stream.linear.scatter @!p2 [tilespmem:s8], [sflag:$0xD], $0x800, $0x38;
	[tilespmem:$0x1FAB8] =	vst v63  }
0x7a: {  	[tilespmem:$0x1F238] =	vst v1  }
0x7b: {  	[tilespmem:$0x1F248] =	vst v1  }
.Ltmp1:
0x7c: {  	[tilespmem:$0x1F258] =	vst v1;
	(pc) =	sbr.rel @p0 .LBB2_7-.Ltmp1, $4  }
0x7d: {  	[tilespmem:$0x1F268] =	vst v1  }
0x7e: {  	[tilespmem:$0x1F278] =	vst v1  }
0x7f: {  	[tilespmem:$0x1F288] =	vst v1  }
0x80: {  	[tilespmem:$0x1F298] =	vst v1  }
0x81: {  	s8 =	simm.s32 $0x40;
	s18 =	simm.s32 $0x0  }
.LBB2_5:
0x82: {  	p4 =	sne.s32 s8, $0x1F00;
	[tilespmem:s18+$0x1F2B8] =	vst v0;
	s18 =	smov.u32 s8;
	s8 =	sadd.s32 $0x40, s8  }
.Ltmp2:
0x83: {  	(pc) =	sbr.rel @p4 .LBB2_5-.Ltmp2, $2  }
0x84: {  	_ =	sdelay $0x2  }
0x85: {  	s18 =	sshra.s32 s18, $0x2  }
0x86: {  	[tilespmem:s18+$0x1F2B8] =	vst v0;
	s6 =	simm.s32 $0x1F2B8;
	s4 =	sld [smem:$0x7F7]  }
0x87: {  	[spmem:s3] =	stream.linear.scatter [tilespmem:s6], [sflag:$0xD], $0x7D0, $0x38;
	[tilespmem:$0x1FAB8] =	vst v63  }
0x88: {  	s22 =	sld [smem:$0x7F8]  }
0x89: {  	[spmem:s4] =	stream.linear.scatter [tilespmem:s6], [sflag:$0xD], $0x7D0, $0x38;
	[tilespmem:$0x1FAB8] =	vst v63  }
0x8a: {  	s25 =	sld [smem:$0x7F9]  }
0x8b: {  	[spmem:s22] =	stream.linear.scatter [tilespmem:s6], [sflag:$0xD], $0x7D0, $0x38;
	[tilespmem:$0x1FAB8] =	vst v63  }
0x8c: {  	s31 =	sld [smem:$0x7FA]  }
0x8d: {  	[spmem:s25] =	stream.linear.scatter [tilespmem:s6], [sflag:$0xD], $0x7D0, $0x38;
	[tilespmem:$0x1FAB8] =	vst v63  }
0x8e: {  	_ = 	snop  }
0x8f: {  	[spmem:s31] =	stream.linear.scatter [tilespmem:s6], [sflag:$0xD], $0x7D0, $0x38;
	[tilespmem:$0x1FAB8] =	vst v63  }
.LBB2_7:
0x90: {  	s4 =	rddreg [dreg:$0x19]  }
0x91: {  	s6 =	simm.s32 $0x138C0;
	s22 =	rddreg [dreg:$0x13]  }
0x92: {  	[tilespmem:s6], [sflag:$0x4] =	stream.linear.gather [hbm4b:s4+s28], $0x70, $0x38;
	[tilespmem:$0x1FAB8] =	vst v63  }
0x93: {  	s25 =	sld [smem:$0x7FB]  }
0x94: {  	[tilespmem:s23], [sflag:$0x7] =	stream.linear.gather [hbm4b:s22+s28], $0x70, $0x38;
	[tilespmem:$0x1FAB8] =	vst v63  }
0x95: {  	s8 =	simm.s32 $0x13940;
	s18 =	sld [smem:$0x7FC]  }
0x96: {  	[tilespmem:s8], [sflag:$0x5] =	stream.linear.gather [hbm4b:s25+s28], $0x70, $0x38;
	[tilespmem:$0x1FAB8] =	vst v63  }
0x97: {  	s19 =	simm.s32 $0x4  }
0x98: {  	[tilespmem:s26], [sflag:$0x6] =	stream.linear.gather [hbm4b:s18+s28], $0x70, $0x38;
	[tilespmem:$0x1FAB8] =	vst v63  }
0x99: {  	_ =	swait.ge [sflag:s19], $0x70  }
0x9a: {  	[sflag:s19] =	ssyncset.done $0x0  }
0x9b: {  	s20 =	simm.s32 $0x5;
	[sflag:s19] =	ssyncadd.s32 $0xFFFFFF90  }
0x9c: {  	[tilespmem:s30], [sflag:$0x1] =	stream.indirect.gather [hbm4b:s1+s29], $0x80, s6, s29, $0xb8;
	[tilespmem:$0x1FAB8] =	vst v63  }
0x9d: {  	_ =	swait.ge [sflag:s20], $0x70  }
0x9e: {  	[sflag:s20] =	ssyncset.done $0x0  }
0x9f: {  	s22 =	simm.s32 $0xD;
	[sflag:s20] =	ssyncadd.s32 $0xFFFFFF90  }
0xa0: {  	[tilespmem:s0], [sflag:$0x2] =	stream.indirect.gather [hbm4b:s1+s29], $0x80, s8, s29, $0xb8;
	[tilespmem:$0x1FAB8] =	vst v63  }
0xa1: {  	_ =	swait.ge [sflag:s22], $0xC00  }
0xa2: {  	[sflag:s22] =	ssyncset.done $0x0  }
0xa3: {  	[sflag:s22] =	ssyncadd.s32 $0xFFFFF400  }
0xa4: {  	_ =	swait.ge [sflag:s22], $0xC00  }
0xa5: {  	[sflag:s22] =	ssyncset.done $0x0  }
0xa6: {  	[sflag:s22] =	ssyncadd.s32 $0xFFFFF400  }
0xa7: {  	_ =	swait.ge [sflag:s22], $0xC00  }
0xa8: {  	[sflag:s22] =	ssyncset.done $0x0  }
0xa9: {  	[sflag:s22] =	ssyncadd.s32 $0xFFFFF400  }
0xaa: {  	_ =	swait.ge [sflag:s22], $0xC00  }
0xab: {  	[sflag:s22] =	ssyncset.done $0x0  }
0xac: {  	[sflag:s22] =	ssyncadd.s32 $0xFFFFF400  }
0xad: {  	_ =	swait.ge [sflag:s22], $0xC00  }
0xae: {  	[sflag:s22] =	ssyncset.done $0x0  }
0xaf: {  	[sflag:s22] =	ssyncadd.s32 $0xFFFFF400  }
0xb0: {  	_ =	swait.ge [sflag:s22], $0xC00  }
0xb1: {  	[sflag:s22] =	ssyncset.done $0x0  }
0xb2: {  	[sflag:s22] =	ssyncadd.s32 $0xFFFFF400  }
0xb3: {  	_ =	swait.ge [sflag:s22], $0xC00  }
0xb4: {  	[sflag:s22] =	ssyncset.done $0x0  }
0xb5: {  	[sflag:s22] =	ssyncadd.s32 $0xFFFFF400  }
0xb6: {  	_ =	swait.ge [sflag:s22], $0xC00  }
0xb7: {  	[sflag:s22] =	ssyncset.done $0x0  }
0xb8: {  	[sflag:s22] =	ssyncadd.s32 $0xFFFFF400  }
0xb9: {  	_ =	swait.ge [sflag:s22], $0xC00  }
0xba: {  	[sflag:s22] =	ssyncset.done $0x0  }
0xbb: {  	[sflag:s22] =	ssyncadd.s32 $0xFFFFF400  }
0xbc: {  	_ =	swait.ge [sflag:s22], $0xC00  }
0xbd: {  	[sflag:s22] =	ssyncset.done $0x0  }
0xbe: {  	[sflag:s22] =	ssyncadd.s32 $0xFFFFF400  }
0xbf: {  	_ =	swait.ge [sflag:s22], $0xC00  }
0xc0: {  	[sflag:s22] =	ssyncset.done $0x0  }
0xc1: {  	[sflag:s22] =	ssyncadd.s32 $0xFFFFF400  }
0xc2: {  	_ =	swait.ge [sflag:s22], $0xC00  }
0xc3: {  	[sflag:s22] =	ssyncset.done $0x0  }
0xc4: {  	[sflag:s22] =	ssyncadd.s32 $0xFFFFF400  }
0xc5: {  	_ =	swait.ge [sflag:s22], $0xC00  }
0xc6: {  	[sflag:s22] =	ssyncset.done $0x0  }
0xc7: {  	[sflag:s22] =	ssyncadd.s32 $0xFFFFF400  }
0xc8: {  	_ =	swait.ge [sflag:s22], $0xC00  }
0xc9: {  	[sflag:s22] =	ssyncset.done $0x0  }
0xca: {  	[sflag:s22] =	ssyncadd.s32 $0xFFFFF400  }
0xcb: {  	_ =	swait.ge [sflag:s22], $0xC00  }
0xcc: {  	[sflag:s22] =	ssyncset.done $0x0  }
0xcd: {  	[sflag:s22] =	ssyncadd.s32 $0xFFFFF400  }
0xce: {  	_ =	swait.ge [sflag:s22], $0xC00  }
0xcf: {  	[sflag:s22] =	ssyncset.done $0x0  }
0xd0: {  	[sflag:s22] =	ssyncadd.s32 $0xFFFFF400  }
0xd1: {  	_ =	swait.ge [sflag:s22], $0xC00  }
0xd2: {  	[sflag:s22] =	ssyncset.done $0x0  }
0xd3: {  	[sflag:s22] =	ssyncadd.s32 $0xFFFFF400  }
0xd4: {  	_ =	swait.ge [sflag:s22], $0xC00  }
0xd5: {  	[sflag:s22] =	ssyncset.done $0x0  }
0xd6: {  	[sflag:s22] =	ssyncadd.s32 $0xFFFFF400  }
0xd7: {  	_ =	swait.ge [sflag:s22], $0xC00  }
0xd8: {  	[sflag:s22] =	ssyncset.done $0x0  }
0xd9: {  	[sflag:s22] =	ssyncadd.s32 $0xFFFFF400  }
0xda: {  	_ =	swait.ge [sflag:s22], $0xC00  }
0xdb: {  	[sflag:s22] =	ssyncset.done $0x0  }
0xdc: {  	[sflag:s22] =	ssyncadd.s32 $0xFFFFF400  }
0xdd: {  	_ =	swait.ge [sflag:s22], $0xC00  }
0xde: {  	[sflag:s22] =	ssyncset.done $0x0  }
0xdf: {  	[sflag:s22] =	ssyncadd.s32 $0xFFFFF400  }
0xe0: {  	_ =	swait.ge [sflag:s22], $0xC00  }
0xe1: {  	[sflag:s22] =	ssyncset.done $0x0  }
0xe2: {  	[sflag:s22] =	ssyncadd.s32 $0xFFFFF400  }
0xe3: {  	_ =	swait.ge [sflag:s22], $0xC00  }
0xe4: {  	[sflag:s22] =	ssyncset.done $0x0  }
0xe5: {  	[sflag:s22] =	ssyncadd.s32 $0xFFFFF400  }
0xe6: {  	_ =	swait.ge [sflag:s22], $0xC00  }
0xe7: {  	[sflag:s22] =	ssyncset.done $0x0  }
0xe8: {  	[sflag:s22] =	ssyncadd.s32 $0xFFFFF400  }
0xe9: {  	_ =	swait.ge [sflag:s22], $0xC00  }
0xea: {  	[sflag:s22] =	ssyncset.done $0x0  }
0xeb: {  	[sflag:s22] =	ssyncadd.s32 $0xFFFFF400  }
0xec: {  	_ =	swait.ge [sflag:s22], $0xC00  }
0xed: {  	[sflag:s22] =	ssyncset.done $0x0  }
0xee: {  	s8 =	simm.s32 @p1 $0xD;
	[sflag:s22] =	ssyncadd.s32 $0xFFFFF400  }
0xef: {  	_ =	swait.ge @p1 [sflag:s8], $0x7D0  }
0xf0: {  	[sflag:s8] =	ssyncset.done @p1 $0x0  }
0xf1: {  	[sflag:s8] =	ssyncadd.s32 @p1 $0xFFFFF830  }
0xf2: {  	_ =	swait.ge @p1 [sflag:s8], $0x7D0  }
0xf3: {  	[sflag:s8] =	ssyncset.done @p1 $0x0  }
0xf4: {  	[sflag:s8] =	ssyncadd.s32 @p1 $0xFFFFF830  }
0xf5: {  	_ =	swait.ge @p1 [sflag:s8], $0x7D0  }
0xf6: {  	[sflag:s8] =	ssyncset.done @p1 $0x0  }
0xf7: {  	[sflag:s8] =	ssyncadd.s32 @p1 $0xFFFFF830  }
0xf8: {  	_ =	swait.ge @p1 [sflag:s8], $0x7D0  }
0xf9: {  	[sflag:s8] =	ssyncset.done @p1 $0x0  }
0xfa: {  	[sflag:s8] =	ssyncadd.s32 @p1 $0xFFFFF830  }
0xfb: {  	_ =	swait.ge @p1 [sflag:s8], $0x7D0  }
0xfc: {  	[sflag:s8] =	ssyncset.done @p1 $0x0  }
0xfd: {  	[sflag:s8] =	ssyncadd.s32 @p1 $0xFFFFF830;
	s8 =	simm.s32 @!p3 $0xD  }
0xfe: {  	_ =	swait.ge @!p3 [sflag:s8], $0x800  }
0xff: {  	[sflag:s8] =	ssyncset.done @!p3 $0x0  }
0x100: {  	p4 =	por $0x1, $0x1;
	[sflag:s8] =	ssyncadd.s32 @!p3 $0xFFFFF800  }
0x101: {  	s8 =	simm.s32 @!p4 $0xC;
	[bflag:$0x0] =	sbarrier.arrive $0xFFFF  }
0x102: {  	_ =	swait.ge @!p4 [sflag:s8], $0x3800  }
0x103: {  	[sflag:s8] =	ssyncset.done @!p4 $0x0  }
0x104: {  	[sflag:s8] =	ssyncadd.s32 @!p4 $0xFFFFC800  }
0x105: {  	_ =	swait.ge @!p4 [sflag:s8], $0x70  }
0x106: {  	[sflag:s8] =	ssyncset.done @!p4 $0x0  }
0x107: {  	[sflag:s8] =	ssyncadd.s32 @!p4 $0xFFFFFF90  }
0x108: {  	_ =	swait.ge [sflag:s9], $0x70  }
0x109: {  	[sflag:s9] =	ssyncset.done $0x0  }
0x10a: {  	s25 =	rddreg [dreg:$0xa];
	[sflag:s9] =	ssyncadd.s32 $0xFFFFFF90  }
0x10b: {  	[tilespmem:s10], [sflag:$0x3] =	stream.indirect.gather [hbm4b:s1+s29], $0x80, s26, s29, $0xb8;
	[tilespmem:$0x1FAB8] =	vst v63  }
0x10c: {  	s8 =	sadd.s32 $0x0, s25  }
0x10d: {  	[tilespmem:s11], [sflag:$0x8] =	stream.linear.gather [hbm4b:s8+s28], $0x70, $0x38;
	[tilespmem:$0x1FAB8] =	vst v63  }
0x10e: {  	_ =	swait.ge [sflag:s12], $0x3800  }
0x10f: {  	p4 =	por $0x0, $0x0;
	s4 =	rddreg [dreg:$0x1c]  }
0x110: {  	s18 =	simm.s32 @!p4 $0x138C0;
	[sflag:s12] =	ssyncset.done $0x0;
	s8 =	sshrl.u32 @!p4 s4, $0x3  }
0x111: {  	s22 =	simm.s32 @!p4 $0x0;
	[sflag:s12] =	ssyncadd.s32 $0xFFFFC800;
	s8 =	sadd.s32 @!p4 s5, s8  }
0x112: {  	[tilespmem:s18], [sflag:$0x4] =	stream.linear.gather @!p4 [hbm4b:s8+s22], $0x70, $0x38;
	[tilespmem:$0x1FAB8] =	vst v63  }
0x113: {  	_ =	swait.ge [sflag:s13], $0x70  }
0x114: {  	[sflag:s13] =	ssyncset.done $0x0  }
0x115: {  	[sflag:s13] =	ssyncadd.s32 $0xFFFFFF90  }
0x116: {  	[spmem:s2] =	stream.indirect.scatter.add.f32 [tilespmem:s30], [sflag:$0xA], $0x80, s23, s29, $0xb8;
	[tilespmem:$0x1FAB8] =	vst v63  }
0x117: {  	_ = 	snop  }
0x118: {  	[spmem:s3] =	stream.indirect.scatter.add.f32 [tilespmem:s14], [sflag:$0xA], $0x1, s23, s29, $0xb8;
	[tilespmem:$0x1FAB8] =	vst v63  }
0x119: {  	_ =	swait.ge [sflag:s15], $0x3800  }
0x11a: {  	[sflag:s15] =	ssyncset.done $0x0  }
0x11b: {  	[sflag:s15] =	ssyncadd.s32 $0xFFFFC800  }
0x11c: {  	_ =	swait.ge [sflag:s15], $0x70  }
0x11d: {  	s31 =	simm.s32 @p4 $0x13B40;
	[sflag:s15] =	ssyncset.done $0x0  }
0x11e: {  	s25 =	simm.s32 @p4 $0x0;
	s8 =	rddreg [dreg:$0x6];
	[sflag:s15] =	ssyncadd.s32 $0xFFFFFF90  }
0x11f: {  	[tilespmem:s31], [sflag:$0x9] =	stream.linear.gather @p4 [hbm4b:s8+s25], $0x70, $0x38;
	[tilespmem:$0x1FAB8] =	vst v63  }
0x120: {  	s8 =	simm.s32 @p4 $0x2  }
0x121: {  	_ =	swait.ge @p4 [sflag:s8], $0x3800  }
0x122: {  	[sflag:s8] =	ssyncset.done @p4 $0x0  }
0x123: {  	[sflag:s8] =	ssyncadd.s32 @p4 $0xFFFFC800;
	s8 =	simm.s32 @!p4 $0x4  }
0x124: {  	_ =	swait.ge @!p4 [sflag:s8], $0x70  }
0x125: {  	s31 =	simm.s32 @!p4 $0x13BC0;
	[sflag:s8] =	ssyncset.done @!p4 $0x0  }
0x126: {  	s25 =	rddreg [dreg:$0x9];
	[sflag:s8] =	ssyncadd.s32 @!p4 $0xFFFFFF90;
	s8 =	simm.s32 @!p4 $0x70  }
0x127: {  	[tilespmem:s31], [sflag:$0x1] =	stream.indirect.gather @!p4 [hbm4b:s1+s8], $0x80, s18, s8, $0xb8;
	[tilespmem:$0x1FAB8] =	vst v63  }
0x128: {  	s8 =	sadd.s32 @!p4 $0x0, s25;
	s18 =	simm.s32 @!p4 $0x13B40  }
0x129: {  	[tilespmem:s18], [sflag:$0x9] =	stream.linear.gather @!p4 [hbm4b:s8+s22], $0x70, $0x38;
	[tilespmem:$0x1FAB8] =	vst v63  }
0x12a: {  	s8 =	simm.s32 @!p4 $0x2  }
0x12b: {  	_ =	swait.ge @!p4 [sflag:s8], $0x3800  }
0x12c: {  	s18 =	rddreg [dreg:$0x8];
	[sflag:s8] =	ssyncset.done @!p4 $0x0  }
0x12d: {  	[sflag:s8] =	ssyncadd.s32 @!p4 $0xFFFFC800;
	s8 =	sadd.s32 @!p4 $0x0, s18;
	s18 =	simm.s32 @!p4 $0x13940  }
0x12e: {  	[tilespmem:s18], [sflag:$0x5] =	stream.linear.gather @!p4 [hbm4b:s8+s22], $0x70, $0x38;
	[tilespmem:$0x1FAB8] =	vst v63  }
0x12f: {  	_ =	swait.ge [sflag:s21], $0x70  }
0x130: {  	[sflag:s21] =	ssyncset.done $0x0  }
0x131: {  	[sflag:s21] =	ssyncadd.s32 $0xFFFFFF90  }
0x132: {  	[spmem:s2] =	stream.indirect.scatter.add.f32 [tilespmem:s0], [sflag:$0xB], $0x80, s11, s29, $0xb8;
	[tilespmem:$0x1FAB8] =	vst v63  }
0x133: {  	_ = 	snop  }
0x134: {  	[spmem:s3] =	stream.indirect.scatter.add.f32 [tilespmem:s14], [sflag:$0xB], $0x1, s11, s29, $0xb8;
	[tilespmem:$0x1FAB8] =	vst v63  }
0x135: {  	_ =	swait.ge [sflag:s17], $0x3800  }
0x136: {  	[sflag:s17] =	ssyncset.done $0x0  }
0x137: {  	[sflag:s17] =	ssyncadd.s32 $0xFFFFC800  }
0x138: {  	_ =	swait.ge [sflag:s17], $0x70  }
0x139: {  	p4 =	por $0x1, $0x1;
	[sflag:s17] =	ssyncset.done $0x0  }
0x13a: {  	s8 =	simm.s32 @p4 $0x5;
	[sflag:s17] =	ssyncadd.s32 $0xFFFFFF90  }
0x13b: {  	_ =	swait.ge @p4 [sflag:s8], $0x70  }
0x13c: {  	s18 =	simm.s32 @p4 $0x173C0;
	[sflag:s8] =	ssyncset.done @p4 $0x0  }
0x13d: {  	s22 =	simm.s32 @p4 $0x13940;
	[sflag:s8] =	ssyncadd.s32 @p4 $0xFFFFFF90;
	s8 =	simm.s32 @p4 $0x70  }
0x13e: {  	[tilespmem:s18], [sflag:$0x2] =	stream.indirect.gather @p4 [hbm4b:s1+s8], $0x80, s22, s8, $0xb8;
	[tilespmem:$0x1FAB8] =	vst v63  }
0x13f: {  	s8 =	sshrl.u32 @p4 s4, $0x3  }
0x140: {  	s18 =	simm.s32 @p4 $0x0;
	s22 =	simm.s32 @p4 $0x13A40;
	s8 =	sadd.s32 @p4 s7, s8  }
0x141: {  	[tilespmem:s22], [sflag:$0x7] =	stream.linear.gather @p4 [hbm4b:s8+s18], $0x70, $0x38;
	[tilespmem:$0x1FAB8] =	vst v63  }
0x142: {  	s8 =	simm.s32 @p4 $0x3  }
0x143: {  	_ =	swait.ge @p4 [sflag:s8], $0x3800  }
0x144: {  	s22 =	rddreg [dreg:$0x7];
	[sflag:s8] =	ssyncset.done @p4 $0x0  }
0x145: {  	[sflag:s8] =	ssyncadd.s32 @p4 $0xFFFFC800;
	s8 =	sadd.s32 @p4 $0x0, s22;
	s22 =	simm.s32 @p4 $0x139C0  }
0x146: {  	[tilespmem:s22], [sflag:$0x6] =	stream.linear.gather @p4 [hbm4b:s8+s18], $0x70, $0x38;
	[tilespmem:$0x1FAB8] =	vst v63  }
0x147: {  	s8 =	simm.s32 @!p4 $0x3  }
0x148: {  	_ =	swait.ge @!p4 [sflag:s8], $0x3800  }
0x149: {  	[sflag:s8] =	ssyncset.done @!p4 $0x0  }
0x14a: {  	[sflag:s8] =	ssyncadd.s32 @!p4 $0xFFFFC800  }
0x14b: {  	_ =	swait.ge [sflag:s24], $0x70  }
0x14c: {  	p5 =	por $0x0, $0x0;
	s31 =	simm.s32 $0x2A;
	[sflag:s24] =	ssyncset.done $0x0  }
0x14d: {  	s25 =	smov.u32 s4;
	s18 =	simm.s32 $0x54;
	[sflag:s24] =	ssyncadd.s32 $0xFFFFFF90  }
0x14e: {  	[spmem:s2] =	stream.indirect.scatter.add.f32 [tilespmem:s10], [sflag:$0xC], $0x80, s16, s29, $0xb8;
	[tilespmem:$0x1FAB8] =	vst v63  }
.LBB2_8:
0x14f: {  	s22 =	simm.s32 @!p5 $0xC  }
0x150: {  	[spmem:s3] =	stream.indirect.scatter.add.f32 [tilespmem:s14], [sflag:$0xC], $0x1, s16, s29, $0xb8;
	[tilespmem:$0x1FAB8] =	vst v63  }
0x151: {  	_ =	swait.ge @!p5 [sflag:s22], $0x3800  }
0x152: {  	[sflag:s22] =	ssyncset.done @!p5 $0x0  }
0x153: {  	[sflag:s22] =	ssyncadd.s32 @!p5 $0xFFFFC800  }
0x154: {  	_ =	swait.ge @!p5 [sflag:s22], $0x70  }
0x155: {  	[sflag:s22] =	ssyncset.done @!p5 $0x0  }
0x156: {  	[sflag:s22] =	ssyncadd.s32 @!p5 $0xFFFFFF90  }
0x157: {  	_ =	swait.ge [sflag:s9], $0x70  }
0x158: {  	[sflag:s9] =	ssyncset.done $0x0  }
0x159: {  	s20 =	rddreg [dreg:$0xa];
	[sflag:s9] =	ssyncadd.s32 $0xFFFFFF90  }
0x15a: {  	[tilespmem:s10], [sflag:$0x3] =	stream.indirect.gather [hbm4b:s1+s29], $0x80, s26, s29, $0xb8;
	[tilespmem:$0x1FAB8] =	vst v63  }
0x15b: {  	s22 =	sadd.s32 s31, s20  }
0x15c: {  	[tilespmem:s11], [sflag:$0x8] =	stream.linear.gather [hbm4b:s22+s28], $0x70, $0x38;
	[tilespmem:$0x1FAB8] =	vst v63  }
0x15d: {  	s25 =	sadd.s32 $0x150, s25;
	p5 =	seq.s32 s31, $0x4C2;
	_ =	swait.ge [sflag:s12], $0x3800  }
0x15e: {  	s19 =	simm.s32 @!p5 $0x138C0;
	s22 =	sshrl.u32 @!p5 s25, $0x3;
	[sflag:s12] =	ssyncset.done $0x0  }
0x15f: {  	s28 =	sadd.s32 @!p5 s5, s22;
	s22 =	simm.s32 @!p5 $0x0;
	[sflag:s12] =	ssyncadd.s32 $0xFFFFC800  }
0x160: {  	[tilespmem:s19], [sflag:$0x4] =	stream.linear.gather @!p5 [hbm4b:s28+s22], $0x70, $0x38;
	[tilespmem:$0x1FAB8] =	vst v63  }
0x161: {  	_ =	swait.ge [sflag:s13], $0x70  }
0x162: {  	[sflag:s13] =	ssyncset.done $0x0  }
0x163: {  	[sflag:s13] =	ssyncadd.s32 $0xFFFFFF90  }
0x164: {  	[spmem:s2] =	stream.indirect.scatter.add.f32 [tilespmem:s30], [sflag:$0xA], $0x80, s23, s29, $0xb8;
	[tilespmem:$0x1FAB8] =	vst v63  }
0x165: {  	_ = 	snop  }
0x166: {  	[spmem:s3] =	stream.indirect.scatter.add.f32 [tilespmem:s14], [sflag:$0xA], $0x1, s23, s29, $0xb8;
	[tilespmem:$0x1FAB8] =	vst v63  }
0x167: {  	_ =	swait.ge [sflag:s15], $0x3800  }
0x168: {  	[sflag:s15] =	ssyncset.done $0x0  }
0x169: {  	[sflag:s15] =	ssyncadd.s32 $0xFFFFC800  }
0x16a: {  	_ =	swait.ge [sflag:s15], $0x70  }
0x16b: {  	s6 =	simm.s32 @p5 $0x0;
	s4 =	simm.s32 @p5 $0x13B40;
	[sflag:s15] =	ssyncset.done $0x0  }
0x16c: {  	s20 =	simm.s32 @p5 $0x2;
	s28 =	rddreg [dreg:$0x6];
	[sflag:s15] =	ssyncadd.s32 $0xFFFFFF90  }
0x16d: {  	[tilespmem:s4], [sflag:$0x9] =	stream.linear.gather @p5 [hbm4b:s28+s6], $0x70, $0x38;
	[tilespmem:$0x1FAB8] =	vst v63  }
0x16e: {  	_ =	swait.ge @p5 [sflag:s20], $0x3800  }
0x16f: {  	[sflag:s20] =	ssyncset.done @p5 $0x0  }
0x170: {  	s4 =	simm.s32 @!p5 $0x4;
	[sflag:s20] =	ssyncadd.s32 @p5 $0xFFFFC800  }
0x171: {  	_ =	swait.ge @!p5 [sflag:s4], $0x70  }
0x172: {  	s20 =	simm.s32 @!p5 $0x13BC0;
	[sflag:s4] =	ssyncset.done @!p5 $0x0  }
0x173: {  	s6 =	rddreg [dreg:$0x9];
	[sflag:s4] =	ssyncadd.s32 @!p5 $0xFFFFFF90;
	s4 =	simm.s32 @!p5 $0x70  }
0x174: {  	[tilespmem:s20], [sflag:$0x1] =	stream.indirect.gather @!p5 [hbm4b:s1+s4], $0x80, s19, s4, $0xb8;
	[tilespmem:$0x1FAB8] =	vst v63  }
0x175: {  	s4 =	sadd.s32 @!p5 s31, s6;
	s6 =	simm.s32 @!p5 $0x13B40;
	s19 =	simm.s32 @!p5 $0x2  }
0x176: {  	[tilespmem:s6], [sflag:$0x9] =	stream.linear.gather @!p5 [hbm4b:s4+s22], $0x70, $0x38;
	[tilespmem:$0x1FAB8] =	vst v63  }
0x177: {  	_ =	swait.ge @!p5 [sflag:s19], $0x3800  }
0x178: {  	s4 =	rddreg [dreg:$0x8];
	[sflag:s19] =	ssyncset.done @!p5 $0x0  }
0x179: {  	s6 =	simm.s32 @!p5 $0x13940;
	[sflag:s19] =	ssyncadd.s32 @!p5 $0xFFFFC800;
	s4 =	sadd.s32 @!p5 s31, s4  }
0x17a: {  	[tilespmem:s6], [sflag:$0x5] =	stream.linear.gather @!p5 [hbm4b:s4+s22], $0x70, $0x38;
	[tilespmem:$0x1FAB8] =	vst v63  }
0x17b: {  	_ =	swait.ge [sflag:s21], $0x70  }
0x17c: {  	[sflag:s21] =	ssyncset.done $0x0  }
0x17d: {  	[sflag:s21] =	ssyncadd.s32 $0xFFFFFF90  }
0x17e: {  	[spmem:s2] =	stream.indirect.scatter.add.f32 [tilespmem:s0], [sflag:$0xB], $0x80, s11, s29, $0xb8;
	[tilespmem:$0x1FAB8] =	vst v63  }
0x17f: {  	_ = 	snop  }
0x180: {  	[spmem:s3] =	stream.indirect.scatter.add.f32 [tilespmem:s14], [sflag:$0xB], $0x1, s11, s29, $0xb8;
	[tilespmem:$0x1FAB8] =	vst v63  }
0x181: {  	_ =	swait.ge [sflag:s17], $0x3800  }
0x182: {  	[sflag:s17] =	ssyncset.done $0x0  }
0x183: {  	[sflag:s17] =	ssyncadd.s32 $0xFFFFC800  }
0x184: {  	_ =	swait.ge [sflag:s17], $0x70  }
0x185: {  	p5 =	sne.s32 s31, $0x4C2;
	[sflag:s17] =	ssyncset.done $0x0  }
0x186: {  	s4 =	simm.s32 @p5 $0x5;
	[sflag:s17] =	ssyncadd.s32 $0xFFFFFF90  }
0x187: {  	s6 =	sshrl.u32 @p5 s25, $0x3;
	_ =	swait.ge @p5 [sflag:s4], $0x70  }
0x188: {  	s19 =	simm.s32 @p5 $0x173C0;
	s20 =	simm.s32 @p5 $0x13940;
	[sflag:s4] =	ssyncset.done @p5 $0x0  }
0x189: {  	s6 =	sadd.s32 @p5 s7, s6;
	[sflag:s4] =	ssyncadd.s32 @p5 $0xFFFFFF90;
	s4 =	simm.s32 @p5 $0x70  }
0x18a: {  	[tilespmem:s19], [sflag:$0x2] =	stream.indirect.gather @p5 [hbm4b:s1+s4], $0x80, s20, s4, $0xb8;
	[tilespmem:$0x1FAB8] =	vst v63  }
0x18b: {  	s4 =	simm.s32 @p5 $0x0;
	s19 =	simm.s32 @p5 $0x13A40;
	s20 =	simm.s32 @p5 $0x3  }
0x18c: {  	[tilespmem:s19], [sflag:$0x7] =	stream.linear.gather @p5 [hbm4b:s6+s4], $0x70, $0x38;
	[tilespmem:$0x1FAB8] =	vst v63  }
0x18d: {  	_ =	swait.ge @p5 [sflag:s20], $0x3800  }
0x18e: {  	s19 =	simm.s32 @!p5 $0x3;
	s6 =	rddreg [dreg:$0x7];
	[sflag:s20] =	ssyncset.done @p5 $0x0  }
0x18f: {  	[sflag:s20] =	ssyncadd.s32 @p5 $0xFFFFC800;
	s6 =	sadd.s32 @p5 s31, s6;
	s20 =	simm.s32 @p5 $0x139C0  }
0x190: {  	[tilespmem:s20], [sflag:$0x6] =	stream.linear.gather @p5 [hbm4b:s6+s4], $0x70, $0x38;
	[tilespmem:$0x1FAB8] =	vst v63  }
0x191: {  	s8 =	smov.u32 s18;
	s18 =	sadd.s32 $0x2A, s18;
	_ =	swait.ge @!p5 [sflag:s19], $0x3800  }
0x192: {  	p4 =	sne.s32 s18, $0x4EC;
	[sflag:s19] =	ssyncset.done @!p5 $0x0  }
.Ltmp3:
0x193: {  	[sflag:s19] =	ssyncadd.s32 @!p5 $0xFFFFC800;
	(pc) =	sbr.rel @p4 .LBB2_8-.Ltmp3, $4  }
0x194: {  	_ =	swait.ge [sflag:s24], $0x70  }
0x195: {  	s31 =	smov.u32 s8;
	[sflag:s24] =	ssyncset.done $0x0  }
0x196: {  	s28 =	simm.s32 $0x0;
	p5 =	seq.s32 s31, $0x0;
	[sflag:s24] =	ssyncadd.s32 $0xFFFFFF90  }
0x197: {  	[spmem:s2] =	stream.indirect.scatter.add.f32 [tilespmem:s10], [sflag:$0xC], $0x80, s16, s29, $0xb8;
	[tilespmem:$0x1FAB8] =	vst v63  }
0x198: {  	s4 =	simm.s32 @!p5 $0xC  }
0x199: {  	[spmem:s3] =	stream.indirect.scatter.add.f32 [tilespmem:s14], [sflag:$0xC], $0x1, s16, s29, $0xb8;
	[tilespmem:$0x1FAB8] =	vst v63  }
0x19a: {  	_ =	swait.ge @!p5 [sflag:s4], $0x3800  }
0x19b: {  	[sflag:s4] =	ssyncset.done @!p5 $0x0  }
0x19c: {  	[sflag:s4] =	ssyncadd.s32 @!p5 $0xFFFFC800  }
0x19d: {  	_ =	swait.ge @!p5 [sflag:s4], $0x70  }
0x19e: {  	[sflag:s4] =	ssyncset.done @!p5 $0x0  }
0x19f: {  	[sflag:s4] =	ssyncadd.s32 @!p5 $0xFFFFFF90  }
0x1a0: {  	_ =	swait.ge [sflag:s9], $0x70  }
0x1a1: {  	[sflag:s9] =	ssyncset.done $0x0  }
0x1a2: {  	s22 =	rddreg [dreg:$0xa];
	[sflag:s9] =	ssyncadd.s32 $0xFFFFFF90  }
0x1a3: {  	[tilespmem:s10], [sflag:$0x3] =	stream.indirect.gather [hbm4b:s1+s29], $0x80, s26, s29, $0xb8;
	[tilespmem:$0x1FAB8] =	vst v63  }
0x1a4: {  	s4 =	sadd.s32 s31, s22  }
0x1a5: {  	[tilespmem:s11], [sflag:$0x8] =	stream.linear.gather [hbm4b:s4+s28], $0x70, $0x38;
	[tilespmem:$0x1FAB8] =	vst v63  }
0x1a6: {  	p4 =	seq.s32 s31, $0x4C2;
	s4 =	sadd.s32 $0x150, s25;
	_ =	swait.ge [sflag:s12], $0x3800  }
0x1a7: {  	s8 =	simm.s32 @!p4 $0x138C0;
	s6 =	sshrl.u32 @!p4 s4, $0x3;
	[sflag:s12] =	ssyncset.done $0x0  }
0x1a8: {  	s18 =	simm.s32 @!p4 $0x0;
	s6 =	sadd.s32 @!p4 s5, s6;
	[sflag:s12] =	ssyncadd.s32 $0xFFFFC800  }
0x1a9: {  	[tilespmem:s8], [sflag:$0x4] =	stream.linear.gather @!p4 [hbm4b:s6+s18], $0x70, $0x38;
	[tilespmem:$0x1FAB8] =	vst v63  }
0x1aa: {  	_ =	swait.ge [sflag:s13], $0x70  }
0x1ab: {  	[sflag:s13] =	ssyncset.done $0x0  }
0x1ac: {  	[sflag:s13] =	ssyncadd.s32 $0xFFFFFF90  }
0x1ad: {  	[spmem:s2] =	stream.indirect.scatter.add.f32 [tilespmem:s30], [sflag:$0xA], $0x80, s23, s29, $0xb8;
	[tilespmem:$0x1FAB8] =	vst v63  }
0x1ae: {  	_ = 	snop  }
0x1af: {  	[spmem:s3] =	stream.indirect.scatter.add.f32 [tilespmem:s14], [sflag:$0xA], $0x1, s23, s29, $0xb8;
	[tilespmem:$0x1FAB8] =	vst v63  }
0x1b0: {  	_ =	swait.ge [sflag:s15], $0x3800  }
0x1b1: {  	[sflag:s15] =	ssyncset.done $0x0  }
0x1b2: {  	[sflag:s15] =	ssyncadd.s32 $0xFFFFC800  }
0x1b3: {  	_ =	swait.ge [sflag:s15], $0x70  }
0x1b4: {  	s19 =	simm.s32 @p4 $0x0;
	[sflag:s15] =	ssyncset.done $0x0  }
0x1b5: {  	s20 =	simm.s32 @p4 $0x13B40;
	s6 =	rddreg [dreg:$0x6];
	[sflag:s15] =	ssyncadd.s32 $0xFFFFFF90  }
0x1b6: {  	[tilespmem:s20], [sflag:$0x9] =	stream.linear.gather @p4 [hbm4b:s6+s19], $0x70, $0x38;
	[tilespmem:$0x1FAB8] =	vst v63  }
0x1b7: {  	s6 =	simm.s32 @p4 $0x2  }
0x1b8: {  	_ =	swait.ge @p4 [sflag:s6], $0x3800  }
0x1b9: {  	[sflag:s6] =	ssyncset.done @p4 $0x0  }
0x1ba: {  	[sflag:s6] =	ssyncadd.s32 @p4 $0xFFFFC800;
	s6 =	simm.s32 @!p4 $0x4  }
0x1bb: {  	_ =	swait.ge @!p4 [sflag:s6], $0x70  }
0x1bc: {  	s20 =	simm.s32 @!p4 $0x13BC0;
	[sflag:s6] =	ssyncset.done @!p4 $0x0  }
0x1bd: {  	s19 =	rddreg [dreg:$0x9];
	[sflag:s6] =	ssyncadd.s32 @!p4 $0xFFFFFF90;
	s6 =	simm.s32 @!p4 $0x70  }
0x1be: {  	[tilespmem:s20], [sflag:$0x1] =	stream.indirect.gather @!p4 [hbm4b:s1+s6], $0x80, s8, s6, $0xb8;
	[tilespmem:$0x1FAB8] =	vst v63  }
0x1bf: {  	s6 =	sadd.s32 @!p4 s31, s19;
	s8 =	simm.s32 @!p4 $0x13B40  }
0x1c0: {  	[tilespmem:s8], [sflag:$0x9] =	stream.linear.gather @!p4 [hbm4b:s6+s18], $0x70, $0x38;
	[tilespmem:$0x1FAB8] =	vst v63  }
0x1c1: {  	s6 =	simm.s32 @!p4 $0x2  }
0x1c2: {  	_ =	swait.ge @!p4 [sflag:s6], $0x3800  }
0x1c3: {  	s8 =	rddreg [dreg:$0x8];
	[sflag:s6] =	ssyncset.done @!p4 $0x0  }
0x1c4: {  	[sflag:s6] =	ssyncadd.s32 @!p4 $0xFFFFC800;
	s6 =	sadd.s32 @!p4 s31, s8;
	s8 =	simm.s32 @!p4 $0x13940  }
0x1c5: {  	[tilespmem:s8], [sflag:$0x5] =	stream.linear.gather @!p4 [hbm4b:s6+s18], $0x70, $0x38;
	[tilespmem:$0x1FAB8] =	vst v63  }
0x1c6: {  	_ =	swait.ge [sflag:s21], $0x70  }
0x1c7: {  	[sflag:s21] =	ssyncset.done $0x0  }
0x1c8: {  	[sflag:s21] =	ssyncadd.s32 $0xFFFFFF90  }
0x1c9: {  	[spmem:s2] =	stream.indirect.scatter.add.f32 [tilespmem:s0], [sflag:$0xB], $0x80, s11, s29, $0xb8;
	[tilespmem:$0x1FAB8] =	vst v63  }
0x1ca: {  	_ = 	snop  }
0x1cb: {  	[spmem:s3] =	stream.indirect.scatter.add.f32 [tilespmem:s14], [sflag:$0xB], $0x1, s11, s29, $0xb8;
	[tilespmem:$0x1FAB8] =	vst v63  }
0x1cc: {  	_ =	swait.ge [sflag:s17], $0x3800  }
0x1cd: {  	[sflag:s17] =	ssyncset.done $0x0  }
0x1ce: {  	[sflag:s17] =	ssyncadd.s32 $0xFFFFC800  }
0x1cf: {  	_ =	swait.ge [sflag:s17], $0x70  }
0x1d0: {  	p4 =	sne.s32 s31, $0x4C2;
	[sflag:s17] =	ssyncset.done $0x0  }
0x1d1: {  	s6 =	simm.s32 @p4 $0x5;
	[sflag:s17] =	ssyncadd.s32 $0xFFFFFF90  }
0x1d2: {  	s4 =	sshrl.u32 @p4 s4, $0x3;
	_ =	swait.ge @p4 [sflag:s6], $0x70  }
0x1d3: {  	s8 =	simm.s32 @p4 $0x173C0;
	s18 =	simm.s32 @p4 $0x13940;
	[sflag:s6] =	ssyncset.done @p4 $0x0  }
0x1d4: {  	s4 =	sadd.s32 @p4 s7, s4;
	[sflag:s6] =	ssyncadd.s32 @p4 $0xFFFFFF90;
	s6 =	simm.s32 @p4 $0x70  }
0x1d5: {  	[tilespmem:s8], [sflag:$0x2] =	stream.indirect.gather @p4 [hbm4b:s1+s6], $0x80, s18, s6, $0xb8;
	[tilespmem:$0x1FAB8] =	vst v63  }
0x1d6: {  	s6 =	simm.s32 @p4 $0x0;
	s8 =	simm.s32 @p4 $0x13A40;
	s18 =	simm.s32 @p4 $0x3  }
0x1d7: {  	[tilespmem:s8], [sflag:$0x7] =	stream.linear.gather @p4 [hbm4b:s4+s6], $0x70, $0x38;
	[tilespmem:$0x1FAB8] =	vst v63  }
0x1d8: {  	_ =	swait.ge @p4 [sflag:s18], $0x3800  }
0x1d9: {  	s8 =	simm.s32 @!p4 $0x3;
	s4 =	rddreg [dreg:$0x7];
	[sflag:s18] =	ssyncset.done @p4 $0x0  }
0x1da: {  	[sflag:s18] =	ssyncadd.s32 @p4 $0xFFFFC800;
	s4 =	sadd.s32 @p4 s31, s4;
	s18 =	simm.s32 @p4 $0x139C0  }
0x1db: {  	[tilespmem:s18], [sflag:$0x6] =	stream.linear.gather @p4 [hbm4b:s4+s6], $0x70, $0x38;
	[tilespmem:$0x1FAB8] =	vst v63  }
0x1dc: {  	_ =	swait.ge @!p4 [sflag:s8], $0x3800  }
0x1dd: {  	[sflag:s8] =	ssyncset.done @!p4 $0x0  }
0x1de: {  	[sflag:s8] =	ssyncadd.s32 @!p4 $0xFFFFC800  }
0x1df: {  	_ =	swait.ge [sflag:s24], $0x70  }
0x1e0: {  	[sflag:s24] =	ssyncset.done $0x0  }
0x1e1: {  	[sflag:s24] =	ssyncadd.s32 $0xFFFFFF90  }
0x1e2: {  	[spmem:s2] =	stream.indirect.scatter.add.f32 [tilespmem:s10], [sflag:$0xC], $0x80, s16, s29, $0xb8;
	[tilespmem:$0x1FAB8] =	vst v63  }
0x1e3: {  	s6 =	simm.s32 $0xC  }
0x1e4: {  	[spmem:s3] =	stream.indirect.scatter.add.f32 [tilespmem:s14], [sflag:$0xC], $0x1, s16, s29, $0xb8;
	[tilespmem:$0x1FAB8] =	vst v63  }
0x1e5: {  	_ =	swait.ge [sflag:s6], $0x3800  }
0x1e6: {  	[sflag:s6] =	ssyncset.done $0x0  }
0x1e7: {  	[sflag:s6] =	ssyncadd.s32 $0xFFFFC800  }
0x1e8: {  	_ =	swait.ge [sflag:s6], $0x70  }
0x1e9: {  	[sflag:s6] =	ssyncset.done $0x0  }
0x1ea: {  	[sflag:s6] =	ssyncadd.s32 $0xFFFFFF90  }
0x1eb: {  	s8 =	stileid.u32;
	[bflag:$0x0] =	sbarrier.arrive $0xFFFF  }
0x1ec: {  	s22 =	simm.s32 $0xE;
	s4 =	sshll.u32 s8, $0x6;
	s20 =	rddreg [dreg:$0xb]  }
0x1ed: {  	s4 =	sor.u32 $0x1C0E, s4;
	s19 =	rddreg [dreg:$0x14];
	s18 =	sshrl.u32 s20, $0x3  }
0x1ee: {  	[hbm:s19], [sflag:s4] =	dma.local [spmem:s18], $0x2700  }
0x1ef: {  	s8 =	simm.s32 @p1 $0x1;
	_ =	swait.ge [sflag:s22], $0x2700  }
0x1f0: {  	s6 =	sshrl.u32 @p1 s3, $0x3;
	s18 =	simm.s32 @p1 $0x20;
	[sflag:s22] =	ssyncset.done $0x0  }
0x1f1: {  	s19 =	simm.s32 @p1 $0x10;
	[sflag:s22] =	ssyncadd.s32 $0xFFFFD900;
	s22 =	rddreg [dreg:$0x15]  }
0x1f2: {  	[hbm:s22@s18], [sflag:s4] =	dma.strided @p1 [spmem:s6@s19], $0x4F0, s8, $0x10   }
0x1f3: {  	s6 =	simm.s32 @p1 $0xE  }
0x1f4: {  	_ =	swait.ge @p1 [sflag:s6], $0x4F0  }
0x1f5: {  	s19 =	sld [smem:$0x7FD];
	_ =	sdelay $0x1  }
0x1f6: {  	[sflag:s6] =	ssyncset.done @p1 $0x0  }
0x1f7: {  	s8 =	rddreg [dreg:$0x1a];
	[sflag:s6] =	ssyncadd.s32 @p1 $0xFFFFFB10;
	s6 =	sshrl.u32 @!p3 s19, $0x3  }
0x1f8: {  	[hbm:s8], [sflag:s4] =	dma.local @!p3 [spmem:s6], $0x100  }
0x1f9: {  	s4 =	simm.s32 @!p3 $0xE  }
0x1fa: {  	_ =	swait.ge @!p3 [sflag:s4], $0x100  }
0x1fb: {  	s25 =	sld [smem:$0x7EA];
	_ =	sdelay $0x2  }
0x1fc: {  	s31 =	rddreg [dreg:$0x1b];
	s8 =	sadd.s32 $0x1, s25  }
0x1fd: {  	p4 =	sne.s32 s8, s31  }
.Ltmp4:
0x1fe: {  	_ = 	snop;
	(pc) =	sbr.rel @p4 .LBB2_1-.Ltmp4, $3  }
0x1ff: {  	_ =	sdelay $0x1  }
0x200: {  	[sflag:s4] =	ssyncset.done @!p3 $0x0  }
0x201: {  	[sflag:s4] =	ssyncadd.s32 @!p3 $0xFFFFFF00  }
0x202: {  	_ =	sfence.sel $0x180000  }
0x203: {  	[bflag:$0x0] =	sbarrier.arrive $0xFFFF  }
0x204: {  	_ =	strace $0x90000047  }
0x205: {  	[bflag:$0x2] =	sbarrier.arrive $0xFFFF  }
0x206: {  	s0 =	rddreg [dreg:$0x5]  }
0x207: {  	s0 =	sadd.s32 @!p0 $0x100000, s0  }
0x208: {  	[sflag:s0] =	ssyncadd.tile.s32 @!p0 $0x1;
	_ =	shalt  }
.Lfunc_end2:
_tile_overlayer_lowered:
.L_overlay_start_2:
0x209: {  	(tag) =	ssettag $0x2  }
0x20a: {  	s0 =	rddreg [dreg:$0x0];
	s2 =	stileid.u32  }
0x20b: {  	s1 =	rddreg [dreg:$0x1];
	p0 =	sne.s32 s2, $0x0  }
0x20c: {  	s3 =	rddreg [dreg:$0x2];
	[bflag:$0x3] =	sbarrier.arrive $0xFFFF;
	s2 =	simm.s32 @!p0 $0x1C0E  }
0x20d: {  	[timem:s3], [sflag:s2] =	dma.local @!p0 [hbm:s0], s1  }
0x20e: {  	s0 =	simm.s32 @!p0 $0xE  }
0x20f: {  	_ =	swait.ge @!p0 [sflag:s0], s1  }
0x210: {  	s1 =	ssub.s32 @!p0 $0x0, s1;
	[sflag:s0] =	ssyncset.done @!p0 $0x0  }
0x211: {  	[sflag:s0] =	ssyncadd.s32 @!p0 s1  }
0x212: {  	[bflag:$0x3] =	sbarrier.arrive $0xFFFF  }
0x213: {  	_ =	shalt  }

// kernel: kernel.9.cloned.1.call-start
scs
__scs_entry_jumppad:
0x0: {  	(pc) =	sbr.rel $0x88, $3  }
0x1: {  	(tag) =	ssettag $0x0;
	lr =	simm.s32 $0x1  }
0x2: {  	[smem:$0x3F99] =	sst lr;
	_ =	strace $0xD0000000  }
0x3: {  	_ = 	snop  }
0x4: {  	_ = 	snop  }
0x5: {  	_ = 	snop  }
0x6: {  	_ = 	snop  }
0x7: {  	_ = 	snop  }
__scs_overlays_trampoline_lowered:
0x8: {  	[smem:$0x3FA8] =	sst s0  }
0x9: {  	[smem:$0x3FA9] =	sst s1  }
0xa: {  	[smem:$0x3FAA] =	sst s2  }
0xb: {  	[smem:$0x3FAB] =	sst s3  }
0xc: {  	[smem:$0x3FAC] =	sst s4  }
0xd: {  	[smem:$0x3FAD] =	sst s5  }
0xe: {  	[smem:$0x3FAE] =	sst s6  }
0xf: {  	[smem:$0x3FAF] =	sst s7  }
0x10: {  	[smem:$0x3FB0] =	sst s8  }
0x11: {  	[smem:$0x3FB1] =	sst s9;
	s0 =	simm.s32 @!p0 $0x0  }
0x12: {  	s1 =	sld [smem:$0x3F97];
	s0 =	simm.s32 @p0 $0x1  }
0x13: {  	[smem:$0x3FB2] =	sst s0;
	s0 =	simm.s32 @!p1 $0x0  }
0x14: {  	s2 =	sld [smem:$0x3F96];
	s0 =	simm.s32 @p1 $0x1  }
0x15: {  	[smem:$0x3FB3] =	sst s0;
	s0 =	simm.s32 @!p2 $0x0  }
0x16: {  	s3 =	sld [smem:$0x3FDB];
	s0 =	simm.s32 @p2 $0x1  }
0x17: {  	s4 =	simm.s32 $0x1BF5;
	[smem:$0x3FB5] =	sst s0  }
0x18: {  	s0 =	sld [smem:$0x3F98];
	_ =	swait.ge [sflag:s4], $0x0  }
0x19: {  	s7 =	sld [smem:$0x3F99]  }
0x1a: {  	s8 =	sadd.s32 $0xFFFFE003, lr  }
0x1b: {  	s9 =	sadd.s32 $0xFFFFFEF7, lr;
	s5 =	simm.s32 $0xFFFFFFFF;
	p2 =	slt.u32 s8, $0xFFFFF086  }
0x1c: {  	p1 =	slt.u32 s9, $0xF7A;
	s5 =	simm.s32 @!p2 $0x0  }
0x1d: {  	s5 =	simm.s32 @p1 $0x1;
	p0 =	seq.s32 s7, s2  }
0x1e: {  	s7 =	smul.u32 @!p0 $0xF7A, s2;
	p2 =	seq.s32 @!p0 s5, $0x0  }
0x1f: {  	s9 =	smul.u32 $0xF7A, s1;
	s8 =	simm.s32 @!p0 $0x1BF5;
	p2 =	por !p2, p0  }
0x20: {  	[sflag:s8] =	ssyncset.s32 @!p0 $0xFFFFF086;
	s6 =	sadd.s32 @!p0 s3, s7;
	s7 =	simm.s32 @!p0 $0x108  }
0x21: {  	s3 =	sadd.s32 s3, s9;
	s6 =	sadd.s32 @!p0 $0x88, s6;
	s7 =	simm.s32 @p2 $0x1082  }
0x22: {  	[simem:s7], [sflag:s8] =	dma.local @!p0 [hbm:s6], $0xF7A  }
0x23: {  	s9 =	sor.u32 $0xD0000000, s2;
	s6 =	simm.s32 $0x108;
	_ =	swait.ge @!p0 [sflag:s8], $0x0  }
0x24: {  	s3 =	sadd.s32 $0x88, s3;
	s6 =	simm.s32 @!p1 $0x1082;
	[sflag:s4] =	ssyncset.s32 $0xFFFFF086  }
0x25: {  	[simem:s6], [sflag:s4] =	dma.local [hbm:s3], $0xF7A  }
0x26: {  	[smem:$0x3F99] =	sst s1;
	(tag) =	ssettag s2;
	_ =	strace s9  }
0x27: {  	s1 =	sld [smem:$0x3FA9]  }
0x28: {  	s2 =	sld [smem:$0x3FAA]  }
0x29: {  	s4 =	sld [smem:$0x3FAC]  }
0x2a: {  	p0 =	seq.s32 s5, $0x0;
	s5 =	sld [smem:$0x3FAD]  }
0x2b: {  	s6 =	sld [smem:$0x3FAE]  }
0x2c: {  	s7 =	sld [smem:$0x3FAF]  }
0x2d: {  	s3 =	simm.s32 $0x108;
	s8 =	sld [smem:$0x3FB0]  }
0x2e: {  	s3 =	simm.s32 @!p0 $0x1082;
	s9 =	sld [smem:$0x3FB1]  }
0x2f: {  	lr =	sadd.s32 s0, s3;
	s0 =	sld [smem:$0x3FA8]  }
0x30: {  	s3 =	sld [smem:$0x3FAB]  }
0x31: {  	[smem:$0x3FB4] =	sst s10  }
0x32: {  	s10 =	sld [smem:$0x3FB2];
	_ =	sdelay $0x3  }
0x33: {  	p0 =	seq.s32 s10, $0x1;
	s10 =	sld [smem:$0x3FB4];
	_ =	sdelay $0x3  }
0x34: {  	[smem:$0x3FB4] =	sst s10  }
0x35: {  	s10 =	sld [smem:$0x3FB3];
	_ =	sdelay $0x3  }
0x36: {  	p1 =	seq.s32 s10, $0x1;
	s10 =	sld [smem:$0x3FB4];
	_ =	sdelay $0x3  }
0x37: {  	[smem:$0x3FB4] =	sst s10  }
0x38: {  	s10 =	sld [smem:$0x3FB5]  }
0x39: {  	_ = 	snop;
	(pc) =	sbr.ind lr, $3  }
0x3a: {  	_ = 	snop  }
0x3b: {  	_ = 	snop  }
0x3c: {  	p2 =	seq.s32 s10, $0x1;
	s10 =	sld [smem:$0x3FB4]  }
0x3d: {  	_ =	shalt  }
0x3e: {  	_ =	shalt  }
0x3f: {  	_ =	shalt  }
0x40: {  	_ =	shalt  }
0x41: {  	_ =	shalt  }
0x42: {  	_ =	shalt  }
0x43: {  	_ =	shalt  }
0x44: {  	_ =	shalt  }
0x45: {  	_ =	shalt  }
0x46: {  	_ =	shalt  }
0x47: {  	_ =	shalt  }
0x48: {  	_ =	shalt  }
0x49: {  	_ =	shalt  }
0x4a: {  	_ =	shalt  }
0x4b: {  	_ =	shalt  }
0x4c: {  	_ =	shalt  }
0x4d: {  	_ =	shalt  }
0x4e: {  	_ =	shalt  }
0x4f: {  	_ =	shalt  }
0x50: {  	_ =	shalt  }
0x51: {  	_ =	shalt  }
0x52: {  	_ =	shalt  }
0x53: {  	_ =	shalt  }
0x54: {  	_ =	shalt  }
0x55: {  	_ =	shalt  }
0x56: {  	_ =	shalt  }
0x57: {  	_ =	shalt  }
0x58: {  	_ =	shalt  }
0x59: {  	_ =	shalt  }
0x5a: {  	_ =	shalt  }
0x5b: {  	_ =	shalt  }
0x5c: {  	_ =	shalt  }
0x5d: {  	_ =	shalt  }
0x5e: {  	_ =	shalt  }
0x5f: {  	_ =	shalt  }
0x60: {  	_ =	shalt  }
0x61: {  	_ =	shalt  }
0x62: {  	_ =	shalt  }
0x63: {  	_ =	shalt  }
0x64: {  	_ =	shalt  }
0x65: {  	_ =	shalt  }
0x66: {  	_ =	shalt  }
0x67: {  	_ =	shalt  }
0x68: {  	_ =	shalt  }
0x69: {  	_ =	shalt  }
0x6a: {  	_ =	shalt  }
0x6b: {  	_ =	shalt  }
0x6c: {  	_ =	shalt  }
0x6d: {  	_ =	shalt  }
0x6e: {  	_ =	shalt  }
0x6f: {  	_ =	shalt  }
0x70: {  	_ =	shalt  }
0x71: {  	_ =	shalt  }
0x72: {  	_ =	shalt  }
0x73: {  	_ =	shalt  }
0x74: {  	_ =	shalt  }
0x75: {  	_ =	shalt  }
0x76: {  	_ =	shalt  }
0x77: {  	_ =	shalt  }
0x78: {  	_ =	shalt  }
0x79: {  	_ =	shalt  }
0x7a: {  	_ =	shalt  }
0x7b: {  	_ =	shalt  }
0x7c: {  	_ =	shalt  }
0x7d: {  	_ =	shalt  }
0x7e: {  	_ =	shalt  }
0x7f: {  	_ =	shalt  }
0x80: {  	_ =	shalt  }
0x81: {  	_ =	shalt  }
0x82: {  	_ =	shalt  }
0x83: {  	_ =	shalt  }
0x84: {  	_ =	shalt  }
0x85: {  	_ =	shalt  }
0x86: {  	_ =	shalt  }
0x87: {  	_ =	shalt  }
.Lfunc_end0:
.L_simem_size_0:
called_computation.1_lowered:
.L_overlay_start_0:
0x88: {  	s2 =	sld [smem:$0x3FD9]  }
0x89: {  	s3 =	sld [smem:$0x3FFE];
	_ =	sdelay $0x1  }
0x8a: {  	s1 =	srdreg.scid  }
0x8b: {  	s0 =	sand.u32 $0x1, s1  }
0x8c: {  	s17 =	sshll.u32 s0, $0xA;
	s2 =	sadd.s32 s3, s2  }
0x8d: {  	s2 =	sadd.s32 s2, s17  }
0x8e: {  	[smem:$0x3FC0] =	sst s2  }
0x8f: {  	_ = 	snop  }
0x90: {  	s2 =	sld [smem:$0x3FD0];
	(tm) =	ssettm $0x1  }
0x91: {  	s18 =	sld [smem:$0x3FFB];
	_ =	sdelay $0x3  }
0x92: {  	_ =	strace s18  }
0x93: {  	s3 =	sld [smem:$0x3FFC];
	_ =	sdelay $0x3  }
0x94: {  	_ =	strace s3  }
0x95: {  	s3 =	sld [smem:$0x3FFD];
	_ =	sdelay $0x3  }
0x96: {  	_ =	strace s3  }
0x97: {  	_ =	strace $0x8FFFFFFF  }
0x98: {  	s19 =	sld [smem:$0x3FDB];
	_ =	sdelay $0x1  }
0x99: {  	s4 =	simm.s32 $_scs_section_size  }
0x9a: {  	s5 =	simm.s32 $_size__tile_overlayer_lowered;
	s6 =	simm.s32 $_tile_overlayer_lowered  }
0x9b: {  	s22 =	simm.s32 $0x1BFF;
	s21 =	sshll.u32 s6, $0x1;
	s3 =	sadd.s32 s4, s19  }
0x9c: {  	s7 =	simm.s32 $0x0;
	s20 =	sshll.u32 s5, $0x1;
	s5 =	sadd.s32 s21, s3  }
0x9d: {  	[timem:s7], [sflag:s22] =	dma.local [hbm:s5], s20  }
0x9e: {  	_ =	swait.ge [sflag:s22], s20  }
0x9f: {  	s4 =	ssub.s32 $0x0, s20;
	[sflag:s22] =	ssyncset.done $0x0  }
0xa0: {  	[sflag:s22] =	ssyncadd.s32 s4;
	_ =	sdelay $0x1  }
0xa1: {  	s23 =	simm.s32 $0x1B8B  }
0xa2: {  	_ =	swait.ge [sflag:s23], $0x1  }
0xa3: {  	[sflag:s23] =	ssyncset.done $0x0  }
0xa4: {  	s25 =	simm.s32 $0x1B8E;
	s24 =	sld [smem:$0x3FFE];
	[sflag:s23] =	ssyncadd.s32 $0xFFFFFFFF  }
0xa5: {  	s26 =	simm.s32 $execute0_lowered;
	[smem:$0x3FD2] =	sst s25  }
0xa6: {  	s5 =	sshll.u32 s26, $0x1;
	_ =	strace $0x80000049;
	[dreg:$0x1] =	wrdreg $0xFFFFFFFF  }
0xa7: {  	s28 =	simm.s32 $_size_execute0_lowered;
	s3 =	sadd.s32 s3, s5;
	[dreg:$0x0] =	wrdreg $0x0  }
0xa8: {  	s5 =	sshll.u32 s28, $0x1;
	[dreg:$0x2] =	wrdreg s3  }
0xa9: {  	[dreg:$0x3] =	wrdreg s5  }
0xaa: {  	[dreg:$0x4] =	wrdreg $0xC0  }
0xab: {  	_ =	task [dreg:s7], $0x5FFFF  }
0xac: {  	[dreg:$0x1] =	wrdreg $0xFFFFFFFF  }
0xad: {  	[dreg:$0x0] =	wrdreg $0x60  }
0xae: {  	[dreg:$0x2] =	wrdreg s2  }
0xaf: {  	[dreg:$0x3] =	wrdreg s24  }
0xb0: {  	[dreg:$0x4] =	wrdreg $0x0  }
0xb1: {  	[dreg:$0x5] =	wrdreg $0x9  }
0xb2: {  	_ =	task.clear_ibuf [dreg:s7], $0x6FFFF;
	_ =	strace $0x90000049  }
0xb3: {  	s29 =	simm.s32 $0x9;
	_ =	strace $0x8000004B  }
0xb4: {  	_ =	swait.ge [sflag:s29], $0x1  }
0xb5: {  	[sflag:s29] =	ssyncadd.s32 $0xFFFFFFFF  }
0xb6: {  	_ =	strace $0x9000004B  }
0xb7: {  	_ =	sfence  }
0xb8: {  	s30 =	sld [smem:$0x0];
	_ =	sdelay $0x2  }
0xb9: {  	s31 =	sshll.u32 s1, $0xD;
	s1 =	sshrl.u32 s1, $0x2  }
0xba: {  	s3 =	sand.u32 $0x4000, s31;
	s1 =	sadd.s32 s1, s30  }
0xbb: {  	s0 =	sor.u32 s3, s0;
	s1 =	sshll.u32 s1, $0x11  }
0xbc: {  	s0 =	sor.u32 s1, s0  }
0xbd: {  	s0 =	sadd.s32 $0x8F2B, s0  }
0xbe: {  	[sflag:s0] =	ssyncadd.remote.s32 $0x1  }
0xbf: {  	_ =	sfence.sel $0xFFFF  }
0xc0: {  	[dreg:$0x0] =	wrdreg $0xFFFFFFFF;
	(pc) =	sbr.abs _section_cstart, $3  }
0xc1: {  	[dreg:$0x1] =	wrdreg $0xFFFFFFFF  }
0xc2: {  	_ =	task.clear_ibuf [dreg:s7], $0x2FFFF;
	_ =	strace $0x9FFFFFFF  }
0xc3: {  	(tm) =	ssettm $0x7FFFFFFF  }
tec
execute0_lowered:
.L_overlay_start_1:
0x0: {  	(tag) =	ssettag $0x1  }
0x1: {  	s1 =	rddreg [dreg:$0x0]  }
0x2: {  	s0 =	rddreg [dreg:$0x1];
	s15 =	stileid.u32  }
0x3: {  	s2 =	rddreg [dreg:$0x2];
	s7 =	smul.u32 $0x4E000, s15  }
0x4: {  	s4 =	simm.s32 $0x0;
	s3 =	srdreg.scid;
	s28 =	simm.s32 $0x6  }
0x5: {  	s29 =	simm.s32 $0x1ABC0;
	[smem:$0x7FF] =	sst s4;
	s7 =	sshrl.u32 s7, $0x2  }
0x6: {  	s5 =	sadd.s32 $0xBE00, s0;
	s6 =	sadd.s32 $0x2000, s0;
	s7 =	sadd.s32 s7, s2  }
0x7: {  	s3 =	sand.u32 $0x1, s3;
	s8 =	sshll.u32 s15, $0x1;
	s20 =	sadd.s32 $0xC00, s7  }
0x8: {  	_ =	strace $0x8000004A;
	s11 =	sadd.s32 $0x1800, s7;
	[dreg:$0x9] =	wrdreg s20  }
0x9: {  	s21 =	smul.u32 $0x4EC0, s15;
	s22 =	sadd.s32 $0x2400, s7;
	[dreg:$0xa] =	wrdreg s11  }
0xa: {  	s17 =	smul.u32 $0x13800, s15;
	s12 =	sadd.s32 $0x3000, s7;
	[dreg:$0xb] =	wrdreg s22  }
0xb: {  	p0 =	sne.s32 s15, $0xF;
	s24 =	sadd.s32 $0x3C00, s7;
	[dreg:$0xc] =	wrdreg s12  }
0xc: {  	s9 =	ssub.s32 $0x2, s3;
	s25 =	sadd.s32 $0x4800, s7;
	[dreg:$0xd] =	wrdreg s24  }
0xd: {  	s23 =	smul.u32 $0x2760, s3;
	s26 =	sadd.s32 $0x5400, s7;
	[dreg:$0xe] =	wrdreg s25  }
0xe: {  	s10 =	sshrl.u32 s9, $0x1;
	s13 =	sadd.s32 $0x6000, s7;
	[dreg:$0xf] =	wrdreg s26  }
0xf: {  	s9 =	ssub.s32 s9, s10;
	s14 =	sadd.s32 $0x6C00, s7;
	[dreg:$0x10] =	wrdreg s13  }
0x10: {  	s10 =	sadd.s32 s23, s21;
	s23 =	sadd.s32 $0x8400, s7;
	[dreg:$0x11] =	wrdreg s14  }
0x11: {  	s8 =	sor.u32 s3, s8;
	s9 =	smax.u32 s9, $0x1;
	[dreg:$0x13] =	wrdreg s23  }
0x12: {  	s3 =	smul.u32 $0x138800, s3;
	s15 =	sadd.s32 $0xCC00, s7;
	[dreg:$0x19] =	wrdreg s9  }
0x13: {  	s8 =	smul.u32 $0x2760, s8;
	s20 =	sadd.s32 $0x7800, s7;
	[dreg:$0x1e] =	wrdreg s15  }
0x14: {  	s16 =	sadd.s32 $0x230, s10;
	s25 =	sadd.s32 $0x9000, s7;
	[dreg:$0x12] =	wrdreg s20  }
0x15: {  	s8 =	sshrl.u32 s8, $0x3;
	s24 =	simm.s32 $0x13AC0;
	[dreg:$0x15] =	wrdreg s25  }
0x16: {  	s26 =	sadd.s32 s5, s8;
	s8 =	sadd.s32 s6, s8;
	[dreg:$0x8] =	wrdreg s24  }
0x17: {  	s11 =	sshrl.u32 s16, $0x3;
	s16 =	sadd.s32 $0xD800, s7;
	[dreg:$0x17] =	wrdreg s8  }
0x18: {  	s12 =	sadd.s32 s17, s3;
	s17 =	sadd.s32 $0xE400, s7;
	[dreg:$0x1f] =	wrdreg s16  }
0x19: {  	s30 =	simm.s32 $0x1;
	s23 =	sadd.s32 $0x12C00, s7;
	[smem:$0x7F5] =	sst s17  }
0x1a: {  	s31 =	simm.s32 $0x13B40;
	s0 =	sadd.s32 $0x15C00, s0;
	[smem:$0x7FB] =	sst s23  }
0x1b: {  	s14 =	sadd.s32 $0xE0, s10;
	s11 =	sadd.s32 s11, s5;
	[dreg:$0x16] =	wrdreg s26  }
0x1c: {  	s19 =	sshrl.u32 s14, $0x3;
	s14 =	sadd.s32 $0xC000, s7;
	[dreg:$0x4] =	wrdreg s11  }
0x1d: {  	s13 =	sadd.s32 $0x1C0, s10;
	s20 =	sadd.s32 $0x10800, s7;
	[dreg:$0x1d] =	wrdreg s14  }
0x1e: {  	s22 =	sadd.s32 $0x70, s10;
	s24 =	sadd.s32 $0xE, s26;
	[smem:$0x7F8] =	sst s20  }
0x1f: {  	s13 =	sshrl.u32 s13, $0x3;
	s26 =	sadd.s32 $0x1C, s26;
	[smem:$0x7FC] =	sst s24  }
0x20: {  	s3 =	sshrl.u32 s3, $0x3;
	s18 =	sadd.s32 s13, s5;
	[smem:$0x7FD] =	sst s26  }
0x21: {  	s12 =	sshrl.u32 s12, $0x3;
	s21 =	sadd.s32 s19, s6;
	[dreg:$0x5] =	wrdreg s18  }
0x22: {  	s9 =	simm.s32 $0x0;
	s12 =	sadd.s32 s0, s12;
	[dreg:$0x6] =	wrdreg s21  }
0x23: {  	s25 =	sadd.s32 $0x150, s10;
	s13 =	sadd.s32 $0xB400, s7;
	[dreg:$0x14] =	wrdreg s12  }
0x24: {  	s17 =	simm.s32 $0x1E3C0;
	s19 =	sadd.s32 $0xFC00, s7;
	[dreg:$0x1c] =	wrdreg s13  }
0x25: {  	s11 =	sshrl.u32 s22, $0x3;
	s22 =	sadd.s32 $0x12000, s7;
	[smem:$0x7F7] =	sst s19  }
0x26: {  	s0 =	sadd.s32 s0, s3;
	s11 =	sadd.s32 s11, s6;
	[smem:$0x7FA] =	sst s22  }
0x27: {  	s23 =	simm.s32 $0x70;
	s0 =	sadd.s32 $0x27000, s0;
	[dreg:$0x7] =	wrdreg s11  }
0x28: {  	s14 =	sadd.s32 $0x138000, s2;
	s12 =	sadd.s32 $0xA800, s7;
	[dreg:$0x18] =	wrdreg s0  }
0x29: {  	s20 =	simm.s32 $0x139C0;
	s18 =	sadd.s32 $0xF000, s7;
	[dreg:$0x1b] =	wrdreg s12  }
0x2a: {  	s26 =	simm.s32 $0xD;
	s21 =	sadd.s32 $0x11400, s7;
	[smem:$0x7F6] =	sst s18  }
0x2b: {  	s3 =	simm.s32 $0x9;
	s11 =	sadd.s32 $0x9C00, s7;
	[smem:$0x7F9] =	sst s21  }
0x2c: {  	v0 =	vimm.f32 $0.0e+00;
	s0 =	simm.s32 $0x2;
	s18 =	simm.s32 $0xE;
	[dreg:$0x1a] =	wrdreg s11  }
.LBB2_1:
0x2d: {  	s10 =	sand.u32 $0x3E00, s4  }
0x2e: {  	s11 =	sand.u32 $0x70, s4;
	s12 =	sshrl.u32 s10, $0x2  }
0x2f: {  	s10 =	simm.s32 $0x40;
	s12 =	sor.u32 s11, s12;
	s11 =	simm.s32 $0x0  }
.LBB2_2:
0x30: {  	p1 =	sne.s32 s10, $0x2FC0  }
0x31: {  	[tilespmem:s12+$0x1E3C0] =	vst v0;
	s11 =	sadd.s32 $0x10, s11;
	s12 =	smov.u32 s10;
	s10 =	sadd.s32 $0x40, s10  }
.Ltmp0:
0x32: {  	(pc) =	sbr.rel @p1 .LBB2_2-.Ltmp0, $4  }
0x33: {  	_ = 	snop  }
0x34: {  	s12 =	sand.u32 $0x3E00, s12  }
0x35: {  	s19 =	sand.u32 $0x70, s11;
	s12 =	sshrl.u32 s12, $0x2  }
0x36: {  	s12 =	sor.u32 s19, s12  }
0x37: {  	[tilespmem:s12+$0x1E3C0] =	vst v0;
	s8 =	rddreg [dreg:$0x9]  }
0x38: {  	[spmem:s7] =	stream.linear.scatter [tilespmem:s17], [sflag:$0xD], $0xC00, $0x38;
	[tilespmem:$0x1EFC0] =	vst v63  }
0x39: {  	s10 =	rddreg [dreg:$0xa]  }
0x3a: {  	[spmem:s8] =	stream.linear.scatter [tilespmem:s17], [sflag:$0xD], $0xC00, $0x38;
	[tilespmem:$0x1EFC0] =	vst v63  }
0x3b: {  	s11 =	rddreg [dreg:$0xb]  }
0x3c: {  	[spmem:s10] =	stream.linear.scatter [tilespmem:s17], [sflag:$0xD], $0xC00, $0x38;
	[tilespmem:$0x1EFC0] =	vst v63  }
0x3d: {  	s12 =	rddreg [dreg:$0xc]  }
0x3e: {  	[spmem:s11] =	stream.linear.scatter [tilespmem:s17], [sflag:$0xD], $0xC00, $0x38;
	[tilespmem:$0x1EFC0] =	vst v63  }
0x3f: {  	s13 =	rddreg [dreg:$0xd]  }
0x40: {  	[spmem:s12] =	stream.linear.scatter [tilespmem:s17], [sflag:$0xD], $0xC00, $0x38;
	[tilespmem:$0x1EFC0] =	vst v63  }
0x41: {  	s15 =	rddreg [dreg:$0xe]  }
0x42: {  	[spmem:s13] =	stream.linear.scatter [tilespmem:s17], [sflag:$0xD], $0xC00, $0x38;
	[tilespmem:$0x1EFC0] =	vst v63  }
0x43: {  	s16 =	rddreg [dreg:$0xf]  }
0x44: {  	[spmem:s15] =	stream.linear.scatter [tilespmem:s17], [sflag:$0xD], $0xC00, $0x38;
	[tilespmem:$0x1EFC0] =	vst v63  }
0x45: {  	s19 =	rddreg [dreg:$0x10]  }
0x46: {  	[spmem:s16] =	stream.linear.scatter [tilespmem:s17], [sflag:$0xD], $0xC00, $0x38;
	[tilespmem:$0x1EFC0] =	vst v63  }
0x47: {  	s21 =	rddreg [dreg:$0x11]  }
0x48: {  	[spmem:s19] =	stream.linear.scatter [tilespmem:s17], [sflag:$0xD], $0xC00, $0x38;
	[tilespmem:$0x1EFC0] =	vst v63  }
0x49: {  	s22 =	rddreg [dreg:$0x12]  }
0x4a: {  	[spmem:s21] =	stream.linear.scatter [tilespmem:s17], [sflag:$0xD], $0xC00, $0x38;
	[tilespmem:$0x1EFC0] =	vst v63  }
0x4b: {  	s24 =	rddreg [dreg:$0x13]  }
0x4c: {  	[spmem:s22] =	stream.linear.scatter [tilespmem:s17], [sflag:$0xD], $0xC00, $0x38;
	[tilespmem:$0x1EFC0] =	vst v63  }
0x4d: {  	s10 =	rddreg [dreg:$0x15]  }
0x4e: {  	[spmem:s24] =	stream.linear.scatter [tilespmem:s17], [sflag:$0xD], $0xC00, $0x38;
	[tilespmem:$0x1EFC0] =	vst v63  }
0x4f: {  	s11 =	rddreg [dreg:$0x1a]  }
0x50: {  	[spmem:s10] =	stream.linear.scatter [tilespmem:s17], [sflag:$0xD], $0xC00, $0x38;
	[tilespmem:$0x1EFC0] =	vst v63  }
0x51: {  	s12 =	rddreg [dreg:$0x1b]  }
0x52: {  	[spmem:s11] =	stream.linear.scatter [tilespmem:s17], [sflag:$0xD], $0xC00, $0x38;
	[tilespmem:$0x1EFC0] =	vst v63  }
0x53: {  	s13 =	rddreg [dreg:$0x1c]  }
0x54: {  	[spmem:s12] =	stream.linear.scatter [tilespmem:s17], [sflag:$0xD], $0xC00, $0x38;
	[tilespmem:$0x1EFC0] =	vst v63  }
0x55: {  	s15 =	rddreg [dreg:$0x1d]  }
0x56: {  	[spmem:s13] =	stream.linear.scatter [tilespmem:s17], [sflag:$0xD], $0xC00, $0x38;
	[tilespmem:$0x1EFC0] =	vst v63  }
0x57: {  	s16 =	rddreg [dreg:$0x1e]  }
0x58: {  	[spmem:s15] =	stream.linear.scatter [tilespmem:s17], [sflag:$0xD], $0xC00, $0x38;
	[tilespmem:$0x1EFC0] =	vst v63  }
0x59: {  	s19 =	rddreg [dreg:$0x1f]  }
0x5a: {  	[spmem:s16] =	stream.linear.scatter [tilespmem:s17], [sflag:$0xD], $0xC00, $0x38;
	[tilespmem:$0x1EFC0] =	vst v63  }
0x5b: {  	s21 =	sld [smem:$0x7F5]  }
0x5c: {  	[spmem:s19] =	stream.linear.scatter [tilespmem:s17], [sflag:$0xD], $0xC00, $0x38;
	[tilespmem:$0x1EFC0] =	vst v63  }
0x5d: {  	s22 =	sld [smem:$0x7F6]  }
0x5e: {  	[spmem:s21] =	stream.linear.scatter [tilespmem:s17], [sflag:$0xD], $0xC00, $0x38;
	[tilespmem:$0x1EFC0] =	vst v63  }
0x5f: {  	s24 =	sld [smem:$0x7F7]  }
0x60: {  	[spmem:s22] =	stream.linear.scatter [tilespmem:s17], [sflag:$0xD], $0xC00, $0x38;
	[tilespmem:$0x1EFC0] =	vst v63  }
0x61: {  	s10 =	sld [smem:$0x7F8]  }
0x62: {  	[spmem:s24] =	stream.linear.scatter [tilespmem:s17], [sflag:$0xD], $0xC00, $0x38;
	[tilespmem:$0x1EFC0] =	vst v63  }
0x63: {  	s11 =	sld [smem:$0x7F9]  }
0x64: {  	[spmem:s10] =	stream.linear.scatter [tilespmem:s17], [sflag:$0xD], $0xC00, $0x38;
	[tilespmem:$0x1EFC0] =	vst v63  }
0x65: {  	s12 =	sld [smem:$0x7FA]  }
0x66: {  	[spmem:s11] =	stream.linear.scatter [tilespmem:s17], [sflag:$0xD], $0xC00, $0x38;
	[tilespmem:$0x1EFC0] =	vst v63  }
0x67: {  	s13 =	sld [smem:$0x7FB]  }
0x68: {  	[spmem:s12] =	stream.linear.scatter [tilespmem:s17], [sflag:$0xD], $0xC00, $0x38;
	[tilespmem:$0x1EFC0] =	vst v63  }
0x69: {  	_ = 	snop  }
0x6a: {  	[spmem:s13] =	stream.linear.scatter [tilespmem:s17], [sflag:$0xD], $0xC00, $0x38;
	[tilespmem:$0x1EFC0] =	vst v63  }
0x6b: {  	s15 =	rddreg [dreg:$0x16];
	s10 =	simm.s32 @!p0 $0x1E3C0  }
0x6c: {  	[spmem:s14] =	stream.linear.scatter @!p0 [tilespmem:s10], [sflag:$0xD], $0x800, $0x38;
	[tilespmem:$0x1EFC0] =	vst v63  }
0x6d: {  	s16 =	simm.s32 $0x138C0;
	s19 =	rddreg [dreg:$0x17]  }
0x6e: {  	[tilespmem:s16], [sflag:$0x4] =	stream.linear.gather [hbm4b:s15+s4], $0x70, $0x38;
	[tilespmem:$0x1EFC0] =	vst v63  }
0x6f: {  	s21 =	sld [smem:$0x7FC];
	s11 =	simm.s32 $0x13A40  }
0x70: {  	[tilespmem:s11], [sflag:$0x7] =	stream.linear.gather [hbm4b:s19+s4], $0x70, $0x38;
	[tilespmem:$0x1EFC0] =	vst v63  }
0x71: {  	s22 =	simm.s32 $0x13940;
	s24 =	sld [smem:$0x7FD]  }
0x72: {  	[tilespmem:s22], [sflag:$0x5] =	stream.linear.gather [hbm4b:s21+s4], $0x70, $0x38;
	[tilespmem:$0x1EFC0] =	vst v63  }
0x73: {  	s12 =	simm.s32 $0x4  }
0x74: {  	[tilespmem:s20], [sflag:$0x6] =	stream.linear.gather [hbm4b:s24+s4], $0x70, $0x38;
	[tilespmem:$0x1EFC0] =	vst v63  }
0x75: {  	_ =	swait.ge [sflag:s12], $0x70  }
0x76: {  	[sflag:s12] =	ssyncset.done $0x0  }
0x77: {  	s13 =	simm.s32 $0x13BC0;
	s15 =	simm.s32 $0x5;
	[sflag:s12] =	ssyncadd.s32 $0xFFFFFF90  }
0x78: {  	[tilespmem:s13], [sflag:$0x1] =	stream.indirect.gather [hbm4b:s1+s23], $0x80, s16, s23, $0xb8;
	[tilespmem:$0x1EFC0] =	vst v63  }
0x79: {  	_ =	swait.ge [sflag:s15], $0x70  }
0x7a: {  	[sflag:s15] =	ssyncset.done $0x0  }
0x7b: {  	s16 =	simm.s32 $0x173C0;
	[sflag:s15] =	ssyncadd.s32 $0xFFFFFF90  }
0x7c: {  	[tilespmem:s16], [sflag:$0x2] =	stream.indirect.gather [hbm4b:s1+s23], $0x80, s22, s23, $0xb8;
	[tilespmem:$0x1EFC0] =	vst v63  }
0x7d: {  	_ =	swait.ge [sflag:s26], $0xC00  }
0x7e: {  	[sflag:s26] =	ssyncset.done $0x0  }
0x7f: {  	[sflag:s26] =	ssyncadd.s32 $0xFFFFF400  }
0x80: {  	_ =	swait.ge [sflag:s26], $0xC00  }
0x81: {  	[sflag:s26] =	ssyncset.done $0x0  }
0x82: {  	[sflag:s26] =	ssyncadd.s32 $0xFFFFF400  }
0x83: {  	_ =	swait.ge [sflag:s26], $0xC00  }
0x84: {  	[sflag:s26] =	ssyncset.done $0x0  }
0x85: {  	[sflag:s26] =	ssyncadd.s32 $0xFFFFF400  }
0x86: {  	_ =	swait.ge [sflag:s26], $0xC00  }
0x87: {  	[sflag:s26] =	ssyncset.done $0x0  }
0x88: {  	[sflag:s26] =	ssyncadd.s32 $0xFFFFF400  }
0x89: {  	_ =	swait.ge [sflag:s26], $0xC00  }
0x8a: {  	[sflag:s26] =	ssyncset.done $0x0  }
0x8b: {  	[sflag:s26] =	ssyncadd.s32 $0xFFFFF400  }
0x8c: {  	_ =	swait.ge [sflag:s26], $0xC00  }
0x8d: {  	[sflag:s26] =	ssyncset.done $0x0  }
0x8e: {  	[sflag:s26] =	ssyncadd.s32 $0xFFFFF400  }
0x8f: {  	_ =	swait.ge [sflag:s26], $0xC00  }
0x90: {  	[sflag:s26] =	ssyncset.done $0x0  }
0x91: {  	[sflag:s26] =	ssyncadd.s32 $0xFFFFF400  }
0x92: {  	_ =	swait.ge [sflag:s26], $0xC00  }
0x93: {  	[sflag:s26] =	ssyncset.done $0x0  }
0x94: {  	[sflag:s26] =	ssyncadd.s32 $0xFFFFF400  }
0x95: {  	_ =	swait.ge [sflag:s26], $0xC00  }
0x96: {  	[sflag:s26] =	ssyncset.done $0x0  }
0x97: {  	[sflag:s26] =	ssyncadd.s32 $0xFFFFF400  }
0x98: {  	_ =	swait.ge [sflag:s26], $0xC00  }
0x99: {  	[sflag:s26] =	ssyncset.done $0x0  }
0x9a: {  	[sflag:s26] =	ssyncadd.s32 $0xFFFFF400  }
0x9b: {  	_ =	swait.ge [sflag:s26], $0xC00  }
0x9c: {  	[sflag:s26] =	ssyncset.done $0x0  }
0x9d: {  	[sflag:s26] =	ssyncadd.s32 $0xFFFFF400  }
0x9e: {  	_ =	swait.ge [sflag:s26], $0xC00  }
0x9f: {  	[sflag:s26] =	ssyncset.done $0x0  }
0xa0: {  	[sflag:s26] =	ssyncadd.s32 $0xFFFFF400  }
0xa1: {  	_ =	swait.ge [sflag:s26], $0xC00  }
0xa2: {  	[sflag:s26] =	ssyncset.done $0x0  }
0xa3: {  	[sflag:s26] =	ssyncadd.s32 $0xFFFFF400  }
0xa4: {  	_ =	swait.ge [sflag:s26], $0xC00  }
0xa5: {  	[sflag:s26] =	ssyncset.done $0x0  }
0xa6: {  	[sflag:s26] =	ssyncadd.s32 $0xFFFFF400  }
0xa7: {  	_ =	swait.ge [sflag:s26], $0xC00  }
0xa8: {  	[sflag:s26] =	ssyncset.done $0x0  }
0xa9: {  	[sflag:s26] =	ssyncadd.s32 $0xFFFFF400  }
0xaa: {  	_ =	swait.ge [sflag:s26], $0xC00  }
0xab: {  	[sflag:s26] =	ssyncset.done $0x0  }
0xac: {  	[sflag:s26] =	ssyncadd.s32 $0xFFFFF400  }
0xad: {  	_ =	swait.ge [sflag:s26], $0xC00  }
0xae: {  	[sflag:s26] =	ssyncset.done $0x0  }
0xaf: {  	[sflag:s26] =	ssyncadd.s32 $0xFFFFF400  }
0xb0: {  	_ =	swait.ge [sflag:s26], $0xC00  }
0xb1: {  	[sflag:s26] =	ssyncset.done $0x0  }
0xb2: {  	[sflag:s26] =	ssyncadd.s32 $0xFFFFF400  }
0xb3: {  	_ =	swait.ge [sflag:s26], $0xC00  }
0xb4: {  	[sflag:s26] =	ssyncset.done $0x0  }
0xb5: {  	[sflag:s26] =	ssyncadd.s32 $0xFFFFF400  }
0xb6: {  	_ =	swait.ge [sflag:s26], $0xC00  }
0xb7: {  	[sflag:s26] =	ssyncset.done $0x0  }
0xb8: {  	[sflag:s26] =	ssyncadd.s32 $0xFFFFF400  }
0xb9: {  	_ =	swait.ge [sflag:s26], $0xC00  }
0xba: {  	[sflag:s26] =	ssyncset.done $0x0  }
0xbb: {  	[sflag:s26] =	ssyncadd.s32 $0xFFFFF400  }
0xbc: {  	_ =	swait.ge [sflag:s26], $0xC00  }
0xbd: {  	[sflag:s26] =	ssyncset.done $0x0  }
0xbe: {  	[sflag:s26] =	ssyncadd.s32 $0xFFFFF400  }
0xbf: {  	_ =	swait.ge [sflag:s26], $0xC00  }
0xc0: {  	[sflag:s26] =	ssyncset.done $0x0  }
0xc1: {  	[sflag:s26] =	ssyncadd.s32 $0xFFFFF400  }
0xc2: {  	_ =	swait.ge [sflag:s26], $0xC00  }
0xc3: {  	[sflag:s26] =	ssyncset.done $0x0  }
0xc4: {  	[sflag:s26] =	ssyncadd.s32 $0xFFFFF400  }
0xc5: {  	_ =	swait.ge [sflag:s26], $0xC00  }
0xc6: {  	[sflag:s26] =	ssyncset.done $0x0  }
0xc7: {  	[sflag:s26] =	ssyncadd.s32 $0xFFFFF400  }
0xc8: {  	_ =	swait.ge [sflag:s26], $0xC00  }
0xc9: {  	[sflag:s26] =	ssyncset.done $0x0  }
0xca: {  	s10 =	simm.s32 @!p0 $0xD;
	[sflag:s26] =	ssyncadd.s32 $0xFFFFF400  }
0xcb: {  	_ =	swait.ge @!p0 [sflag:s10], $0x800  }
0xcc: {  	[sflag:s10] =	ssyncset.done @!p0 $0x0  }
0xcd: {  	p1 =	por $0x1, $0x1;
	[sflag:s10] =	ssyncadd.s32 @!p0 $0xFFFFF800  }
0xce: {  	s10 =	simm.s32 @!p1 $0xC;
	[bflag:$0x0] =	sbarrier.arrive $0xFFFF  }
0xcf: {  	_ =	swait.ge @!p1 [sflag:s10], $0x3800  }
0xd0: {  	[sflag:s10] =	ssyncset.done @!p1 $0x0  }
0xd1: {  	[sflag:s10] =	ssyncadd.s32 @!p1 $0xFFFFC800  }
0xd2: {  	_ =	swait.ge [sflag:s28], $0x70  }
0xd3: {  	[sflag:s28] =	ssyncset.done $0x0  }
0xd4: {  	s19 =	rddreg [dreg:$0x7];
	[sflag:s28] =	ssyncadd.s32 $0xFFFFFF90  }
0xd5: {  	[tilespmem:s29], [sflag:$0x3] =	stream.indirect.gather [hbm4b:s1+s23], $0x80, s20, s23, $0xb8;
	[tilespmem:$0x1EFC0] =	vst v63  }
0xd6: {  	s21 =	rddreg [dreg:$0x8];
	s10 =	sadd.s32 $0x0, s19  }
0xd7: {  	[tilespmem:s21], [sflag:$0x8] =	stream.linear.gather [hbm4b:s10+s4], $0x70, $0x38;
	[tilespmem:$0x1EFC0] =	vst v63  }
0xd8: {  	_ =	swait.ge [sflag:s30], $0x3800  }
0xd9: {  	p1 =	por $0x0, $0x0;
	[sflag:s30] =	ssyncset.done $0x0  }
0xda: {  	s10 =	simm.s32 @p1 $0x7;
	[sflag:s30] =	ssyncadd.s32 $0xFFFFC800  }
0xdb: {  	_ =	swait.ge @p1 [sflag:s10], $0x70  }
0xdc: {  	s11 =	simm.s32 @p1 $0x13BC0;
	s12 =	simm.s32 @p1 $0xA;
	[sflag:s10] =	ssyncset.done @p1 $0x0  }
0xdd: {  	s13 =	simm.s32 @p1 $0x13A40;
	s19 =	simm.s32 @p1 $0x70;
	[sflag:s10] =	ssyncadd.s32 @p1 $0xFFFFFF90  }
0xde: {  	[spmem:s2] =	stream.indirect.scatter.add.f32 @p1 [tilespmem:s11], [sflag:$0xA], $0x80, s13, s19, $0xb8;
	[tilespmem:$0x1EFC0] =	vst v63  }
0xdf: {  	s10 =	sshrl.u32 @!p1 s25, $0x3;
	_ =	swait.ge @p1 [sflag:s12], $0x3800  }
0xe0: {  	s10 =	sadd.s32 @!p1 s5, s10;
	s11 =	simm.s32 @!p1 $0x7;
	[sflag:s12] =	ssyncset.done @p1 $0x0  }
0xe1: {  	s13 =	simm.s32 @!p1 $0x0;
	s19 =	simm.s32 @!p1 $0x138C0;
	[sflag:s12] =	ssyncadd.s32 @p1 $0xFFFFC800  }
0xe2: {  	[tilespmem:s19], [sflag:$0x4] =	stream.linear.gather @!p1 [hbm4b:s10+s13], $0x70, $0x38;
	[tilespmem:$0x1EFC0] =	vst v63  }
0xe3: {  	_ =	swait.ge @!p1 [sflag:s11], $0x70  }
0xe4: {  	s12 =	simm.s32 @!p1 $0xA;
	s10 =	simm.s32 @!p1 $0x13BC0;
	[sflag:s11] =	ssyncset.done @!p1 $0x0  }
0xe5: {  	s13 =	simm.s32 @!p1 $0x70;
	[sflag:s11] =	ssyncadd.s32 @!p1 $0xFFFFFF90;
	s11 =	simm.s32 @!p1 $0x13A40  }
0xe6: {  	[spmem:s2] =	stream.indirect.scatter.add.f32 @!p1 [tilespmem:s10], [sflag:$0xA], $0x80, s11, s13, $0xb8;
	[tilespmem:$0x1EFC0] =	vst v63  }
0xe7: {  	_ =	swait.ge @!p1 [sflag:s12], $0x3800  }
0xe8: {  	[sflag:s12] =	ssyncset.done @!p1 $0x0  }
0xe9: {  	s11 =	simm.s32 @!p1 $0x4;
	[sflag:s12] =	ssyncadd.s32 @!p1 $0xFFFFC800  }
0xea: {  	_ =	swait.ge @!p1 [sflag:s11], $0x70  }
0xeb: {  	[sflag:s11] =	ssyncset.done @!p1 $0x0  }
0xec: {  	s22 =	rddreg [dreg:$0x6];
	[sflag:s11] =	ssyncadd.s32 @!p1 $0xFFFFFF90  }
0xed: {  	[tilespmem:s10], [sflag:$0x1] =	stream.indirect.gather @!p1 [hbm4b:s1+s13], $0x80, s19, s13, $0xb8;
	[tilespmem:$0x1EFC0] =	vst v63  }
0xee: {  	s24 =	sadd.s32 $0x0, s22;
	p1 =	por $0x1, $0x1  }
0xef: {  	[tilespmem:s31], [sflag:$0x9] =	stream.linear.gather [hbm4b:s24+s4], $0x70, $0x38;
	[tilespmem:$0x1EFC0] =	vst v63  }
0xf0: {  	s11 =	simm.s32 @p1 $0x0;
	_ =	swait.ge [sflag:s0], $0x3800  }
0xf1: {  	s12 =	simm.s32 @p1 $0x8;
	s10 =	rddreg [dreg:$0x5];
	[sflag:s0] =	ssyncset.done $0x0  }
0xf2: {  	s13 =	simm.s32 @p1 $0x13940;
	[sflag:s0] =	ssyncadd.s32 $0xFFFFC800;
	s10 =	sadd.s32 @p1 $0x0, s10  }
0xf3: {  	[tilespmem:s13], [sflag:$0x5] =	stream.linear.gather @p1 [hbm4b:s10+s11], $0x70, $0x38;
	[tilespmem:$0x1EFC0] =	vst v63  }
0xf4: {  	_ =	swait.ge @p1 [sflag:s12], $0x70  }
0xf5: {  	s19 =	simm.s32 @p1 $0x70;
	[sflag:s12] =	ssyncset.done @p1 $0x0  }
0xf6: {  	s10 =	simm.s32 @p1 $0x173C0;
	[sflag:s12] =	ssyncadd.s32 @p1 $0xFFFFFF90;
	s12 =	simm.s32 @p1 $0x13AC0  }
0xf7: {  	[spmem:s2] =	stream.indirect.scatter.add.f32 @p1 [tilespmem:s10], [sflag:$0xB], $0x80, s12, s19, $0xb8;
	[tilespmem:$0x1EFC0] =	vst v63  }
0xf8: {  	s12 =	simm.s32 @p1 $0xB  }
0xf9: {  	_ =	swait.ge @p1 [sflag:s12], $0x3800  }
0xfa: {  	[sflag:s12] =	ssyncset.done @p1 $0x0  }
0xfb: {  	[sflag:s12] =	ssyncadd.s32 @p1 $0xFFFFC800;
	s12 =	simm.s32 @p1 $0x5  }
0xfc: {  	_ =	swait.ge @p1 [sflag:s12], $0x70  }
0xfd: {  	[sflag:s12] =	ssyncset.done @p1 $0x0  }
0xfe: {  	[sflag:s12] =	ssyncadd.s32 @p1 $0xFFFFFF90  }
0xff: {  	[tilespmem:s10], [sflag:$0x2] =	stream.indirect.gather @p1 [hbm4b:s1+s19], $0x80, s13, s19, $0xb8;
	[tilespmem:$0x1EFC0] =	vst v63  }
0x100: {  	s10 =	sshrl.u32 @p1 s25, $0x3  }
0x101: {  	s12 =	simm.s32 @p1 $0x13A40;
	s10 =	sadd.s32 @p1 s6, s10  }
0x102: {  	[tilespmem:s12], [sflag:$0x7] =	stream.linear.gather @p1 [hbm4b:s10+s11], $0x70, $0x38;
	[tilespmem:$0x1EFC0] =	vst v63  }
0x103: {  	s10 =	simm.s32 @p1 $0x3  }
0x104: {  	_ =	swait.ge @p1 [sflag:s10], $0x3800  }
0x105: {  	s12 =	rddreg [dreg:$0x4];
	[sflag:s10] =	ssyncset.done @p1 $0x0  }
0x106: {  	[sflag:s10] =	ssyncadd.s32 @p1 $0xFFFFC800;
	s10 =	simm.s32 @p1 $0x139C0;
	s12 =	sadd.s32 @p1 $0x0, s12  }
0x107: {  	[tilespmem:s10], [sflag:$0x6] =	stream.linear.gather @p1 [hbm4b:s12+s11], $0x70, $0x38;
	[tilespmem:$0x1EFC0] =	vst v63  }
0x108: {  	s10 =	simm.s32 @!p1 $0x8  }
0x109: {  	_ =	swait.ge @!p1 [sflag:s10], $0x70  }
0x10a: {  	s11 =	simm.s32 @!p1 $0x173C0;
	[sflag:s10] =	ssyncset.done @!p1 $0x0  }
0x10b: {  	s12 =	simm.s32 @!p1 $0x70;
	[sflag:s10] =	ssyncadd.s32 @!p1 $0xFFFFFF90;
	s10 =	simm.s32 @!p1 $0x13AC0  }
0x10c: {  	[spmem:s2] =	stream.indirect.scatter.add.f32 @!p1 [tilespmem:s11], [sflag:$0xB], $0x80, s10, s12, $0xb8;
	[tilespmem:$0x1EFC0] =	vst v63  }
0x10d: {  	s10 =	simm.s32 @!p1 $0xB  }
0x10e: {  	_ =	swait.ge @!p1 [sflag:s10], $0x3800  }
0x10f: {  	[sflag:s10] =	ssyncset.done @!p1 $0x0  }
0x110: {  	s12 =	simm.s32 @!p1 $0x3;
	[sflag:s10] =	ssyncadd.s32 @!p1 $0xFFFFC800  }
0x111: {  	_ =	swait.ge @!p1 [sflag:s12], $0x3800  }
0x112: {  	[sflag:s12] =	ssyncset.done @!p1 $0x0  }
0x113: {  	p2 =	por $0x0, $0x0;
	s19 =	sadd.s32 $0x150, s25;
	[sflag:s12] =	ssyncadd.s32 @!p1 $0xFFFFC800  }
0x114: {  	s11 =	simm.s32 $0x54;
	s10 =	simm.s32 $0x2A;
	_ =	swait.ge [sflag:s3], $0x70  }
.LBB2_4:
0x115: {  	[sflag:s3] =	ssyncset.done $0x0  }
0x116: {  	s13 =	simm.s32 @!p2 $0xC;
	[sflag:s3] =	ssyncadd.s32 $0xFFFFFF90  }
0x117: {  	[spmem:s2] =	stream.indirect.scatter.add.f32 [tilespmem:s29], [sflag:$0xC], $0x80, s31, s23, $0xb8;
	[tilespmem:$0x1EFC0] =	vst v63  }
0x118: {  	_ =	swait.ge @!p2 [sflag:s13], $0x3800  }
0x119: {  	[sflag:s13] =	ssyncset.done @!p2 $0x0  }
0x11a: {  	[sflag:s13] =	ssyncadd.s32 @!p2 $0xFFFFC800  }
0x11b: {  	_ =	swait.ge [sflag:s28], $0x70  }
0x11c: {  	[sflag:s28] =	ssyncset.done $0x0  }
0x11d: {  	s24 =	rddreg [dreg:$0x7];
	[sflag:s28] =	ssyncadd.s32 $0xFFFFFF90  }
0x11e: {  	[tilespmem:s29], [sflag:$0x3] =	stream.indirect.gather [hbm4b:s1+s23], $0x80, s20, s23, $0xb8;
	[tilespmem:$0x1EFC0] =	vst v63  }
0x11f: {  	s15 =	rddreg [dreg:$0x8];
	s13 =	sadd.s32 s10, s24  }
0x120: {  	[tilespmem:s15], [sflag:$0x8] =	stream.linear.gather [hbm4b:s13+s4], $0x70, $0x38;
	[tilespmem:$0x1EFC0] =	vst v63  }
0x121: {  	_ =	swait.ge [sflag:s30], $0x3800  }
0x122: {  	p2 =	seq.s32 s10, $0x4C2;
	[sflag:s30] =	ssyncset.done $0x0  }
0x123: {  	s13 =	simm.s32 @p2 $0x7;
	[sflag:s30] =	ssyncadd.s32 $0xFFFFC800  }
0x124: {  	_ =	swait.ge @p2 [sflag:s13], $0x70  }
0x125: {  	s16 =	simm.s32 @p2 $0x13BC0;
	s21 =	simm.s32 @p2 $0xA;
	[sflag:s13] =	ssyncset.done @p2 $0x0  }
0x126: {  	s22 =	simm.s32 @p2 $0x70;
	s24 =	simm.s32 @p2 $0x13A40;
	[sflag:s13] =	ssyncadd.s32 @p2 $0xFFFFFF90  }
0x127: {  	[spmem:s2] =	stream.indirect.scatter.add.f32 @p2 [tilespmem:s16], [sflag:$0xA], $0x80, s24, s22, $0xb8;
	[tilespmem:$0x1EFC0] =	vst v63  }
0x128: {  	s15 =	sshrl.u32 @!p2 s19, $0x3;
	_ =	swait.ge @p2 [sflag:s21], $0x3800  }
0x129: {  	s15 =	sadd.s32 @!p2 s5, s15;
	s13 =	simm.s32 @!p2 $0x7;
	[sflag:s21] =	ssyncset.done @p2 $0x0  }
0x12a: {  	s16 =	simm.s32 @!p2 $0x0;
	s22 =	simm.s32 @!p2 $0x138C0;
	[sflag:s21] =	ssyncadd.s32 @p2 $0xFFFFC800  }
0x12b: {  	[tilespmem:s22], [sflag:$0x4] =	stream.linear.gather @!p2 [hbm4b:s15+s16], $0x70, $0x38;
	[tilespmem:$0x1EFC0] =	vst v63  }
0x12c: {  	_ =	swait.ge @!p2 [sflag:s13], $0x70  }
0x12d: {  	s24 =	simm.s32 @!p2 $0x13A40;
	s21 =	simm.s32 @!p2 $0x70;
	[sflag:s13] =	ssyncset.done @!p2 $0x0  }
0x12e: {  	s15 =	simm.s32 @!p2 $0x13BC0;
	s16 =	simm.s32 @!p2 $0xA;
	[sflag:s13] =	ssyncadd.s32 @!p2 $0xFFFFFF90  }
0x12f: {  	[spmem:s2] =	stream.indirect.scatter.add.f32 @!p2 [tilespmem:s15], [sflag:$0xA], $0x80, s24, s21, $0xb8;
	[tilespmem:$0x1EFC0] =	vst v63  }
0x130: {  	_ =	swait.ge @!p2 [sflag:s16], $0x3800  }
0x131: {  	[sflag:s16] =	ssyncset.done @!p2 $0x0  }
0x132: {  	s13 =	simm.s32 @!p2 $0x4;
	[sflag:s16] =	ssyncadd.s32 @!p2 $0xFFFFC800  }
0x133: {  	_ =	swait.ge @!p2 [sflag:s13], $0x70  }
0x134: {  	[sflag:s13] =	ssyncset.done @!p2 $0x0  }
0x135: {  	s8 =	rddreg [dreg:$0x6];
	[sflag:s13] =	ssyncadd.s32 @!p2 $0xFFFFFF90  }
0x136: {  	[tilespmem:s15], [sflag:$0x1] =	stream.indirect.gather @!p2 [hbm4b:s1+s21], $0x80, s22, s21, $0xb8;
	[tilespmem:$0x1EFC0] =	vst v63  }
0x137: {  	s24 =	sadd.s32 s10, s8;
	p2 =	sne.s32 s10, $0x4C2  }
0x138: {  	[tilespmem:s31], [sflag:$0x9] =	stream.linear.gather [hbm4b:s24+s4], $0x70, $0x38;
	[tilespmem:$0x1EFC0] =	vst v63  }
0x139: {  	s15 =	simm.s32 @p2 $0x0;
	_ =	swait.ge [sflag:s0], $0x3800  }
0x13a: {  	s16 =	simm.s32 @p2 $0x8;
	s13 =	rddreg [dreg:$0x5];
	[sflag:s0] =	ssyncset.done $0x0  }
0x13b: {  	s21 =	simm.s32 @p2 $0x13940;
	[sflag:s0] =	ssyncadd.s32 $0xFFFFC800;
	s13 =	sadd.s32 @p2 s10, s13  }
0x13c: {  	[tilespmem:s21], [sflag:$0x5] =	stream.linear.gather @p2 [hbm4b:s13+s15], $0x70, $0x38;
	[tilespmem:$0x1EFC0] =	vst v63  }
0x13d: {  	_ =	swait.ge @p2 [sflag:s16], $0x70  }
0x13e: {  	s8 =	simm.s32 @p2 $0x13AC0;
	s24 =	simm.s32 @p2 $0x70;
	[sflag:s16] =	ssyncset.done @p2 $0x0  }
0x13f: {  	s13 =	simm.s32 @p2 $0x173C0;
	[sflag:s16] =	ssyncadd.s32 @p2 $0xFFFFFF90;
	s16 =	simm.s32 @p2 $0xB  }
0x140: {  	[spmem:s2] =	stream.indirect.scatter.add.f32 @p2 [tilespmem:s13], [sflag:$0xB], $0x80, s8, s24, $0xb8;
	[tilespmem:$0x1EFC0] =	vst v63  }
0x141: {  	_ =	swait.ge @p2 [sflag:s16], $0x3800  }
0x142: {  	[sflag:s16] =	ssyncset.done @p2 $0x0  }
0x143: {  	s8 =	simm.s32 @p2 $0x5;
	[sflag:s16] =	ssyncadd.s32 @p2 $0xFFFFC800  }
0x144: {  	_ =	swait.ge @p2 [sflag:s8], $0x70  }
0x145: {  	[sflag:s8] =	ssyncset.done @p2 $0x0  }
0x146: {  	s22 =	sshrl.u32 @p2 s19, $0x3;
	[sflag:s8] =	ssyncadd.s32 @p2 $0xFFFFFF90  }
0x147: {  	[tilespmem:s13], [sflag:$0x2] =	stream.indirect.gather @p2 [hbm4b:s1+s24], $0x80, s21, s24, $0xb8;
	[tilespmem:$0x1EFC0] =	vst v63  }
0x148: {  	s22 =	sadd.s32 @p2 s6, s22;
	s8 =	simm.s32 @p2 $0x13A40;
	s13 =	simm.s32 @p2 $0x3  }
0x149: {  	[tilespmem:s8], [sflag:$0x7] =	stream.linear.gather @p2 [hbm4b:s22+s15], $0x70, $0x38;
	[tilespmem:$0x1EFC0] =	vst v63  }
0x14a: {  	s12 =	smov.u32 s11;
	_ =	swait.ge @p2 [sflag:s13], $0x3800  }
0x14b: {  	s16 =	simm.s32 @!p2 $0x8;
	[sflag:s13] =	ssyncset.done @p2 $0x0;
	s8 =	rddreg [dreg:$0x4]  }
0x14c: {  	[sflag:s13] =	ssyncadd.s32 @p2 $0xFFFFC800;
	s13 =	simm.s32 @p2 $0x139C0;
	s8 =	sadd.s32 @p2 s10, s8  }
0x14d: {  	[tilespmem:s13], [sflag:$0x6] =	stream.linear.gather @p2 [hbm4b:s8+s15], $0x70, $0x38;
	[tilespmem:$0x1EFC0] =	vst v63  }
0x14e: {  	s10 =	smov.u32 s12;
	_ =	swait.ge @!p2 [sflag:s16], $0x70  }
0x14f: {  	s12 =	simm.s32 @!p2 $0x70;
	s8 =	simm.s32 @!p2 $0x173C0;
	[sflag:s16] =	ssyncset.done @!p2 $0x0  }
0x150: {  	s13 =	simm.s32 @!p2 $0x13AC0;
	s15 =	simm.s32 @!p2 $0xB;
	[sflag:s16] =	ssyncadd.s32 @!p2 $0xFFFFFF90  }
0x151: {  	[spmem:s2] =	stream.indirect.scatter.add.f32 @!p2 [tilespmem:s8], [sflag:$0xB], $0x80, s13, s12, $0xb8;
	[tilespmem:$0x1EFC0] =	vst v63  }
0x152: {  	s11 =	sadd.s32 $0x2A, s11;
	_ =	swait.ge @!p2 [sflag:s15], $0x3800  }
0x153: {  	p1 =	sne.s32 s11, $0x4EC;
	[sflag:s15] =	ssyncset.done @!p2 $0x0  }
.Ltmp1:
0x154: {  	s8 =	simm.s32 @!p2 $0x3;
	[sflag:s15] =	ssyncadd.s32 @!p2 $0xFFFFC800;
	(pc) =	sbr.rel @p1 .LBB2_4-.Ltmp1, $4  }
0x155: {  	_ =	swait.ge @!p2 [sflag:s8], $0x3800  }
0x156: {  	[sflag:s8] =	ssyncset.done @!p2 $0x0  }
0x157: {  	[sflag:s8] =	ssyncadd.s32 @!p2 $0xFFFFC800  }
0x158: {  	s19 =	sadd.s32 $0x150, s19;
	p2 =	seq.s32 s10, $0x0;
	_ =	swait.ge [sflag:s3], $0x70  }
0x159: {  	[sflag:s3] =	ssyncset.done $0x0  }
0x15a: {  	s8 =	simm.s32 @!p2 $0xC;
	[sflag:s3] =	ssyncadd.s32 $0xFFFFFF90  }
0x15b: {  	[spmem:s2] =	stream.indirect.scatter.add.f32 [tilespmem:s29], [sflag:$0xC], $0x80, s31, s23, $0xb8;
	[tilespmem:$0x1EFC0] =	vst v63  }
0x15c: {  	_ =	swait.ge @!p2 [sflag:s8], $0x3800  }
0x15d: {  	[sflag:s8] =	ssyncset.done @!p2 $0x0  }
0x15e: {  	[sflag:s8] =	ssyncadd.s32 @!p2 $0xFFFFC800  }
0x15f: {  	_ =	swait.ge [sflag:s28], $0x70  }
0x160: {  	[sflag:s28] =	ssyncset.done $0x0  }
0x161: {  	s22 =	rddreg [dreg:$0x7];
	[sflag:s28] =	ssyncadd.s32 $0xFFFFFF90  }
0x162: {  	[tilespmem:s29], [sflag:$0x3] =	stream.indirect.gather [hbm4b:s1+s23], $0x80, s20, s23, $0xb8;
	[tilespmem:$0x1EFC0] =	vst v63  }
0x163: {  	s11 =	rddreg [dreg:$0x8];
	s8 =	sadd.s32 s10, s22  }
0x164: {  	[tilespmem:s11], [sflag:$0x8] =	stream.linear.gather [hbm4b:s8+s4], $0x70, $0x38;
	[tilespmem:$0x1EFC0] =	vst v63  }
0x165: {  	_ =	swait.ge [sflag:s30], $0x3800  }
0x166: {  	p1 =	seq.s32 s10, $0x4C2;
	[sflag:s30] =	ssyncset.done $0x0  }
0x167: {  	s8 =	simm.s32 @p1 $0x7;
	[sflag:s30] =	ssyncadd.s32 $0xFFFFC800  }
0x168: {  	_ =	swait.ge @p1 [sflag:s8], $0x70  }
0x169: {  	s12 =	simm.s32 @p1 $0xA;
	s13 =	simm.s32 @p1 $0x70;
	[sflag:s8] =	ssyncset.done @p1 $0x0  }
0x16a: {  	s15 =	simm.s32 @p1 $0x13A40;
	s11 =	simm.s32 @p1 $0x13BC0;
	[sflag:s8] =	ssyncadd.s32 @p1 $0xFFFFFF90  }
0x16b: {  	[spmem:s2] =	stream.indirect.scatter.add.f32 @p1 [tilespmem:s11], [sflag:$0xA], $0x80, s15, s13, $0xb8;
	[tilespmem:$0x1EFC0] =	vst v63  }
0x16c: {  	s8 =	sshrl.u32 @!p1 s19, $0x3;
	_ =	swait.ge @p1 [sflag:s12], $0x3800  }
0x16d: {  	s8 =	sadd.s32 @!p1 s5, s8;
	s11 =	simm.s32 @!p1 $0x7;
	[sflag:s12] =	ssyncset.done @p1 $0x0  }
0x16e: {  	s13 =	simm.s32 @!p1 $0x0;
	s15 =	simm.s32 @!p1 $0x138C0;
	[sflag:s12] =	ssyncadd.s32 @p1 $0xFFFFC800  }
0x16f: {  	[tilespmem:s15], [sflag:$0x4] =	stream.linear.gather @!p1 [hbm4b:s8+s13], $0x70, $0x38;
	[tilespmem:$0x1EFC0] =	vst v63  }
0x170: {  	_ =	swait.ge @!p1 [sflag:s11], $0x70  }
0x171: {  	s12 =	simm.s32 @!p1 $0xA;
	s8 =	simm.s32 @!p1 $0x13BC0;
	[sflag:s11] =	ssyncset.done @!p1 $0x0  }
0x172: {  	s13 =	simm.s32 @!p1 $0x70;
	[sflag:s11] =	ssyncadd.s32 @!p1 $0xFFFFFF90;
	s11 =	simm.s32 @!p1 $0x13A40  }
0x173: {  	[spmem:s2] =	stream.indirect.scatter.add.f32 @!p1 [tilespmem:s8], [sflag:$0xA], $0x80, s11, s13, $0xb8;
	[tilespmem:$0x1EFC0] =	vst v63  }
0x174: {  	_ =	swait.ge @!p1 [sflag:s12], $0x3800  }
0x175: {  	[sflag:s12] =	ssyncset.done @!p1 $0x0  }
0x176: {  	s11 =	simm.s32 @!p1 $0x4;
	[sflag:s12] =	ssyncadd.s32 @!p1 $0xFFFFC800  }
0x177: {  	_ =	swait.ge @!p1 [sflag:s11], $0x70  }
0x178: {  	[sflag:s11] =	ssyncset.done @!p1 $0x0  }
0x179: {  	s24 =	rddreg [dreg:$0x6];
	[sflag:s11] =	ssyncadd.s32 @!p1 $0xFFFFFF90  }
0x17a: {  	[tilespmem:s8], [sflag:$0x1] =	stream.indirect.gather @!p1 [hbm4b:s1+s13], $0x80, s15, s13, $0xb8;
	[tilespmem:$0x1EFC0] =	vst v63  }
0x17b: {  	s15 =	sadd.s32 s10, s24;
	p1 =	sne.s32 s10, $0x4C2  }
0x17c: {  	[tilespmem:s31], [sflag:$0x9] =	stream.linear.gather [hbm4b:s15+s4], $0x70, $0x38;
	[tilespmem:$0x1EFC0] =	vst v63  }
0x17d: {  	s11 =	simm.s32 @p1 $0x0;
	_ =	swait.ge [sflag:s0], $0x3800  }
0x17e: {  	s12 =	simm.s32 @p1 $0x8;
	s8 =	rddreg [dreg:$0x5];
	[sflag:s0] =	ssyncset.done $0x0  }
0x17f: {  	s13 =	simm.s32 @p1 $0x13940;
	[sflag:s0] =	ssyncadd.s32 $0xFFFFC800;
	s8 =	sadd.s32 @p1 s10, s8  }
0x180: {  	[tilespmem:s13], [sflag:$0x5] =	stream.linear.gather @p1 [hbm4b:s8+s11], $0x70, $0x38;
	[tilespmem:$0x1EFC0] =	vst v63  }
0x181: {  	_ =	swait.ge @p1 [sflag:s12], $0x70  }
0x182: {  	s15 =	simm.s32 @p1 $0x70;
	[sflag:s12] =	ssyncset.done @p1 $0x0  }
0x183: {  	s8 =	simm.s32 @p1 $0x173C0;
	[sflag:s12] =	ssyncadd.s32 @p1 $0xFFFFFF90;
	s12 =	simm.s32 @p1 $0x13AC0  }
0x184: {  	[spmem:s2] =	stream.indirect.scatter.add.f32 @p1 [tilespmem:s8], [sflag:$0xB], $0x80, s12, s15, $0xb8;
	[tilespmem:$0x1EFC0] =	vst v63  }
0x185: {  	s12 =	simm.s32 @p1 $0xB  }
0x186: {  	_ =	swait.ge @p1 [sflag:s12], $0x3800  }
0x187: {  	[sflag:s12] =	ssyncset.done @p1 $0x0  }
0x188: {  	[sflag:s12] =	ssyncadd.s32 @p1 $0xFFFFC800;
	s12 =	simm.s32 @p1 $0x5  }
0x189: {  	_ =	swait.ge @p1 [sflag:s12], $0x70  }
0x18a: {  	[sflag:s12] =	ssyncset.done @p1 $0x0  }
0x18b: {  	[sflag:s12] =	ssyncadd.s32 @p1 $0xFFFFFF90  }
0x18c: {  	[tilespmem:s8], [sflag:$0x2] =	stream.indirect.gather @p1 [hbm4b:s1+s15], $0x80, s13, s15, $0xb8;
	[tilespmem:$0x1EFC0] =	vst v63  }
0x18d: {  	s8 =	sshrl.u32 @p1 s19, $0x3  }
0x18e: {  	s12 =	simm.s32 @p1 $0x13A40;
	s8 =	sadd.s32 @p1 s6, s8  }
0x18f: {  	[tilespmem:s12], [sflag:$0x7] =	stream.linear.gather @p1 [hbm4b:s8+s11], $0x70, $0x38;
	[tilespmem:$0x1EFC0] =	vst v63  }
0x190: {  	s8 =	simm.s32 @p1 $0x3  }
0x191: {  	_ =	swait.ge @p1 [sflag:s8], $0x3800  }
0x192: {  	s12 =	rddreg [dreg:$0x4];
	[sflag:s8] =	ssyncset.done @p1 $0x0  }
0x193: {  	[sflag:s8] =	ssyncadd.s32 @p1 $0xFFFFC800;
	s8 =	sadd.s32 @p1 s10, s12;
	s10 =	simm.s32 @p1 $0x139C0  }
0x194: {  	[tilespmem:s10], [sflag:$0x6] =	stream.linear.gather @p1 [hbm4b:s8+s11], $0x70, $0x38;
	[tilespmem:$0x1EFC0] =	vst v63  }
0x195: {  	s8 =	simm.s32 @!p1 $0x8  }
0x196: {  	_ =	swait.ge @!p1 [sflag:s8], $0x70  }
0x197: {  	s10 =	simm.s32 @!p1 $0x173C0;
	[sflag:s8] =	ssyncset.done @!p1 $0x0  }
0x198: {  	s11 =	simm.s32 @!p1 $0x70;
	[sflag:s8] =	ssyncadd.s32 @!p1 $0xFFFFFF90;
	s8 =	simm.s32 @!p1 $0x13AC0  }
0x199: {  	[spmem:s2] =	stream.indirect.scatter.add.f32 @!p1 [tilespmem:s10], [sflag:$0xB], $0x80, s8, s11, $0xb8;
	[tilespmem:$0x1EFC0] =	vst v63  }
0x19a: {  	s8 =	simm.s32 @!p1 $0xB  }
0x19b: {  	_ =	swait.ge @!p1 [sflag:s8], $0x3800  }
0x19c: {  	[sflag:s8] =	ssyncset.done @!p1 $0x0  }
0x19d: {  	s10 =	simm.s32 @!p1 $0x3;
	[sflag:s8] =	ssyncadd.s32 @!p1 $0xFFFFC800  }
0x19e: {  	_ =	swait.ge @!p1 [sflag:s10], $0x3800  }
0x19f: {  	[sflag:s10] =	ssyncset.done @!p1 $0x0  }
0x1a0: {  	[sflag:s10] =	ssyncadd.s32 @!p1 $0xFFFFC800  }
0x1a1: {  	_ =	swait.ge [sflag:s3], $0x70  }
0x1a2: {  	[sflag:s3] =	ssyncset.done $0x0  }
0x1a3: {  	s16 =	simm.s32 $0xC;
	[sflag:s3] =	ssyncadd.s32 $0xFFFFFF90  }
0x1a4: {  	[spmem:s2] =	stream.indirect.scatter.add.f32 [tilespmem:s29], [sflag:$0xC], $0x80, s31, s23, $0xb8;
	[tilespmem:$0x1EFC0] =	vst v63  }
0x1a5: {  	_ =	swait.ge [sflag:s16], $0x3800  }
0x1a6: {  	[sflag:s16] =	ssyncset.done $0x0  }
0x1a7: {  	s19 =	stileid.u32;
	[sflag:s16] =	ssyncadd.s32 $0xFFFFC800  }
0x1a8: {  	s8 =	sshll.u32 s19, $0x6;
	[bflag:$0x0] =	sbarrier.arrive $0xFFFF  }
0x1a9: {  	s21 =	sshrl.u32 s7, $0x3;
	s8 =	sor.u32 $0x1C0E, s8;
	s22 =	rddreg [dreg:$0x14]  }
0x1aa: {  	[hbm:s22], [sflag:s8] =	dma.local [spmem:s21], $0x2700  }
0x1ab: {  	_ =	swait.ge [sflag:s18], $0x2700  }
0x1ac: {  	[sflag:s18] =	ssyncset.done $0x0  }
0x1ad: {  	s10 =	sshrl.u32 @!p0 s14, $0x3;
	s11 =	rddreg [dreg:$0x18];
	[sflag:s18] =	ssyncadd.s32 $0xFFFFD900  }
0x1ae: {  	[hbm:s11], [sflag:s8] =	dma.local @!p0 [spmem:s10], $0x100  }
0x1af: {  	s8 =	simm.s32 @!p0 $0xE  }
0x1b0: {  	_ =	swait.ge @!p0 [sflag:s8], $0x100  }
0x1b1: {  	s9 =	sadd.s32 $0x1, s9;
	s24 =	rddreg [dreg:$0x19]  }
0x1b2: {  	p1 =	sne.s32 s9, s24  }
.Ltmp2:
0x1b3: {  	_ = 	snop;
	(pc) =	sbr.rel @p1 .LBB2_1-.Ltmp2, $3  }
0x1b4: {  	_ =	sdelay $0x1  }
0x1b5: {  	[sflag:s8] =	ssyncset.done @!p0 $0x0  }
0x1b6: {  	[sflag:s8] =	ssyncadd.s32 @!p0 $0xFFFFFF00  }
0x1b7: {  	_ =	sfence.sel $0x180000  }
0x1b8: {  	[bflag:$0x0] =	sbarrier.arrive $0xFFFF  }
0x1b9: {  	_ =	strace $0x9000004A  }
0x1ba: {  	s0 =	stileid.u32;
	[bflag:$0x2] =	sbarrier.arrive $0xFFFF  }
0x1bb: {  	p0 =	sne.s32 s0, $0x0;
	s0 =	rddreg [dreg:$0x3]  }
0x1bc: {  	s0 =	sadd.s32 @!p0 $0x100000, s0  }
0x1bd: {  	[sflag:s0] =	ssyncadd.tile.s32 @!p0 $0x1;
	_ =	shalt  }
.Lfunc_end2:
_tile_overlayer_lowered:
.L_overlay_start_2:
0x1be: {  	(tag) =	ssettag $0x2  }
0x1bf: {  	s0 =	rddreg [dreg:$0x0];
	s2 =	stileid.u32  }
0x1c0: {  	s1 =	rddreg [dreg:$0x1];
	p0 =	sne.s32 s2, $0x0  }
0x1c1: {  	s3 =	rddreg [dreg:$0x2];
	[bflag:$0x3] =	sbarrier.arrive $0xFFFF;
	s2 =	simm.s32 @!p0 $0x1C0E  }
0x1c2: {  	[timem:s3], [sflag:s2] =	dma.local @!p0 [hbm:s0], s1  }
0x1c3: {  	s0 =	simm.s32 @!p0 $0xE  }
0x1c4: {  	_ =	swait.ge @!p0 [sflag:s0], s1  }
0x1c5: {  	s1 =	ssub.s32 @!p0 $0x0, s1;
	[sflag:s0] =	ssyncset.done @!p0 $0x0  }
0x1c6: {  	[sflag:s0] =	ssyncadd.s32 @!p0 s1  }
0x1c7: {  	[bflag:$0x3] =	sbarrier.arrive $0xFFFF  }
0x1c8: {  	_ =	shalt  }

</sc_bundles>
